<compile_context>
chip_gen: v7x
topology: tpu7x:2x2x1
jax: 0.10.2.dev20260603
libtpu: 0.0.44.dev20260713+nightly
codegen_flags: <defaults>
</compile_context>

<pallas_src>
import functools

import numpy as np
import jax
import jax.numpy as jnp
from jax import lax
from jax.experimental import pallas as pl
from jax.experimental.pallas import tpu as pltpu
from jax.experimental.pallas import tpu_sc as plsc

D = 128
BATCH = 1024
SEQ = 200
MAX_LEN = 512

NC = 2
NS = 16
NW = NC * NS
ROWS = BATCH * SEQ
RPW = ROWS // NW
CHUNK = 64
NCHUNK = RPW // CHUNK
NBUF = 5
NGRP = NCHUNK // NBUF
PE_EXT = SEQ + CHUNK - 8


def _positional_encoding(max_len, d_model):
    pos = np.arange(max_len, dtype=np.float32)[:, None]
    div = np.exp(np.arange(0, d_model, 2, dtype=np.float32)
                 * (-np.log(10000.0) / d_model))
    pe = np.zeros((max_len, d_model), dtype=np.float32)
    pe[:, 0::2] = np.sin(pos * div)
    pe[:, 1::2] = np.cos(pos * div)
    return pe


_PE_BASE = _positional_encoding(MAX_LEN, D)[:SEQ]
_PE_NP = np.concatenate([_PE_BASE, _PE_BASE[: PE_EXT - SEQ]], axis=0)


@functools.partial(
    pl.kernel,
    mesh=plsc.VectorSubcoreMesh(core_axis_name="c", subcore_axis_name="s"),
    out_type=jax.ShapeDtypeStruct((NW, NCHUNK, CHUNK, D), jnp.float32),
    scratch_types=[
        pltpu.VMEM((NCHUNK, CHUNK), jnp.int32),
        pltpu.VMEM((PE_EXT, D), jnp.float32),
        pltpu.VMEM((NBUF, CHUNK, D), jnp.float32),
    ] + [pltpu.SemaphoreType.DMA] * (2 * NBUF),
)
def _embed(seq_hbm, table_hbm, pe_hbm, out_hbm, idx_v, pe_v, rows_v, *sems):
    gs = sems[:NBUF]
    ss = sems[NBUF:]
    wid = lax.axis_index("s") * NC + lax.axis_index("c")
    pltpu.sync_copy(seq_hbm.at[wid], idx_v)
    pltpu.sync_copy(pe_hbm, pe_v)

    def issue_gather(c, b):
        pltpu.async_copy(table_hbm.at[idx_v.at[c]], rows_v.at[b], gs[b])

    def wait_gather(c, b):
        pltpu.make_async_copy(
            table_hbm.at[idx_v.at[c]], rows_v.at[b], gs[b]).wait()

    def add_pe(c, b):
        p0 = lax.rem(c * CHUNK, SEQ)

        def row_body(r, carry):
            for j in range(D // 16):
                sl = pl.ds(j * 16, 16)
                rows_v[b, r, sl] = rows_v[b, r, sl] + pe_v[p0 + r, sl]
            return carry

        lax.fori_loop(0, CHUNK, row_body, 0)

    def issue_scatter(c, b):
        pltpu.async_copy(rows_v.at[b], out_hbm.at[wid, c], ss[b])

    def wait_scatter(c, b):
        pltpu.make_async_copy(rows_v.at[b], out_hbm.at[wid, c], ss[b]).wait()

    def step(c, b, wait_sc, issue_g):
        wait_gather(c, b)
        add_pe(c, b)
        issue_scatter(c, b)
        b3 = (b + 3) % NBUF
        if wait_sc:
            wait_scatter(c - 2, b3)
        if issue_g:
            issue_gather(c + 3, b3)

    for b in range(3):
        issue_gather(b, b)

    for b in range(NBUF):
        step(b, b, wait_sc=(b >= 2), issue_g=True)

    def group(g, carry):
        for b in range(NBUF):
            step(g * NBUF + b, b, wait_sc=True, issue_g=True)
        return carry

    lax.fori_loop(1, NGRP - 1, group, 0)

    for b in range(NBUF):
        c = (NGRP - 1) * NBUF + b
        step(c, b, wait_sc=True, issue_g=(c + 3 < NCHUNK))

    wait_scatter(NCHUNK - 2, (NCHUNK - 2) % NBUF)
    wait_scatter(NCHUNK - 1, (NCHUNK - 1) % NBUF)


def kernel(sequence, token_table):
    seq = sequence.reshape(NW, NCHUNK, CHUNK)
    out = _embed(seq, token_table, jnp.asarray(_PE_NP))
    return out.reshape(BATCH, SEQ, D)

# --- scband reference (transcript-rebuilt; emitter-appended) ---
"""Pipeline reference for scband-bertembedding-58110907515069 (READ-ONLY COPY).

The authoritative reference and input builder live on the scoring server;
editing this copy changes nothing except your own understanding.
"""

import jax, jax.numpy as jnp
import numpy as np

VOCAB = 100000
D = 128
MAX_LEN = 512
BATCH = 1024
SEQ = 200


def _positional_encoding(max_len, d_model):
    pos = np.arange(max_len, dtype=np.float32)[:, None]
    div = np.exp(np.arange(0, d_model, 2, dtype=np.float32) * (-np.log(10000.0) / d_model))
    pe = np.zeros((max_len, d_model), dtype=np.float32)
    pe[:, 0::2] = np.sin(pos * div)
    pe[:, 1::2] = np.cos(pos * div)
    return jnp.asarray(pe)


def setup_inputs(seed: int = 0) -> dict:
    key = jax.random.key(seed)
    k1, k2 = jax.random.split(key)
    sequence = jax.random.randint(k1, (BATCH, SEQ), 0, VOCAB, dtype=jnp.int32)
    token_table = jax.random.normal(k2, (VOCAB, D), dtype=jnp.float32) * 0.02
    return {"sequence": sequence, "token_table": token_table}


def reference(sequence, token_table):
    # PositionalEmbedding: fixed sinusoidal buffer, sliced to seq_len
    seq_len = sequence.shape[1]
    pe = _positional_encoding(MAX_LEN, D)[:seq_len]  # [L, D]
    # TokenEmbedding: gather rows from the table
    tok = jnp.take(token_table, sequence, axis=0)  # [B, L, D]
    x = pe[None, :, :] + tok
    # dropout p=0.0 / eval mode -> identity
    return x

if __name__ == "__main__":
    import jax
    _d = setup_inputs()
    print(jax.jit(kernel)(*tuple(_d.values())))

</pallas_src>

<mosaic_0001>
#map = affine_map<(d0, d1) -> (0, 0, 0)>
#map1 = affine_map<(d0, d1) -> (0, 0)>
#map2 = affine_map<(d0, d1) -> (0, 0, 0, 0)>
module attributes {stable_mosaic.version = 14 : i64} {
  func.func @_embed(%arg0: i32, %arg1: i32, %arg2: memref<32x100x64xi32, #tpu.memory_space<hbm>>, %arg3: memref<100000x128xf32, #tpu.memory_space<hbm>>, %arg4: memref<256x128xf32, #tpu.memory_space<hbm>>, %arg5: memref<32x100x64x128xf32, #tpu.memory_space<hbm>>, %arg6: memref<100x64xi32, #tpu.memory_space<vmem>>, %arg7: memref<256x128xf32, #tpu.memory_space<vmem>>, %arg8: memref<5x64x128xf32, #tpu.memory_space<vmem>>, %arg9: memref<!tpu.dma_semaphore, #tpu.memory_space<semaphore_mem>>, %arg10: memref<!tpu.dma_semaphore, #tpu.memory_space<semaphore_mem>>, %arg11: memref<!tpu.dma_semaphore, #tpu.memory_space<semaphore_mem>>, %arg12: memref<!tpu.dma_semaphore, #tpu.memory_space<semaphore_mem>>, %arg13: memref<!tpu.dma_semaphore, #tpu.memory_space<semaphore_mem>>, %arg14: memref<!tpu.dma_semaphore, #tpu.memory_space<semaphore_mem>>, %arg15: memref<!tpu.dma_semaphore, #tpu.memory_space<semaphore_mem>>, %arg16: memref<!tpu.dma_semaphore, #tpu.memory_space<semaphore_mem>>, %arg17: memref<!tpu.dma_semaphore, #tpu.memory_space<semaphore_mem>>, %arg18: memref<!tpu.dma_semaphore, #tpu.memory_space<semaphore_mem>>) attributes {dimension_semantics = [#tpu.dimension_semantics<core_parallel>, #tpu.dimension_semantics<subcore_parallel>], iteration_bounds = array<i64: 2, 16>, scalar_prefetch = 0 : i64, scratch_operands = 13 : i64, tpu.core_type = #tpu.core_type<sc_vector_subcore>, window_params = [{transform_indices = #map}, {transform_indices = #map1}, {transform_indices = #map1}, {transform_indices = #map2}]} {
    %mul3A = arith.constant 2 : i32
    %mul3A_0 = arith.muli %arg1, %mul3A : i32
    %add3A = arith.addi %mul3A_0, %arg0 : i32
    "tpu.region"() ({
      %run_scoped3A = tpu.sem_alloc : memref<!tpu.dma_semaphore, #tpu.memory_space<semaphore_mem>>
      %dma_start3A_693 = arith.constant 0 : i32
      %dma_start3A_694 = arith.constant 0 : i32
      %dma_start3A_695 = tpu.memref_slice %arg2[%add3A, %dma_start3A_693, %dma_start3A_694] : memref<32x100x64xi32, #tpu.memory_space<hbm>> -> memref<1x100x64xi32, #tpu.memory_space<hbm>>
      %dma_start3A_696 = tpu.memref_squeeze %dma_start3A_695 : memref<1x100x64xi32, #tpu.memory_space<hbm>> -> memref<100x64xi32, #tpu.memory_space<hbm>>
      %dma_start3A_697 = arith.constant 0 : i32
      %dma_start3A_698 = arith.constant 0 : i32
      %dma_start3A_699 = tpu.memref_slice %arg2[%add3A, %dma_start3A_697, %dma_start3A_698] : memref<32x100x64xi32, #tpu.memory_space<hbm>> -> memref<1x100x64xi32, #tpu.memory_space<hbm>>
      %dma_start3A_700 = tpu.memref_squeeze %dma_start3A_699 : memref<1x100x64xi32, #tpu.memory_space<hbm>> -> memref<100x64xi32, #tpu.memory_space<hbm>>
      tpu.enqueue_dma source(%dma_start3A_700 : memref<100x64xi32, #tpu.memory_space<hbm>>) target(%arg6 : memref<100x64xi32, #tpu.memory_space<vmem>>) target_semaphore(%run_scoped3A : memref<!tpu.dma_semaphore, #tpu.memory_space<semaphore_mem>>)
      %dma_wait3A_701 = arith.constant 0 : i32
      %dma_wait3A_702 = arith.constant 0 : i32
      %dma_wait3A_703 = tpu.memref_slice %arg2[%add3A, %dma_wait3A_701, %dma_wait3A_702] : memref<32x100x64xi32, #tpu.memory_space<hbm>> -> memref<1x100x64xi32, #tpu.memory_space<hbm>>
      %dma_wait3A_704 = tpu.memref_squeeze %dma_wait3A_703 : memref<1x100x64xi32, #tpu.memory_space<hbm>> -> memref<100x64xi32, #tpu.memory_space<hbm>>
      %dma_wait3A_705 = arith.constant 0 : i32
      %dma_wait3A_706 = arith.constant 0 : i32
      %dma_wait3A_707 = tpu.memref_slice %arg2[%add3A, %dma_wait3A_705, %dma_wait3A_706] : memref<32x100x64xi32, #tpu.memory_space<hbm>> -> memref<1x100x64xi32, #tpu.memory_space<hbm>>
      %dma_wait3A_708 = tpu.memref_squeeze %dma_wait3A_707 : memref<1x100x64xi32, #tpu.memory_space<hbm>> -> memref<100x64xi32, #tpu.memory_space<hbm>>
      tpu.wait_dma2 semaphore(%run_scoped3A : memref<!tpu.dma_semaphore, #tpu.memory_space<semaphore_mem>>) src(%dma_wait3A_708 : memref<100x64xi32, #tpu.memory_space<hbm>>) dst(%arg6 : memref<100x64xi32, #tpu.memory_space<vmem>>)
      tpu.yield
    }) : () -> ()
    "tpu.region"() ({
      %run_scoped3A = tpu.sem_alloc : memref<!tpu.dma_semaphore, #tpu.memory_space<semaphore_mem>>
      tpu.enqueue_dma source(%arg4 : memref<256x128xf32, #tpu.memory_space<hbm>>) target(%arg7 : memref<256x128xf32, #tpu.memory_space<vmem>>) target_semaphore(%run_scoped3A : memref<!tpu.dma_semaphore, #tpu.memory_space<semaphore_mem>>)
      tpu.wait_dma2 semaphore(%run_scoped3A : memref<!tpu.dma_semaphore, #tpu.memory_space<semaphore_mem>>) src(%arg4 : memref<256x128xf32, #tpu.memory_space<hbm>>) dst(%arg7 : memref<256x128xf32, #tpu.memory_space<vmem>>)
      tpu.yield
    }) : () -> ()
    %dma_start3A = arith.constant 0 : i32
    %dma_start3A_1 = arith.constant 0 : i32
    %dma_start3A_2 = arith.constant 0 : i32
    %dma_start3A_3 = arith.constant 0 : i32
    %dma_start3A_4 = tpu.memref_slice %arg8[%dma_start3A_1, %dma_start3A_2, %dma_start3A_3] : memref<5x64x128xf32, #tpu.memory_space<vmem>> -> memref<1x64x128xf32, #tpu.memory_space<vmem>>
    %dma_start3A_5 = tpu.memref_squeeze %dma_start3A_4 : memref<1x64x128xf32, #tpu.memory_space<vmem>> -> memref<64x128xf32, #tpu.memory_space<vmem>>
    %dma_start3A_6 = arith.constant 0 : i32
    %dma_start3A_7 = tpu.memref_slice %arg6[%dma_start3A, %dma_start3A_6] : memref<100x64xi32, #tpu.memory_space<vmem>> -> memref<1x64xi32, #tpu.memory_space<vmem>>
    %dma_start3A_8 = tpu.memref_squeeze %dma_start3A_7 : memref<1x64xi32, #tpu.memory_space<vmem>> -> memref<64xi32, #tpu.memory_space<vmem>>
    %dma_start3A_9 = arith.constant 0 : i32
    %dma_start3A_10 = arith.constant 0 : i32
    %dma_start3A_11 = tpu.memref_slice %arg3[%dma_start3A_9, %dma_start3A_10] : memref<100000x128xf32, #tpu.memory_space<hbm>> -> memref<100000x128xf32, #tpu.memory_space<hbm>>
    tpu.enqueue_indirect_dma source(%dma_start3A_11 : memref<100000x128xf32, #tpu.memory_space<hbm>>) target(%dma_start3A_5 : memref<64x128xf32, #tpu.memory_space<vmem>>) offsets(%dma_start3A_8 : memref<64xi32, #tpu.memory_space<vmem>>) semaphore(%arg9 : memref<!tpu.dma_semaphore, #tpu.memory_space<semaphore_mem>>)
    %dma_start3A_12 = arith.constant 1 : i32
    %dma_start3A_13 = arith.constant 1 : i32
    %dma_start3A_14 = arith.constant 0 : i32
    %dma_start3A_15 = arith.constant 0 : i32
    %dma_start3A_16 = tpu.memref_slice %arg8[%dma_start3A_13, %dma_start3A_14, %dma_start3A_15] : memref<5x64x128xf32, #tpu.memory_space<vmem>> -> memref<1x64x128xf32, #tpu.memory_space<vmem>>
    %dma_start3A_17 = tpu.memref_squeeze %dma_start3A_16 : memref<1x64x128xf32, #tpu.memory_space<vmem>> -> memref<64x128xf32, #tpu.memory_space<vmem>>
    %dma_start3A_18 = arith.constant 0 : i32
    %dma_start3A_19 = tpu.memref_slice %arg6[%dma_start3A_12, %dma_start3A_18] : memref<100x64xi32, #tpu.memory_space<vmem>> -> memref<1x64xi32, #tpu.memory_space<vmem>>
    %dma_start3A_20 = tpu.memref_squeeze %dma_start3A_19 : memref<1x64xi32, #tpu.memory_space<vmem>> -> memref<64xi32, #tpu.memory_space<vmem>>
    %dma_start3A_21 = arith.constant 0 : i32
    %dma_start3A_22 = arith.constant 0 : i32
    %dma_start3A_23 = tpu.memref_slice %arg3[%dma_start3A_21, %dma_start3A_22] : memref<100000x128xf32, #tpu.memory_space<hbm>> -> memref<100000x128xf32, #tpu.memory_space<hbm>>
    tpu.enqueue_indirect_dma source(%dma_start3A_23 : memref<100000x128xf32, #tpu.memory_space<hbm>>) target(%dma_start3A_17 : memref<64x128xf32, #tpu.memory_space<vmem>>) offsets(%dma_start3A_20 : memref<64xi32, #tpu.memory_space<vmem>>) semaphore(%arg10 : memref<!tpu.dma_semaphore, #tpu.memory_space<semaphore_mem>>)
    %dma_start3A_24 = arith.constant 2 : i32
    %dma_start3A_25 = arith.constant 2 : i32
    %dma_start3A_26 = arith.constant 0 : i32
    %dma_start3A_27 = arith.constant 0 : i32
    %dma_start3A_28 = tpu.memref_slice %arg8[%dma_start3A_25, %dma_start3A_26, %dma_start3A_27] : memref<5x64x128xf32, #tpu.memory_space<vmem>> -> memref<1x64x128xf32, #tpu.memory_space<vmem>>
    %dma_start3A_29 = tpu.memref_squeeze %dma_start3A_28 : memref<1x64x128xf32, #tpu.memory_space<vmem>> -> memref<64x128xf32, #tpu.memory_space<vmem>>
    %dma_start3A_30 = arith.constant 0 : i32
    %dma_start3A_31 = tpu.memref_slice %arg6[%dma_start3A_24, %dma_start3A_30] : memref<100x64xi32, #tpu.memory_space<vmem>> -> memref<1x64xi32, #tpu.memory_space<vmem>>
    %dma_start3A_32 = tpu.memref_squeeze %dma_start3A_31 : memref<1x64xi32, #tpu.memory_space<vmem>> -> memref<64xi32, #tpu.memory_space<vmem>>
    %dma_start3A_33 = arith.constant 0 : i32
    %dma_start3A_34 = arith.constant 0 : i32
    %dma_start3A_35 = tpu.memref_slice %arg3[%dma_start3A_33, %dma_start3A_34] : memref<100000x128xf32, #tpu.memory_space<hbm>> -> memref<100000x128xf32, #tpu.memory_space<hbm>>
    tpu.enqueue_indirect_dma source(%dma_start3A_35 : memref<100000x128xf32, #tpu.memory_space<hbm>>) target(%dma_start3A_29 : memref<64x128xf32, #tpu.memory_space<vmem>>) offsets(%dma_start3A_32 : memref<64xi32, #tpu.memory_space<vmem>>) semaphore(%arg11 : memref<!tpu.dma_semaphore, #tpu.memory_space<semaphore_mem>>)
    %dma_wait3A = arith.constant 0 : i32
    %dma_wait3A_36 = arith.constant 0 : i32
    %dma_wait3A_37 = arith.constant 0 : i32
    %dma_wait3A_38 = arith.constant 0 : i32
    %dma_wait3A_39 = tpu.memref_slice %arg8[%dma_wait3A_36, %dma_wait3A_37, %dma_wait3A_38] : memref<5x64x128xf32, #tpu.memory_space<vmem>> -> memref<1x64x128xf32, #tpu.memory_space<vmem>>
    %dma_wait3A_40 = tpu.memref_squeeze %dma_wait3A_39 : memref<1x64x128xf32, #tpu.memory_space<vmem>> -> memref<64x128xf32, #tpu.memory_space<vmem>>
    %dma_wait3A_41 = arith.constant 0 : i32
    %dma_wait3A_42 = tpu.memref_slice %arg6[%dma_wait3A, %dma_wait3A_41] : memref<100x64xi32, #tpu.memory_space<vmem>> -> memref<1x64xi32, #tpu.memory_space<vmem>>
    %dma_wait3A_43 = tpu.memref_squeeze %dma_wait3A_42 : memref<1x64xi32, #tpu.memory_space<vmem>> -> memref<64xi32, #tpu.memory_space<vmem>>
    %dma_wait3A_44 = arith.constant 0 : i32
    %dma_wait3A_45 = arith.constant 0 : i32
    %dma_wait3A_46 = tpu.memref_slice %arg3[%dma_wait3A_44, %dma_wait3A_45] : memref<100000x128xf32, #tpu.memory_space<hbm>> -> memref<100000x128xf32, #tpu.memory_space<hbm>>
    tpu.wait_indirect_dma semaphore(%arg9 : memref<!tpu.dma_semaphore, #tpu.memory_space<semaphore_mem>>) src(%dma_wait3A_46 : memref<100000x128xf32, #tpu.memory_space<hbm>>) dst(%dma_wait3A_40 : memref<64x128xf32, #tpu.memory_space<vmem>>)
    %rem3A = arith.constant 0 : i32
    %rem3A_47 = arith.constant 200 : i32
    %rem3A_48 = arith.remsi %rem3A, %rem3A_47 : i32
    %scan3A = arith.constant 0 : i32
    %scan3A_49 = arith.constant 0 : i32
    %scan3A_50 = arith.constant 64 : i32
    %scan3A_51 = arith.addi %scan3A_49, %scan3A_50 : i32
    %scan3A_52 = arith.constant 1 : i32
    scf.for %scan3A_693 = %scan3A_49 to %scan3A_51 step %scan3A_52  : i32 {
      %get3A = arith.constant 0 : i32
      %get3A_694 = arith.index_cast %get3A : i32 to index
      %get3A_695 = arith.index_cast %scan3A_693 : i32 to index
      %get3A_696 = arith.constant 0 : index
      %get3A_697 = tpu.vector_load %arg8[%get3A_694, %get3A_695, %get3A_696] {strides = array<i32>} : memref<5x64x128xf32, #tpu.memory_space<vmem>>, vector<1x1x16xf32>,
      %get3A_698 = vector.shape_cast %get3A_697 : vector<1x1x16xf32> to vector<16xf32>
      %add3A_699 = arith.addi %rem3A_48, %scan3A_693 : i32
      %get3A_700 = arith.index_cast %add3A_699 : i32 to index
      %get3A_701 = arith.constant 0 : index
      %get3A_702 = tpu.vector_load %arg7[%get3A_700, %get3A_701] {strides = array<i32>} : memref<256x128xf32, #tpu.memory_space<vmem>>, vector<1x16xf32>,
      %get3A_703 = vector.shape_cast %get3A_702 : vector<1x16xf32> to vector<16xf32>
      %add3A_704 = arith.addf %get3A_698, %get3A_703 : vector<16xf32>
      %swap3A = arith.constant 0 : i32
      %swap3A_705 = arith.index_cast %swap3A : i32 to index
      %swap3A_706 = arith.index_cast %scan3A_693 : i32 to index
      %swap3A_707 = arith.constant 0 : index
      %swap3A_708 = tpu.vector_load %arg8[%swap3A_705, %swap3A_706, %swap3A_707] {strides = array<i32>} : memref<5x64x128xf32, #tpu.memory_space<vmem>>, vector<1x1x16xf32>,
      %swap3A_709 = vector.shape_cast %swap3A_708 : vector<1x1x16xf32> to vector<16xf32>
      %swap3A_710 = vector.shape_cast %add3A_704 : vector<16xf32> to vector<1x1x16xf32>
      tpu.vector_store %arg8[%swap3A_705, %swap3A_706, %swap3A_707], %swap3A_710 {strides = array<i32>} : memref<5x64x128xf32, #tpu.memory_space<vmem>>, vector<1x1x16xf32>,
      %get3A_711 = arith.constant 0 : i32
      %get3A_712 = arith.index_cast %get3A_711 : i32 to index
      %get3A_713 = arith.index_cast %scan3A_693 : i32 to index
      %get3A_714 = arith.constant 16 : index
      %get3A_715 = tpu.vector_load %arg8[%get3A_712, %get3A_713, %get3A_714] {strides = array<i32>} : memref<5x64x128xf32, #tpu.memory_space<vmem>>, vector<1x1x16xf32>,
      %get3A_716 = vector.shape_cast %get3A_715 : vector<1x1x16xf32> to vector<16xf32>
      %add3A_717 = arith.addi %rem3A_48, %scan3A_693 : i32
      %get3A_718 = arith.index_cast %add3A_717 : i32 to index
      %get3A_719 = arith.constant 16 : index
      %get3A_720 = tpu.vector_load %arg7[%get3A_718, %get3A_719] {strides = array<i32>} : memref<256x128xf32, #tpu.memory_space<vmem>>, vector<1x16xf32>,
      %get3A_721 = vector.shape_cast %get3A_720 : vector<1x16xf32> to vector<16xf32>
      %add3A_722 = arith.addf %get3A_716, %get3A_721 : vector<16xf32>
      %swap3A_723 = arith.constant 0 : i32
      %swap3A_724 = arith.index_cast %swap3A_723 : i32 to index
      %swap3A_725 = arith.index_cast %scan3A_693 : i32 to index
      %swap3A_726 = arith.constant 16 : index
      %swap3A_727 = tpu.vector_load %arg8[%swap3A_724, %swap3A_725, %swap3A_726] {strides = array<i32>} : memref<5x64x128xf32, #tpu.memory_space<vmem>>, vector<1x1x16xf32>,
      %swap3A_728 = vector.shape_cast %swap3A_727 : vector<1x1x16xf32> to vector<16xf32>
      %swap3A_729 = vector.shape_cast %add3A_722 : vector<16xf32> to vector<1x1x16xf32>
      tpu.vector_store %arg8[%swap3A_724, %swap3A_725, %swap3A_726], %swap3A_729 {strides = array<i32>} : memref<5x64x128xf32, #tpu.memory_space<vmem>>, vector<1x1x16xf32>,
      %get3A_730 = arith.constant 0 : i32
      %get3A_731 = arith.index_cast %get3A_730 : i32 to index
      %get3A_732 = arith.index_cast %scan3A_693 : i32 to index
      %get3A_733 = arith.constant 32 : index
      %get3A_734 = tpu.vector_load %arg8[%get3A_731, %get3A_732, %get3A_733] {strides = array<i32>} : memref<5x64x128xf32, #tpu.memory_space<vmem>>, vector<1x1x16xf32>,
      %get3A_735 = vector.shape_cast %get3A_734 : vector<1x1x16xf32> to vector<16xf32>
      %add3A_736 = arith.addi %rem3A_48, %scan3A_693 : i32
      %get3A_737 = arith.index_cast %add3A_736 : i32 to index
      %get3A_738 = arith.constant 32 : index
      %get3A_739 = tpu.vector_load %arg7[%get3A_737, %get3A_738] {strides = array<i32>} : memref<256x128xf32, #tpu.memory_space<vmem>>, vector<1x16xf32>,
      %get3A_740 = vector.shape_cast %get3A_739 : vector<1x16xf32> to vector<16xf32>
      %add3A_741 = arith.addf %get3A_735, %get3A_740 : vector<16xf32>
      %swap3A_742 = arith.constant 0 : i32
      %swap3A_743 = arith.index_cast %swap3A_742 : i32 to index
      %swap3A_744 = arith.index_cast %scan3A_693 : i32 to index
      %swap3A_745 = arith.constant 32 : index
      %swap3A_746 = tpu.vector_load %arg8[%swap3A_743, %swap3A_744, %swap3A_745] {strides = array<i32>} : memref<5x64x128xf32, #tpu.memory_space<vmem>>, vector<1x1x16xf32>,
      %swap3A_747 = vector.shape_cast %swap3A_746 : vector<1x1x16xf32> to vector<16xf32>
      %swap3A_748 = vector.shape_cast %add3A_741 : vector<16xf32> to vector<1x1x16xf32>
      tpu.vector_store %arg8[%swap3A_743, %swap3A_744, %swap3A_745], %swap3A_748 {strides = array<i32>} : memref<5x64x128xf32, #tpu.memory_space<vmem>>, vector<1x1x16xf32>,
      %get3A_749 = arith.constant 0 : i32
      %get3A_750 = arith.index_cast %get3A_749 : i32 to index
      %get3A_751 = arith.index_cast %scan3A_693 : i32 to index
      %get3A_752 = arith.constant 48 : index
      %get3A_753 = tpu.vector_load %arg8[%get3A_750, %get3A_751, %get3A_752] {strides = array<i32>} : memref<5x64x128xf32, #tpu.memory_space<vmem>>, vector<1x1x16xf32>,
      %get3A_754 = vector.shape_cast %get3A_753 : vector<1x1x16xf32> to vector<16xf32>
      %add3A_755 = arith.addi %rem3A_48, %scan3A_693 : i32
      %get3A_756 = arith.index_cast %add3A_755 : i32 to index
      %get3A_757 = arith.constant 48 : index
      %get3A_758 = tpu.vector_load %arg7[%get3A_756, %get3A_757] {strides = array<i32>} : memref<256x128xf32, #tpu.memory_space<vmem>>, vector<1x16xf32>,
      %get3A_759 = vector.shape_cast %get3A_758 : vector<1x16xf32> to vector<16xf32>
      %add3A_760 = arith.addf %get3A_754, %get3A_759 : vector<16xf32>
      %swap3A_761 = arith.constant 0 : i32
      %swap3A_762 = arith.index_cast %swap3A_761 : i32 to index
      %swap3A_763 = arith.index_cast %scan3A_693 : i32 to index
      %swap3A_764 = arith.constant 48 : index
      %swap3A_765 = tpu.vector_load %arg8[%swap3A_762, %swap3A_763, %swap3A_764] {strides = array<i32>} : memref<5x64x128xf32, #tpu.memory_space<vmem>>, vector<1x1x16xf32>,
      %swap3A_766 = vector.shape_cast %swap3A_765 : vector<1x1x16xf32> to vector<16xf32>
      %swap3A_767 = vector.shape_cast %add3A_760 : vector<16xf32> to vector<1x1x16xf32>
      tpu.vector_store %arg8[%swap3A_762, %swap3A_763, %swap3A_764], %swap3A_767 {strides = array<i32>} : memref<5x64x128xf32, #tpu.memory_space<vmem>>, vector<1x1x16xf32>,
      %get3A_768 = arith.constant 0 : i32
      %get3A_769 = arith.index_cast %get3A_768 : i32 to index
      %get3A_770 = arith.index_cast %scan3A_693 : i32 to index
      %get3A_771 = arith.constant 64 : index
      %get3A_772 = tpu.vector_load %arg8[%get3A_769, %get3A_770, %get3A_771] {strides = array<i32>} : memref<5x64x128xf32, #tpu.memory_space<vmem>>, vector<1x1x16xf32>,
      %get3A_773 = vector.shape_cast %get3A_772 : vector<1x1x16xf32> to vector<16xf32>
      %add3A_774 = arith.addi %rem3A_48, %scan3A_693 : i32
      %get3A_775 = arith.index_cast %add3A_774 : i32 to index
      %get3A_776 = arith.constant 64 : index
      %get3A_777 = tpu.vector_load %arg7[%get3A_775, %get3A_776] {strides = array<i32>} : memref<256x128xf32, #tpu.memory_space<vmem>>, vector<1x16xf32>,
      %get3A_778 = vector.shape_cast %get3A_777 : vector<1x16xf32> to vector<16xf32>
      %add3A_779 = arith.addf %get3A_773, %get3A_778 : vector<16xf32>
      %swap3A_780 = arith.constant 0 : i32
      %swap3A_781 = arith.index_cast %swap3A_780 : i32 to index
      %swap3A_782 = arith.index_cast %scan3A_693 : i32 to index
      %swap3A_783 = arith.constant 64 : index
      %swap3A_784 = tpu.vector_load %arg8[%swap3A_781, %swap3A_782, %swap3A_783] {strides = array<i32>} : memref<5x64x128xf32, #tpu.memory_space<vmem>>, vector<1x1x16xf32>,
      %swap3A_785 = vector.shape_cast %swap3A_784 : vector<1x1x16xf32> to vector<16xf32>
      %swap3A_786 = vector.shape_cast %add3A_779 : vector<16xf32> to vector<1x1x16xf32>
      tpu.vector_store %arg8[%swap3A_781, %swap3A_782, %swap3A_783], %swap3A_786 {strides = array<i32>} : memref<5x64x128xf32, #tpu.memory_space<vmem>>, vector<1x1x16xf32>,
      %get3A_787 = arith.constant 0 : i32
      %get3A_788 = arith.index_cast %get3A_787 : i32 to index
      %get3A_789 = arith.index_cast %scan3A_693 : i32 to index
      %get3A_790 = arith.constant 80 : index
      %get3A_791 = tpu.vector_load %arg8[%get3A_788, %get3A_789, %get3A_790] {strides = array<i32>} : memref<5x64x128xf32, #tpu.memory_space<vmem>>, vector<1x1x16xf32>,
      %get3A_792 = vector.shape_cast %get3A_791 : vector<1x1x16xf32> to vector<16xf32>
      %add3A_793 = arith.addi %rem3A_48, %scan3A_693 : i32
      %get3A_794 = arith.index_cast %add3A_793 : i32 to index
      %get3A_795 = arith.constant 80 : index
      %get3A_796 = tpu.vector_load %arg7[%get3A_794, %get3A_795] {strides = array<i32>} : memref<256x128xf32, #tpu.memory_space<vmem>>, vector<1x16xf32>,
      %get3A_797 = vector.shape_cast %get3A_796 : vector<1x16xf32> to vector<16xf32>
      %add3A_798 = arith.addf %get3A_792, %get3A_797 : vector<16xf32>
      %swap3A_799 = arith.constant 0 : i32
      %swap3A_800 = arith.index_cast %swap3A_799 : i32 to index
      %swap3A_801 = arith.index_cast %scan3A_693 : i32 to index
      %swap3A_802 = arith.constant 80 : index
      %swap3A_803 = tpu.vector_load %arg8[%swap3A_800, %swap3A_801, %swap3A_802] {strides = array<i32>} : memref<5x64x128xf32, #tpu.memory_space<vmem>>, vector<1x1x16xf32>,
      %swap3A_804 = vector.shape_cast %swap3A_803 : vector<1x1x16xf32> to vector<16xf32>
      %swap3A_805 = vector.shape_cast %add3A_798 : vector<16xf32> to vector<1x1x16xf32>
      tpu.vector_store %arg8[%swap3A_800, %swap3A_801, %swap3A_802], %swap3A_805 {strides = array<i32>} : memref<5x64x128xf32, #tpu.memory_space<vmem>>, vector<1x1x16xf32>,
      %get3A_806 = arith.constant 0 : i32
      %get3A_807 = arith.index_cast %get3A_806 : i32 to index
      %get3A_808 = arith.index_cast %scan3A_693 : i32 to index
      %get3A_809 = arith.constant 96 : index
      %get3A_810 = tpu.vector_load %arg8[%get3A_807, %get3A_808, %get3A_809] {strides = array<i32>} : memref<5x64x128xf32, #tpu.memory_space<vmem>>, vector<1x1x16xf32>,
      %get3A_811 = vector.shape_cast %get3A_810 : vector<1x1x16xf32> to vector<16xf32>
      %add3A_812 = arith.addi %rem3A_48, %scan3A_693 : i32
      %get3A_813 = arith.index_cast %add3A_812 : i32 to index
      %get3A_814 = arith.constant 96 : index
      %get3A_815 = tpu.vector_load %arg7[%get3A_813, %get3A_814] {strides = array<i32>} : memref<256x128xf32, #tpu.memory_space<vmem>>, vector<1x16xf32>,
      %get3A_816 = vector.shape_cast %get3A_815 : vector<1x16xf32> to vector<16xf32>
      %add3A_817 = arith.addf %get3A_811, %get3A_816 : vector<16xf32>
      %swap3A_818 = arith.constant 0 : i32
      %swap3A_819 = arith.index_cast %swap3A_818 : i32 to index
      %swap3A_820 = arith.index_cast %scan3A_693 : i32 to index
      %swap3A_821 = arith.constant 96 : index
      %swap3A_822 = tpu.vector_load %arg8[%swap3A_819, %swap3A_820, %swap3A_821] {strides = array<i32>} : memref<5x64x128xf32, #tpu.memory_space<vmem>>, vector<1x1x16xf32>,
      %swap3A_823 = vector.shape_cast %swap3A_822 : vector<1x1x16xf32> to vector<16xf32>
      %swap3A_824 = vector.shape_cast %add3A_817 : vector<16xf32> to vector<1x1x16xf32>
      tpu.vector_store %arg8[%swap3A_819, %swap3A_820, %swap3A_821], %swap3A_824 {strides = array<i32>} : memref<5x64x128xf32, #tpu.memory_space<vmem>>, vector<1x1x16xf32>,
      %get3A_825 = arith.constant 0 : i32
      %get3A_826 = arith.index_cast %get3A_825 : i32 to index
      %get3A_827 = arith.index_cast %scan3A_693 : i32 to index
      %get3A_828 = arith.constant 112 : index
      %get3A_829 = tpu.vector_load %arg8[%get3A_826, %get3A_827, %get3A_828] {strides = array<i32>} : memref<5x64x128xf32, #tpu.memory_space<vmem>>, vector<1x1x16xf32>,
      %get3A_830 = vector.shape_cast %get3A_829 : vector<1x1x16xf32> to vector<16xf32>
      %add3A_831 = arith.addi %rem3A_48, %scan3A_693 : i32
      %get3A_832 = arith.index_cast %add3A_831 : i32 to index
      %get3A_833 = arith.constant 112 : index
      %get3A_834 = tpu.vector_load %arg7[%get3A_832, %get3A_833] {strides = array<i32>} : memref<256x128xf32, #tpu.memory_space<vmem>>, vector<1x16xf32>,
      %get3A_835 = vector.shape_cast %get3A_834 : vector<1x16xf32> to vector<16xf32>
      %add3A_836 = arith.addf %get3A_830, %get3A_835 : vector<16xf32>
      %swap3A_837 = arith.constant 0 : i32
      %swap3A_838 = arith.index_cast %swap3A_837 : i32 to index
      %swap3A_839 = arith.index_cast %scan3A_693 : i32 to index
      %swap3A_840 = arith.constant 112 : index
      %swap3A_841 = tpu.vector_load %arg8[%swap3A_838, %swap3A_839, %swap3A_840] {strides = array<i32>} : memref<5x64x128xf32, #tpu.memory_space<vmem>>, vector<1x1x16xf32>,
      %swap3A_842 = vector.shape_cast %swap3A_841 : vector<1x1x16xf32> to vector<16xf32>
      %swap3A_843 = vector.shape_cast %add3A_836 : vector<16xf32> to vector<1x1x16xf32>
      tpu.vector_store %arg8[%swap3A_838, %swap3A_839, %swap3A_840], %swap3A_843 {strides = array<i32>} : memref<5x64x128xf32, #tpu.memory_space<vmem>>, vector<1x1x16xf32>,
    }
    %scan3A_53 = arith.constant 64 : i32
    %dma_start3A_54 = arith.constant 0 : i32
    %dma_start3A_55 = arith.constant 0 : i32
    %dma_start3A_56 = arith.constant 0 : i32
    %dma_start3A_57 = arith.constant 0 : i32
    %dma_start3A_58 = tpu.memref_slice %arg8[%dma_start3A_54, %dma_start3A_56, %dma_start3A_57] : memref<5x64x128xf32, #tpu.memory_space<vmem>> -> memref<1x64x128xf32, #tpu.memory_space<vmem>>
    %dma_start3A_59 = tpu.memref_squeeze %dma_start3A_58 : memref<1x64x128xf32, #tpu.memory_space<vmem>> -> memref<64x128xf32, #tpu.memory_space<vmem>>
    %dma_start3A_60 = arith.constant 0 : i32
    %dma_start3A_61 = arith.constant 0 : i32
    %dma_start3A_62 = tpu.memref_slice %arg5[%add3A, %dma_start3A_55, %dma_start3A_60, %dma_start3A_61] : memref<32x100x64x128xf32, #tpu.memory_space<hbm>> -> memref<1x1x64x128xf32, #tpu.memory_space<hbm>>
    %dma_start3A_63 = tpu.memref_squeeze %dma_start3A_62 : memref<1x1x64x128xf32, #tpu.memory_space<hbm>> -> memref<64x128xf32, #tpu.memory_space<hbm>>
    %dma_start3A_64 = arith.constant 0 : i32
    %dma_start3A_65 = arith.constant 0 : i32
    %dma_start3A_66 = tpu.memref_slice %arg5[%add3A, %dma_start3A_55, %dma_start3A_64, %dma_start3A_65] : memref<32x100x64x128xf32, #tpu.memory_space<hbm>> -> memref<1x1x64x128xf32, #tpu.memory_space<hbm>>
    %dma_start3A_67 = tpu.memref_squeeze %dma_start3A_66 : memref<1x1x64x128xf32, #tpu.memory_space<hbm>> -> memref<64x128xf32, #tpu.memory_space<hbm>>
    %dma_start3A_68 = arith.constant 0 : i32
    %dma_start3A_69 = arith.constant 0 : i32
    %dma_start3A_70 = tpu.memref_slice %arg8[%dma_start3A_54, %dma_start3A_68, %dma_start3A_69] : memref<5x64x128xf32, #tpu.memory_space<vmem>> -> memref<1x64x128xf32, #tpu.memory_space<vmem>>
    %dma_start3A_71 = tpu.memref_squeeze %dma_start3A_70 : memref<1x64x128xf32, #tpu.memory_space<vmem>> -> memref<64x128xf32, #tpu.memory_space<vmem>>
    tpu.enqueue_dma source(%dma_start3A_71 : memref<64x128xf32, #tpu.memory_space<vmem>>) target(%dma_start3A_67 : memref<64x128xf32, #tpu.memory_space<hbm>>) target_semaphore(%arg14 : memref<!tpu.dma_semaphore, #tpu.memory_space<semaphore_mem>>)
    %dma_start3A_72 = arith.constant 3 : i32
    %dma_start3A_73 = arith.constant 3 : i32
    %dma_start3A_74 = arith.constant 0 : i32
    %dma_start3A_75 = arith.constant 0 : i32
    %dma_start3A_76 = tpu.memref_slice %arg8[%dma_start3A_73, %dma_start3A_74, %dma_start3A_75] : memref<5x64x128xf32, #tpu.memory_space<vmem>> -> memref<1x64x128xf32, #tpu.memory_space<vmem>>
    %dma_start3A_77 = tpu.memref_squeeze %dma_start3A_76 : memref<1x64x128xf32, #tpu.memory_space<vmem>> -> memref<64x128xf32, #tpu.memory_space<vmem>>
    %dma_start3A_78 = arith.constant 0 : i32
    %dma_start3A_79 = tpu.memref_slice %arg6[%dma_start3A_72, %dma_start3A_78] : memref<100x64xi32, #tpu.memory_space<vmem>> -> memref<1x64xi32, #tpu.memory_space<vmem>>
    %dma_start3A_80 = tpu.memref_squeeze %dma_start3A_79 : memref<1x64xi32, #tpu.memory_space<vmem>> -> memref<64xi32, #tpu.memory_space<vmem>>
    %dma_start3A_81 = arith.constant 0 : i32
    %dma_start3A_82 = arith.constant 0 : i32
    %dma_start3A_83 = tpu.memref_slice %arg3[%dma_start3A_81, %dma_start3A_82] : memref<100000x128xf32, #tpu.memory_space<hbm>> -> memref<100000x128xf32, #tpu.memory_space<hbm>>
    tpu.enqueue_indirect_dma source(%dma_start3A_83 : memref<100000x128xf32, #tpu.memory_space<hbm>>) target(%dma_start3A_77 : memref<64x128xf32, #tpu.memory_space<vmem>>) offsets(%dma_start3A_80 : memref<64xi32, #tpu.memory_space<vmem>>) semaphore(%arg12 : memref<!tpu.dma_semaphore, #tpu.memory_space<semaphore_mem>>)
    %dma_wait3A_84 = arith.constant 1 : i32
    %dma_wait3A_85 = arith.constant 1 : i32
    %dma_wait3A_86 = arith.constant 0 : i32
    %dma_wait3A_87 = arith.constant 0 : i32
    %dma_wait3A_88 = tpu.memref_slice %arg8[%dma_wait3A_85, %dma_wait3A_86, %dma_wait3A_87] : memref<5x64x128xf32, #tpu.memory_space<vmem>> -> memref<1x64x128xf32, #tpu.memory_space<vmem>>
    %dma_wait3A_89 = tpu.memref_squeeze %dma_wait3A_88 : memref<1x64x128xf32, #tpu.memory_space<vmem>> -> memref<64x128xf32, #tpu.memory_space<vmem>>
    %dma_wait3A_90 = arith.constant 0 : i32
    %dma_wait3A_91 = tpu.memref_slice %arg6[%dma_wait3A_84, %dma_wait3A_90] : memref<100x64xi32, #tpu.memory_space<vmem>> -> memref<1x64xi32, #tpu.memory_space<vmem>>
    %dma_wait3A_92 = tpu.memref_squeeze %dma_wait3A_91 : memref<1x64xi32, #tpu.memory_space<vmem>> -> memref<64xi32, #tpu.memory_space<vmem>>
    %dma_wait3A_93 = arith.constant 0 : i32
    %dma_wait3A_94 = arith.constant 0 : i32
    %dma_wait3A_95 = tpu.memref_slice %arg3[%dma_wait3A_93, %dma_wait3A_94] : memref<100000x128xf32, #tpu.memory_space<hbm>> -> memref<100000x128xf32, #tpu.memory_space<hbm>>
    tpu.wait_indirect_dma semaphore(%arg10 : memref<!tpu.dma_semaphore, #tpu.memory_space<semaphore_mem>>) src(%dma_wait3A_95 : memref<100000x128xf32, #tpu.memory_space<hbm>>) dst(%dma_wait3A_89 : memref<64x128xf32, #tpu.memory_space<vmem>>)
    %rem3A_96 = arith.constant 64 : i32
    %rem3A_97 = arith.constant 200 : i32
    %rem3A_98 = arith.remsi %rem3A_96, %rem3A_97 : i32
    %scan3A_99 = arith.constant 0 : i32
    %scan3A_100 = arith.constant 0 : i32
    %scan3A_101 = arith.constant 64 : i32
    %scan3A_102 = arith.addi %scan3A_100, %scan3A_101 : i32
    %scan3A_103 = arith.constant 1 : i32
    scf.for %scan3A_693 = %scan3A_100 to %scan3A_102 step %scan3A_103  : i32 {
      %get3A = arith.constant 1 : i32
      %get3A_694 = arith.index_cast %get3A : i32 to index
      %get3A_695 = arith.index_cast %scan3A_693 : i32 to index
      %get3A_696 = arith.constant 0 : index
      %get3A_697 = tpu.vector_load %arg8[%get3A_694, %get3A_695, %get3A_696] {strides = array<i32>} : memref<5x64x128xf32, #tpu.memory_space<vmem>>, vector<1x1x16xf32>,
      %get3A_698 = vector.shape_cast %get3A_697 : vector<1x1x16xf32> to vector<16xf32>
      %add3A_699 = arith.addi %rem3A_98, %scan3A_693 : i32
      %get3A_700 = arith.index_cast %add3A_699 : i32 to index
      %get3A_701 = arith.constant 0 : index
      %get3A_702 = tpu.vector_load %arg7[%get3A_700, %get3A_701] {strides = array<i32>} : memref<256x128xf32, #tpu.memory_space<vmem>>, vector<1x16xf32>,
      %get3A_703 = vector.shape_cast %get3A_702 : vector<1x16xf32> to vector<16xf32>
      %add3A_704 = arith.addf %get3A_698, %get3A_703 : vector<16xf32>
      %swap3A = arith.constant 1 : i32
      %swap3A_705 = arith.index_cast %swap3A : i32 to index
      %swap3A_706 = arith.index_cast %scan3A_693 : i32 to index
      %swap3A_707 = arith.constant 0 : index
      %swap3A_708 = tpu.vector_load %arg8[%swap3A_705, %swap3A_706, %swap3A_707] {strides = array<i32>} : memref<5x64x128xf32, #tpu.memory_space<vmem>>, vector<1x1x16xf32>,
      %swap3A_709 = vector.shape_cast %swap3A_708 : vector<1x1x16xf32> to vector<16xf32>
      %swap3A_710 = vector.shape_cast %add3A_704 : vector<16xf32> to vector<1x1x16xf32>
      tpu.vector_store %arg8[%swap3A_705, %swap3A_706, %swap3A_707], %swap3A_710 {strides = array<i32>} : memref<5x64x128xf32, #tpu.memory_space<vmem>>, vector<1x1x16xf32>,
      %get3A_711 = arith.constant 1 : i32
      %get3A_712 = arith.index_cast %get3A_711 : i32 to index
      %get3A_713 = arith.index_cast %scan3A_693 : i32 to index
      %get3A_714 = arith.constant 16 : index
      %get3A_715 = tpu.vector_load %arg8[%get3A_712, %get3A_713, %get3A_714] {strides = array<i32>} : memref<5x64x128xf32, #tpu.memory_space<vmem>>, vector<1x1x16xf32>,
      %get3A_716 = vector.shape_cast %get3A_715 : vector<1x1x16xf32> to vector<16xf32>
      %add3A_717 = arith.addi %rem3A_98, %scan3A_693 : i32
      %get3A_718 = arith.index_cast %add3A_717 : i32 to index
      %get3A_719 = arith.constant 16 : index
      %get3A_720 = tpu.vector_load %arg7[%get3A_718, %get3A_719] {strides = array<i32>} : memref<256x128xf32, #tpu.memory_space<vmem>>, vector<1x16xf32>,
      %get3A_721 = vector.shape_cast %get3A_720 : vector<1x16xf32> to vector<16xf32>
      %add3A_722 = arith.addf %get3A_716, %get3A_721 : vector<16xf32>
      %swap3A_723 = arith.constant 1 : i32
      %swap3A_724 = arith.index_cast %swap3A_723 : i32 to index
      %swap3A_725 = arith.index_cast %scan3A_693 : i32 to index
      %swap3A_726 = arith.constant 16 : index
      %swap3A_727 = tpu.vector_load %arg8[%swap3A_724, %swap3A_725, %swap3A_726] {strides = array<i32>} : memref<5x64x128xf32, #tpu.memory_space<vmem>>, vector<1x1x16xf32>,
      %swap3A_728 = vector.shape_cast %swap3A_727 : vector<1x1x16xf32> to vector<16xf32>
      %swap3A_729 = vector.shape_cast %add3A_722 : vector<16xf32> to vector<1x1x16xf32>
      tpu.vector_store %arg8[%swap3A_724, %swap3A_725, %swap3A_726], %swap3A_729 {strides = array<i32>} : memref<5x64x128xf32, #tpu.memory_space<vmem>>, vector<1x1x16xf32>,
      %get3A_730 = arith.constant 1 : i32
      %get3A_731 = arith.index_cast %get3A_730 : i32 to index
      %get3A_732 = arith.index_cast %scan3A_693 : i32 to index
      %get3A_733 = arith.constant 32 : index
      %get3A_734 = tpu.vector_load %arg8[%get3A_731, %get3A_732, %get3A_733] {strides = array<i32>} : memref<5x64x128xf32, #tpu.memory_space<vmem>>, vector<1x1x16xf32>,
      %get3A_735 = vector.shape_cast %get3A_734 : vector<1x1x16xf32> to vector<16xf32>
      %add3A_736 = arith.addi %rem3A_98, %scan3A_693 : i32
      %get3A_737 = arith.index_cast %add3A_736 : i32 to index
      %get3A_738 = arith.constant 32 : index
      %get3A_739 = tpu.vector_load %arg7[%get3A_737, %get3A_738] {strides = array<i32>} : memref<256x128xf32, #tpu.memory_space<vmem>>, vector<1x16xf32>,
      %get3A_740 = vector.shape_cast %get3A_739 : vector<1x16xf32> to vector<16xf32>
      %add3A_741 = arith.addf %get3A_735, %get3A_740 : vector<16xf32>
      %swap3A_742 = arith.constant 1 : i32
      %swap3A_743 = arith.index_cast %swap3A_742 : i32 to index
      %swap3A_744 = arith.index_cast %scan3A_693 : i32 to index
      %swap3A_745 = arith.constant 32 : index
      %swap3A_746 = tpu.vector_load %arg8[%swap3A_743, %swap3A_744, %swap3A_745] {strides = array<i32>} : memref<5x64x128xf32, #tpu.memory_space<vmem>>, vector<1x1x16xf32>,
      %swap3A_747 = vector.shape_cast %swap3A_746 : vector<1x1x16xf32> to vector<16xf32>
      %swap3A_748 = vector.shape_cast %add3A_741 : vector<16xf32> to vector<1x1x16xf32>
      tpu.vector_store %arg8[%swap3A_743, %swap3A_744, %swap3A_745], %swap3A_748 {strides = array<i32>} : memref<5x64x128xf32, #tpu.memory_space<vmem>>, vector<1x1x16xf32>,
      %get3A_749 = arith.constant 1 : i32
      %get3A_750 = arith.index_cast %get3A_749 : i32 to index
      %get3A_751 = arith.index_cast %scan3A_693 : i32 to index
      %get3A_752 = arith.constant 48 : index
      %get3A_753 = tpu.vector_load %arg8[%get3A_750, %get3A_751, %get3A_752] {strides = array<i32>} : memref<5x64x128xf32, #tpu.memory_space<vmem>>, vector<1x1x16xf32>,
      %get3A_754 = vector.shape_cast %get3A_753 : vector<1x1x16xf32> to vector<16xf32>
      %add3A_755 = arith.addi %rem3A_98, %scan3A_693 : i32
      %get3A_756 = arith.index_cast %add3A_755 : i32 to index
      %get3A_757 = arith.constant 48 : index
      %get3A_758 = tpu.vector_load %arg7[%get3A_756, %get3A_757] {strides = array<i32>} : memref<256x128xf32, #tpu.memory_space<vmem>>, vector<1x16xf32>,
      %get3A_759 = vector.shape_cast %get3A_758 : vector<1x16xf32> to vector<16xf32>
      %add3A_760 = arith.addf %get3A_754, %get3A_759 : vector<16xf32>
      %swap3A_761 = arith.constant 1 : i32
      %swap3A_762 = arith.index_cast %swap3A_761 : i32 to index
      %swap3A_763 = arith.index_cast %scan3A_693 : i32 to index
      %swap3A_764 = arith.constant 48 : index
      %swap3A_765 = tpu.vector_load %arg8[%swap3A_762, %swap3A_763, %swap3A_764] {strides = array<i32>} : memref<5x64x128xf32, #tpu.memory_space<vmem>>, vector<1x1x16xf32>,
      %swap3A_766 = vector.shape_cast %swap3A_765 : vector<1x1x16xf32> to vector<16xf32>
      %swap3A_767 = vector.shape_cast %add3A_760 : vector<16xf32> to vector<1x1x16xf32>
      tpu.vector_store %arg8[%swap3A_762, %swap3A_763, %swap3A_764], %swap3A_767 {strides = array<i32>} : memref<5x64x128xf32, #tpu.memory_space<vmem>>, vector<1x1x16xf32>,
      %get3A_768 = arith.constant 1 : i32
      %get3A_769 = arith.index_cast %get3A_768 : i32 to index
      %get3A_770 = arith.index_cast %scan3A_693 : i32 to index
      %get3A_771 = arith.constant 64 : index
      %get3A_772 = tpu.vector_load %arg8[%get3A_769, %get3A_770, %get3A_771] {strides = array<i32>} : memref<5x64x128xf32, #tpu.memory_space<vmem>>, vector<1x1x16xf32>,
      %get3A_773 = vector.shape_cast %get3A_772 : vector<1x1x16xf32> to vector<16xf32>
      %add3A_774 = arith.addi %rem3A_98, %scan3A_693 : i32
      %get3A_775 = arith.index_cast %add3A_774 : i32 to index
      %get3A_776 = arith.constant 64 : index
      %get3A_777 = tpu.vector_load %arg7[%get3A_775, %get3A_776] {strides = array<i32>} : memref<256x128xf32, #tpu.memory_space<vmem>>, vector<1x16xf32>,
      %get3A_778 = vector.shape_cast %get3A_777 : vector<1x16xf32> to vector<16xf32>
      %add3A_779 = arith.addf %get3A_773, %get3A_778 : vector<16xf32>
      %swap3A_780 = arith.constant 1 : i32
      %swap3A_781 = arith.index_cast %swap3A_780 : i32 to index
      %swap3A_782 = arith.index_cast %scan3A_693 : i32 to index
      %swap3A_783 = arith.constant 64 : index
      %swap3A_784 = tpu.vector_load %arg8[%swap3A_781, %swap3A_782, %swap3A_783] {strides = array<i32>} : memref<5x64x128xf32, #tpu.memory_space<vmem>>, vector<1x1x16xf32>,
      %swap3A_785 = vector.shape_cast %swap3A_784 : vector<1x1x16xf32> to vector<16xf32>
      %swap3A_786 = vector.shape_cast %add3A_779 : vector<16xf32> to vector<1x1x16xf32>
      tpu.vector_store %arg8[%swap3A_781, %swap3A_782, %swap3A_783], %swap3A_786 {strides = array<i32>} : memref<5x64x128xf32, #tpu.memory_space<vmem>>, vector<1x1x16xf32>,
      %get3A_787 = arith.constant 1 : i32
      %get3A_788 = arith.index_cast %get3A_787 : i32 to index
      %get3A_789 = arith.index_cast %scan3A_693 : i32 to index
      %get3A_790 = arith.constant 80 : index
      %get3A_791 = tpu.vector_load %arg8[%get3A_788, %get3A_789, %get3A_790] {strides = array<i32>} : memref<5x64x128xf32, #tpu.memory_space<vmem>>, vector<1x1x16xf32>,
      %get3A_792 = vector.shape_cast %get3A_791 : vector<1x1x16xf32> to vector<16xf32>
      %add3A_793 = arith.addi %rem3A_98, %scan3A_693 : i32
      %get3A_794 = arith.index_cast %add3A_793 : i32 to index
      %get3A_795 = arith.constant 80 : index
      %get3A_796 = tpu.vector_load %arg7[%get3A_794, %get3A_795] {strides = array<i32>} : memref<256x128xf32, #tpu.memory_space<vmem>>, vector<1x16xf32>,
      %get3A_797 = vector.shape_cast %get3A_796 : vector<1x16xf32> to vector<16xf32>
      %add3A_798 = arith.addf %get3A_792, %get3A_797 : vector<16xf32>
      %swap3A_799 = arith.constant 1 : i32
      %swap3A_800 = arith.index_cast %swap3A_799 : i32 to index
      %swap3A_801 = arith.index_cast %scan3A_693 : i32 to index
      %swap3A_802 = arith.constant 80 : index
      %swap3A_803 = tpu.vector_load %arg8[%swap3A_800, %swap3A_801, %swap3A_802] {strides = array<i32>} : memref<5x64x128xf32, #tpu.memory_space<vmem>>, vector<1x1x16xf32>,
      %swap3A_804 = vector.shape_cast %swap3A_803 : vector<1x1x16xf32> to vector<16xf32>
      %swap3A_805 = vector.shape_cast %add3A_798 : vector<16xf32> to vector<1x1x16xf32>
      tpu.vector_store %arg8[%swap3A_800, %swap3A_801, %swap3A_802], %swap3A_805 {strides = array<i32>} : memref<5x64x128xf32, #tpu.memory_space<vmem>>, vector<1x1x16xf32>,
      %get3A_806 = arith.constant 1 : i32
      %get3A_807 = arith.index_cast %get3A_806 : i32 to index
      %get3A_808 = arith.index_cast %scan3A_693 : i32 to index
      %get3A_809 = arith.constant 96 : index
      %get3A_810 = tpu.vector_load %arg8[%get3A_807, %get3A_808, %get3A_809] {strides = array<i32>} : memref<5x64x128xf32, #tpu.memory_space<vmem>>, vector<1x1x16xf32>,
      %get3A_811 = vector.shape_cast %get3A_810 : vector<1x1x16xf32> to vector<16xf32>
      %add3A_812 = arith.addi %rem3A_98, %scan3A_693 : i32
      %get3A_813 = arith.index_cast %add3A_812 : i32 to index
      %get3A_814 = arith.constant 96 : index
      %get3A_815 = tpu.vector_load %arg7[%get3A_813, %get3A_814] {strides = array<i32>} : memref<256x128xf32, #tpu.memory_space<vmem>>, vector<1x16xf32>,
      %get3A_816 = vector.shape_cast %get3A_815 : vector<1x16xf32> to vector<16xf32>
      %add3A_817 = arith.addf %get3A_811, %get3A_816 : vector<16xf32>
      %swap3A_818 = arith.constant 1 : i32
      %swap3A_819 = arith.index_cast %swap3A_818 : i32 to index
      %swap3A_820 = arith.index_cast %scan3A_693 : i32 to index
      %swap3A_821 = arith.constant 96 : index
      %swap3A_822 = tpu.vector_load %arg8[%swap3A_819, %swap3A_820, %swap3A_821] {strides = array<i32>} : memref<5x64x128xf32, #tpu.memory_space<vmem>>, vector<1x1x16xf32>,
      %swap3A_823 = vector.shape_cast %swap3A_822 : vector<1x1x16xf32> to vector<16xf32>
      %swap3A_824 = vector.shape_cast %add3A_817 : vector<16xf32> to vector<1x1x16xf32>
      tpu.vector_store %arg8[%swap3A_819, %swap3A_820, %swap3A_821], %swap3A_824 {strides = array<i32>} : memref<5x64x128xf32, #tpu.memory_space<vmem>>, vector<1x1x16xf32>,
      %get3A_825 = arith.constant 1 : i32
      %get3A_826 = arith.index_cast %get3A_825 : i32 to index
      %get3A_827 = arith.index_cast %scan3A_693 : i32 to index
      %get3A_828 = arith.constant 112 : index
      %get3A_829 = tpu.vector_load %arg8[%get3A_826, %get3A_827, %get3A_828] {strides = array<i32>} : memref<5x64x128xf32, #tpu.memory_space<vmem>>, vector<1x1x16xf32>,
      %get3A_830 = vector.shape_cast %get3A_829 : vector<1x1x16xf32> to vector<16xf32>
      %add3A_831 = arith.addi %rem3A_98, %scan3A_693 : i32
      %get3A_832 = arith.index_cast %add3A_831 : i32 to index
      %get3A_833 = arith.constant 112 : index
      %get3A_834 = tpu.vector_load %arg7[%get3A_832, %get3A_833] {strides = array<i32>} : memref<256x128xf32, #tpu.memory_space<vmem>>, vector<1x16xf32>,
      %get3A_835 = vector.shape_cast %get3A_834 : vector<1x16xf32> to vector<16xf32>
      %add3A_836 = arith.addf %get3A_830, %get3A_835 : vector<16xf32>
      %swap3A_837 = arith.constant 1 : i32
      %swap3A_838 = arith.index_cast %swap3A_837 : i32 to index
      %swap3A_839 = arith.index_cast %scan3A_693 : i32 to index
      %swap3A_840 = arith.constant 112 : index
      %swap3A_841 = tpu.vector_load %arg8[%swap3A_838, %swap3A_839, %swap3A_840] {strides = array<i32>} : memref<5x64x128xf32, #tpu.memory_space<vmem>>, vector<1x1x16xf32>,
      %swap3A_842 = vector.shape_cast %swap3A_841 : vector<1x1x16xf32> to vector<16xf32>
      %swap3A_843 = vector.shape_cast %add3A_836 : vector<16xf32> to vector<1x1x16xf32>
      tpu.vector_store %arg8[%swap3A_838, %swap3A_839, %swap3A_840], %swap3A_843 {strides = array<i32>} : memref<5x64x128xf32, #tpu.memory_space<vmem>>, vector<1x1x16xf32>,
    }
    %scan3A_104 = arith.constant 64 : i32
    %dma_start3A_105 = arith.constant 1 : i32
    %dma_start3A_106 = arith.constant 1 : i32
    %dma_start3A_107 = arith.constant 0 : i32
    %dma_start3A_108 = arith.constant 0 : i32
    %dma_start3A_109 = tpu.memref_slice %arg8[%dma_start3A_105, %dma_start3A_107, %dma_start3A_108] : memref<5x64x128xf32, #tpu.memory_space<vmem>> -> memref<1x64x128xf32, #tpu.memory_space<vmem>>
    %dma_start3A_110 = tpu.memref_squeeze %dma_start3A_109 : memref<1x64x128xf32, #tpu.memory_space<vmem>> -> memref<64x128xf32, #tpu.memory_space<vmem>>
    %dma_start3A_111 = arith.constant 0 : i32
    %dma_start3A_112 = arith.constant 0 : i32
    %dma_start3A_113 = tpu.memref_slice %arg5[%add3A, %dma_start3A_106, %dma_start3A_111, %dma_start3A_112] : memref<32x100x64x128xf32, #tpu.memory_space<hbm>> -> memref<1x1x64x128xf32, #tpu.memory_space<hbm>>
    %dma_start3A_114 = tpu.memref_squeeze %dma_start3A_113 : memref<1x1x64x128xf32, #tpu.memory_space<hbm>> -> memref<64x128xf32, #tpu.memory_space<hbm>>
    %dma_start3A_115 = arith.constant 0 : i32
    %dma_start3A_116 = arith.constant 0 : i32
    %dma_start3A_117 = tpu.memref_slice %arg5[%add3A, %dma_start3A_106, %dma_start3A_115, %dma_start3A_116] : memref<32x100x64x128xf32, #tpu.memory_space<hbm>> -> memref<1x1x64x128xf32, #tpu.memory_space<hbm>>
    %dma_start3A_118 = tpu.memref_squeeze %dma_start3A_117 : memref<1x1x64x128xf32, #tpu.memory_space<hbm>> -> memref<64x128xf32, #tpu.memory_space<hbm>>
    %dma_start3A_119 = arith.constant 0 : i32
    %dma_start3A_120 = arith.constant 0 : i32
    %dma_start3A_121 = tpu.memref_slice %arg8[%dma_start3A_105, %dma_start3A_119, %dma_start3A_120] : memref<5x64x128xf32, #tpu.memory_space<vmem>> -> memref<1x64x128xf32, #tpu.memory_space<vmem>>
    %dma_start3A_122 = tpu.memref_squeeze %dma_start3A_121 : memref<1x64x128xf32, #tpu.memory_space<vmem>> -> memref<64x128xf32, #tpu.memory_space<vmem>>
    tpu.enqueue_dma source(%dma_start3A_122 : memref<64x128xf32, #tpu.memory_space<vmem>>) target(%dma_start3A_118 : memref<64x128xf32, #tpu.memory_space<hbm>>) target_semaphore(%arg15 : memref<!tpu.dma_semaphore, #tpu.memory_space<semaphore_mem>>)
    %dma_start3A_123 = arith.constant 4 : i32
    %dma_start3A_124 = arith.constant 4 : i32
    %dma_start3A_125 = arith.constant 0 : i32
    %dma_start3A_126 = arith.constant 0 : i32
    %dma_start3A_127 = tpu.memref_slice %arg8[%dma_start3A_124, %dma_start3A_125, %dma_start3A_126] : memref<5x64x128xf32, #tpu.memory_space<vmem>> -> memref<1x64x128xf32, #tpu.memory_space<vmem>>
    %dma_start3A_128 = tpu.memref_squeeze %dma_start3A_127 : memref<1x64x128xf32, #tpu.memory_space<vmem>> -> memref<64x128xf32, #tpu.memory_space<vmem>>
    %dma_start3A_129 = arith.constant 0 : i32
    %dma_start3A_130 = tpu.memref_slice %arg6[%dma_start3A_123, %dma_start3A_129] : memref<100x64xi32, #tpu.memory_space<vmem>> -> memref<1x64xi32, #tpu.memory_space<vmem>>
    %dma_start3A_131 = tpu.memref_squeeze %dma_start3A_130 : memref<1x64xi32, #tpu.memory_space<vmem>> -> memref<64xi32, #tpu.memory_space<vmem>>
    %dma_start3A_132 = arith.constant 0 : i32
    %dma_start3A_133 = arith.constant 0 : i32
    %dma_start3A_134 = tpu.memref_slice %arg3[%dma_start3A_132, %dma_start3A_133] : memref<100000x128xf32, #tpu.memory_space<hbm>> -> memref<100000x128xf32, #tpu.memory_space<hbm>>
    tpu.enqueue_indirect_dma source(%dma_start3A_134 : memref<100000x128xf32, #tpu.memory_space<hbm>>) target(%dma_start3A_128 : memref<64x128xf32, #tpu.memory_space<vmem>>) offsets(%dma_start3A_131 : memref<64xi32, #tpu.memory_space<vmem>>) semaphore(%arg13 : memref<!tpu.dma_semaphore, #tpu.memory_space<semaphore_mem>>)
    %dma_wait3A_135 = arith.constant 2 : i32
    %dma_wait3A_136 = arith.constant 2 : i32
    %dma_wait3A_137 = arith.constant 0 : i32
    %dma_wait3A_138 = arith.constant 0 : i32
    %dma_wait3A_139 = tpu.memref_slice %arg8[%dma_wait3A_136, %dma_wait3A_137, %dma_wait3A_138] : memref<5x64x128xf32, #tpu.memory_space<vmem>> -> memref<1x64x128xf32, #tpu.memory_space<vmem>>
    %dma_wait3A_140 = tpu.memref_squeeze %dma_wait3A_139 : memref<1x64x128xf32, #tpu.memory_space<vmem>> -> memref<64x128xf32, #tpu.memory_space<vmem>>
    %dma_wait3A_141 = arith.constant 0 : i32
    %dma_wait3A_142 = tpu.memref_slice %arg6[%dma_wait3A_135, %dma_wait3A_141] : memref<100x64xi32, #tpu.memory_space<vmem>> -> memref<1x64xi32, #tpu.memory_space<vmem>>
    %dma_wait3A_143 = tpu.memref_squeeze %dma_wait3A_142 : memref<1x64xi32, #tpu.memory_space<vmem>> -> memref<64xi32, #tpu.memory_space<vmem>>
    %dma_wait3A_144 = arith.constant 0 : i32
    %dma_wait3A_145 = arith.constant 0 : i32
    %dma_wait3A_146 = tpu.memref_slice %arg3[%dma_wait3A_144, %dma_wait3A_145] : memref<100000x128xf32, #tpu.memory_space<hbm>> -> memref<100000x128xf32, #tpu.memory_space<hbm>>
    tpu.wait_indirect_dma semaphore(%arg11 : memref<!tpu.dma_semaphore, #tpu.memory_space<semaphore_mem>>) src(%dma_wait3A_146 : memref<100000x128xf32, #tpu.memory_space<hbm>>) dst(%dma_wait3A_140 : memref<64x128xf32, #tpu.memory_space<vmem>>)
    %rem3A_147 = arith.constant 128 : i32
    %rem3A_148 = arith.constant 200 : i32
    %rem3A_149 = arith.remsi %rem3A_147, %rem3A_148 : i32
    %scan3A_150 = arith.constant 0 : i32
    %scan3A_151 = arith.constant 0 : i32
    %scan3A_152 = arith.constant 64 : i32
    %scan3A_153 = arith.addi %scan3A_151, %scan3A_152 : i32
    %scan3A_154 = arith.constant 1 : i32
    scf.for %scan3A_693 = %scan3A_151 to %scan3A_153 step %scan3A_154  : i32 {
      %get3A = arith.constant 2 : i32
      %get3A_694 = arith.index_cast %get3A : i32 to index
      %get3A_695 = arith.index_cast %scan3A_693 : i32 to index
      %get3A_696 = arith.constant 0 : index
      %get3A_697 = tpu.vector_load %arg8[%get3A_694, %get3A_695, %get3A_696] {strides = array<i32>} : memref<5x64x128xf32, #tpu.memory_space<vmem>>, vector<1x1x16xf32>,
      %get3A_698 = vector.shape_cast %get3A_697 : vector<1x1x16xf32> to vector<16xf32>
      %add3A_699 = arith.addi %rem3A_149, %scan3A_693 : i32
      %get3A_700 = arith.index_cast %add3A_699 : i32 to index
      %get3A_701 = arith.constant 0 : index
      %get3A_702 = tpu.vector_load %arg7[%get3A_700, %get3A_701] {strides = array<i32>} : memref<256x128xf32, #tpu.memory_space<vmem>>, vector<1x16xf32>,
      %get3A_703 = vector.shape_cast %get3A_702 : vector<1x16xf32> to vector<16xf32>
      %add3A_704 = arith.addf %get3A_698, %get3A_703 : vector<16xf32>
      %swap3A = arith.constant 2 : i32
      %swap3A_705 = arith.index_cast %swap3A : i32 to index
      %swap3A_706 = arith.index_cast %scan3A_693 : i32 to index
      %swap3A_707 = arith.constant 0 : index
      %swap3A_708 = tpu.vector_load %arg8[%swap3A_705, %swap3A_706, %swap3A_707] {strides = array<i32>} : memref<5x64x128xf32, #tpu.memory_space<vmem>>, vector<1x1x16xf32>,
      %swap3A_709 = vector.shape_cast %swap3A_708 : vector<1x1x16xf32> to vector<16xf32>
      %swap3A_710 = vector.shape_cast %add3A_704 : vector<16xf32> to vector<1x1x16xf32>
      tpu.vector_store %arg8[%swap3A_705, %swap3A_706, %swap3A_707], %swap3A_710 {strides = array<i32>} : memref<5x64x128xf32, #tpu.memory_space<vmem>>, vector<1x1x16xf32>,
      %get3A_711 = arith.constant 2 : i32
      %get3A_712 = arith.index_cast %get3A_711 : i32 to index
      %get3A_713 = arith.index_cast %scan3A_693 : i32 to index
      %get3A_714 = arith.constant 16 : index
      %get3A_715 = tpu.vector_load %arg8[%get3A_712, %get3A_713, %get3A_714] {strides = array<i32>} : memref<5x64x128xf32, #tpu.memory_space<vmem>>, vector<1x1x16xf32>,
      %get3A_716 = vector.shape_cast %get3A_715 : vector<1x1x16xf32> to vector<16xf32>
      %add3A_717 = arith.addi %rem3A_149, %scan3A_693 : i32
      %get3A_718 = arith.index_cast %add3A_717 : i32 to index
      %get3A_719 = arith.constant 16 : index
      %get3A_720 = tpu.vector_load %arg7[%get3A_718, %get3A_719] {strides = array<i32>} : memref<256x128xf32, #tpu.memory_space<vmem>>, vector<1x16xf32>,
      %get3A_721 = vector.shape_cast %get3A_720 : vector<1x16xf32> to vector<16xf32>
      %add3A_722 = arith.addf %get3A_716, %get3A_721 : vector<16xf32>
      %swap3A_723 = arith.constant 2 : i32
      %swap3A_724 = arith.index_cast %swap3A_723 : i32 to index
      %swap3A_725 = arith.index_cast %scan3A_693 : i32 to index
      %swap3A_726 = arith.constant 16 : index
      %swap3A_727 = tpu.vector_load %arg8[%swap3A_724, %swap3A_725, %swap3A_726] {strides = array<i32>} : memref<5x64x128xf32, #tpu.memory_space<vmem>>, vector<1x1x16xf32>,
      %swap3A_728 = vector.shape_cast %swap3A_727 : vector<1x1x16xf32> to vector<16xf32>
      %swap3A_729 = vector.shape_cast %add3A_722 : vector<16xf32> to vector<1x1x16xf32>
      tpu.vector_store %arg8[%swap3A_724, %swap3A_725, %swap3A_726], %swap3A_729 {strides = array<i32>} : memref<5x64x128xf32, #tpu.memory_space<vmem>>, vector<1x1x16xf32>,
      %get3A_730 = arith.constant 2 : i32
      %get3A_731 = arith.index_cast %get3A_730 : i32 to index
      %get3A_732 = arith.index_cast %scan3A_693 : i32 to index
      %get3A_733 = arith.constant 32 : index
      %get3A_734 = tpu.vector_load %arg8[%get3A_731, %get3A_732, %get3A_733] {strides = array<i32>} : memref<5x64x128xf32, #tpu.memory_space<vmem>>, vector<1x1x16xf32>,
      %get3A_735 = vector.shape_cast %get3A_734 : vector<1x1x16xf32> to vector<16xf32>
      %add3A_736 = arith.addi %rem3A_149, %scan3A_693 : i32
      %get3A_737 = arith.index_cast %add3A_736 : i32 to index
      %get3A_738 = arith.constant 32 : index
      %get3A_739 = tpu.vector_load %arg7[%get3A_737, %get3A_738] {strides = array<i32>} : memref<256x128xf32, #tpu.memory_space<vmem>>, vector<1x16xf32>,
      %get3A_740 = vector.shape_cast %get3A_739 : vector<1x16xf32> to vector<16xf32>
      %add3A_741 = arith.addf %get3A_735, %get3A_740 : vector<16xf32>
      %swap3A_742 = arith.constant 2 : i32
      %swap3A_743 = arith.index_cast %swap3A_742 : i32 to index
      %swap3A_744 = arith.index_cast %scan3A_693 : i32 to index
      %swap3A_745 = arith.constant 32 : index
      %swap3A_746 = tpu.vector_load %arg8[%swap3A_743, %swap3A_744, %swap3A_745] {strides = array<i32>} : memref<5x64x128xf32, #tpu.memory_space<vmem>>, vector<1x1x16xf32>,
      %swap3A_747 = vector.shape_cast %swap3A_746 : vector<1x1x16xf32> to vector<16xf32>
      %swap3A_748 = vector.shape_cast %add3A_741 : vector<16xf32> to vector<1x1x16xf32>
      tpu.vector_store %arg8[%swap3A_743, %swap3A_744, %swap3A_745], %swap3A_748 {strides = array<i32>} : memref<5x64x128xf32, #tpu.memory_space<vmem>>, vector<1x1x16xf32>,
      %get3A_749 = arith.constant 2 : i32
      %get3A_750 = arith.index_cast %get3A_749 : i32 to index
      %get3A_751 = arith.index_cast %scan3A_693 : i32 to index
      %get3A_752 = arith.constant 48 : index
      %get3A_753 = tpu.vector_load %arg8[%get3A_750, %get3A_751, %get3A_752] {strides = array<i32>} : memref<5x64x128xf32, #tpu.memory_space<vmem>>, vector<1x1x16xf32>,
      %get3A_754 = vector.shape_cast %get3A_753 : vector<1x1x16xf32> to vector<16xf32>
      %add3A_755 = arith.addi %rem3A_149, %scan3A_693 : i32
      %get3A_756 = arith.index_cast %add3A_755 : i32 to index
      %get3A_757 = arith.constant 48 : index
      %get3A_758 = tpu.vector_load %arg7[%get3A_756, %get3A_757] {strides = array<i32>} : memref<256x128xf32, #tpu.memory_space<vmem>>, vector<1x16xf32>,
      %get3A_759 = vector.shape_cast %get3A_758 : vector<1x16xf32> to vector<16xf32>
      %add3A_760 = arith.addf %get3A_754, %get3A_759 : vector<16xf32>
      %swap3A_761 = arith.constant 2 : i32
      %swap3A_762 = arith.index_cast %swap3A_761 : i32 to index
      %swap3A_763 = arith.index_cast %scan3A_693 : i32 to index
      %swap3A_764 = arith.constant 48 : index
      %swap3A_765 = tpu.vector_load %arg8[%swap3A_762, %swap3A_763, %swap3A_764] {strides = array<i32>} : memref<5x64x128xf32, #tpu.memory_space<vmem>>, vector<1x1x16xf32>,
      %swap3A_766 = vector.shape_cast %swap3A_765 : vector<1x1x16xf32> to vector<16xf32>
      %swap3A_767 = vector.shape_cast %add3A_760 : vector<16xf32> to vector<1x1x16xf32>
      tpu.vector_store %arg8[%swap3A_762, %swap3A_763, %swap3A_764], %swap3A_767 {strides = array<i32>} : memref<5x64x128xf32, #tpu.memory_space<vmem>>, vector<1x1x16xf32>,
      %get3A_768 = arith.constant 2 : i32
      %get3A_769 = arith.index_cast %get3A_768 : i32 to index
      %get3A_770 = arith.index_cast %scan3A_693 : i32 to index
      %get3A_771 = arith.constant 64 : index
      %get3A_772 = tpu.vector_load %arg8[%get3A_769, %get3A_770, %get3A_771] {strides = array<i32>} : memref<5x64x128xf32, #tpu.memory_space<vmem>>, vector<1x1x16xf32>,
      %get3A_773 = vector.shape_cast %get3A_772 : vector<1x1x16xf32> to vector<16xf32>
      %add3A_774 = arith.addi %rem3A_149, %scan3A_693 : i32
      %get3A_775 = arith.index_cast %add3A_774 : i32 to index
      %get3A_776 = arith.constant 64 : index
      %get3A_777 = tpu.vector_load %arg7[%get3A_775, %get3A_776] {strides = array<i32>} : memref<256x128xf32, #tpu.memory_space<vmem>>, vector<1x16xf32>,
      %get3A_778 = vector.shape_cast %get3A_777 : vector<1x16xf32> to vector<16xf32>
      %add3A_779 = arith.addf %get3A_773, %get3A_778 : vector<16xf32>
      %swap3A_780 = arith.constant 2 : i32
      %swap3A_781 = arith.index_cast %swap3A_780 : i32 to index
      %swap3A_782 = arith.index_cast %scan3A_693 : i32 to index
      %swap3A_783 = arith.constant 64 : index
      %swap3A_784 = tpu.vector_load %arg8[%swap3A_781, %swap3A_782, %swap3A_783] {strides = array<i32>} : memref<5x64x128xf32, #tpu.memory_space<vmem>>, vector<1x1x16xf32>,
      %swap3A_785 = vector.shape_cast %swap3A_784 : vector<1x1x16xf32> to vector<16xf32>
      %swap3A_786 = vector.shape_cast %add3A_779 : vector<16xf32> to vector<1x1x16xf32>
      tpu.vector_store %arg8[%swap3A_781, %swap3A_782, %swap3A_783], %swap3A_786 {strides = array<i32>} : memref<5x64x128xf32, #tpu.memory_space<vmem>>, vector<1x1x16xf32>,
      %get3A_787 = arith.constant 2 : i32
      %get3A_788 = arith.index_cast %get3A_787 : i32 to index
      %get3A_789 = arith.index_cast %scan3A_693 : i32 to index
      %get3A_790 = arith.constant 80 : index
      %get3A_791 = tpu.vector_load %arg8[%get3A_788, %get3A_789, %get3A_790] {strides = array<i32>} : memref<5x64x128xf32, #tpu.memory_space<vmem>>, vector<1x1x16xf32>,
      %get3A_792 = vector.shape_cast %get3A_791 : vector<1x1x16xf32> to vector<16xf32>
      %add3A_793 = arith.addi %rem3A_149, %scan3A_693 : i32
      %get3A_794 = arith.index_cast %add3A_793 : i32 to index
      %get3A_795 = arith.constant 80 : index
      %get3A_796 = tpu.vector_load %arg7[%get3A_794, %get3A_795] {strides = array<i32>} : memref<256x128xf32, #tpu.memory_space<vmem>>, vector<1x16xf32>,
      %get3A_797 = vector.shape_cast %get3A_796 : vector<1x16xf32> to vector<16xf32>
      %add3A_798 = arith.addf %get3A_792, %get3A_797 : vector<16xf32>
      %swap3A_799 = arith.constant 2 : i32
      %swap3A_800 = arith.index_cast %swap3A_799 : i32 to index
      %swap3A_801 = arith.index_cast %scan3A_693 : i32 to index
      %swap3A_802 = arith.constant 80 : index
      %swap3A_803 = tpu.vector_load %arg8[%swap3A_800, %swap3A_801, %swap3A_802] {strides = array<i32>} : memref<5x64x128xf32, #tpu.memory_space<vmem>>, vector<1x1x16xf32>,
      %swap3A_804 = vector.shape_cast %swap3A_803 : vector<1x1x16xf32> to vector<16xf32>
      %swap3A_805 = vector.shape_cast %add3A_798 : vector<16xf32> to vector<1x1x16xf32>
      tpu.vector_store %arg8[%swap3A_800, %swap3A_801, %swap3A_802], %swap3A_805 {strides = array<i32>} : memref<5x64x128xf32, #tpu.memory_space<vmem>>, vector<1x1x16xf32>,
      %get3A_806 = arith.constant 2 : i32
      %get3A_807 = arith.index_cast %get3A_806 : i32 to index
      %get3A_808 = arith.index_cast %scan3A_693 : i32 to index
      %get3A_809 = arith.constant 96 : index
      %get3A_810 = tpu.vector_load %arg8[%get3A_807, %get3A_808, %get3A_809] {strides = array<i32>} : memref<5x64x128xf32, #tpu.memory_space<vmem>>, vector<1x1x16xf32>,
      %get3A_811 = vector.shape_cast %get3A_810 : vector<1x1x16xf32> to vector<16xf32>
      %add3A_812 = arith.addi %rem3A_149, %scan3A_693 : i32
      %get3A_813 = arith.index_cast %add3A_812 : i32 to index
      %get3A_814 = arith.constant 96 : index
      %get3A_815 = tpu.vector_load %arg7[%get3A_813, %get3A_814] {strides = array<i32>} : memref<256x128xf32, #tpu.memory_space<vmem>>, vector<1x16xf32>,
      %get3A_816 = vector.shape_cast %get3A_815 : vector<1x16xf32> to vector<16xf32>
      %add3A_817 = arith.addf %get3A_811, %get3A_816 : vector<16xf32>
      %swap3A_818 = arith.constant 2 : i32
      %swap3A_819 = arith.index_cast %swap3A_818 : i32 to index
      %swap3A_820 = arith.index_cast %scan3A_693 : i32 to index
      %swap3A_821 = arith.constant 96 : index
      %swap3A_822 = tpu.vector_load %arg8[%swap3A_819, %swap3A_820, %swap3A_821] {strides = array<i32>} : memref<5x64x128xf32, #tpu.memory_space<vmem>>, vector<1x1x16xf32>,
      %swap3A_823 = vector.shape_cast %swap3A_822 : vector<1x1x16xf32> to vector<16xf32>
      %swap3A_824 = vector.shape_cast %add3A_817 : vector<16xf32> to vector<1x1x16xf32>
      tpu.vector_store %arg8[%swap3A_819, %swap3A_820, %swap3A_821], %swap3A_824 {strides = array<i32>} : memref<5x64x128xf32, #tpu.memory_space<vmem>>, vector<1x1x16xf32>,
      %get3A_825 = arith.constant 2 : i32
      %get3A_826 = arith.index_cast %get3A_825 : i32 to index
      %get3A_827 = arith.index_cast %scan3A_693 : i32 to index
      %get3A_828 = arith.constant 112 : index
      %get3A_829 = tpu.vector_load %arg8[%get3A_826, %get3A_827, %get3A_828] {strides = array<i32>} : memref<5x64x128xf32, #tpu.memory_space<vmem>>, vector<1x1x16xf32>,
      %get3A_830 = vector.shape_cast %get3A_829 : vector<1x1x16xf32> to vector<16xf32>
      %add3A_831 = arith.addi %rem3A_149, %scan3A_693 : i32
      %get3A_832 = arith.index_cast %add3A_831 : i32 to index
      %get3A_833 = arith.constant 112 : index
      %get3A_834 = tpu.vector_load %arg7[%get3A_832, %get3A_833] {strides = array<i32>} : memref<256x128xf32, #tpu.memory_space<vmem>>, vector<1x16xf32>,
      %get3A_835 = vector.shape_cast %get3A_834 : vector<1x16xf32> to vector<16xf32>
      %add3A_836 = arith.addf %get3A_830, %get3A_835 : vector<16xf32>
      %swap3A_837 = arith.constant 2 : i32
      %swap3A_838 = arith.index_cast %swap3A_837 : i32 to index
      %swap3A_839 = arith.index_cast %scan3A_693 : i32 to index
      %swap3A_840 = arith.constant 112 : index
      %swap3A_841 = tpu.vector_load %arg8[%swap3A_838, %swap3A_839, %swap3A_840] {strides = array<i32>} : memref<5x64x128xf32, #tpu.memory_space<vmem>>, vector<1x1x16xf32>,
      %swap3A_842 = vector.shape_cast %swap3A_841 : vector<1x1x16xf32> to vector<16xf32>
      %swap3A_843 = vector.shape_cast %add3A_836 : vector<16xf32> to vector<1x1x16xf32>
      tpu.vector_store %arg8[%swap3A_838, %swap3A_839, %swap3A_840], %swap3A_843 {strides = array<i32>} : memref<5x64x128xf32, #tpu.memory_space<vmem>>, vector<1x1x16xf32>,
    }
    %scan3A_155 = arith.constant 64 : i32
    %dma_start3A_156 = arith.constant 2 : i32
    %dma_start3A_157 = arith.constant 2 : i32
    %dma_start3A_158 = arith.constant 0 : i32
    %dma_start3A_159 = arith.constant 0 : i32
    %dma_start3A_160 = tpu.memref_slice %arg8[%dma_start3A_156, %dma_start3A_158, %dma_start3A_159] : memref<5x64x128xf32, #tpu.memory_space<vmem>> -> memref<1x64x128xf32, #tpu.memory_space<vmem>>
    %dma_start3A_161 = tpu.memref_squeeze %dma_start3A_160 : memref<1x64x128xf32, #tpu.memory_space<vmem>> -> memref<64x128xf32, #tpu.memory_space<vmem>>
    %dma_start3A_162 = arith.constant 0 : i32
    %dma_start3A_163 = arith.constant 0 : i32
    %dma_start3A_164 = tpu.memref_slice %arg5[%add3A, %dma_start3A_157, %dma_start3A_162, %dma_start3A_163] : memref<32x100x64x128xf32, #tpu.memory_space<hbm>> -> memref<1x1x64x128xf32, #tpu.memory_space<hbm>>
    %dma_start3A_165 = tpu.memref_squeeze %dma_start3A_164 : memref<1x1x64x128xf32, #tpu.memory_space<hbm>> -> memref<64x128xf32, #tpu.memory_space<hbm>>
    %dma_start3A_166 = arith.constant 0 : i32
    %dma_start3A_167 = arith.constant 0 : i32
    %dma_start3A_168 = tpu.memref_slice %arg5[%add3A, %dma_start3A_157, %dma_start3A_166, %dma_start3A_167] : memref<32x100x64x128xf32, #tpu.memory_space<hbm>> -> memref<1x1x64x128xf32, #tpu.memory_space<hbm>>
    %dma_start3A_169 = tpu.memref_squeeze %dma_start3A_168 : memref<1x1x64x128xf32, #tpu.memory_space<hbm>> -> memref<64x128xf32, #tpu.memory_space<hbm>>
    %dma_start3A_170 = arith.constant 0 : i32
    %dma_start3A_171 = arith.constant 0 : i32
    %dma_start3A_172 = tpu.memref_slice %arg8[%dma_start3A_156, %dma_start3A_170, %dma_start3A_171] : memref<5x64x128xf32, #tpu.memory_space<vmem>> -> memref<1x64x128xf32, #tpu.memory_space<vmem>>
    %dma_start3A_173 = tpu.memref_squeeze %dma_start3A_172 : memref<1x64x128xf32, #tpu.memory_space<vmem>> -> memref<64x128xf32, #tpu.memory_space<vmem>>
    tpu.enqueue_dma source(%dma_start3A_173 : memref<64x128xf32, #tpu.memory_space<vmem>>) target(%dma_start3A_169 : memref<64x128xf32, #tpu.memory_space<hbm>>) target_semaphore(%arg16 : memref<!tpu.dma_semaphore, #tpu.memory_space<semaphore_mem>>)
    %dma_wait3A_174 = arith.constant 0 : i32
    %dma_wait3A_175 = arith.constant 0 : i32
    %dma_wait3A_176 = arith.constant 0 : i32
    %dma_wait3A_177 = arith.constant 0 : i32
    %dma_wait3A_178 = tpu.memref_slice %arg8[%dma_wait3A_174, %dma_wait3A_176, %dma_wait3A_177] : memref<5x64x128xf32, #tpu.memory_space<vmem>> -> memref<1x64x128xf32, #tpu.memory_space<vmem>>
    %dma_wait3A_179 = tpu.memref_squeeze %dma_wait3A_178 : memref<1x64x128xf32, #tpu.memory_space<vmem>> -> memref<64x128xf32, #tpu.memory_space<vmem>>
    %dma_wait3A_180 = arith.constant 0 : i32
    %dma_wait3A_181 = arith.constant 0 : i32
    %dma_wait3A_182 = tpu.memref_slice %arg5[%add3A, %dma_wait3A_175, %dma_wait3A_180, %dma_wait3A_181] : memref<32x100x64x128xf32, #tpu.memory_space<hbm>> -> memref<1x1x64x128xf32, #tpu.memory_space<hbm>>
    %dma_wait3A_183 = tpu.memref_squeeze %dma_wait3A_182 : memref<1x1x64x128xf32, #tpu.memory_space<hbm>> -> memref<64x128xf32, #tpu.memory_space<hbm>>
    %dma_wait3A_184 = arith.constant 0 : i32
    %dma_wait3A_185 = arith.constant 0 : i32
    %dma_wait3A_186 = tpu.memref_slice %arg5[%add3A, %dma_wait3A_175, %dma_wait3A_184, %dma_wait3A_185] : memref<32x100x64x128xf32, #tpu.memory_space<hbm>> -> memref<1x1x64x128xf32, #tpu.memory_space<hbm>>
    %dma_wait3A_187 = tpu.memref_squeeze %dma_wait3A_186 : memref<1x1x64x128xf32, #tpu.memory_space<hbm>> -> memref<64x128xf32, #tpu.memory_space<hbm>>
    %dma_wait3A_188 = arith.constant 0 : i32
    %dma_wait3A_189 = arith.constant 0 : i32
    %dma_wait3A_190 = tpu.memref_slice %arg8[%dma_wait3A_174, %dma_wait3A_188, %dma_wait3A_189] : memref<5x64x128xf32, #tpu.memory_space<vmem>> -> memref<1x64x128xf32, #tpu.memory_space<vmem>>
    %dma_wait3A_191 = tpu.memref_squeeze %dma_wait3A_190 : memref<1x64x128xf32, #tpu.memory_space<vmem>> -> memref<64x128xf32, #tpu.memory_space<vmem>>
    tpu.wait_dma2 semaphore(%arg14 : memref<!tpu.dma_semaphore, #tpu.memory_space<semaphore_mem>>) src(%dma_wait3A_191 : memref<64x128xf32, #tpu.memory_space<vmem>>) dst(%dma_wait3A_187 : memref<64x128xf32, #tpu.memory_space<hbm>>)
    %dma_start3A_192 = arith.constant 5 : i32
    %dma_start3A_193 = arith.constant 0 : i32
    %dma_start3A_194 = arith.constant 0 : i32
    %dma_start3A_195 = arith.constant 0 : i32
    %dma_start3A_196 = tpu.memref_slice %arg8[%dma_start3A_193, %dma_start3A_194, %dma_start3A_195] : memref<5x64x128xf32, #tpu.memory_space<vmem>> -> memref<1x64x128xf32, #tpu.memory_space<vmem>>
    %dma_start3A_197 = tpu.memref_squeeze %dma_start3A_196 : memref<1x64x128xf32, #tpu.memory_space<vmem>> -> memref<64x128xf32, #tpu.memory_space<vmem>>
    %dma_start3A_198 = arith.constant 0 : i32
    %dma_start3A_199 = tpu.memref_slice %arg6[%dma_start3A_192, %dma_start3A_198] : memref<100x64xi32, #tpu.memory_space<vmem>> -> memref<1x64xi32, #tpu.memory_space<vmem>>
    %dma_start3A_200 = tpu.memref_squeeze %dma_start3A_199 : memref<1x64xi32, #tpu.memory_space<vmem>> -> memref<64xi32, #tpu.memory_space<vmem>>
    %dma_start3A_201 = arith.constant 0 : i32
    %dma_start3A_202 = arith.constant 0 : i32
    %dma_start3A_203 = tpu.memref_slice %arg3[%dma_start3A_201, %dma_start3A_202] : memref<100000x128xf32, #tpu.memory_space<hbm>> -> memref<100000x128xf32, #tpu.memory_space<hbm>>
    tpu.enqueue_indirect_dma source(%dma_start3A_203 : memref<100000x128xf32, #tpu.memory_space<hbm>>) target(%dma_start3A_197 : memref<64x128xf32, #tpu.memory_space<vmem>>) offsets(%dma_start3A_200 : memref<64xi32, #tpu.memory_space<vmem>>) semaphore(%arg9 : memref<!tpu.dma_semaphore, #tpu.memory_space<semaphore_mem>>)
    %dma_wait3A_204 = arith.constant 3 : i32
    %dma_wait3A_205 = arith.constant 3 : i32
    %dma_wait3A_206 = arith.constant 0 : i32
    %dma_wait3A_207 = arith.constant 0 : i32
    %dma_wait3A_208 = tpu.memref_slice %arg8[%dma_wait3A_205, %dma_wait3A_206, %dma_wait3A_207] : memref<5x64x128xf32, #tpu.memory_space<vmem>> -> memref<1x64x128xf32, #tpu.memory_space<vmem>>
    %dma_wait3A_209 = tpu.memref_squeeze %dma_wait3A_208 : memref<1x64x128xf32, #tpu.memory_space<vmem>> -> memref<64x128xf32, #tpu.memory_space<vmem>>
    %dma_wait3A_210 = arith.constant 0 : i32
    %dma_wait3A_211 = tpu.memref_slice %arg6[%dma_wait3A_204, %dma_wait3A_210] : memref<100x64xi32, #tpu.memory_space<vmem>> -> memref<1x64xi32, #tpu.memory_space<vmem>>
    %dma_wait3A_212 = tpu.memref_squeeze %dma_wait3A_211 : memref<1x64xi32, #tpu.memory_space<vmem>> -> memref<64xi32, #tpu.memory_space<vmem>>
    %dma_wait3A_213 = arith.constant 0 : i32
    %dma_wait3A_214 = arith.constant 0 : i32
    %dma_wait3A_215 = tpu.memref_slice %arg3[%dma_wait3A_213, %dma_wait3A_214] : memref<100000x128xf32, #tpu.memory_space<hbm>> -> memref<100000x128xf32, #tpu.memory_space<hbm>>
    tpu.wait_indirect_dma semaphore(%arg12 : memref<!tpu.dma_semaphore, #tpu.memory_space<semaphore_mem>>) src(%dma_wait3A_215 : memref<100000x128xf32, #tpu.memory_space<hbm>>) dst(%dma_wait3A_209 : memref<64x128xf32, #tpu.memory_space<vmem>>)
    %rem3A_216 = arith.constant 192 : i32
    %rem3A_217 = arith.constant 200 : i32
    %rem3A_218 = arith.remsi %rem3A_216, %rem3A_217 : i32
    %scan3A_219 = arith.constant 0 : i32
    %scan3A_220 = arith.constant 0 : i32
    %scan3A_221 = arith.constant 64 : i32
    %scan3A_222 = arith.addi %scan3A_220, %scan3A_221 : i32
    %scan3A_223 = arith.constant 1 : i32
    scf.for %scan3A_693 = %scan3A_220 to %scan3A_222 step %scan3A_223  : i32 {
      %get3A = arith.constant 3 : i32
      %get3A_694 = arith.index_cast %get3A : i32 to index
      %get3A_695 = arith.index_cast %scan3A_693 : i32 to index
      %get3A_696 = arith.constant 0 : index
      %get3A_697 = tpu.vector_load %arg8[%get3A_694, %get3A_695, %get3A_696] {strides = array<i32>} : memref<5x64x128xf32, #tpu.memory_space<vmem>>, vector<1x1x16xf32>,
      %get3A_698 = vector.shape_cast %get3A_697 : vector<1x1x16xf32> to vector<16xf32>
      %add3A_699 = arith.addi %rem3A_218, %scan3A_693 : i32
      %get3A_700 = arith.index_cast %add3A_699 : i32 to index
      %get3A_701 = arith.constant 0 : index
      %get3A_702 = tpu.vector_load %arg7[%get3A_700, %get3A_701] {strides = array<i32>} : memref<256x128xf32, #tpu.memory_space<vmem>>, vector<1x16xf32>,
      %get3A_703 = vector.shape_cast %get3A_702 : vector<1x16xf32> to vector<16xf32>
      %add3A_704 = arith.addf %get3A_698, %get3A_703 : vector<16xf32>
      %swap3A = arith.constant 3 : i32
      %swap3A_705 = arith.index_cast %swap3A : i32 to index
      %swap3A_706 = arith.index_cast %scan3A_693 : i32 to index
      %swap3A_707 = arith.constant 0 : index
      %swap3A_708 = tpu.vector_load %arg8[%swap3A_705, %swap3A_706, %swap3A_707] {strides = array<i32>} : memref<5x64x128xf32, #tpu.memory_space<vmem>>, vector<1x1x16xf32>,
      %swap3A_709 = vector.shape_cast %swap3A_708 : vector<1x1x16xf32> to vector<16xf32>
      %swap3A_710 = vector.shape_cast %add3A_704 : vector<16xf32> to vector<1x1x16xf32>
      tpu.vector_store %arg8[%swap3A_705, %swap3A_706, %swap3A_707], %swap3A_710 {strides = array<i32>} : memref<5x64x128xf32, #tpu.memory_space<vmem>>, vector<1x1x16xf32>,
      %get3A_711 = arith.constant 3 : i32
      %get3A_712 = arith.index_cast %get3A_711 : i32 to index
      %get3A_713 = arith.index_cast %scan3A_693 : i32 to index
      %get3A_714 = arith.constant 16 : index
      %get3A_715 = tpu.vector_load %arg8[%get3A_712, %get3A_713, %get3A_714] {strides = array<i32>} : memref<5x64x128xf32, #tpu.memory_space<vmem>>, vector<1x1x16xf32>,
      %get3A_716 = vector.shape_cast %get3A_715 : vector<1x1x16xf32> to vector<16xf32>
      %add3A_717 = arith.addi %rem3A_218, %scan3A_693 : i32
      %get3A_718 = arith.index_cast %add3A_717 : i32 to index
      %get3A_719 = arith.constant 16 : index
      %get3A_720 = tpu.vector_load %arg7[%get3A_718, %get3A_719] {strides = array<i32>} : memref<256x128xf32, #tpu.memory_space<vmem>>, vector<1x16xf32>,
      %get3A_721 = vector.shape_cast %get3A_720 : vector<1x16xf32> to vector<16xf32>
      %add3A_722 = arith.addf %get3A_716, %get3A_721 : vector<16xf32>
      %swap3A_723 = arith.constant 3 : i32
      %swap3A_724 = arith.index_cast %swap3A_723 : i32 to index
      %swap3A_725 = arith.index_cast %scan3A_693 : i32 to index
      %swap3A_726 = arith.constant 16 : index
      %swap3A_727 = tpu.vector_load %arg8[%swap3A_724, %swap3A_725, %swap3A_726] {strides = array<i32>} : memref<5x64x128xf32, #tpu.memory_space<vmem>>, vector<1x1x16xf32>,
      %swap3A_728 = vector.shape_cast %swap3A_727 : vector<1x1x16xf32> to vector<16xf32>
      %swap3A_729 = vector.shape_cast %add3A_722 : vector<16xf32> to vector<1x1x16xf32>
      tpu.vector_store %arg8[%swap3A_724, %swap3A_725, %swap3A_726], %swap3A_729 {strides = array<i32>} : memref<5x64x128xf32, #tpu.memory_space<vmem>>, vector<1x1x16xf32>,
      %get3A_730 = arith.constant 3 : i32
      %get3A_731 = arith.index_cast %get3A_730 : i32 to index
      %get3A_732 = arith.index_cast %scan3A_693 : i32 to index
      %get3A_733 = arith.constant 32 : index
      %get3A_734 = tpu.vector_load %arg8[%get3A_731, %get3A_732, %get3A_733] {strides = array<i32>} : memref<5x64x128xf32, #tpu.memory_space<vmem>>, vector<1x1x16xf32>,
      %get3A_735 = vector.shape_cast %get3A_734 : vector<1x1x16xf32> to vector<16xf32>
      %add3A_736 = arith.addi %rem3A_218, %scan3A_693 : i32
      %get3A_737 = arith.index_cast %add3A_736 : i32 to index
      %get3A_738 = arith.constant 32 : index
      %get3A_739 = tpu.vector_load %arg7[%get3A_737, %get3A_738] {strides = array<i32>} : memref<256x128xf32, #tpu.memory_space<vmem>>, vector<1x16xf32>,
      %get3A_740 = vector.shape_cast %get3A_739 : vector<1x16xf32> to vector<16xf32>
      %add3A_741 = arith.addf %get3A_735, %get3A_740 : vector<16xf32>
      %swap3A_742 = arith.constant 3 : i32
      %swap3A_743 = arith.index_cast %swap3A_742 : i32 to index
      %swap3A_744 = arith.index_cast %scan3A_693 : i32 to index
      %swap3A_745 = arith.constant 32 : index
      %swap3A_746 = tpu.vector_load %arg8[%swap3A_743, %swap3A_744, %swap3A_745] {strides = array<i32>} : memref<5x64x128xf32, #tpu.memory_space<vmem>>, vector<1x1x16xf32>,
      %swap3A_747 = vector.shape_cast %swap3A_746 : vector<1x1x16xf32> to vector<16xf32>
      %swap3A_748 = vector.shape_cast %add3A_741 : vector<16xf32> to vector<1x1x16xf32>
      tpu.vector_store %arg8[%swap3A_743, %swap3A_744, %swap3A_745], %swap3A_748 {strides = array<i32>} : memref<5x64x128xf32, #tpu.memory_space<vmem>>, vector<1x1x16xf32>,
      %get3A_749 = arith.constant 3 : i32
      %get3A_750 = arith.index_cast %get3A_749 : i32 to index
      %get3A_751 = arith.index_cast %scan3A_693 : i32 to index
      %get3A_752 = arith.constant 48 : index
      %get3A_753 = tpu.vector_load %arg8[%get3A_750, %get3A_751, %get3A_752] {strides = array<i32>} : memref<5x64x128xf32, #tpu.memory_space<vmem>>, vector<1x1x16xf32>,
      %get3A_754 = vector.shape_cast %get3A_753 : vector<1x1x16xf32> to vector<16xf32>
      %add3A_755 = arith.addi %rem3A_218, %scan3A_693 : i32
      %get3A_756 = arith.index_cast %add3A_755 : i32 to index
      %get3A_757 = arith.constant 48 : index
      %get3A_758 = tpu.vector_load %arg7[%get3A_756, %get3A_757] {strides = array<i32>} : memref<256x128xf32, #tpu.memory_space<vmem>>, vector<1x16xf32>,
      %get3A_759 = vector.shape_cast %get3A_758 : vector<1x16xf32> to vector<16xf32>
      %add3A_760 = arith.addf %get3A_754, %get3A_759 : vector<16xf32>
      %swap3A_761 = arith.constant 3 : i32
      %swap3A_762 = arith.index_cast %swap3A_761 : i32 to index
      %swap3A_763 = arith.index_cast %scan3A_693 : i32 to index
      %swap3A_764 = arith.constant 48 : index
      %swap3A_765 = tpu.vector_load %arg8[%swap3A_762, %swap3A_763, %swap3A_764] {strides = array<i32>} : memref<5x64x128xf32, #tpu.memory_space<vmem>>, vector<1x1x16xf32>,
      %swap3A_766 = vector.shape_cast %swap3A_765 : vector<1x1x16xf32> to vector<16xf32>
      %swap3A_767 = vector.shape_cast %add3A_760 : vector<16xf32> to vector<1x1x16xf32>
      tpu.vector_store %arg8[%swap3A_762, %swap3A_763, %swap3A_764], %swap3A_767 {strides = array<i32>} : memref<5x64x128xf32, #tpu.memory_space<vmem>>, vector<1x1x16xf32>,
      %get3A_768 = arith.constant 3 : i32
      %get3A_769 = arith.index_cast %get3A_768 : i32 to index
      %get3A_770 = arith.index_cast %scan3A_693 : i32 to index
      %get3A_771 = arith.constant 64 : index
      %get3A_772 = tpu.vector_load %arg8[%get3A_769, %get3A_770, %get3A_771] {strides = array<i32>} : memref<5x64x128xf32, #tpu.memory_space<vmem>>, vector<1x1x16xf32>,
      %get3A_773 = vector.shape_cast %get3A_772 : vector<1x1x16xf32> to vector<16xf32>
      %add3A_774 = arith.addi %rem3A_218, %scan3A_693 : i32
      %get3A_775 = arith.index_cast %add3A_774 : i32 to index
      %get3A_776 = arith.constant 64 : index
      %get3A_777 = tpu.vector_load %arg7[%get3A_775, %get3A_776] {strides = array<i32>} : memref<256x128xf32, #tpu.memory_space<vmem>>, vector<1x16xf32>,
      %get3A_778 = vector.shape_cast %get3A_777 : vector<1x16xf32> to vector<16xf32>
      %add3A_779 = arith.addf %get3A_773, %get3A_778 : vector<16xf32>
      %swap3A_780 = arith.constant 3 : i32
      %swap3A_781 = arith.index_cast %swap3A_780 : i32 to index
      %swap3A_782 = arith.index_cast %scan3A_693 : i32 to index
      %swap3A_783 = arith.constant 64 : index
      %swap3A_784 = tpu.vector_load %arg8[%swap3A_781, %swap3A_782, %swap3A_783] {strides = array<i32>} : memref<5x64x128xf32, #tpu.memory_space<vmem>>, vector<1x1x16xf32>,
      %swap3A_785 = vector.shape_cast %swap3A_784 : vector<1x1x16xf32> to vector<16xf32>
      %swap3A_786 = vector.shape_cast %add3A_779 : vector<16xf32> to vector<1x1x16xf32>
      tpu.vector_store %arg8[%swap3A_781, %swap3A_782, %swap3A_783], %swap3A_786 {strides = array<i32>} : memref<5x64x128xf32, #tpu.memory_space<vmem>>, vector<1x1x16xf32>,
      %get3A_787 = arith.constant 3 : i32
      %get3A_788 = arith.index_cast %get3A_787 : i32 to index
      %get3A_789 = arith.index_cast %scan3A_693 : i32 to index
      %get3A_790 = arith.constant 80 : index
      %get3A_791 = tpu.vector_load %arg8[%get3A_788, %get3A_789, %get3A_790] {strides = array<i32>} : memref<5x64x128xf32, #tpu.memory_space<vmem>>, vector<1x1x16xf32>,
      %get3A_792 = vector.shape_cast %get3A_791 : vector<1x1x16xf32> to vector<16xf32>
      %add3A_793 = arith.addi %rem3A_218, %scan3A_693 : i32
      %get3A_794 = arith.index_cast %add3A_793 : i32 to index
      %get3A_795 = arith.constant 80 : index
      %get3A_796 = tpu.vector_load %arg7[%get3A_794, %get3A_795] {strides = array<i32>} : memref<256x128xf32, #tpu.memory_space<vmem>>, vector<1x16xf32>,
      %get3A_797 = vector.shape_cast %get3A_796 : vector<1x16xf32> to vector<16xf32>
      %add3A_798 = arith.addf %get3A_792, %get3A_797 : vector<16xf32>
      %swap3A_799 = arith.constant 3 : i32
      %swap3A_800 = arith.index_cast %swap3A_799 : i32 to index
      %swap3A_801 = arith.index_cast %scan3A_693 : i32 to index
      %swap3A_802 = arith.constant 80 : index
      %swap3A_803 = tpu.vector_load %arg8[%swap3A_800, %swap3A_801, %swap3A_802] {strides = array<i32>} : memref<5x64x128xf32, #tpu.memory_space<vmem>>, vector<1x1x16xf32>,
      %swap3A_804 = vector.shape_cast %swap3A_803 : vector<1x1x16xf32> to vector<16xf32>
      %swap3A_805 = vector.shape_cast %add3A_798 : vector<16xf32> to vector<1x1x16xf32>
      tpu.vector_store %arg8[%swap3A_800, %swap3A_801, %swap3A_802], %swap3A_805 {strides = array<i32>} : memref<5x64x128xf32, #tpu.memory_space<vmem>>, vector<1x1x16xf32>,
      %get3A_806 = arith.constant 3 : i32
      %get3A_807 = arith.index_cast %get3A_806 : i32 to index
      %get3A_808 = arith.index_cast %scan3A_693 : i32 to index
      %get3A_809 = arith.constant 96 : index
      %get3A_810 = tpu.vector_load %arg8[%get3A_807, %get3A_808, %get3A_809] {strides = array<i32>} : memref<5x64x128xf32, #tpu.memory_space<vmem>>, vector<1x1x16xf32>,
      %get3A_811 = vector.shape_cast %get3A_810 : vector<1x1x16xf32> to vector<16xf32>
      %add3A_812 = arith.addi %rem3A_218, %scan3A_693 : i32
      %get3A_813 = arith.index_cast %add3A_812 : i32 to index
      %get3A_814 = arith.constant 96 : index
      %get3A_815 = tpu.vector_load %arg7[%get3A_813, %get3A_814] {strides = array<i32>} : memref<256x128xf32, #tpu.memory_space<vmem>>, vector<1x16xf32>,
      %get3A_816 = vector.shape_cast %get3A_815 : vector<1x16xf32> to vector<16xf32>
      %add3A_817 = arith.addf %get3A_811, %get3A_816 : vector<16xf32>
      %swap3A_818 = arith.constant 3 : i32
      %swap3A_819 = arith.index_cast %swap3A_818 : i32 to index
      %swap3A_820 = arith.index_cast %scan3A_693 : i32 to index
      %swap3A_821 = arith.constant 96 : index
      %swap3A_822 = tpu.vector_load %arg8[%swap3A_819, %swap3A_820, %swap3A_821] {strides = array<i32>} : memref<5x64x128xf32, #tpu.memory_space<vmem>>, vector<1x1x16xf32>,
      %swap3A_823 = vector.shape_cast %swap3A_822 : vector<1x1x16xf32> to vector<16xf32>
      %swap3A_824 = vector.shape_cast %add3A_817 : vector<16xf32> to vector<1x1x16xf32>
      tpu.vector_store %arg8[%swap3A_819, %swap3A_820, %swap3A_821], %swap3A_824 {strides = array<i32>} : memref<5x64x128xf32, #tpu.memory_space<vmem>>, vector<1x1x16xf32>,
      %get3A_825 = arith.constant 3 : i32
      %get3A_826 = arith.index_cast %get3A_825 : i32 to index
      %get3A_827 = arith.index_cast %scan3A_693 : i32 to index
      %get3A_828 = arith.constant 112 : index
      %get3A_829 = tpu.vector_load %arg8[%get3A_826, %get3A_827, %get3A_828] {strides = array<i32>} : memref<5x64x128xf32, #tpu.memory_space<vmem>>, vector<1x1x16xf32>,
      %get3A_830 = vector.shape_cast %get3A_829 : vector<1x1x16xf32> to vector<16xf32>
      %add3A_831 = arith.addi %rem3A_218, %scan3A_693 : i32
      %get3A_832 = arith.index_cast %add3A_831 : i32 to index
      %get3A_833 = arith.constant 112 : index
      %get3A_834 = tpu.vector_load %arg7[%get3A_832, %get3A_833] {strides = array<i32>} : memref<256x128xf32, #tpu.memory_space<vmem>>, vector<1x16xf32>,
      %get3A_835 = vector.shape_cast %get3A_834 : vector<1x16xf32> to vector<16xf32>
      %add3A_836 = arith.addf %get3A_830, %get3A_835 : vector<16xf32>
      %swap3A_837 = arith.constant 3 : i32
      %swap3A_838 = arith.index_cast %swap3A_837 : i32 to index
      %swap3A_839 = arith.index_cast %scan3A_693 : i32 to index
      %swap3A_840 = arith.constant 112 : index
      %swap3A_841 = tpu.vector_load %arg8[%swap3A_838, %swap3A_839, %swap3A_840] {strides = array<i32>} : memref<5x64x128xf32, #tpu.memory_space<vmem>>, vector<1x1x16xf32>,
      %swap3A_842 = vector.shape_cast %swap3A_841 : vector<1x1x16xf32> to vector<16xf32>
      %swap3A_843 = vector.shape_cast %add3A_836 : vector<16xf32> to vector<1x1x16xf32>
      tpu.vector_store %arg8[%swap3A_838, %swap3A_839, %swap3A_840], %swap3A_843 {strides = array<i32>} : memref<5x64x128xf32, #tpu.memory_space<vmem>>, vector<1x1x16xf32>,
    }
    %scan3A_224 = arith.constant 64 : i32
    %dma_start3A_225 = arith.constant 3 : i32
    %dma_start3A_226 = arith.constant 3 : i32
    %dma_start3A_227 = arith.constant 0 : i32
    %dma_start3A_228 = arith.constant 0 : i32
    %dma_start3A_229 = tpu.memref_slice %arg8[%dma_start3A_225, %dma_start3A_227, %dma_start3A_228] : memref<5x64x128xf32, #tpu.memory_space<vmem>> -> memref<1x64x128xf32, #tpu.memory_space<vmem>>
    %dma_start3A_230 = tpu.memref_squeeze %dma_start3A_229 : memref<1x64x128xf32, #tpu.memory_space<vmem>> -> memref<64x128xf32, #tpu.memory_space<vmem>>
    %dma_start3A_231 = arith.constant 0 : i32
    %dma_start3A_232 = arith.constant 0 : i32
    %dma_start3A_233 = tpu.memref_slice %arg5[%add3A, %dma_start3A_226, %dma_start3A_231, %dma_start3A_232] : memref<32x100x64x128xf32, #tpu.memory_space<hbm>> -> memref<1x1x64x128xf32, #tpu.memory_space<hbm>>
    %dma_start3A_234 = tpu.memref_squeeze %dma_start3A_233 : memref<1x1x64x128xf32, #tpu.memory_space<hbm>> -> memref<64x128xf32, #tpu.memory_space<hbm>>
    %dma_start3A_235 = arith.constant 0 : i32
    %dma_start3A_236 = arith.constant 0 : i32
    %dma_start3A_237 = tpu.memref_slice %arg5[%add3A, %dma_start3A_226, %dma_start3A_235, %dma_start3A_236] : memref<32x100x64x128xf32, #tpu.memory_space<hbm>> -> memref<1x1x64x128xf32, #tpu.memory_space<hbm>>
    %dma_start3A_238 = tpu.memref_squeeze %dma_start3A_237 : memref<1x1x64x128xf32, #tpu.memory_space<hbm>> -> memref<64x128xf32, #tpu.memory_space<hbm>>
    %dma_start3A_239 = arith.constant 0 : i32
    %dma_start3A_240 = arith.constant 0 : i32
    %dma_start3A_241 = tpu.memref_slice %arg8[%dma_start3A_225, %dma_start3A_239, %dma_start3A_240] : memref<5x64x128xf32, #tpu.memory_space<vmem>> -> memref<1x64x128xf32, #tpu.memory_space<vmem>>
    %dma_start3A_242 = tpu.memref_squeeze %dma_start3A_241 : memref<1x64x128xf32, #tpu.memory_space<vmem>> -> memref<64x128xf32, #tpu.memory_space<vmem>>
    tpu.enqueue_dma source(%dma_start3A_242 : memref<64x128xf32, #tpu.memory_space<vmem>>) target(%dma_start3A_238 : memref<64x128xf32, #tpu.memory_space<hbm>>) target_semaphore(%arg17 : memref<!tpu.dma_semaphore, #tpu.memory_space<semaphore_mem>>)
    %dma_wait3A_243 = arith.constant 1 : i32
    %dma_wait3A_244 = arith.constant 1 : i32
    %dma_wait3A_245 = arith.constant 0 : i32
    %dma_wait3A_246 = arith.constant 0 : i32
    %dma_wait3A_247 = tpu.memref_slice %arg8[%dma_wait3A_243, %dma_wait3A_245, %dma_wait3A_246] : memref<5x64x128xf32, #tpu.memory_space<vmem>> -> memref<1x64x128xf32, #tpu.memory_space<vmem>>
    %dma_wait3A_248 = tpu.memref_squeeze %dma_wait3A_247 : memref<1x64x128xf32, #tpu.memory_space<vmem>> -> memref<64x128xf32, #tpu.memory_space<vmem>>
    %dma_wait3A_249 = arith.constant 0 : i32
    %dma_wait3A_250 = arith.constant 0 : i32
    %dma_wait3A_251 = tpu.memref_slice %arg5[%add3A, %dma_wait3A_244, %dma_wait3A_249, %dma_wait3A_250] : memref<32x100x64x128xf32, #tpu.memory_space<hbm>> -> memref<1x1x64x128xf32, #tpu.memory_space<hbm>>
    %dma_wait3A_252 = tpu.memref_squeeze %dma_wait3A_251 : memref<1x1x64x128xf32, #tpu.memory_space<hbm>> -> memref<64x128xf32, #tpu.memory_space<hbm>>
    %dma_wait3A_253 = arith.constant 0 : i32
    %dma_wait3A_254 = arith.constant 0 : i32
    %dma_wait3A_255 = tpu.memref_slice %arg5[%add3A, %dma_wait3A_244, %dma_wait3A_253, %dma_wait3A_254] : memref<32x100x64x128xf32, #tpu.memory_space<hbm>> -> memref<1x1x64x128xf32, #tpu.memory_space<hbm>>
    %dma_wait3A_256 = tpu.memref_squeeze %dma_wait3A_255 : memref<1x1x64x128xf32, #tpu.memory_space<hbm>> -> memref<64x128xf32, #tpu.memory_space<hbm>>
    %dma_wait3A_257 = arith.constant 0 : i32
    %dma_wait3A_258 = arith.constant 0 : i32
    %dma_wait3A_259 = tpu.memref_slice %arg8[%dma_wait3A_243, %dma_wait3A_257, %dma_wait3A_258] : memref<5x64x128xf32, #tpu.memory_space<vmem>> -> memref<1x64x128xf32, #tpu.memory_space<vmem>>
    %dma_wait3A_260 = tpu.memref_squeeze %dma_wait3A_259 : memref<1x64x128xf32, #tpu.memory_space<vmem>> -> memref<64x128xf32, #tpu.memory_space<vmem>>
    tpu.wait_dma2 semaphore(%arg15 : memref<!tpu.dma_semaphore, #tpu.memory_space<semaphore_mem>>) src(%dma_wait3A_260 : memref<64x128xf32, #tpu.memory_space<vmem>>) dst(%dma_wait3A_256 : memref<64x128xf32, #tpu.memory_space<hbm>>)
    %dma_start3A_261 = arith.constant 6 : i32
    %dma_start3A_262 = arith.constant 1 : i32
    %dma_start3A_263 = arith.constant 0 : i32
    %dma_start3A_264 = arith.constant 0 : i32
    %dma_start3A_265 = tpu.memref_slice %arg8[%dma_start3A_262, %dma_start3A_263, %dma_start3A_264] : memref<5x64x128xf32, #tpu.memory_space<vmem>> -> memref<1x64x128xf32, #tpu.memory_space<vmem>>
    %dma_start3A_266 = tpu.memref_squeeze %dma_start3A_265 : memref<1x64x128xf32, #tpu.memory_space<vmem>> -> memref<64x128xf32, #tpu.memory_space<vmem>>
    %dma_start3A_267 = arith.constant 0 : i32
    %dma_start3A_268 = tpu.memref_slice %arg6[%dma_start3A_261, %dma_start3A_267] : memref<100x64xi32, #tpu.memory_space<vmem>> -> memref<1x64xi32, #tpu.memory_space<vmem>>
    %dma_start3A_269 = tpu.memref_squeeze %dma_start3A_268 : memref<1x64xi32, #tpu.memory_space<vmem>> -> memref<64xi32, #tpu.memory_space<vmem>>
    %dma_start3A_270 = arith.constant 0 : i32
    %dma_start3A_271 = arith.constant 0 : i32
    %dma_start3A_272 = tpu.memref_slice %arg3[%dma_start3A_270, %dma_start3A_271] : memref<100000x128xf32, #tpu.memory_space<hbm>> -> memref<100000x128xf32, #tpu.memory_space<hbm>>
    tpu.enqueue_indirect_dma source(%dma_start3A_272 : memref<100000x128xf32, #tpu.memory_space<hbm>>) target(%dma_start3A_266 : memref<64x128xf32, #tpu.memory_space<vmem>>) offsets(%dma_start3A_269 : memref<64xi32, #tpu.memory_space<vmem>>) semaphore(%arg10 : memref<!tpu.dma_semaphore, #tpu.memory_space<semaphore_mem>>)
    %dma_wait3A_273 = arith.constant 4 : i32
    %dma_wait3A_274 = arith.constant 4 : i32
    %dma_wait3A_275 = arith.constant 0 : i32
    %dma_wait3A_276 = arith.constant 0 : i32
    %dma_wait3A_277 = tpu.memref_slice %arg8[%dma_wait3A_274, %dma_wait3A_275, %dma_wait3A_276] : memref<5x64x128xf32, #tpu.memory_space<vmem>> -> memref<1x64x128xf32, #tpu.memory_space<vmem>>
    %dma_wait3A_278 = tpu.memref_squeeze %dma_wait3A_277 : memref<1x64x128xf32, #tpu.memory_space<vmem>> -> memref<64x128xf32, #tpu.memory_space<vmem>>
    %dma_wait3A_279 = arith.constant 0 : i32
    %dma_wait3A_280 = tpu.memref_slice %arg6[%dma_wait3A_273, %dma_wait3A_279] : memref<100x64xi32, #tpu.memory_space<vmem>> -> memref<1x64xi32, #tpu.memory_space<vmem>>
    %dma_wait3A_281 = tpu.memref_squeeze %dma_wait3A_280 : memref<1x64xi32, #tpu.memory_space<vmem>> -> memref<64xi32, #tpu.memory_space<vmem>>
    %dma_wait3A_282 = arith.constant 0 : i32
    %dma_wait3A_283 = arith.constant 0 : i32
    %dma_wait3A_284 = tpu.memref_slice %arg3[%dma_wait3A_282, %dma_wait3A_283] : memref<100000x128xf32, #tpu.memory_space<hbm>> -> memref<100000x128xf32, #tpu.memory_space<hbm>>
    tpu.wait_indirect_dma semaphore(%arg13 : memref<!tpu.dma_semaphore, #tpu.memory_space<semaphore_mem>>) src(%dma_wait3A_284 : memref<100000x128xf32, #tpu.memory_space<hbm>>) dst(%dma_wait3A_278 : memref<64x128xf32, #tpu.memory_space<vmem>>)
    %rem3A_285 = arith.constant 256 : i32
    %rem3A_286 = arith.constant 200 : i32
    %rem3A_287 = arith.remsi %rem3A_285, %rem3A_286 : i32
    %scan3A_288 = arith.constant 0 : i32
    %scan3A_289 = arith.constant 0 : i32
    %scan3A_290 = arith.constant 64 : i32
    %scan3A_291 = arith.addi %scan3A_289, %scan3A_290 : i32
    %scan3A_292 = arith.constant 1 : i32
    scf.for %scan3A_693 = %scan3A_289 to %scan3A_291 step %scan3A_292  : i32 {
      %get3A = arith.constant 4 : i32
      %get3A_694 = arith.index_cast %get3A : i32 to index
      %get3A_695 = arith.index_cast %scan3A_693 : i32 to index
      %get3A_696 = arith.constant 0 : index
      %get3A_697 = tpu.vector_load %arg8[%get3A_694, %get3A_695, %get3A_696] {strides = array<i32>} : memref<5x64x128xf32, #tpu.memory_space<vmem>>, vector<1x1x16xf32>,
      %get3A_698 = vector.shape_cast %get3A_697 : vector<1x1x16xf32> to vector<16xf32>
      %add3A_699 = arith.addi %rem3A_287, %scan3A_693 : i32
      %get3A_700 = arith.index_cast %add3A_699 : i32 to index
      %get3A_701 = arith.constant 0 : index
      %get3A_702 = tpu.vector_load %arg7[%get3A_700, %get3A_701] {strides = array<i32>} : memref<256x128xf32, #tpu.memory_space<vmem>>, vector<1x16xf32>,
      %get3A_703 = vector.shape_cast %get3A_702 : vector<1x16xf32> to vector<16xf32>
      %add3A_704 = arith.addf %get3A_698, %get3A_703 : vector<16xf32>
      %swap3A = arith.constant 4 : i32
      %swap3A_705 = arith.index_cast %swap3A : i32 to index
      %swap3A_706 = arith.index_cast %scan3A_693 : i32 to index
      %swap3A_707 = arith.constant 0 : index
      %swap3A_708 = tpu.vector_load %arg8[%swap3A_705, %swap3A_706, %swap3A_707] {strides = array<i32>} : memref<5x64x128xf32, #tpu.memory_space<vmem>>, vector<1x1x16xf32>,
      %swap3A_709 = vector.shape_cast %swap3A_708 : vector<1x1x16xf32> to vector<16xf32>
      %swap3A_710 = vector.shape_cast %add3A_704 : vector<16xf32> to vector<1x1x16xf32>
      tpu.vector_store %arg8[%swap3A_705, %swap3A_706, %swap3A_707], %swap3A_710 {strides = array<i32>} : memref<5x64x128xf32, #tpu.memory_space<vmem>>, vector<1x1x16xf32>,
      %get3A_711 = arith.constant 4 : i32
      %get3A_712 = arith.index_cast %get3A_711 : i32 to index
      %get3A_713 = arith.index_cast %scan3A_693 : i32 to index
      %get3A_714 = arith.constant 16 : index
      %get3A_715 = tpu.vector_load %arg8[%get3A_712, %get3A_713, %get3A_714] {strides = array<i32>} : memref<5x64x128xf32, #tpu.memory_space<vmem>>, vector<1x1x16xf32>,
      %get3A_716 = vector.shape_cast %get3A_715 : vector<1x1x16xf32> to vector<16xf32>
      %add3A_717 = arith.addi %rem3A_287, %scan3A_693 : i32
      %get3A_718 = arith.index_cast %add3A_717 : i32 to index
      %get3A_719 = arith.constant 16 : index
      %get3A_720 = tpu.vector_load %arg7[%get3A_718, %get3A_719] {strides = array<i32>} : memref<256x128xf32, #tpu.memory_space<vmem>>, vector<1x16xf32>,
      %get3A_721 = vector.shape_cast %get3A_720 : vector<1x16xf32> to vector<16xf32>
      %add3A_722 = arith.addf %get3A_716, %get3A_721 : vector<16xf32>
      %swap3A_723 = arith.constant 4 : i32
      %swap3A_724 = arith.index_cast %swap3A_723 : i32 to index
      %swap3A_725 = arith.index_cast %scan3A_693 : i32 to index
      %swap3A_726 = arith.constant 16 : index
      %swap3A_727 = tpu.vector_load %arg8[%swap3A_724, %swap3A_725, %swap3A_726] {strides = array<i32>} : memref<5x64x128xf32, #tpu.memory_space<vmem>>, vector<1x1x16xf32>,
      %swap3A_728 = vector.shape_cast %swap3A_727 : vector<1x1x16xf32> to vector<16xf32>
      %swap3A_729 = vector.shape_cast %add3A_722 : vector<16xf32> to vector<1x1x16xf32>
      tpu.vector_store %arg8[%swap3A_724, %swap3A_725, %swap3A_726], %swap3A_729 {strides = array<i32>} : memref<5x64x128xf32, #tpu.memory_space<vmem>>, vector<1x1x16xf32>,
      %get3A_730 = arith.constant 4 : i32
      %get3A_731 = arith.index_cast %get3A_730 : i32 to index
      %get3A_732 = arith.index_cast %scan3A_693 : i32 to index
      %get3A_733 = arith.constant 32 : index
      %get3A_734 = tpu.vector_load %arg8[%get3A_731, %get3A_732, %get3A_733] {strides = array<i32>} : memref<5x64x128xf32, #tpu.memory_space<vmem>>, vector<1x1x16xf32>,
      %get3A_735 = vector.shape_cast %get3A_734 : vector<1x1x16xf32> to vector<16xf32>
      %add3A_736 = arith.addi %rem3A_287, %scan3A_693 : i32
      %get3A_737 = arith.index_cast %add3A_736 : i32 to index
      %get3A_738 = arith.constant 32 : index
      %get3A_739 = tpu.vector_load %arg7[%get3A_737, %get3A_738] {strides = array<i32>} : memref<256x128xf32, #tpu.memory_space<vmem>>, vector<1x16xf32>,
      %get3A_740 = vector.shape_cast %get3A_739 : vector<1x16xf32> to vector<16xf32>
      %add3A_741 = arith.addf %get3A_735, %get3A_740 : vector<16xf32>
      %swap3A_742 = arith.constant 4 : i32
      %swap3A_743 = arith.index_cast %swap3A_742 : i32 to index
      %swap3A_744 = arith.index_cast %scan3A_693 : i32 to index
      %swap3A_745 = arith.constant 32 : index
      %swap3A_746 = tpu.vector_load %arg8[%swap3A_743, %swap3A_744, %swap3A_745] {strides = array<i32>} : memref<5x64x128xf32, #tpu.memory_space<vmem>>, vector<1x1x16xf32>,
      %swap3A_747 = vector.shape_cast %swap3A_746 : vector<1x1x16xf32> to vector<16xf32>
      %swap3A_748 = vector.shape_cast %add3A_741 : vector<16xf32> to vector<1x1x16xf32>
      tpu.vector_store %arg8[%swap3A_743, %swap3A_744, %swap3A_745], %swap3A_748 {strides = array<i32>} : memref<5x64x128xf32, #tpu.memory_space<vmem>>, vector<1x1x16xf32>,
      %get3A_749 = arith.constant 4 : i32
      %get3A_750 = arith.index_cast %get3A_749 : i32 to index
      %get3A_751 = arith.index_cast %scan3A_693 : i32 to index
      %get3A_752 = arith.constant 48 : index
      %get3A_753 = tpu.vector_load %arg8[%get3A_750, %get3A_751, %get3A_752] {strides = array<i32>} : memref<5x64x128xf32, #tpu.memory_space<vmem>>, vector<1x1x16xf32>,
      %get3A_754 = vector.shape_cast %get3A_753 : vector<1x1x16xf32> to vector<16xf32>
      %add3A_755 = arith.addi %rem3A_287, %scan3A_693 : i32
      %get3A_756 = arith.index_cast %add3A_755 : i32 to index
      %get3A_757 = arith.constant 48 : index
      %get3A_758 = tpu.vector_load %arg7[%get3A_756, %get3A_757] {strides = array<i32>} : memref<256x128xf32, #tpu.memory_space<vmem>>, vector<1x16xf32>,
      %get3A_759 = vector.shape_cast %get3A_758 : vector<1x16xf32> to vector<16xf32>
      %add3A_760 = arith.addf %get3A_754, %get3A_759 : vector<16xf32>
      %swap3A_761 = arith.constant 4 : i32
      %swap3A_762 = arith.index_cast %swap3A_761 : i32 to index
      %swap3A_763 = arith.index_cast %scan3A_693 : i32 to index
      %swap3A_764 = arith.constant 48 : index
      %swap3A_765 = tpu.vector_load %arg8[%swap3A_762, %swap3A_763, %swap3A_764] {strides = array<i32>} : memref<5x64x128xf32, #tpu.memory_space<vmem>>, vector<1x1x16xf32>,
      %swap3A_766 = vector.shape_cast %swap3A_765 : vector<1x1x16xf32> to vector<16xf32>
      %swap3A_767 = vector.shape_cast %add3A_760 : vector<16xf32> to vector<1x1x16xf32>
      tpu.vector_store %arg8[%swap3A_762, %swap3A_763, %swap3A_764], %swap3A_767 {strides = array<i32>} : memref<5x64x128xf32, #tpu.memory_space<vmem>>, vector<1x1x16xf32>,
      %get3A_768 = arith.constant 4 : i32
      %get3A_769 = arith.index_cast %get3A_768 : i32 to index
      %get3A_770 = arith.index_cast %scan3A_693 : i32 to index
      %get3A_771 = arith.constant 64 : index
      %get3A_772 = tpu.vector_load %arg8[%get3A_769, %get3A_770, %get3A_771] {strides = array<i32>} : memref<5x64x128xf32, #tpu.memory_space<vmem>>, vector<1x1x16xf32>,
      %get3A_773 = vector.shape_cast %get3A_772 : vector<1x1x16xf32> to vector<16xf32>
      %add3A_774 = arith.addi %rem3A_287, %scan3A_693 : i32
      %get3A_775 = arith.index_cast %add3A_774 : i32 to index
      %get3A_776 = arith.constant 64 : index
      %get3A_777 = tpu.vector_load %arg7[%get3A_775, %get3A_776] {strides = array<i32>} : memref<256x128xf32, #tpu.memory_space<vmem>>, vector<1x16xf32>,
      %get3A_778 = vector.shape_cast %get3A_777 : vector<1x16xf32> to vector<16xf32>
      %add3A_779 = arith.addf %get3A_773, %get3A_778 : vector<16xf32>
      %swap3A_780 = arith.constant 4 : i32
      %swap3A_781 = arith.index_cast %swap3A_780 : i32 to index
      %swap3A_782 = arith.index_cast %scan3A_693 : i32 to index
      %swap3A_783 = arith.constant 64 : index
      %swap3A_784 = tpu.vector_load %arg8[%swap3A_781, %swap3A_782, %swap3A_783] {strides = array<i32>} : memref<5x64x128xf32, #tpu.memory_space<vmem>>, vector<1x1x16xf32>,
      %swap3A_785 = vector.shape_cast %swap3A_784 : vector<1x1x16xf32> to vector<16xf32>
      %swap3A_786 = vector.shape_cast %add3A_779 : vector<16xf32> to vector<1x1x16xf32>
      tpu.vector_store %arg8[%swap3A_781, %swap3A_782, %swap3A_783], %swap3A_786 {strides = array<i32>} : memref<5x64x128xf32, #tpu.memory_space<vmem>>, vector<1x1x16xf32>,
      %get3A_787 = arith.constant 4 : i32
      %get3A_788 = arith.index_cast %get3A_787 : i32 to index
      %get3A_789 = arith.index_cast %scan3A_693 : i32 to index
      %get3A_790 = arith.constant 80 : index
      %get3A_791 = tpu.vector_load %arg8[%get3A_788, %get3A_789, %get3A_790] {strides = array<i32>} : memref<5x64x128xf32, #tpu.memory_space<vmem>>, vector<1x1x16xf32>,
      %get3A_792 = vector.shape_cast %get3A_791 : vector<1x1x16xf32> to vector<16xf32>
      %add3A_793 = arith.addi %rem3A_287, %scan3A_693 : i32
      %get3A_794 = arith.index_cast %add3A_793 : i32 to index
      %get3A_795 = arith.constant 80 : index
      %get3A_796 = tpu.vector_load %arg7[%get3A_794, %get3A_795] {strides = array<i32>} : memref<256x128xf32, #tpu.memory_space<vmem>>, vector<1x16xf32>,
      %get3A_797 = vector.shape_cast %get3A_796 : vector<1x16xf32> to vector<16xf32>
      %add3A_798 = arith.addf %get3A_792, %get3A_797 : vector<16xf32>
      %swap3A_799 = arith.constant 4 : i32
      %swap3A_800 = arith.index_cast %swap3A_799 : i32 to index
      %swap3A_801 = arith.index_cast %scan3A_693 : i32 to index
      %swap3A_802 = arith.constant 80 : index
      %swap3A_803 = tpu.vector_load %arg8[%swap3A_800, %swap3A_801, %swap3A_802] {strides = array<i32>} : memref<5x64x128xf32, #tpu.memory_space<vmem>>, vector<1x1x16xf32>,
      %swap3A_804 = vector.shape_cast %swap3A_803 : vector<1x1x16xf32> to vector<16xf32>
      %swap3A_805 = vector.shape_cast %add3A_798 : vector<16xf32> to vector<1x1x16xf32>
      tpu.vector_store %arg8[%swap3A_800, %swap3A_801, %swap3A_802], %swap3A_805 {strides = array<i32>} : memref<5x64x128xf32, #tpu.memory_space<vmem>>, vector<1x1x16xf32>,
      %get3A_806 = arith.constant 4 : i32
      %get3A_807 = arith.index_cast %get3A_806 : i32 to index
      %get3A_808 = arith.index_cast %scan3A_693 : i32 to index
      %get3A_809 = arith.constant 96 : index
      %get3A_810 = tpu.vector_load %arg8[%get3A_807, %get3A_808, %get3A_809] {strides = array<i32>} : memref<5x64x128xf32, #tpu.memory_space<vmem>>, vector<1x1x16xf32>,
      %get3A_811 = vector.shape_cast %get3A_810 : vector<1x1x16xf32> to vector<16xf32>
      %add3A_812 = arith.addi %rem3A_287, %scan3A_693 : i32
      %get3A_813 = arith.index_cast %add3A_812 : i32 to index
      %get3A_814 = arith.constant 96 : index
      %get3A_815 = tpu.vector_load %arg7[%get3A_813, %get3A_814] {strides = array<i32>} : memref<256x128xf32, #tpu.memory_space<vmem>>, vector<1x16xf32>,
      %get3A_816 = vector.shape_cast %get3A_815 : vector<1x16xf32> to vector<16xf32>
      %add3A_817 = arith.addf %get3A_811, %get3A_816 : vector<16xf32>
      %swap3A_818 = arith.constant 4 : i32
      %swap3A_819 = arith.index_cast %swap3A_818 : i32 to index
      %swap3A_820 = arith.index_cast %scan3A_693 : i32 to index
      %swap3A_821 = arith.constant 96 : index
      %swap3A_822 = tpu.vector_load %arg8[%swap3A_819, %swap3A_820, %swap3A_821] {strides = array<i32>} : memref<5x64x128xf32, #tpu.memory_space<vmem>>, vector<1x1x16xf32>,
      %swap3A_823 = vector.shape_cast %swap3A_822 : vector<1x1x16xf32> to vector<16xf32>
      %swap3A_824 = vector.shape_cast %add3A_817 : vector<16xf32> to vector<1x1x16xf32>
      tpu.vector_store %arg8[%swap3A_819, %swap3A_820, %swap3A_821], %swap3A_824 {strides = array<i32>} : memref<5x64x128xf32, #tpu.memory_space<vmem>>, vector<1x1x16xf32>,
      %get3A_825 = arith.constant 4 : i32
      %get3A_826 = arith.index_cast %get3A_825 : i32 to index
      %get3A_827 = arith.index_cast %scan3A_693 : i32 to index
      %get3A_828 = arith.constant 112 : index
      %get3A_829 = tpu.vector_load %arg8[%get3A_826, %get3A_827, %get3A_828] {strides = array<i32>} : memref<5x64x128xf32, #tpu.memory_space<vmem>>, vector<1x1x16xf32>,
      %get3A_830 = vector.shape_cast %get3A_829 : vector<1x1x16xf32> to vector<16xf32>
      %add3A_831 = arith.addi %rem3A_287, %scan3A_693 : i32
      %get3A_832 = arith.index_cast %add3A_831 : i32 to index
      %get3A_833 = arith.constant 112 : index
      %get3A_834 = tpu.vector_load %arg7[%get3A_832, %get3A_833] {strides = array<i32>} : memref<256x128xf32, #tpu.memory_space<vmem>>, vector<1x16xf32>,
      %get3A_835 = vector.shape_cast %get3A_834 : vector<1x16xf32> to vector<16xf32>
      %add3A_836 = arith.addf %get3A_830, %get3A_835 : vector<16xf32>
      %swap3A_837 = arith.constant 4 : i32
      %swap3A_838 = arith.index_cast %swap3A_837 : i32 to index
      %swap3A_839 = arith.index_cast %scan3A_693 : i32 to index
      %swap3A_840 = arith.constant 112 : index
      %swap3A_841 = tpu.vector_load %arg8[%swap3A_838, %swap3A_839, %swap3A_840] {strides = array<i32>} : memref<5x64x128xf32, #tpu.memory_space<vmem>>, vector<1x1x16xf32>,
      %swap3A_842 = vector.shape_cast %swap3A_841 : vector<1x1x16xf32> to vector<16xf32>
      %swap3A_843 = vector.shape_cast %add3A_836 : vector<16xf32> to vector<1x1x16xf32>
      tpu.vector_store %arg8[%swap3A_838, %swap3A_839, %swap3A_840], %swap3A_843 {strides = array<i32>} : memref<5x64x128xf32, #tpu.memory_space<vmem>>, vector<1x1x16xf32>,
    }
    %scan3A_293 = arith.constant 64 : i32
    %dma_start3A_294 = arith.constant 4 : i32
    %dma_start3A_295 = arith.constant 4 : i32
    %dma_start3A_296 = arith.constant 0 : i32
    %dma_start3A_297 = arith.constant 0 : i32
    %dma_start3A_298 = tpu.memref_slice %arg8[%dma_start3A_294, %dma_start3A_296, %dma_start3A_297] : memref<5x64x128xf32, #tpu.memory_space<vmem>> -> memref<1x64x128xf32, #tpu.memory_space<vmem>>
    %dma_start3A_299 = tpu.memref_squeeze %dma_start3A_298 : memref<1x64x128xf32, #tpu.memory_space<vmem>> -> memref<64x128xf32, #tpu.memory_space<vmem>>
    %dma_start3A_300 = arith.constant 0 : i32
    %dma_start3A_301 = arith.constant 0 : i32
    %dma_start3A_302 = tpu.memref_slice %arg5[%add3A, %dma_start3A_295, %dma_start3A_300, %dma_start3A_301] : memref<32x100x64x128xf32, #tpu.memory_space<hbm>> -> memref<1x1x64x128xf32, #tpu.memory_space<hbm>>
    %dma_start3A_303 = tpu.memref_squeeze %dma_start3A_302 : memref<1x1x64x128xf32, #tpu.memory_space<hbm>> -> memref<64x128xf32, #tpu.memory_space<hbm>>
    %dma_start3A_304 = arith.constant 0 : i32
    %dma_start3A_305 = arith.constant 0 : i32
    %dma_start3A_306 = tpu.memref_slice %arg5[%add3A, %dma_start3A_295, %dma_start3A_304, %dma_start3A_305] : memref<32x100x64x128xf32, #tpu.memory_space<hbm>> -> memref<1x1x64x128xf32, #tpu.memory_space<hbm>>
    %dma_start3A_307 = tpu.memref_squeeze %dma_start3A_306 : memref<1x1x64x128xf32, #tpu.memory_space<hbm>> -> memref<64x128xf32, #tpu.memory_space<hbm>>
    %dma_start3A_308 = arith.constant 0 : i32
    %dma_start3A_309 = arith.constant 0 : i32
    %dma_start3A_310 = tpu.memref_slice %arg8[%dma_start3A_294, %dma_start3A_308, %dma_start3A_309] : memref<5x64x128xf32, #tpu.memory_space<vmem>> -> memref<1x64x128xf32, #tpu.memory_space<vmem>>
    %dma_start3A_311 = tpu.memref_squeeze %dma_start3A_310 : memref<1x64x128xf32, #tpu.memory_space<vmem>> -> memref<64x128xf32, #tpu.memory_space<vmem>>
    tpu.enqueue_dma source(%dma_start3A_311 : memref<64x128xf32, #tpu.memory_space<vmem>>) target(%dma_start3A_307 : memref<64x128xf32, #tpu.memory_space<hbm>>) target_semaphore(%arg18 : memref<!tpu.dma_semaphore, #tpu.memory_space<semaphore_mem>>)
    %dma_wait3A_312 = arith.constant 2 : i32
    %dma_wait3A_313 = arith.constant 2 : i32
    %dma_wait3A_314 = arith.constant 0 : i32
    %dma_wait3A_315 = arith.constant 0 : i32
    %dma_wait3A_316 = tpu.memref_slice %arg8[%dma_wait3A_312, %dma_wait3A_314, %dma_wait3A_315] : memref<5x64x128xf32, #tpu.memory_space<vmem>> -> memref<1x64x128xf32, #tpu.memory_space<vmem>>
    %dma_wait3A_317 = tpu.memref_squeeze %dma_wait3A_316 : memref<1x64x128xf32, #tpu.memory_space<vmem>> -> memref<64x128xf32, #tpu.memory_space<vmem>>
    %dma_wait3A_318 = arith.constant 0 : i32
    %dma_wait3A_319 = arith.constant 0 : i32
    %dma_wait3A_320 = tpu.memref_slice %arg5[%add3A, %dma_wait3A_313, %dma_wait3A_318, %dma_wait3A_319] : memref<32x100x64x128xf32, #tpu.memory_space<hbm>> -> memref<1x1x64x128xf32, #tpu.memory_space<hbm>>
    %dma_wait3A_321 = tpu.memref_squeeze %dma_wait3A_320 : memref<1x1x64x128xf32, #tpu.memory_space<hbm>> -> memref<64x128xf32, #tpu.memory_space<hbm>>
    %dma_wait3A_322 = arith.constant 0 : i32
    %dma_wait3A_323 = arith.constant 0 : i32
    %dma_wait3A_324 = tpu.memref_slice %arg5[%add3A, %dma_wait3A_313, %dma_wait3A_322, %dma_wait3A_323] : memref<32x100x64x128xf32, #tpu.memory_space<hbm>> -> memref<1x1x64x128xf32, #tpu.memory_space<hbm>>
    %dma_wait3A_325 = tpu.memref_squeeze %dma_wait3A_324 : memref<1x1x64x128xf32, #tpu.memory_space<hbm>> -> memref<64x128xf32, #tpu.memory_space<hbm>>
    %dma_wait3A_326 = arith.constant 0 : i32
    %dma_wait3A_327 = arith.constant 0 : i32
    %dma_wait3A_328 = tpu.memref_slice %arg8[%dma_wait3A_312, %dma_wait3A_326, %dma_wait3A_327] : memref<5x64x128xf32, #tpu.memory_space<vmem>> -> memref<1x64x128xf32, #tpu.memory_space<vmem>>
    %dma_wait3A_329 = tpu.memref_squeeze %dma_wait3A_328 : memref<1x64x128xf32, #tpu.memory_space<vmem>> -> memref<64x128xf32, #tpu.memory_space<vmem>>
    tpu.wait_dma2 semaphore(%arg16 : memref<!tpu.dma_semaphore, #tpu.memory_space<semaphore_mem>>) src(%dma_wait3A_329 : memref<64x128xf32, #tpu.memory_space<vmem>>) dst(%dma_wait3A_325 : memref<64x128xf32, #tpu.memory_space<hbm>>)
    %dma_start3A_330 = arith.constant 7 : i32
    %dma_start3A_331 = arith.constant 2 : i32
    %dma_start3A_332 = arith.constant 0 : i32
    %dma_start3A_333 = arith.constant 0 : i32
    %dma_start3A_334 = tpu.memref_slice %arg8[%dma_start3A_331, %dma_start3A_332, %dma_start3A_333] : memref<5x64x128xf32, #tpu.memory_space<vmem>> -> memref<1x64x128xf32, #tpu.memory_space<vmem>>
    %dma_start3A_335 = tpu.memref_squeeze %dma_start3A_334 : memref<1x64x128xf32, #tpu.memory_space<vmem>> -> memref<64x128xf32, #tpu.memory_space<vmem>>
    %dma_start3A_336 = arith.constant 0 : i32
    %dma_start3A_337 = tpu.memref_slice %arg6[%dma_start3A_330, %dma_start3A_336] : memref<100x64xi32, #tpu.memory_space<vmem>> -> memref<1x64xi32, #tpu.memory_space<vmem>>
    %dma_start3A_338 = tpu.memref_squeeze %dma_start3A_337 : memref<1x64xi32, #tpu.memory_space<vmem>> -> memref<64xi32, #tpu.memory_space<vmem>>
    %dma_start3A_339 = arith.constant 0 : i32
    %dma_start3A_340 = arith.constant 0 : i32
    %dma_start3A_341 = tpu.memref_slice %arg3[%dma_start3A_339, %dma_start3A_340] : memref<100000x128xf32, #tpu.memory_space<hbm>> -> memref<100000x128xf32, #tpu.memory_space<hbm>>
    tpu.enqueue_indirect_dma source(%dma_start3A_341 : memref<100000x128xf32, #tpu.memory_space<hbm>>) target(%dma_start3A_335 : memref<64x128xf32, #tpu.memory_space<vmem>>) offsets(%dma_start3A_338 : memref<64xi32, #tpu.memory_space<vmem>>) semaphore(%arg11 : memref<!tpu.dma_semaphore, #tpu.memory_space<semaphore_mem>>)
    %scan3A_342 = arith.constant 0 : i32
    %scan3A_343 = arith.constant 1 : i32
    %scan3A_344 = arith.constant 18 : i32
    %scan3A_345 = arith.addi %scan3A_343, %scan3A_344 : i32
    %scan3A_346 = arith.constant 1 : i32
    scf.for %scan3A_693 = %scan3A_343 to %scan3A_345 step %scan3A_346  : i32 {
      %mul3A_694 = arith.constant 5 : i32
      %mul3A_695 = arith.muli %scan3A_693, %mul3A_694 : i32
      %add3A_696 = arith.constant 0 : i32
      %add3A_697 = arith.addi %mul3A_695, %add3A_696 : i32
      %dma_wait3A_698 = arith.constant 0 : i32
      %dma_wait3A_699 = arith.constant 0 : i32
      %dma_wait3A_700 = arith.constant 0 : i32
      %dma_wait3A_701 = tpu.memref_slice %arg8[%dma_wait3A_698, %dma_wait3A_699, %dma_wait3A_700] : memref<5x64x128xf32, #tpu.memory_space<vmem>> -> memref<1x64x128xf32, #tpu.memory_space<vmem>>
      %dma_wait3A_702 = tpu.memref_squeeze %dma_wait3A_701 : memref<1x64x128xf32, #tpu.memory_space<vmem>> -> memref<64x128xf32, #tpu.memory_space<vmem>>
      %dma_wait3A_703 = arith.constant 0 : i32
      %dma_wait3A_704 = tpu.memref_slice %arg6[%add3A_697, %dma_wait3A_703] : memref<100x64xi32, #tpu.memory_space<vmem>> -> memref<1x64xi32, #tpu.memory_space<vmem>>
      %dma_wait3A_705 = tpu.memref_squeeze %dma_wait3A_704 : memref<1x64xi32, #tpu.memory_space<vmem>> -> memref<64xi32, #tpu.memory_space<vmem>>
      %dma_wait3A_706 = arith.constant 0 : i32
      %dma_wait3A_707 = arith.constant 0 : i32
      %dma_wait3A_708 = tpu.memref_slice %arg3[%dma_wait3A_706, %dma_wait3A_707] : memref<100000x128xf32, #tpu.memory_space<hbm>> -> memref<100000x128xf32, #tpu.memory_space<hbm>>
      tpu.wait_indirect_dma semaphore(%arg9 : memref<!tpu.dma_semaphore, #tpu.memory_space<semaphore_mem>>) src(%dma_wait3A_708 : memref<100000x128xf32, #tpu.memory_space<hbm>>) dst(%dma_wait3A_702 : memref<64x128xf32, #tpu.memory_space<vmem>>)
      %mul3A_709 = arith.constant 64 : i32
      %mul3A_710 = arith.muli %add3A_697, %mul3A_709 : i32
      %rem3A_711 = arith.constant 200 : i32
      %rem3A_712 = arith.remsi %mul3A_710, %rem3A_711 : i32
      %scan3A_713 = arith.constant 0 : i32
      %scan3A_714 = arith.constant 0 : i32
      %scan3A_715 = arith.constant 64 : i32
      %scan3A_716 = arith.addi %scan3A_714, %scan3A_715 : i32
      %scan3A_717 = arith.constant 1 : i32
      scf.for %scan3A_1063 = %scan3A_714 to %scan3A_716 step %scan3A_717  : i32 {
        %get3A = arith.constant 0 : i32
        %get3A_1064 = arith.index_cast %get3A : i32 to index
        %get3A_1065 = arith.index_cast %scan3A_1063 : i32 to index
        %get3A_1066 = arith.constant 0 : index
        %get3A_1067 = tpu.vector_load %arg8[%get3A_1064, %get3A_1065, %get3A_1066] {strides = array<i32>} : memref<5x64x128xf32, #tpu.memory_space<vmem>>, vector<1x1x16xf32>,
        %get3A_1068 = vector.shape_cast %get3A_1067 : vector<1x1x16xf32> to vector<16xf32>
        %add3A_1069 = arith.addi %rem3A_712, %scan3A_1063 : i32
        %get3A_1070 = arith.index_cast %add3A_1069 : i32 to index
        %get3A_1071 = arith.constant 0 : index
        %get3A_1072 = tpu.vector_load %arg7[%get3A_1070, %get3A_1071] {strides = array<i32>} : memref<256x128xf32, #tpu.memory_space<vmem>>, vector<1x16xf32>,
        %get3A_1073 = vector.shape_cast %get3A_1072 : vector<1x16xf32> to vector<16xf32>
        %add3A_1074 = arith.addf %get3A_1068, %get3A_1073 : vector<16xf32>
        %swap3A = arith.constant 0 : i32
        %swap3A_1075 = arith.index_cast %swap3A : i32 to index
        %swap3A_1076 = arith.index_cast %scan3A_1063 : i32 to index
        %swap3A_1077 = arith.constant 0 : index
        %swap3A_1078 = tpu.vector_load %arg8[%swap3A_1075, %swap3A_1076, %swap3A_1077] {strides = array<i32>} : memref<5x64x128xf32, #tpu.memory_space<vmem>>, vector<1x1x16xf32>,
        %swap3A_1079 = vector.shape_cast %swap3A_1078 : vector<1x1x16xf32> to vector<16xf32>
        %swap3A_1080 = vector.shape_cast %add3A_1074 : vector<16xf32> to vector<1x1x16xf32>
        tpu.vector_store %arg8[%swap3A_1075, %swap3A_1076, %swap3A_1077], %swap3A_1080 {strides = array<i32>} : memref<5x64x128xf32, #tpu.memory_space<vmem>>, vector<1x1x16xf32>,
        %get3A_1081 = arith.constant 0 : i32
        %get3A_1082 = arith.index_cast %get3A_1081 : i32 to index
        %get3A_1083 = arith.index_cast %scan3A_1063 : i32 to index
        %get3A_1084 = arith.constant 16 : index
        %get3A_1085 = tpu.vector_load %arg8[%get3A_1082, %get3A_1083, %get3A_1084] {strides = array<i32>} : memref<5x64x128xf32, #tpu.memory_space<vmem>>, vector<1x1x16xf32>,
        %get3A_1086 = vector.shape_cast %get3A_1085 : vector<1x1x16xf32> to vector<16xf32>
        %add3A_1087 = arith.addi %rem3A_712, %scan3A_1063 : i32
        %get3A_1088 = arith.index_cast %add3A_1087 : i32 to index
        %get3A_1089 = arith.constant 16 : index
        %get3A_1090 = tpu.vector_load %arg7[%get3A_1088, %get3A_1089] {strides = array<i32>} : memref<256x128xf32, #tpu.memory_space<vmem>>, vector<1x16xf32>,
        %get3A_1091 = vector.shape_cast %get3A_1090 : vector<1x16xf32> to vector<16xf32>
        %add3A_1092 = arith.addf %get3A_1086, %get3A_1091 : vector<16xf32>
        %swap3A_1093 = arith.constant 0 : i32
        %swap3A_1094 = arith.index_cast %swap3A_1093 : i32 to index
        %swap3A_1095 = arith.index_cast %scan3A_1063 : i32 to index
        %swap3A_1096 = arith.constant 16 : index
        %swap3A_1097 = tpu.vector_load %arg8[%swap3A_1094, %swap3A_1095, %swap3A_1096] {strides = array<i32>} : memref<5x64x128xf32, #tpu.memory_space<vmem>>, vector<1x1x16xf32>,
        %swap3A_1098 = vector.shape_cast %swap3A_1097 : vector<1x1x16xf32> to vector<16xf32>
        %swap3A_1099 = vector.shape_cast %add3A_1092 : vector<16xf32> to vector<1x1x16xf32>
        tpu.vector_store %arg8[%swap3A_1094, %swap3A_1095, %swap3A_1096], %swap3A_1099 {strides = array<i32>} : memref<5x64x128xf32, #tpu.memory_space<vmem>>, vector<1x1x16xf32>,
        %get3A_1100 = arith.constant 0 : i32
        %get3A_1101 = arith.index_cast %get3A_1100 : i32 to index
        %get3A_1102 = arith.index_cast %scan3A_1063 : i32 to index
        %get3A_1103 = arith.constant 32 : index
        %get3A_1104 = tpu.vector_load %arg8[%get3A_1101, %get3A_1102, %get3A_1103] {strides = array<i32>} : memref<5x64x128xf32, #tpu.memory_space<vmem>>, vector<1x1x16xf32>,
        %get3A_1105 = vector.shape_cast %get3A_1104 : vector<1x1x16xf32> to vector<16xf32>
        %add3A_1106 = arith.addi %rem3A_712, %scan3A_1063 : i32
        %get3A_1107 = arith.index_cast %add3A_1106 : i32 to index
        %get3A_1108 = arith.constant 32 : index
        %get3A_1109 = tpu.vector_load %arg7[%get3A_1107, %get3A_1108] {strides = array<i32>} : memref<256x128xf32, #tpu.memory_space<vmem>>, vector<1x16xf32>,
        %get3A_1110 = vector.shape_cast %get3A_1109 : vector<1x16xf32> to vector<16xf32>
        %add3A_1111 = arith.addf %get3A_1105, %get3A_1110 : vector<16xf32>
        %swap3A_1112 = arith.constant 0 : i32
        %swap3A_1113 = arith.index_cast %swap3A_1112 : i32 to index
        %swap3A_1114 = arith.index_cast %scan3A_1063 : i32 to index
        %swap3A_1115 = arith.constant 32 : index
        %swap3A_1116 = tpu.vector_load %arg8[%swap3A_1113, %swap3A_1114, %swap3A_1115] {strides = array<i32>} : memref<5x64x128xf32, #tpu.memory_space<vmem>>, vector<1x1x16xf32>,
        %swap3A_1117 = vector.shape_cast %swap3A_1116 : vector<1x1x16xf32> to vector<16xf32>
        %swap3A_1118 = vector.shape_cast %add3A_1111 : vector<16xf32> to vector<1x1x16xf32>
        tpu.vector_store %arg8[%swap3A_1113, %swap3A_1114, %swap3A_1115], %swap3A_1118 {strides = array<i32>} : memref<5x64x128xf32, #tpu.memory_space<vmem>>, vector<1x1x16xf32>,
        %get3A_1119 = arith.constant 0 : i32
        %get3A_1120 = arith.index_cast %get3A_1119 : i32 to index
        %get3A_1121 = arith.index_cast %scan3A_1063 : i32 to index
        %get3A_1122 = arith.constant 48 : index
        %get3A_1123 = tpu.vector_load %arg8[%get3A_1120, %get3A_1121, %get3A_1122] {strides = array<i32>} : memref<5x64x128xf32, #tpu.memory_space<vmem>>, vector<1x1x16xf32>,
        %get3A_1124 = vector.shape_cast %get3A_1123 : vector<1x1x16xf32> to vector<16xf32>
        %add3A_1125 = arith.addi %rem3A_712, %scan3A_1063 : i32
        %get3A_1126 = arith.index_cast %add3A_1125 : i32 to index
        %get3A_1127 = arith.constant 48 : index
        %get3A_1128 = tpu.vector_load %arg7[%get3A_1126, %get3A_1127] {strides = array<i32>} : memref<256x128xf32, #tpu.memory_space<vmem>>, vector<1x16xf32>,
        %get3A_1129 = vector.shape_cast %get3A_1128 : vector<1x16xf32> to vector<16xf32>
        %add3A_1130 = arith.addf %get3A_1124, %get3A_1129 : vector<16xf32>
        %swap3A_1131 = arith.constant 0 : i32
        %swap3A_1132 = arith.index_cast %swap3A_1131 : i32 to index
        %swap3A_1133 = arith.index_cast %scan3A_1063 : i32 to index
        %swap3A_1134 = arith.constant 48 : index
        %swap3A_1135 = tpu.vector_load %arg8[%swap3A_1132, %swap3A_1133, %swap3A_1134] {strides = array<i32>} : memref<5x64x128xf32, #tpu.memory_space<vmem>>, vector<1x1x16xf32>,
        %swap3A_1136 = vector.shape_cast %swap3A_1135 : vector<1x1x16xf32> to vector<16xf32>
        %swap3A_1137 = vector.shape_cast %add3A_1130 : vector<16xf32> to vector<1x1x16xf32>
        tpu.vector_store %arg8[%swap3A_1132, %swap3A_1133, %swap3A_1134], %swap3A_1137 {strides = array<i32>} : memref<5x64x128xf32, #tpu.memory_space<vmem>>, vector<1x1x16xf32>,
        %get3A_1138 = arith.constant 0 : i32
        %get3A_1139 = arith.index_cast %get3A_1138 : i32 to index
        %get3A_1140 = arith.index_cast %scan3A_1063 : i32 to index
        %get3A_1141 = arith.constant 64 : index
        %get3A_1142 = tpu.vector_load %arg8[%get3A_1139, %get3A_1140, %get3A_1141] {strides = array<i32>} : memref<5x64x128xf32, #tpu.memory_space<vmem>>, vector<1x1x16xf32>,
        %get3A_1143 = vector.shape_cast %get3A_1142 : vector<1x1x16xf32> to vector<16xf32>
        %add3A_1144 = arith.addi %rem3A_712, %scan3A_1063 : i32
        %get3A_1145 = arith.index_cast %add3A_1144 : i32 to index
        %get3A_1146 = arith.constant 64 : index
        %get3A_1147 = tpu.vector_load %arg7[%get3A_1145, %get3A_1146] {strides = array<i32>} : memref<256x128xf32, #tpu.memory_space<vmem>>, vector<1x16xf32>,
        %get3A_1148 = vector.shape_cast %get3A_1147 : vector<1x16xf32> to vector<16xf32>
        %add3A_1149 = arith.addf %get3A_1143, %get3A_1148 : vector<16xf32>
        %swap3A_1150 = arith.constant 0 : i32
        %swap3A_1151 = arith.index_cast %swap3A_1150 : i32 to index
        %swap3A_1152 = arith.index_cast %scan3A_1063 : i32 to index
        %swap3A_1153 = arith.constant 64 : index
        %swap3A_1154 = tpu.vector_load %arg8[%swap3A_1151, %swap3A_1152, %swap3A_1153] {strides = array<i32>} : memref<5x64x128xf32, #tpu.memory_space<vmem>>, vector<1x1x16xf32>,
        %swap3A_1155 = vector.shape_cast %swap3A_1154 : vector<1x1x16xf32> to vector<16xf32>
        %swap3A_1156 = vector.shape_cast %add3A_1149 : vector<16xf32> to vector<1x1x16xf32>
        tpu.vector_store %arg8[%swap3A_1151, %swap3A_1152, %swap3A_1153], %swap3A_1156 {strides = array<i32>} : memref<5x64x128xf32, #tpu.memory_space<vmem>>, vector<1x1x16xf32>,
        %get3A_1157 = arith.constant 0 : i32
        %get3A_1158 = arith.index_cast %get3A_1157 : i32 to index
        %get3A_1159 = arith.index_cast %scan3A_1063 : i32 to index
        %get3A_1160 = arith.constant 80 : index
        %get3A_1161 = tpu.vector_load %arg8[%get3A_1158, %get3A_1159, %get3A_1160] {strides = array<i32>} : memref<5x64x128xf32, #tpu.memory_space<vmem>>, vector<1x1x16xf32>,
        %get3A_1162 = vector.shape_cast %get3A_1161 : vector<1x1x16xf32> to vector<16xf32>
        %add3A_1163 = arith.addi %rem3A_712, %scan3A_1063 : i32
        %get3A_1164 = arith.index_cast %add3A_1163 : i32 to index
        %get3A_1165 = arith.constant 80 : index
        %get3A_1166 = tpu.vector_load %arg7[%get3A_1164, %get3A_1165] {strides = array<i32>} : memref<256x128xf32, #tpu.memory_space<vmem>>, vector<1x16xf32>,
        %get3A_1167 = vector.shape_cast %get3A_1166 : vector<1x16xf32> to vector<16xf32>
        %add3A_1168 = arith.addf %get3A_1162, %get3A_1167 : vector<16xf32>
        %swap3A_1169 = arith.constant 0 : i32
        %swap3A_1170 = arith.index_cast %swap3A_1169 : i32 to index
        %swap3A_1171 = arith.index_cast %scan3A_1063 : i32 to index
        %swap3A_1172 = arith.constant 80 : index
        %swap3A_1173 = tpu.vector_load %arg8[%swap3A_1170, %swap3A_1171, %swap3A_1172] {strides = array<i32>} : memref<5x64x128xf32, #tpu.memory_space<vmem>>, vector<1x1x16xf32>,
        %swap3A_1174 = vector.shape_cast %swap3A_1173 : vector<1x1x16xf32> to vector<16xf32>
        %swap3A_1175 = vector.shape_cast %add3A_1168 : vector<16xf32> to vector<1x1x16xf32>
        tpu.vector_store %arg8[%swap3A_1170, %swap3A_1171, %swap3A_1172], %swap3A_1175 {strides = array<i32>} : memref<5x64x128xf32, #tpu.memory_space<vmem>>, vector<1x1x16xf32>,
        %get3A_1176 = arith.constant 0 : i32
        %get3A_1177 = arith.index_cast %get3A_1176 : i32 to index
        %get3A_1178 = arith.index_cast %scan3A_1063 : i32 to index
        %get3A_1179 = arith.constant 96 : index
        %get3A_1180 = tpu.vector_load %arg8[%get3A_1177, %get3A_1178, %get3A_1179] {strides = array<i32>} : memref<5x64x128xf32, #tpu.memory_space<vmem>>, vector<1x1x16xf32>,
        %get3A_1181 = vector.shape_cast %get3A_1180 : vector<1x1x16xf32> to vector<16xf32>
        %add3A_1182 = arith.addi %rem3A_712, %scan3A_1063 : i32
        %get3A_1183 = arith.index_cast %add3A_1182 : i32 to index
        %get3A_1184 = arith.constant 96 : index
        %get3A_1185 = tpu.vector_load %arg7[%get3A_1183, %get3A_1184] {strides = array<i32>} : memref<256x128xf32, #tpu.memory_space<vmem>>, vector<1x16xf32>,
        %get3A_1186 = vector.shape_cast %get3A_1185 : vector<1x16xf32> to vector<16xf32>
        %add3A_1187 = arith.addf %get3A_1181, %get3A_1186 : vector<16xf32>
        %swap3A_1188 = arith.constant 0 : i32
        %swap3A_1189 = arith.index_cast %swap3A_1188 : i32 to index
        %swap3A_1190 = arith.index_cast %scan3A_1063 : i32 to index
        %swap3A_1191 = arith.constant 96 : index
        %swap3A_1192 = tpu.vector_load %arg8[%swap3A_1189, %swap3A_1190, %swap3A_1191] {strides = array<i32>} : memref<5x64x128xf32, #tpu.memory_space<vmem>>, vector<1x1x16xf32>,
        %swap3A_1193 = vector.shape_cast %swap3A_1192 : vector<1x1x16xf32> to vector<16xf32>
        %swap3A_1194 = vector.shape_cast %add3A_1187 : vector<16xf32> to vector<1x1x16xf32>
        tpu.vector_store %arg8[%swap3A_1189, %swap3A_1190, %swap3A_1191], %swap3A_1194 {strides = array<i32>} : memref<5x64x128xf32, #tpu.memory_space<vmem>>, vector<1x1x16xf32>,
        %get3A_1195 = arith.constant 0 : i32
        %get3A_1196 = arith.index_cast %get3A_1195 : i32 to index
        %get3A_1197 = arith.index_cast %scan3A_1063 : i32 to index
        %get3A_1198 = arith.constant 112 : index
        %get3A_1199 = tpu.vector_load %arg8[%get3A_1196, %get3A_1197, %get3A_1198] {strides = array<i32>} : memref<5x64x128xf32, #tpu.memory_space<vmem>>, vector<1x1x16xf32>,
        %get3A_1200 = vector.shape_cast %get3A_1199 : vector<1x1x16xf32> to vector<16xf32>
        %add3A_1201 = arith.addi %rem3A_712, %scan3A_1063 : i32
        %get3A_1202 = arith.index_cast %add3A_1201 : i32 to index
        %get3A_1203 = arith.constant 112 : index
        %get3A_1204 = tpu.vector_load %arg7[%get3A_1202, %get3A_1203] {strides = array<i32>} : memref<256x128xf32, #tpu.memory_space<vmem>>, vector<1x16xf32>,
        %get3A_1205 = vector.shape_cast %get3A_1204 : vector<1x16xf32> to vector<16xf32>
        %add3A_1206 = arith.addf %get3A_1200, %get3A_1205 : vector<16xf32>
        %swap3A_1207 = arith.constant 0 : i32
        %swap3A_1208 = arith.index_cast %swap3A_1207 : i32 to index
        %swap3A_1209 = arith.index_cast %scan3A_1063 : i32 to index
        %swap3A_1210 = arith.constant 112 : index
        %swap3A_1211 = tpu.vector_load %arg8[%swap3A_1208, %swap3A_1209, %swap3A_1210] {strides = array<i32>} : memref<5x64x128xf32, #tpu.memory_space<vmem>>, vector<1x1x16xf32>,
        %swap3A_1212 = vector.shape_cast %swap3A_1211 : vector<1x1x16xf32> to vector<16xf32>
        %swap3A_1213 = vector.shape_cast %add3A_1206 : vector<16xf32> to vector<1x1x16xf32>
        tpu.vector_store %arg8[%swap3A_1208, %swap3A_1209, %swap3A_1210], %swap3A_1213 {strides = array<i32>} : memref<5x64x128xf32, #tpu.memory_space<vmem>>, vector<1x1x16xf32>,
      }
      %scan3A_718 = arith.constant 64 : i32
      %dma_start3A_719 = arith.constant 0 : i32
      %dma_start3A_720 = arith.constant 0 : i32
      %dma_start3A_721 = arith.constant 0 : i32
      %dma_start3A_722 = tpu.memref_slice %arg8[%dma_start3A_719, %dma_start3A_720, %dma_start3A_721] : memref<5x64x128xf32, #tpu.memory_space<vmem>> -> memref<1x64x128xf32, #tpu.memory_space<vmem>>
      %dma_start3A_723 = tpu.memref_squeeze %dma_start3A_722 : memref<1x64x128xf32, #tpu.memory_space<vmem>> -> memref<64x128xf32, #tpu.memory_space<vmem>>
      %dma_start3A_724 = arith.constant 0 : i32
      %dma_start3A_725 = arith.constant 0 : i32
      %dma_start3A_726 = tpu.memref_slice %arg5[%add3A, %add3A_697, %dma_start3A_724, %dma_start3A_725] : memref<32x100x64x128xf32, #tpu.memory_space<hbm>> -> memref<1x1x64x128xf32, #tpu.memory_space<hbm>>
      %dma_start3A_727 = tpu.memref_squeeze %dma_start3A_726 : memref<1x1x64x128xf32, #tpu.memory_space<hbm>> -> memref<64x128xf32, #tpu.memory_space<hbm>>
      %dma_start3A_728 = arith.constant 0 : i32
      %dma_start3A_729 = arith.constant 0 : i32
      %dma_start3A_730 = tpu.memref_slice %arg5[%add3A, %add3A_697, %dma_start3A_728, %dma_start3A_729] : memref<32x100x64x128xf32, #tpu.memory_space<hbm>> -> memref<1x1x64x128xf32, #tpu.memory_space<hbm>>
      %dma_start3A_731 = tpu.memref_squeeze %dma_start3A_730 : memref<1x1x64x128xf32, #tpu.memory_space<hbm>> -> memref<64x128xf32, #tpu.memory_space<hbm>>
      %dma_start3A_732 = arith.constant 0 : i32
      %dma_start3A_733 = arith.constant 0 : i32
      %dma_start3A_734 = tpu.memref_slice %arg8[%dma_start3A_719, %dma_start3A_732, %dma_start3A_733] : memref<5x64x128xf32, #tpu.memory_space<vmem>> -> memref<1x64x128xf32, #tpu.memory_space<vmem>>
      %dma_start3A_735 = tpu.memref_squeeze %dma_start3A_734 : memref<1x64x128xf32, #tpu.memory_space<vmem>> -> memref<64x128xf32, #tpu.memory_space<vmem>>
      tpu.enqueue_dma source(%dma_start3A_735 : memref<64x128xf32, #tpu.memory_space<vmem>>) target(%dma_start3A_731 : memref<64x128xf32, #tpu.memory_space<hbm>>) target_semaphore(%arg14 : memref<!tpu.dma_semaphore, #tpu.memory_space<semaphore_mem>>)
      %sub3A = arith.constant 2 : i32
      %sub3A_736 = arith.subi %add3A_697, %sub3A : i32
      %dma_wait3A_737 = arith.constant 3 : i32
      %dma_wait3A_738 = arith.constant 0 : i32
      %dma_wait3A_739 = arith.constant 0 : i32
      %dma_wait3A_740 = tpu.memref_slice %arg8[%dma_wait3A_737, %dma_wait3A_738, %dma_wait3A_739] : memref<5x64x128xf32, #tpu.memory_space<vmem>> -> memref<1x64x128xf32, #tpu.memory_space<vmem>>
      %dma_wait3A_741 = tpu.memref_squeeze %dma_wait3A_740 : memref<1x64x128xf32, #tpu.memory_space<vmem>> -> memref<64x128xf32, #tpu.memory_space<vmem>>
      %dma_wait3A_742 = arith.constant 0 : i32
      %dma_wait3A_743 = arith.constant 0 : i32
      %dma_wait3A_744 = tpu.memref_slice %arg5[%add3A, %sub3A_736, %dma_wait3A_742, %dma_wait3A_743] : memref<32x100x64x128xf32, #tpu.memory_space<hbm>> -> memref<1x1x64x128xf32, #tpu.memory_space<hbm>>
      %dma_wait3A_745 = tpu.memref_squeeze %dma_wait3A_744 : memref<1x1x64x128xf32, #tpu.memory_space<hbm>> -> memref<64x128xf32, #tpu.memory_space<hbm>>
      %dma_wait3A_746 = arith.constant 0 : i32
      %dma_wait3A_747 = arith.constant 0 : i32
      %dma_wait3A_748 = tpu.memref_slice %arg5[%add3A, %sub3A_736, %dma_wait3A_746, %dma_wait3A_747] : memref<32x100x64x128xf32, #tpu.memory_space<hbm>> -> memref<1x1x64x128xf32, #tpu.memory_space<hbm>>
      %dma_wait3A_749 = tpu.memref_squeeze %dma_wait3A_748 : memref<1x1x64x128xf32, #tpu.memory_space<hbm>> -> memref<64x128xf32, #tpu.memory_space<hbm>>
      %dma_wait3A_750 = arith.constant 0 : i32
      %dma_wait3A_751 = arith.constant 0 : i32
      %dma_wait3A_752 = tpu.memref_slice %arg8[%dma_wait3A_737, %dma_wait3A_750, %dma_wait3A_751] : memref<5x64x128xf32, #tpu.memory_space<vmem>> -> memref<1x64x128xf32, #tpu.memory_space<vmem>>
      %dma_wait3A_753 = tpu.memref_squeeze %dma_wait3A_752 : memref<1x64x128xf32, #tpu.memory_space<vmem>> -> memref<64x128xf32, #tpu.memory_space<vmem>>
      tpu.wait_dma2 semaphore(%arg17 : memref<!tpu.dma_semaphore, #tpu.memory_space<semaphore_mem>>) src(%dma_wait3A_753 : memref<64x128xf32, #tpu.memory_space<vmem>>) dst(%dma_wait3A_749 : memref<64x128xf32, #tpu.memory_space<hbm>>)
      %add3A_754 = arith.constant 3 : i32
      %add3A_755 = arith.addi %add3A_697, %add3A_754 : i32
      %dma_start3A_756 = arith.constant 3 : i32
      %dma_start3A_757 = arith.constant 0 : i32
      %dma_start3A_758 = arith.constant 0 : i32
      %dma_start3A_759 = tpu.memref_slice %arg8[%dma_start3A_756, %dma_start3A_757, %dma_start3A_758] : memref<5x64x128xf32, #tpu.memory_space<vmem>> -> memref<1x64x128xf32, #tpu.memory_space<vmem>>
      %dma_start3A_760 = tpu.memref_squeeze %dma_start3A_759 : memref<1x64x128xf32, #tpu.memory_space<vmem>> -> memref<64x128xf32, #tpu.memory_space<vmem>>
      %dma_start3A_761 = arith.constant 0 : i32
      %dma_start3A_762 = tpu.memref_slice %arg6[%add3A_755, %dma_start3A_761] : memref<100x64xi32, #tpu.memory_space<vmem>> -> memref<1x64xi32, #tpu.memory_space<vmem>>
      %dma_start3A_763 = tpu.memref_squeeze %dma_start3A_762 : memref<1x64xi32, #tpu.memory_space<vmem>> -> memref<64xi32, #tpu.memory_space<vmem>>
      %dma_start3A_764 = arith.constant 0 : i32
      %dma_start3A_765 = arith.constant 0 : i32
      %dma_start3A_766 = tpu.memref_slice %arg3[%dma_start3A_764, %dma_start3A_765] : memref<100000x128xf32, #tpu.memory_space<hbm>> -> memref<100000x128xf32, #tpu.memory_space<hbm>>
      tpu.enqueue_indirect_dma source(%dma_start3A_766 : memref<100000x128xf32, #tpu.memory_space<hbm>>) target(%dma_start3A_760 : memref<64x128xf32, #tpu.memory_space<vmem>>) offsets(%dma_start3A_763 : memref<64xi32, #tpu.memory_space<vmem>>) semaphore(%arg12 : memref<!tpu.dma_semaphore, #tpu.memory_space<semaphore_mem>>)
      %mul3A_767 = arith.constant 5 : i32
      %mul3A_768 = arith.muli %scan3A_693, %mul3A_767 : i32
      %add3A_769 = arith.constant 1 : i32
      %add3A_770 = arith.addi %mul3A_768, %add3A_769 : i32
      %dma_wait3A_771 = arith.constant 1 : i32
      %dma_wait3A_772 = arith.constant 0 : i32
      %dma_wait3A_773 = arith.constant 0 : i32
      %dma_wait3A_774 = tpu.memref_slice %arg8[%dma_wait3A_771, %dma_wait3A_772, %dma_wait3A_773] : memref<5x64x128xf32, #tpu.memory_space<vmem>> -> memref<1x64x128xf32, #tpu.memory_space<vmem>>
      %dma_wait3A_775 = tpu.memref_squeeze %dma_wait3A_774 : memref<1x64x128xf32, #tpu.memory_space<vmem>> -> memref<64x128xf32, #tpu.memory_space<vmem>>
      %dma_wait3A_776 = arith.constant 0 : i32
      %dma_wait3A_777 = tpu.memref_slice %arg6[%add3A_770, %dma_wait3A_776] : memref<100x64xi32, #tpu.memory_space<vmem>> -> memref<1x64xi32, #tpu.memory_space<vmem>>
      %dma_wait3A_778 = tpu.memref_squeeze %dma_wait3A_777 : memref<1x64xi32, #tpu.memory_space<vmem>> -> memref<64xi32, #tpu.memory_space<vmem>>
      %dma_wait3A_779 = arith.constant 0 : i32
      %dma_wait3A_780 = arith.constant 0 : i32
      %dma_wait3A_781 = tpu.memref_slice %arg3[%dma_wait3A_779, %dma_wait3A_780] : memref<100000x128xf32, #tpu.memory_space<hbm>> -> memref<100000x128xf32, #tpu.memory_space<hbm>>
      tpu.wait_indirect_dma semaphore(%arg10 : memref<!tpu.dma_semaphore, #tpu.memory_space<semaphore_mem>>) src(%dma_wait3A_781 : memref<100000x128xf32, #tpu.memory_space<hbm>>) dst(%dma_wait3A_775 : memref<64x128xf32, #tpu.memory_space<vmem>>)
      %mul3A_782 = arith.constant 64 : i32
      %mul3A_783 = arith.muli %add3A_770, %mul3A_782 : i32
      %rem3A_784 = arith.constant 200 : i32
      %rem3A_785 = arith.remsi %mul3A_783, %rem3A_784 : i32
      %scan3A_786 = arith.constant 0 : i32
      %scan3A_787 = arith.constant 0 : i32
      %scan3A_788 = arith.constant 64 : i32
      %scan3A_789 = arith.addi %scan3A_787, %scan3A_788 : i32
      %scan3A_790 = arith.constant 1 : i32
      scf.for %scan3A_1063 = %scan3A_787 to %scan3A_789 step %scan3A_790  : i32 {
        %get3A = arith.constant 1 : i32
        %get3A_1064 = arith.index_cast %get3A : i32 to index
        %get3A_1065 = arith.index_cast %scan3A_1063 : i32 to index
        %get3A_1066 = arith.constant 0 : index
        %get3A_1067 = tpu.vector_load %arg8[%get3A_1064, %get3A_1065, %get3A_1066] {strides = array<i32>} : memref<5x64x128xf32, #tpu.memory_space<vmem>>, vector<1x1x16xf32>,
        %get3A_1068 = vector.shape_cast %get3A_1067 : vector<1x1x16xf32> to vector<16xf32>
        %add3A_1069 = arith.addi %rem3A_785, %scan3A_1063 : i32
        %get3A_1070 = arith.index_cast %add3A_1069 : i32 to index
        %get3A_1071 = arith.constant 0 : index
        %get3A_1072 = tpu.vector_load %arg7[%get3A_1070, %get3A_1071] {strides = array<i32>} : memref<256x128xf32, #tpu.memory_space<vmem>>, vector<1x16xf32>,
        %get3A_1073 = vector.shape_cast %get3A_1072 : vector<1x16xf32> to vector<16xf32>
        %add3A_1074 = arith.addf %get3A_1068, %get3A_1073 : vector<16xf32>
        %swap3A = arith.constant 1 : i32
        %swap3A_1075 = arith.index_cast %swap3A : i32 to index
        %swap3A_1076 = arith.index_cast %scan3A_1063 : i32 to index
        %swap3A_1077 = arith.constant 0 : index
        %swap3A_1078 = tpu.vector_load %arg8[%swap3A_1075, %swap3A_1076, %swap3A_1077] {strides = array<i32>} : memref<5x64x128xf32, #tpu.memory_space<vmem>>, vector<1x1x16xf32>,
        %swap3A_1079 = vector.shape_cast %swap3A_1078 : vector<1x1x16xf32> to vector<16xf32>
        %swap3A_1080 = vector.shape_cast %add3A_1074 : vector<16xf32> to vector<1x1x16xf32>
        tpu.vector_store %arg8[%swap3A_1075, %swap3A_1076, %swap3A_1077], %swap3A_1080 {strides = array<i32>} : memref<5x64x128xf32, #tpu.memory_space<vmem>>, vector<1x1x16xf32>,
        %get3A_1081 = arith.constant 1 : i32
        %get3A_1082 = arith.index_cast %get3A_1081 : i32 to index
        %get3A_1083 = arith.index_cast %scan3A_1063 : i32 to index
        %get3A_1084 = arith.constant 16 : index
        %get3A_1085 = tpu.vector_load %arg8[%get3A_1082, %get3A_1083, %get3A_1084] {strides = array<i32>} : memref<5x64x128xf32, #tpu.memory_space<vmem>>, vector<1x1x16xf32>,
        %get3A_1086 = vector.shape_cast %get3A_1085 : vector<1x1x16xf32> to vector<16xf32>
        %add3A_1087 = arith.addi %rem3A_785, %scan3A_1063 : i32
        %get3A_1088 = arith.index_cast %add3A_1087 : i32 to index
        %get3A_1089 = arith.constant 16 : index
        %get3A_1090 = tpu.vector_load %arg7[%get3A_1088, %get3A_1089] {strides = array<i32>} : memref<256x128xf32, #tpu.memory_space<vmem>>, vector<1x16xf32>,
        %get3A_1091 = vector.shape_cast %get3A_1090 : vector<1x16xf32> to vector<16xf32>
        %add3A_1092 = arith.addf %get3A_1086, %get3A_1091 : vector<16xf32>
        %swap3A_1093 = arith.constant 1 : i32
        %swap3A_1094 = arith.index_cast %swap3A_1093 : i32 to index
        %swap3A_1095 = arith.index_cast %scan3A_1063 : i32 to index
        %swap3A_1096 = arith.constant 16 : index
        %swap3A_1097 = tpu.vector_load %arg8[%swap3A_1094, %swap3A_1095, %swap3A_1096] {strides = array<i32>} : memref<5x64x128xf32, #tpu.memory_space<vmem>>, vector<1x1x16xf32>,
        %swap3A_1098 = vector.shape_cast %swap3A_1097 : vector<1x1x16xf32> to vector<16xf32>
        %swap3A_1099 = vector.shape_cast %add3A_1092 : vector<16xf32> to vector<1x1x16xf32>
        tpu.vector_store %arg8[%swap3A_1094, %swap3A_1095, %swap3A_1096], %swap3A_1099 {strides = array<i32>} : memref<5x64x128xf32, #tpu.memory_space<vmem>>, vector<1x1x16xf32>,
        %get3A_1100 = arith.constant 1 : i32
        %get3A_1101 = arith.index_cast %get3A_1100 : i32 to index
        %get3A_1102 = arith.index_cast %scan3A_1063 : i32 to index
        %get3A_1103 = arith.constant 32 : index
        %get3A_1104 = tpu.vector_load %arg8[%get3A_1101, %get3A_1102, %get3A_1103] {strides = array<i32>} : memref<5x64x128xf32, #tpu.memory_space<vmem>>, vector<1x1x16xf32>,
        %get3A_1105 = vector.shape_cast %get3A_1104 : vector<1x1x16xf32> to vector<16xf32>
        %add3A_1106 = arith.addi %rem3A_785, %scan3A_1063 : i32
        %get3A_1107 = arith.index_cast %add3A_1106 : i32 to index
        %get3A_1108 = arith.constant 32 : index
        %get3A_1109 = tpu.vector_load %arg7[%get3A_1107, %get3A_1108] {strides = array<i32>} : memref<256x128xf32, #tpu.memory_space<vmem>>, vector<1x16xf32>,
        %get3A_1110 = vector.shape_cast %get3A_1109 : vector<1x16xf32> to vector<16xf32>
        %add3A_1111 = arith.addf %get3A_1105, %get3A_1110 : vector<16xf32>
        %swap3A_1112 = arith.constant 1 : i32
        %swap3A_1113 = arith.index_cast %swap3A_1112 : i32 to index
        %swap3A_1114 = arith.index_cast %scan3A_1063 : i32 to index
        %swap3A_1115 = arith.constant 32 : index
        %swap3A_1116 = tpu.vector_load %arg8[%swap3A_1113, %swap3A_1114, %swap3A_1115] {strides = array<i32>} : memref<5x64x128xf32, #tpu.memory_space<vmem>>, vector<1x1x16xf32>,
        %swap3A_1117 = vector.shape_cast %swap3A_1116 : vector<1x1x16xf32> to vector<16xf32>
        %swap3A_1118 = vector.shape_cast %add3A_1111 : vector<16xf32> to vector<1x1x16xf32>
        tpu.vector_store %arg8[%swap3A_1113, %swap3A_1114, %swap3A_1115], %swap3A_1118 {strides = array<i32>} : memref<5x64x128xf32, #tpu.memory_space<vmem>>, vector<1x1x16xf32>,
        %get3A_1119 = arith.constant 1 : i32
        %get3A_1120 = arith.index_cast %get3A_1119 : i32 to index
        %get3A_1121 = arith.index_cast %scan3A_1063 : i32 to index
        %get3A_1122 = arith.constant 48 : index
        %get3A_1123 = tpu.vector_load %arg8[%get3A_1120, %get3A_1121, %get3A_1122] {strides = array<i32>} : memref<5x64x128xf32, #tpu.memory_space<vmem>>, vector<1x1x16xf32>,
        %get3A_1124 = vector.shape_cast %get3A_1123 : vector<1x1x16xf32> to vector<16xf32>
        %add3A_1125 = arith.addi %rem3A_785, %scan3A_1063 : i32
        %get3A_1126 = arith.index_cast %add3A_1125 : i32 to index
        %get3A_1127 = arith.constant 48 : index
        %get3A_1128 = tpu.vector_load %arg7[%get3A_1126, %get3A_1127] {strides = array<i32>} : memref<256x128xf32, #tpu.memory_space<vmem>>, vector<1x16xf32>,
        %get3A_1129 = vector.shape_cast %get3A_1128 : vector<1x16xf32> to vector<16xf32>
        %add3A_1130 = arith.addf %get3A_1124, %get3A_1129 : vector<16xf32>
        %swap3A_1131 = arith.constant 1 : i32
        %swap3A_1132 = arith.index_cast %swap3A_1131 : i32 to index
        %swap3A_1133 = arith.index_cast %scan3A_1063 : i32 to index
        %swap3A_1134 = arith.constant 48 : index
        %swap3A_1135 = tpu.vector_load %arg8[%swap3A_1132, %swap3A_1133, %swap3A_1134] {strides = array<i32>} : memref<5x64x128xf32, #tpu.memory_space<vmem>>, vector<1x1x16xf32>,
        %swap3A_1136 = vector.shape_cast %swap3A_1135 : vector<1x1x16xf32> to vector<16xf32>
        %swap3A_1137 = vector.shape_cast %add3A_1130 : vector<16xf32> to vector<1x1x16xf32>
        tpu.vector_store %arg8[%swap3A_1132, %swap3A_1133, %swap3A_1134], %swap3A_1137 {strides = array<i32>} : memref<5x64x128xf32, #tpu.memory_space<vmem>>, vector<1x1x16xf32>,
        %get3A_1138 = arith.constant 1 : i32
        %get3A_1139 = arith.index_cast %get3A_1138 : i32 to index
        %get3A_1140 = arith.index_cast %scan3A_1063 : i32 to index
        %get3A_1141 = arith.constant 64 : index
        %get3A_1142 = tpu.vector_load %arg8[%get3A_1139, %get3A_1140, %get3A_1141] {strides = array<i32>} : memref<5x64x128xf32, #tpu.memory_space<vmem>>, vector<1x1x16xf32>,
        %get3A_1143 = vector.shape_cast %get3A_1142 : vector<1x1x16xf32> to vector<16xf32>
        %add3A_1144 = arith.addi %rem3A_785, %scan3A_1063 : i32
        %get3A_1145 = arith.index_cast %add3A_1144 : i32 to index
        %get3A_1146 = arith.constant 64 : index
        %get3A_1147 = tpu.vector_load %arg7[%get3A_1145, %get3A_1146] {strides = array<i32>} : memref<256x128xf32, #tpu.memory_space<vmem>>, vector<1x16xf32>,
        %get3A_1148 = vector.shape_cast %get3A_1147 : vector<1x16xf32> to vector<16xf32>
        %add3A_1149 = arith.addf %get3A_1143, %get3A_1148 : vector<16xf32>
        %swap3A_1150 = arith.constant 1 : i32
        %swap3A_1151 = arith.index_cast %swap3A_1150 : i32 to index
        %swap3A_1152 = arith.index_cast %scan3A_1063 : i32 to index
        %swap3A_1153 = arith.constant 64 : index
        %swap3A_1154 = tpu.vector_load %arg8[%swap3A_1151, %swap3A_1152, %swap3A_1153] {strides = array<i32>} : memref<5x64x128xf32, #tpu.memory_space<vmem>>, vector<1x1x16xf32>,
        %swap3A_1155 = vector.shape_cast %swap3A_1154 : vector<1x1x16xf32> to vector<16xf32>
        %swap3A_1156 = vector.shape_cast %add3A_1149 : vector<16xf32> to vector<1x1x16xf32>
        tpu.vector_store %arg8[%swap3A_1151, %swap3A_1152, %swap3A_1153], %swap3A_1156 {strides = array<i32>} : memref<5x64x128xf32, #tpu.memory_space<vmem>>, vector<1x1x16xf32>,
        %get3A_1157 = arith.constant 1 : i32
        %get3A_1158 = arith.index_cast %get3A_1157 : i32 to index
        %get3A_1159 = arith.index_cast %scan3A_1063 : i32 to index
        %get3A_1160 = arith.constant 80 : index
        %get3A_1161 = tpu.vector_load %arg8[%get3A_1158, %get3A_1159, %get3A_1160] {strides = array<i32>} : memref<5x64x128xf32, #tpu.memory_space<vmem>>, vector<1x1x16xf32>,
        %get3A_1162 = vector.shape_cast %get3A_1161 : vector<1x1x16xf32> to vector<16xf32>
        %add3A_1163 = arith.addi %rem3A_785, %scan3A_1063 : i32
        %get3A_1164 = arith.index_cast %add3A_1163 : i32 to index
        %get3A_1165 = arith.constant 80 : index
        %get3A_1166 = tpu.vector_load %arg7[%get3A_1164, %get3A_1165] {strides = array<i32>} : memref<256x128xf32, #tpu.memory_space<vmem>>, vector<1x16xf32>,
        %get3A_1167 = vector.shape_cast %get3A_1166 : vector<1x16xf32> to vector<16xf32>
        %add3A_1168 = arith.addf %get3A_1162, %get3A_1167 : vector<16xf32>
        %swap3A_1169 = arith.constant 1 : i32
        %swap3A_1170 = arith.index_cast %swap3A_1169 : i32 to index
        %swap3A_1171 = arith.index_cast %scan3A_1063 : i32 to index
        %swap3A_1172 = arith.constant 80 : index
        %swap3A_1173 = tpu.vector_load %arg8[%swap3A_1170, %swap3A_1171, %swap3A_1172] {strides = array<i32>} : memref<5x64x128xf32, #tpu.memory_space<vmem>>, vector<1x1x16xf32>,
        %swap3A_1174 = vector.shape_cast %swap3A_1173 : vector<1x1x16xf32> to vector<16xf32>
        %swap3A_1175 = vector.shape_cast %add3A_1168 : vector<16xf32> to vector<1x1x16xf32>
        tpu.vector_store %arg8[%swap3A_1170, %swap3A_1171, %swap3A_1172], %swap3A_1175 {strides = array<i32>} : memref<5x64x128xf32, #tpu.memory_space<vmem>>, vector<1x1x16xf32>,
        %get3A_1176 = arith.constant 1 : i32
        %get3A_1177 = arith.index_cast %get3A_1176 : i32 to index
        %get3A_1178 = arith.index_cast %scan3A_1063 : i32 to index
        %get3A_1179 = arith.constant 96 : index
        %get3A_1180 = tpu.vector_load %arg8[%get3A_1177, %get3A_1178, %get3A_1179] {strides = array<i32>} : memref<5x64x128xf32, #tpu.memory_space<vmem>>, vector<1x1x16xf32>,
        %get3A_1181 = vector.shape_cast %get3A_1180 : vector<1x1x16xf32> to vector<16xf32>
        %add3A_1182 = arith.addi %rem3A_785, %scan3A_1063 : i32
        %get3A_1183 = arith.index_cast %add3A_1182 : i32 to index
        %get3A_1184 = arith.constant 96 : index
        %get3A_1185 = tpu.vector_load %arg7[%get3A_1183, %get3A_1184] {strides = array<i32>} : memref<256x128xf32, #tpu.memory_space<vmem>>, vector<1x16xf32>,
        %get3A_1186 = vector.shape_cast %get3A_1185 : vector<1x16xf32> to vector<16xf32>
        %add3A_1187 = arith.addf %get3A_1181, %get3A_1186 : vector<16xf32>
        %swap3A_1188 = arith.constant 1 : i32
        %swap3A_1189 = arith.index_cast %swap3A_1188 : i32 to index
        %swap3A_1190 = arith.index_cast %scan3A_1063 : i32 to index
        %swap3A_1191 = arith.constant 96 : index
        %swap3A_1192 = tpu.vector_load %arg8[%swap3A_1189, %swap3A_1190, %swap3A_1191] {strides = array<i32>} : memref<5x64x128xf32, #tpu.memory_space<vmem>>, vector<1x1x16xf32>,
        %swap3A_1193 = vector.shape_cast %swap3A_1192 : vector<1x1x16xf32> to vector<16xf32>
        %swap3A_1194 = vector.shape_cast %add3A_1187 : vector<16xf32> to vector<1x1x16xf32>
        tpu.vector_store %arg8[%swap3A_1189, %swap3A_1190, %swap3A_1191], %swap3A_1194 {strides = array<i32>} : memref<5x64x128xf32, #tpu.memory_space<vmem>>, vector<1x1x16xf32>,
        %get3A_1195 = arith.constant 1 : i32
        %get3A_1196 = arith.index_cast %get3A_1195 : i32 to index
        %get3A_1197 = arith.index_cast %scan3A_1063 : i32 to index
        %get3A_1198 = arith.constant 112 : index
        %get3A_1199 = tpu.vector_load %arg8[%get3A_1196, %get3A_1197, %get3A_1198] {strides = array<i32>} : memref<5x64x128xf32, #tpu.memory_space<vmem>>, vector<1x1x16xf32>,
        %get3A_1200 = vector.shape_cast %get3A_1199 : vector<1x1x16xf32> to vector<16xf32>
        %add3A_1201 = arith.addi %rem3A_785, %scan3A_1063 : i32
        %get3A_1202 = arith.index_cast %add3A_1201 : i32 to index
        %get3A_1203 = arith.constant 112 : index
        %get3A_1204 = tpu.vector_load %arg7[%get3A_1202, %get3A_1203] {strides = array<i32>} : memref<256x128xf32, #tpu.memory_space<vmem>>, vector<1x16xf32>,
        %get3A_1205 = vector.shape_cast %get3A_1204 : vector<1x16xf32> to vector<16xf32>
        %add3A_1206 = arith.addf %get3A_1200, %get3A_1205 : vector<16xf32>
        %swap3A_1207 = arith.constant 1 : i32
        %swap3A_1208 = arith.index_cast %swap3A_1207 : i32 to index
        %swap3A_1209 = arith.index_cast %scan3A_1063 : i32 to index
        %swap3A_1210 = arith.constant 112 : index
        %swap3A_1211 = tpu.vector_load %arg8[%swap3A_1208, %swap3A_1209, %swap3A_1210] {strides = array<i32>} : memref<5x64x128xf32, #tpu.memory_space<vmem>>, vector<1x1x16xf32>,
        %swap3A_1212 = vector.shape_cast %swap3A_1211 : vector<1x1x16xf32> to vector<16xf32>
        %swap3A_1213 = vector.shape_cast %add3A_1206 : vector<16xf32> to vector<1x1x16xf32>
        tpu.vector_store %arg8[%swap3A_1208, %swap3A_1209, %swap3A_1210], %swap3A_1213 {strides = array<i32>} : memref<5x64x128xf32, #tpu.memory_space<vmem>>, vector<1x1x16xf32>,
      }
      %scan3A_791 = arith.constant 64 : i32
      %dma_start3A_792 = arith.constant 1 : i32
      %dma_start3A_793 = arith.constant 0 : i32
      %dma_start3A_794 = arith.constant 0 : i32
      %dma_start3A_795 = tpu.memref_slice %arg8[%dma_start3A_792, %dma_start3A_793, %dma_start3A_794] : memref<5x64x128xf32, #tpu.memory_space<vmem>> -> memref<1x64x128xf32, #tpu.memory_space<vmem>>
      %dma_start3A_796 = tpu.memref_squeeze %dma_start3A_795 : memref<1x64x128xf32, #tpu.memory_space<vmem>> -> memref<64x128xf32, #tpu.memory_space<vmem>>
      %dma_start3A_797 = arith.constant 0 : i32
      %dma_start3A_798 = arith.constant 0 : i32
      %dma_start3A_799 = tpu.memref_slice %arg5[%add3A, %add3A_770, %dma_start3A_797, %dma_start3A_798] : memref<32x100x64x128xf32, #tpu.memory_space<hbm>> -> memref<1x1x64x128xf32, #tpu.memory_space<hbm>>
      %dma_start3A_800 = tpu.memref_squeeze %dma_start3A_799 : memref<1x1x64x128xf32, #tpu.memory_space<hbm>> -> memref<64x128xf32, #tpu.memory_space<hbm>>
      %dma_start3A_801 = arith.constant 0 : i32
      %dma_start3A_802 = arith.constant 0 : i32
      %dma_start3A_803 = tpu.memref_slice %arg5[%add3A, %add3A_770, %dma_start3A_801, %dma_start3A_802] : memref<32x100x64x128xf32, #tpu.memory_space<hbm>> -> memref<1x1x64x128xf32, #tpu.memory_space<hbm>>
      %dma_start3A_804 = tpu.memref_squeeze %dma_start3A_803 : memref<1x1x64x128xf32, #tpu.memory_space<hbm>> -> memref<64x128xf32, #tpu.memory_space<hbm>>
      %dma_start3A_805 = arith.constant 0 : i32
      %dma_start3A_806 = arith.constant 0 : i32
      %dma_start3A_807 = tpu.memref_slice %arg8[%dma_start3A_792, %dma_start3A_805, %dma_start3A_806] : memref<5x64x128xf32, #tpu.memory_space<vmem>> -> memref<1x64x128xf32, #tpu.memory_space<vmem>>
      %dma_start3A_808 = tpu.memref_squeeze %dma_start3A_807 : memref<1x64x128xf32, #tpu.memory_space<vmem>> -> memref<64x128xf32, #tpu.memory_space<vmem>>
      tpu.enqueue_dma source(%dma_start3A_808 : memref<64x128xf32, #tpu.memory_space<vmem>>) target(%dma_start3A_804 : memref<64x128xf32, #tpu.memory_space<hbm>>) target_semaphore(%arg15 : memref<!tpu.dma_semaphore, #tpu.memory_space<semaphore_mem>>)
      %sub3A_809 = arith.constant 2 : i32
      %sub3A_810 = arith.subi %add3A_770, %sub3A_809 : i32
      %dma_wait3A_811 = arith.constant 4 : i32
      %dma_wait3A_812 = arith.constant 0 : i32
      %dma_wait3A_813 = arith.constant 0 : i32
      %dma_wait3A_814 = tpu.memref_slice %arg8[%dma_wait3A_811, %dma_wait3A_812, %dma_wait3A_813] : memref<5x64x128xf32, #tpu.memory_space<vmem>> -> memref<1x64x128xf32, #tpu.memory_space<vmem>>
      %dma_wait3A_815 = tpu.memref_squeeze %dma_wait3A_814 : memref<1x64x128xf32, #tpu.memory_space<vmem>> -> memref<64x128xf32, #tpu.memory_space<vmem>>
      %dma_wait3A_816 = arith.constant 0 : i32
      %dma_wait3A_817 = arith.constant 0 : i32
      %dma_wait3A_818 = tpu.memref_slice %arg5[%add3A, %sub3A_810, %dma_wait3A_816, %dma_wait3A_817] : memref<32x100x64x128xf32, #tpu.memory_space<hbm>> -> memref<1x1x64x128xf32, #tpu.memory_space<hbm>>
      %dma_wait3A_819 = tpu.memref_squeeze %dma_wait3A_818 : memref<1x1x64x128xf32, #tpu.memory_space<hbm>> -> memref<64x128xf32, #tpu.memory_space<hbm>>
      %dma_wait3A_820 = arith.constant 0 : i32
      %dma_wait3A_821 = arith.constant 0 : i32
      %dma_wait3A_822 = tpu.memref_slice %arg5[%add3A, %sub3A_810, %dma_wait3A_820, %dma_wait3A_821] : memref<32x100x64x128xf32, #tpu.memory_space<hbm>> -> memref<1x1x64x128xf32, #tpu.memory_space<hbm>>
      %dma_wait3A_823 = tpu.memref_squeeze %dma_wait3A_822 : memref<1x1x64x128xf32, #tpu.memory_space<hbm>> -> memref<64x128xf32, #tpu.memory_space<hbm>>
      %dma_wait3A_824 = arith.constant 0 : i32
      %dma_wait3A_825 = arith.constant 0 : i32
      %dma_wait3A_826 = tpu.memref_slice %arg8[%dma_wait3A_811, %dma_wait3A_824, %dma_wait3A_825] : memref<5x64x128xf32, #tpu.memory_space<vmem>> -> memref<1x64x128xf32, #tpu.memory_space<vmem>>
      %dma_wait3A_827 = tpu.memref_squeeze %dma_wait3A_826 : memref<1x64x128xf32, #tpu.memory_space<vmem>> -> memref<64x128xf32, #tpu.memory_space<vmem>>
      tpu.wait_dma2 semaphore(%arg18 : memref<!tpu.dma_semaphore, #tpu.memory_space<semaphore_mem>>) src(%dma_wait3A_827 : memref<64x128xf32, #tpu.memory_space<vmem>>) dst(%dma_wait3A_823 : memref<64x128xf32, #tpu.memory_space<hbm>>)
      %add3A_828 = arith.constant 3 : i32
      %add3A_829 = arith.addi %add3A_770, %add3A_828 : i32
      %dma_start3A_830 = arith.constant 4 : i32
      %dma_start3A_831 = arith.constant 0 : i32
      %dma_start3A_832 = arith.constant 0 : i32
      %dma_start3A_833 = tpu.memref_slice %arg8[%dma_start3A_830, %dma_start3A_831, %dma_start3A_832] : memref<5x64x128xf32, #tpu.memory_space<vmem>> -> memref<1x64x128xf32, #tpu.memory_space<vmem>>
      %dma_start3A_834 = tpu.memref_squeeze %dma_start3A_833 : memref<1x64x128xf32, #tpu.memory_space<vmem>> -> memref<64x128xf32, #tpu.memory_space<vmem>>
      %dma_start3A_835 = arith.constant 0 : i32
      %dma_start3A_836 = tpu.memref_slice %arg6[%add3A_829, %dma_start3A_835] : memref<100x64xi32, #tpu.memory_space<vmem>> -> memref<1x64xi32, #tpu.memory_space<vmem>>
      %dma_start3A_837 = tpu.memref_squeeze %dma_start3A_836 : memref<1x64xi32, #tpu.memory_space<vmem>> -> memref<64xi32, #tpu.memory_space<vmem>>
      %dma_start3A_838 = arith.constant 0 : i32
      %dma_start3A_839 = arith.constant 0 : i32
      %dma_start3A_840 = tpu.memref_slice %arg3[%dma_start3A_838, %dma_start3A_839] : memref<100000x128xf32, #tpu.memory_space<hbm>> -> memref<100000x128xf32, #tpu.memory_space<hbm>>
      tpu.enqueue_indirect_dma source(%dma_start3A_840 : memref<100000x128xf32, #tpu.memory_space<hbm>>) target(%dma_start3A_834 : memref<64x128xf32, #tpu.memory_space<vmem>>) offsets(%dma_start3A_837 : memref<64xi32, #tpu.memory_space<vmem>>) semaphore(%arg13 : memref<!tpu.dma_semaphore, #tpu.memory_space<semaphore_mem>>)
      %mul3A_841 = arith.constant 5 : i32
      %mul3A_842 = arith.muli %scan3A_693, %mul3A_841 : i32
      %add3A_843 = arith.constant 2 : i32
      %add3A_844 = arith.addi %mul3A_842, %add3A_843 : i32
      %dma_wait3A_845 = arith.constant 2 : i32
      %dma_wait3A_846 = arith.constant 0 : i32
      %dma_wait3A_847 = arith.constant 0 : i32
      %dma_wait3A_848 = tpu.memref_slice %arg8[%dma_wait3A_845, %dma_wait3A_846, %dma_wait3A_847] : memref<5x64x128xf32, #tpu.memory_space<vmem>> -> memref<1x64x128xf32, #tpu.memory_space<vmem>>
      %dma_wait3A_849 = tpu.memref_squeeze %dma_wait3A_848 : memref<1x64x128xf32, #tpu.memory_space<vmem>> -> memref<64x128xf32, #tpu.memory_space<vmem>>
      %dma_wait3A_850 = arith.constant 0 : i32
      %dma_wait3A_851 = tpu.memref_slice %arg6[%add3A_844, %dma_wait3A_850] : memref<100x64xi32, #tpu.memory_space<vmem>> -> memref<1x64xi32, #tpu.memory_space<vmem>>
      %dma_wait3A_852 = tpu.memref_squeeze %dma_wait3A_851 : memref<1x64xi32, #tpu.memory_space<vmem>> -> memref<64xi32, #tpu.memory_space<vmem>>
      %dma_wait3A_853 = arith.constant 0 : i32
      %dma_wait3A_854 = arith.constant 0 : i32
      %dma_wait3A_855 = tpu.memref_slice %arg3[%dma_wait3A_853, %dma_wait3A_854] : memref<100000x128xf32, #tpu.memory_space<hbm>> -> memref<100000x128xf32, #tpu.memory_space<hbm>>
      tpu.wait_indirect_dma semaphore(%arg11 : memref<!tpu.dma_semaphore, #tpu.memory_space<semaphore_mem>>) src(%dma_wait3A_855 : memref<100000x128xf32, #tpu.memory_space<hbm>>) dst(%dma_wait3A_849 : memref<64x128xf32, #tpu.memory_space<vmem>>)
      %mul3A_856 = arith.constant 64 : i32
      %mul3A_857 = arith.muli %add3A_844, %mul3A_856 : i32
      %rem3A_858 = arith.constant 200 : i32
      %rem3A_859 = arith.remsi %mul3A_857, %rem3A_858 : i32
      %scan3A_860 = arith.constant 0 : i32
      %scan3A_861 = arith.constant 0 : i32
      %scan3A_862 = arith.constant 64 : i32
      %scan3A_863 = arith.addi %scan3A_861, %scan3A_862 : i32
      %scan3A_864 = arith.constant 1 : i32
      scf.for %scan3A_1063 = %scan3A_861 to %scan3A_863 step %scan3A_864  : i32 {
        %get3A = arith.constant 2 : i32
        %get3A_1064 = arith.index_cast %get3A : i32 to index
        %get3A_1065 = arith.index_cast %scan3A_1063 : i32 to index
        %get3A_1066 = arith.constant 0 : index
        %get3A_1067 = tpu.vector_load %arg8[%get3A_1064, %get3A_1065, %get3A_1066] {strides = array<i32>} : memref<5x64x128xf32, #tpu.memory_space<vmem>>, vector<1x1x16xf32>,
        %get3A_1068 = vector.shape_cast %get3A_1067 : vector<1x1x16xf32> to vector<16xf32>
        %add3A_1069 = arith.addi %rem3A_859, %scan3A_1063 : i32
        %get3A_1070 = arith.index_cast %add3A_1069 : i32 to index
        %get3A_1071 = arith.constant 0 : index
        %get3A_1072 = tpu.vector_load %arg7[%get3A_1070, %get3A_1071] {strides = array<i32>} : memref<256x128xf32, #tpu.memory_space<vmem>>, vector<1x16xf32>,
        %get3A_1073 = vector.shape_cast %get3A_1072 : vector<1x16xf32> to vector<16xf32>
        %add3A_1074 = arith.addf %get3A_1068, %get3A_1073 : vector<16xf32>
        %swap3A = arith.constant 2 : i32
        %swap3A_1075 = arith.index_cast %swap3A : i32 to index
        %swap3A_1076 = arith.index_cast %scan3A_1063 : i32 to index
        %swap3A_1077 = arith.constant 0 : index
        %swap3A_1078 = tpu.vector_load %arg8[%swap3A_1075, %swap3A_1076, %swap3A_1077] {strides = array<i32>} : memref<5x64x128xf32, #tpu.memory_space<vmem>>, vector<1x1x16xf32>,
        %swap3A_1079 = vector.shape_cast %swap3A_1078 : vector<1x1x16xf32> to vector<16xf32>
        %swap3A_1080 = vector.shape_cast %add3A_1074 : vector<16xf32> to vector<1x1x16xf32>
        tpu.vector_store %arg8[%swap3A_1075, %swap3A_1076, %swap3A_1077], %swap3A_1080 {strides = array<i32>} : memref<5x64x128xf32, #tpu.memory_space<vmem>>, vector<1x1x16xf32>,
        %get3A_1081 = arith.constant 2 : i32
        %get3A_1082 = arith.index_cast %get3A_1081 : i32 to index
        %get3A_1083 = arith.index_cast %scan3A_1063 : i32 to index
        %get3A_1084 = arith.constant 16 : index
        %get3A_1085 = tpu.vector_load %arg8[%get3A_1082, %get3A_1083, %get3A_1084] {strides = array<i32>} : memref<5x64x128xf32, #tpu.memory_space<vmem>>, vector<1x1x16xf32>,
        %get3A_1086 = vector.shape_cast %get3A_1085 : vector<1x1x16xf32> to vector<16xf32>
        %add3A_1087 = arith.addi %rem3A_859, %scan3A_1063 : i32
        %get3A_1088 = arith.index_cast %add3A_1087 : i32 to index
        %get3A_1089 = arith.constant 16 : index
        %get3A_1090 = tpu.vector_load %arg7[%get3A_1088, %get3A_1089] {strides = array<i32>} : memref<256x128xf32, #tpu.memory_space<vmem>>, vector<1x16xf32>,
        %get3A_1091 = vector.shape_cast %get3A_1090 : vector<1x16xf32> to vector<16xf32>
        %add3A_1092 = arith.addf %get3A_1086, %get3A_1091 : vector<16xf32>
        %swap3A_1093 = arith.constant 2 : i32
        %swap3A_1094 = arith.index_cast %swap3A_1093 : i32 to index
        %swap3A_1095 = arith.index_cast %scan3A_1063 : i32 to index
        %swap3A_1096 = arith.constant 16 : index
        %swap3A_1097 = tpu.vector_load %arg8[%swap3A_1094, %swap3A_1095, %swap3A_1096] {strides = array<i32>} : memref<5x64x128xf32, #tpu.memory_space<vmem>>, vector<1x1x16xf32>,
        %swap3A_1098 = vector.shape_cast %swap3A_1097 : vector<1x1x16xf32> to vector<16xf32>
        %swap3A_1099 = vector.shape_cast %add3A_1092 : vector<16xf32> to vector<1x1x16xf32>
        tpu.vector_store %arg8[%swap3A_1094, %swap3A_1095, %swap3A_1096], %swap3A_1099 {strides = array<i32>} : memref<5x64x128xf32, #tpu.memory_space<vmem>>, vector<1x1x16xf32>,
        %get3A_1100 = arith.constant 2 : i32
        %get3A_1101 = arith.index_cast %get3A_1100 : i32 to index
        %get3A_1102 = arith.index_cast %scan3A_1063 : i32 to index
        %get3A_1103 = arith.constant 32 : index
        %get3A_1104 = tpu.vector_load %arg8[%get3A_1101, %get3A_1102, %get3A_1103] {strides = array<i32>} : memref<5x64x128xf32, #tpu.memory_space<vmem>>, vector<1x1x16xf32>,
        %get3A_1105 = vector.shape_cast %get3A_1104 : vector<1x1x16xf32> to vector<16xf32>
        %add3A_1106 = arith.addi %rem3A_859, %scan3A_1063 : i32
        %get3A_1107 = arith.index_cast %add3A_1106 : i32 to index
        %get3A_1108 = arith.constant 32 : index
        %get3A_1109 = tpu.vector_load %arg7[%get3A_1107, %get3A_1108] {strides = array<i32>} : memref<256x128xf32, #tpu.memory_space<vmem>>, vector<1x16xf32>,
        %get3A_1110 = vector.shape_cast %get3A_1109 : vector<1x16xf32> to vector<16xf32>
        %add3A_1111 = arith.addf %get3A_1105, %get3A_1110 : vector<16xf32>
        %swap3A_1112 = arith.constant 2 : i32
        %swap3A_1113 = arith.index_cast %swap3A_1112 : i32 to index
        %swap3A_1114 = arith.index_cast %scan3A_1063 : i32 to index
        %swap3A_1115 = arith.constant 32 : index
        %swap3A_1116 = tpu.vector_load %arg8[%swap3A_1113, %swap3A_1114, %swap3A_1115] {strides = array<i32>} : memref<5x64x128xf32, #tpu.memory_space<vmem>>, vector<1x1x16xf32>,
        %swap3A_1117 = vector.shape_cast %swap3A_1116 : vector<1x1x16xf32> to vector<16xf32>
        %swap3A_1118 = vector.shape_cast %add3A_1111 : vector<16xf32> to vector<1x1x16xf32>
        tpu.vector_store %arg8[%swap3A_1113, %swap3A_1114, %swap3A_1115], %swap3A_1118 {strides = array<i32>} : memref<5x64x128xf32, #tpu.memory_space<vmem>>, vector<1x1x16xf32>,
        %get3A_1119 = arith.constant 2 : i32
        %get3A_1120 = arith.index_cast %get3A_1119 : i32 to index
        %get3A_1121 = arith.index_cast %scan3A_1063 : i32 to index
        %get3A_1122 = arith.constant 48 : index
        %get3A_1123 = tpu.vector_load %arg8[%get3A_1120, %get3A_1121, %get3A_1122] {strides = array<i32>} : memref<5x64x128xf32, #tpu.memory_space<vmem>>, vector<1x1x16xf32>,
        %get3A_1124 = vector.shape_cast %get3A_1123 : vector<1x1x16xf32> to vector<16xf32>
        %add3A_1125 = arith.addi %rem3A_859, %scan3A_1063 : i32
        %get3A_1126 = arith.index_cast %add3A_1125 : i32 to index
        %get3A_1127 = arith.constant 48 : index
        %get3A_1128 = tpu.vector_load %arg7[%get3A_1126, %get3A_1127] {strides = array<i32>} : memref<256x128xf32, #tpu.memory_space<vmem>>, vector<1x16xf32>,
        %get3A_1129 = vector.shape_cast %get3A_1128 : vector<1x16xf32> to vector<16xf32>
        %add3A_1130 = arith.addf %get3A_1124, %get3A_1129 : vector<16xf32>
        %swap3A_1131 = arith.constant 2 : i32
        %swap3A_1132 = arith.index_cast %swap3A_1131 : i32 to index
        %swap3A_1133 = arith.index_cast %scan3A_1063 : i32 to index
        %swap3A_1134 = arith.constant 48 : index
        %swap3A_1135 = tpu.vector_load %arg8[%swap3A_1132, %swap3A_1133, %swap3A_1134] {strides = array<i32>} : memref<5x64x128xf32, #tpu.memory_space<vmem>>, vector<1x1x16xf32>,
        %swap3A_1136 = vector.shape_cast %swap3A_1135 : vector<1x1x16xf32> to vector<16xf32>
        %swap3A_1137 = vector.shape_cast %add3A_1130 : vector<16xf32> to vector<1x1x16xf32>
        tpu.vector_store %arg8[%swap3A_1132, %swap3A_1133, %swap3A_1134], %swap3A_1137 {strides = array<i32>} : memref<5x64x128xf32, #tpu.memory_space<vmem>>, vector<1x1x16xf32>,
        %get3A_1138 = arith.constant 2 : i32
        %get3A_1139 = arith.index_cast %get3A_1138 : i32 to index
        %get3A_1140 = arith.index_cast %scan3A_1063 : i32 to index
        %get3A_1141 = arith.constant 64 : index
        %get3A_1142 = tpu.vector_load %arg8[%get3A_1139, %get3A_1140, %get3A_1141] {strides = array<i32>} : memref<5x64x128xf32, #tpu.memory_space<vmem>>, vector<1x1x16xf32>,
        %get3A_1143 = vector.shape_cast %get3A_1142 : vector<1x1x16xf32> to vector<16xf32>
        %add3A_1144 = arith.addi %rem3A_859, %scan3A_1063 : i32
        %get3A_1145 = arith.index_cast %add3A_1144 : i32 to index
        %get3A_1146 = arith.constant 64 : index
        %get3A_1147 = tpu.vector_load %arg7[%get3A_1145, %get3A_1146] {strides = array<i32>} : memref<256x128xf32, #tpu.memory_space<vmem>>, vector<1x16xf32>,
        %get3A_1148 = vector.shape_cast %get3A_1147 : vector<1x16xf32> to vector<16xf32>
        %add3A_1149 = arith.addf %get3A_1143, %get3A_1148 : vector<16xf32>
        %swap3A_1150 = arith.constant 2 : i32
        %swap3A_1151 = arith.index_cast %swap3A_1150 : i32 to index
        %swap3A_1152 = arith.index_cast %scan3A_1063 : i32 to index
        %swap3A_1153 = arith.constant 64 : index
        %swap3A_1154 = tpu.vector_load %arg8[%swap3A_1151, %swap3A_1152, %swap3A_1153] {strides = array<i32>} : memref<5x64x128xf32, #tpu.memory_space<vmem>>, vector<1x1x16xf32>,
        %swap3A_1155 = vector.shape_cast %swap3A_1154 : vector<1x1x16xf32> to vector<16xf32>
        %swap3A_1156 = vector.shape_cast %add3A_1149 : vector<16xf32> to vector<1x1x16xf32>
        tpu.vector_store %arg8[%swap3A_1151, %swap3A_1152, %swap3A_1153], %swap3A_1156 {strides = array<i32>} : memref<5x64x128xf32, #tpu.memory_space<vmem>>, vector<1x1x16xf32>,
        %get3A_1157 = arith.constant 2 : i32
        %get3A_1158 = arith.index_cast %get3A_1157 : i32 to index
        %get3A_1159 = arith.index_cast %scan3A_1063 : i32 to index
        %get3A_1160 = arith.constant 80 : index
        %get3A_1161 = tpu.vector_load %arg8[%get3A_1158, %get3A_1159, %get3A_1160] {strides = array<i32>} : memref<5x64x128xf32, #tpu.memory_space<vmem>>, vector<1x1x16xf32>,
        %get3A_1162 = vector.shape_cast %get3A_1161 : vector<1x1x16xf32> to vector<16xf32>
        %add3A_1163 = arith.addi %rem3A_859, %scan3A_1063 : i32
        %get3A_1164 = arith.index_cast %add3A_1163 : i32 to index
        %get3A_1165 = arith.constant 80 : index
        %get3A_1166 = tpu.vector_load %arg7[%get3A_1164, %get3A_1165] {strides = array<i32>} : memref<256x128xf32, #tpu.memory_space<vmem>>, vector<1x16xf32>,
        %get3A_1167 = vector.shape_cast %get3A_1166 : vector<1x16xf32> to vector<16xf32>
        %add3A_1168 = arith.addf %get3A_1162, %get3A_1167 : vector<16xf32>
        %swap3A_1169 = arith.constant 2 : i32
        %swap3A_1170 = arith.index_cast %swap3A_1169 : i32 to index
        %swap3A_1171 = arith.index_cast %scan3A_1063 : i32 to index
        %swap3A_1172 = arith.constant 80 : index
        %swap3A_1173 = tpu.vector_load %arg8[%swap3A_1170, %swap3A_1171, %swap3A_1172] {strides = array<i32>} : memref<5x64x128xf32, #tpu.memory_space<vmem>>, vector<1x1x16xf32>,
        %swap3A_1174 = vector.shape_cast %swap3A_1173 : vector<1x1x16xf32> to vector<16xf32>
        %swap3A_1175 = vector.shape_cast %add3A_1168 : vector<16xf32> to vector<1x1x16xf32>
        tpu.vector_store %arg8[%swap3A_1170, %swap3A_1171, %swap3A_1172], %swap3A_1175 {strides = array<i32>} : memref<5x64x128xf32, #tpu.memory_space<vmem>>, vector<1x1x16xf32>,
        %get3A_1176 = arith.constant 2 : i32
        %get3A_1177 = arith.index_cast %get3A_1176 : i32 to index
        %get3A_1178 = arith.index_cast %scan3A_1063 : i32 to index
        %get3A_1179 = arith.constant 96 : index
        %get3A_1180 = tpu.vector_load %arg8[%get3A_1177, %get3A_1178, %get3A_1179] {strides = array<i32>} : memref<5x64x128xf32, #tpu.memory_space<vmem>>, vector<1x1x16xf32>,
        %get3A_1181 = vector.shape_cast %get3A_1180 : vector<1x1x16xf32> to vector<16xf32>
        %add3A_1182 = arith.addi %rem3A_859, %scan3A_1063 : i32
        %get3A_1183 = arith.index_cast %add3A_1182 : i32 to index
        %get3A_1184 = arith.constant 96 : index
        %get3A_1185 = tpu.vector_load %arg7[%get3A_1183, %get3A_1184] {strides = array<i32>} : memref<256x128xf32, #tpu.memory_space<vmem>>, vector<1x16xf32>,
        %get3A_1186 = vector.shape_cast %get3A_1185 : vector<1x16xf32> to vector<16xf32>
        %add3A_1187 = arith.addf %get3A_1181, %get3A_1186 : vector<16xf32>
        %swap3A_1188 = arith.constant 2 : i32
        %swap3A_1189 = arith.index_cast %swap3A_1188 : i32 to index
        %swap3A_1190 = arith.index_cast %scan3A_1063 : i32 to index
        %swap3A_1191 = arith.constant 96 : index
        %swap3A_1192 = tpu.vector_load %arg8[%swap3A_1189, %swap3A_1190, %swap3A_1191] {strides = array<i32>} : memref<5x64x128xf32, #tpu.memory_space<vmem>>, vector<1x1x16xf32>,
        %swap3A_1193 = vector.shape_cast %swap3A_1192 : vector<1x1x16xf32> to vector<16xf32>
        %swap3A_1194 = vector.shape_cast %add3A_1187 : vector<16xf32> to vector<1x1x16xf32>
        tpu.vector_store %arg8[%swap3A_1189, %swap3A_1190, %swap3A_1191], %swap3A_1194 {strides = array<i32>} : memref<5x64x128xf32, #tpu.memory_space<vmem>>, vector<1x1x16xf32>,
        %get3A_1195 = arith.constant 2 : i32
        %get3A_1196 = arith.index_cast %get3A_1195 : i32 to index
        %get3A_1197 = arith.index_cast %scan3A_1063 : i32 to index
        %get3A_1198 = arith.constant 112 : index
        %get3A_1199 = tpu.vector_load %arg8[%get3A_1196, %get3A_1197, %get3A_1198] {strides = array<i32>} : memref<5x64x128xf32, #tpu.memory_space<vmem>>, vector<1x1x16xf32>,
        %get3A_1200 = vector.shape_cast %get3A_1199 : vector<1x1x16xf32> to vector<16xf32>
        %add3A_1201 = arith.addi %rem3A_859, %scan3A_1063 : i32
        %get3A_1202 = arith.index_cast %add3A_1201 : i32 to index
        %get3A_1203 = arith.constant 112 : index
        %get3A_1204 = tpu.vector_load %arg7[%get3A_1202, %get3A_1203] {strides = array<i32>} : memref<256x128xf32, #tpu.memory_space<vmem>>, vector<1x16xf32>,
        %get3A_1205 = vector.shape_cast %get3A_1204 : vector<1x16xf32> to vector<16xf32>
        %add3A_1206 = arith.addf %get3A_1200, %get3A_1205 : vector<16xf32>
        %swap3A_1207 = arith.constant 2 : i32
        %swap3A_1208 = arith.index_cast %swap3A_1207 : i32 to index
        %swap3A_1209 = arith.index_cast %scan3A_1063 : i32 to index
        %swap3A_1210 = arith.constant 112 : index
        %swap3A_1211 = tpu.vector_load %arg8[%swap3A_1208, %swap3A_1209, %swap3A_1210] {strides = array<i32>} : memref<5x64x128xf32, #tpu.memory_space<vmem>>, vector<1x1x16xf32>,
        %swap3A_1212 = vector.shape_cast %swap3A_1211 : vector<1x1x16xf32> to vector<16xf32>
        %swap3A_1213 = vector.shape_cast %add3A_1206 : vector<16xf32> to vector<1x1x16xf32>
        tpu.vector_store %arg8[%swap3A_1208, %swap3A_1209, %swap3A_1210], %swap3A_1213 {strides = array<i32>} : memref<5x64x128xf32, #tpu.memory_space<vmem>>, vector<1x1x16xf32>,
      }
      %scan3A_865 = arith.constant 64 : i32
      %dma_start3A_866 = arith.constant 2 : i32
      %dma_start3A_867 = arith.constant 0 : i32
      %dma_start3A_868 = arith.constant 0 : i32
      %dma_start3A_869 = tpu.memref_slice %arg8[%dma_start3A_866, %dma_start3A_867, %dma_start3A_868] : memref<5x64x128xf32, #tpu.memory_space<vmem>> -> memref<1x64x128xf32, #tpu.memory_space<vmem>>
      %dma_start3A_870 = tpu.memref_squeeze %dma_start3A_869 : memref<1x64x128xf32, #tpu.memory_space<vmem>> -> memref<64x128xf32, #tpu.memory_space<vmem>>
      %dma_start3A_871 = arith.constant 0 : i32
      %dma_start3A_872 = arith.constant 0 : i32
      %dma_start3A_873 = tpu.memref_slice %arg5[%add3A, %add3A_844, %dma_start3A_871, %dma_start3A_872] : memref<32x100x64x128xf32, #tpu.memory_space<hbm>> -> memref<1x1x64x128xf32, #tpu.memory_space<hbm>>
      %dma_start3A_874 = tpu.memref_squeeze %dma_start3A_873 : memref<1x1x64x128xf32, #tpu.memory_space<hbm>> -> memref<64x128xf32, #tpu.memory_space<hbm>>
      %dma_start3A_875 = arith.constant 0 : i32
      %dma_start3A_876 = arith.constant 0 : i32
      %dma_start3A_877 = tpu.memref_slice %arg5[%add3A, %add3A_844, %dma_start3A_875, %dma_start3A_876] : memref<32x100x64x128xf32, #tpu.memory_space<hbm>> -> memref<1x1x64x128xf32, #tpu.memory_space<hbm>>
      %dma_start3A_878 = tpu.memref_squeeze %dma_start3A_877 : memref<1x1x64x128xf32, #tpu.memory_space<hbm>> -> memref<64x128xf32, #tpu.memory_space<hbm>>
      %dma_start3A_879 = arith.constant 0 : i32
      %dma_start3A_880 = arith.constant 0 : i32
      %dma_start3A_881 = tpu.memref_slice %arg8[%dma_start3A_866, %dma_start3A_879, %dma_start3A_880] : memref<5x64x128xf32, #tpu.memory_space<vmem>> -> memref<1x64x128xf32, #tpu.memory_space<vmem>>
      %dma_start3A_882 = tpu.memref_squeeze %dma_start3A_881 : memref<1x64x128xf32, #tpu.memory_space<vmem>> -> memref<64x128xf32, #tpu.memory_space<vmem>>
      tpu.enqueue_dma source(%dma_start3A_882 : memref<64x128xf32, #tpu.memory_space<vmem>>) target(%dma_start3A_878 : memref<64x128xf32, #tpu.memory_space<hbm>>) target_semaphore(%arg16 : memref<!tpu.dma_semaphore, #tpu.memory_space<semaphore_mem>>)
      %sub3A_883 = arith.constant 2 : i32
      %sub3A_884 = arith.subi %add3A_844, %sub3A_883 : i32
      %dma_wait3A_885 = arith.constant 0 : i32
      %dma_wait3A_886 = arith.constant 0 : i32
      %dma_wait3A_887 = arith.constant 0 : i32
      %dma_wait3A_888 = tpu.memref_slice %arg8[%dma_wait3A_885, %dma_wait3A_886, %dma_wait3A_887] : memref<5x64x128xf32, #tpu.memory_space<vmem>> -> memref<1x64x128xf32, #tpu.memory_space<vmem>>
      %dma_wait3A_889 = tpu.memref_squeeze %dma_wait3A_888 : memref<1x64x128xf32, #tpu.memory_space<vmem>> -> memref<64x128xf32, #tpu.memory_space<vmem>>
      %dma_wait3A_890 = arith.constant 0 : i32
      %dma_wait3A_891 = arith.constant 0 : i32
      %dma_wait3A_892 = tpu.memref_slice %arg5[%add3A, %sub3A_884, %dma_wait3A_890, %dma_wait3A_891] : memref<32x100x64x128xf32, #tpu.memory_space<hbm>> -> memref<1x1x64x128xf32, #tpu.memory_space<hbm>>
      %dma_wait3A_893 = tpu.memref_squeeze %dma_wait3A_892 : memref<1x1x64x128xf32, #tpu.memory_space<hbm>> -> memref<64x128xf32, #tpu.memory_space<hbm>>
      %dma_wait3A_894 = arith.constant 0 : i32
      %dma_wait3A_895 = arith.constant 0 : i32
      %dma_wait3A_896 = tpu.memref_slice %arg5[%add3A, %sub3A_884, %dma_wait3A_894, %dma_wait3A_895] : memref<32x100x64x128xf32, #tpu.memory_space<hbm>> -> memref<1x1x64x128xf32, #tpu.memory_space<hbm>>
      %dma_wait3A_897 = tpu.memref_squeeze %dma_wait3A_896 : memref<1x1x64x128xf32, #tpu.memory_space<hbm>> -> memref<64x128xf32, #tpu.memory_space<hbm>>
      %dma_wait3A_898 = arith.constant 0 : i32
      %dma_wait3A_899 = arith.constant 0 : i32
      %dma_wait3A_900 = tpu.memref_slice %arg8[%dma_wait3A_885, %dma_wait3A_898, %dma_wait3A_899] : memref<5x64x128xf32, #tpu.memory_space<vmem>> -> memref<1x64x128xf32, #tpu.memory_space<vmem>>
      %dma_wait3A_901 = tpu.memref_squeeze %dma_wait3A_900 : memref<1x64x128xf32, #tpu.memory_space<vmem>> -> memref<64x128xf32, #tpu.memory_space<vmem>>
      tpu.wait_dma2 semaphore(%arg14 : memref<!tpu.dma_semaphore, #tpu.memory_space<semaphore_mem>>) src(%dma_wait3A_901 : memref<64x128xf32, #tpu.memory_space<vmem>>) dst(%dma_wait3A_897 : memref<64x128xf32, #tpu.memory_space<hbm>>)
      %add3A_902 = arith.constant 3 : i32
      %add3A_903 = arith.addi %add3A_844, %add3A_902 : i32
      %dma_start3A_904 = arith.constant 0 : i32
      %dma_start3A_905 = arith.constant 0 : i32
      %dma_start3A_906 = arith.constant 0 : i32
      %dma_start3A_907 = tpu.memref_slice %arg8[%dma_start3A_904, %dma_start3A_905, %dma_start3A_906] : memref<5x64x128xf32, #tpu.memory_space<vmem>> -> memref<1x64x128xf32, #tpu.memory_space<vmem>>
      %dma_start3A_908 = tpu.memref_squeeze %dma_start3A_907 : memref<1x64x128xf32, #tpu.memory_space<vmem>> -> memref<64x128xf32, #tpu.memory_space<vmem>>
      %dma_start3A_909 = arith.constant 0 : i32
      %dma_start3A_910 = tpu.memref_slice %arg6[%add3A_903, %dma_start3A_909] : memref<100x64xi32, #tpu.memory_space<vmem>> -> memref<1x64xi32, #tpu.memory_space<vmem>>
      %dma_start3A_911 = tpu.memref_squeeze %dma_start3A_910 : memref<1x64xi32, #tpu.memory_space<vmem>> -> memref<64xi32, #tpu.memory_space<vmem>>
      %dma_start3A_912 = arith.constant 0 : i32
      %dma_start3A_913 = arith.constant 0 : i32
      %dma_start3A_914 = tpu.memref_slice %arg3[%dma_start3A_912, %dma_start3A_913] : memref<100000x128xf32, #tpu.memory_space<hbm>> -> memref<100000x128xf32, #tpu.memory_space<hbm>>
      tpu.enqueue_indirect_dma source(%dma_start3A_914 : memref<100000x128xf32, #tpu.memory_space<hbm>>) target(%dma_start3A_908 : memref<64x128xf32, #tpu.memory_space<vmem>>) offsets(%dma_start3A_911 : memref<64xi32, #tpu.memory_space<vmem>>) semaphore(%arg9 : memref<!tpu.dma_semaphore, #tpu.memory_space<semaphore_mem>>)
      %mul3A_915 = arith.constant 5 : i32
      %mul3A_916 = arith.muli %scan3A_693, %mul3A_915 : i32
      %add3A_917 = arith.constant 3 : i32
      %add3A_918 = arith.addi %mul3A_916, %add3A_917 : i32
      %dma_wait3A_919 = arith.constant 3 : i32
      %dma_wait3A_920 = arith.constant 0 : i32
      %dma_wait3A_921 = arith.constant 0 : i32
      %dma_wait3A_922 = tpu.memref_slice %arg8[%dma_wait3A_919, %dma_wait3A_920, %dma_wait3A_921] : memref<5x64x128xf32, #tpu.memory_space<vmem>> -> memref<1x64x128xf32, #tpu.memory_space<vmem>>
      %dma_wait3A_923 = tpu.memref_squeeze %dma_wait3A_922 : memref<1x64x128xf32, #tpu.memory_space<vmem>> -> memref<64x128xf32, #tpu.memory_space<vmem>>
      %dma_wait3A_924 = arith.constant 0 : i32
      %dma_wait3A_925 = tpu.memref_slice %arg6[%add3A_918, %dma_wait3A_924] : memref<100x64xi32, #tpu.memory_space<vmem>> -> memref<1x64xi32, #tpu.memory_space<vmem>>
      %dma_wait3A_926 = tpu.memref_squeeze %dma_wait3A_925 : memref<1x64xi32, #tpu.memory_space<vmem>> -> memref<64xi32, #tpu.memory_space<vmem>>
      %dma_wait3A_927 = arith.constant 0 : i32
      %dma_wait3A_928 = arith.constant 0 : i32
      %dma_wait3A_929 = tpu.memref_slice %arg3[%dma_wait3A_927, %dma_wait3A_928] : memref<100000x128xf32, #tpu.memory_space<hbm>> -> memref<100000x128xf32, #tpu.memory_space<hbm>>
      tpu.wait_indirect_dma semaphore(%arg12 : memref<!tpu.dma_semaphore, #tpu.memory_space<semaphore_mem>>) src(%dma_wait3A_929 : memref<100000x128xf32, #tpu.memory_space<hbm>>) dst(%dma_wait3A_923 : memref<64x128xf32, #tpu.memory_space<vmem>>)
      %mul3A_930 = arith.constant 64 : i32
      %mul3A_931 = arith.muli %add3A_918, %mul3A_930 : i32
      %rem3A_932 = arith.constant 200 : i32
      %rem3A_933 = arith.remsi %mul3A_931, %rem3A_932 : i32
      %scan3A_934 = arith.constant 0 : i32
      %scan3A_935 = arith.constant 0 : i32
      %scan3A_936 = arith.constant 64 : i32
      %scan3A_937 = arith.addi %scan3A_935, %scan3A_936 : i32
      %scan3A_938 = arith.constant 1 : i32
      scf.for %scan3A_1063 = %scan3A_935 to %scan3A_937 step %scan3A_938  : i32 {
        %get3A = arith.constant 3 : i32
        %get3A_1064 = arith.index_cast %get3A : i32 to index
        %get3A_1065 = arith.index_cast %scan3A_1063 : i32 to index
        %get3A_1066 = arith.constant 0 : index
        %get3A_1067 = tpu.vector_load %arg8[%get3A_1064, %get3A_1065, %get3A_1066] {strides = array<i32>} : memref<5x64x128xf32, #tpu.memory_space<vmem>>, vector<1x1x16xf32>,
        %get3A_1068 = vector.shape_cast %get3A_1067 : vector<1x1x16xf32> to vector<16xf32>
        %add3A_1069 = arith.addi %rem3A_933, %scan3A_1063 : i32
        %get3A_1070 = arith.index_cast %add3A_1069 : i32 to index
        %get3A_1071 = arith.constant 0 : index
        %get3A_1072 = tpu.vector_load %arg7[%get3A_1070, %get3A_1071] {strides = array<i32>} : memref<256x128xf32, #tpu.memory_space<vmem>>, vector<1x16xf32>,
        %get3A_1073 = vector.shape_cast %get3A_1072 : vector<1x16xf32> to vector<16xf32>
        %add3A_1074 = arith.addf %get3A_1068, %get3A_1073 : vector<16xf32>
        %swap3A = arith.constant 3 : i32
        %swap3A_1075 = arith.index_cast %swap3A : i32 to index
        %swap3A_1076 = arith.index_cast %scan3A_1063 : i32 to index
        %swap3A_1077 = arith.constant 0 : index
        %swap3A_1078 = tpu.vector_load %arg8[%swap3A_1075, %swap3A_1076, %swap3A_1077] {strides = array<i32>} : memref<5x64x128xf32, #tpu.memory_space<vmem>>, vector<1x1x16xf32>,
        %swap3A_1079 = vector.shape_cast %swap3A_1078 : vector<1x1x16xf32> to vector<16xf32>
        %swap3A_1080 = vector.shape_cast %add3A_1074 : vector<16xf32> to vector<1x1x16xf32>
        tpu.vector_store %arg8[%swap3A_1075, %swap3A_1076, %swap3A_1077], %swap3A_1080 {strides = array<i32>} : memref<5x64x128xf32, #tpu.memory_space<vmem>>, vector<1x1x16xf32>,
        %get3A_1081 = arith.constant 3 : i32
        %get3A_1082 = arith.index_cast %get3A_1081 : i32 to index
        %get3A_1083 = arith.index_cast %scan3A_1063 : i32 to index
        %get3A_1084 = arith.constant 16 : index
        %get3A_1085 = tpu.vector_load %arg8[%get3A_1082, %get3A_1083, %get3A_1084] {strides = array<i32>} : memref<5x64x128xf32, #tpu.memory_space<vmem>>, vector<1x1x16xf32>,
        %get3A_1086 = vector.shape_cast %get3A_1085 : vector<1x1x16xf32> to vector<16xf32>
        %add3A_1087 = arith.addi %rem3A_933, %scan3A_1063 : i32
        %get3A_1088 = arith.index_cast %add3A_1087 : i32 to index
        %get3A_1089 = arith.constant 16 : index
        %get3A_1090 = tpu.vector_load %arg7[%get3A_1088, %get3A_1089] {strides = array<i32>} : memref<256x128xf32, #tpu.memory_space<vmem>>, vector<1x16xf32>,
        %get3A_1091 = vector.shape_cast %get3A_1090 : vector<1x16xf32> to vector<16xf32>
        %add3A_1092 = arith.addf %get3A_1086, %get3A_1091 : vector<16xf32>
        %swap3A_1093 = arith.constant 3 : i32
        %swap3A_1094 = arith.index_cast %swap3A_1093 : i32 to index
        %swap3A_1095 = arith.index_cast %scan3A_1063 : i32 to index
        %swap3A_1096 = arith.constant 16 : index
        %swap3A_1097 = tpu.vector_load %arg8[%swap3A_1094, %swap3A_1095, %swap3A_1096] {strides = array<i32>} : memref<5x64x128xf32, #tpu.memory_space<vmem>>, vector<1x1x16xf32>,
        %swap3A_1098 = vector.shape_cast %swap3A_1097 : vector<1x1x16xf32> to vector<16xf32>
        %swap3A_1099 = vector.shape_cast %add3A_1092 : vector<16xf32> to vector<1x1x16xf32>
        tpu.vector_store %arg8[%swap3A_1094, %swap3A_1095, %swap3A_1096], %swap3A_1099 {strides = array<i32>} : memref<5x64x128xf32, #tpu.memory_space<vmem>>, vector<1x1x16xf32>,
        %get3A_1100 = arith.constant 3 : i32
        %get3A_1101 = arith.index_cast %get3A_1100 : i32 to index
        %get3A_1102 = arith.index_cast %scan3A_1063 : i32 to index
        %get3A_1103 = arith.constant 32 : index
        %get3A_1104 = tpu.vector_load %arg8[%get3A_1101, %get3A_1102, %get3A_1103] {strides = array<i32>} : memref<5x64x128xf32, #tpu.memory_space<vmem>>, vector<1x1x16xf32>,
        %get3A_1105 = vector.shape_cast %get3A_1104 : vector<1x1x16xf32> to vector<16xf32>
        %add3A_1106 = arith.addi %rem3A_933, %scan3A_1063 : i32
        %get3A_1107 = arith.index_cast %add3A_1106 : i32 to index
        %get3A_1108 = arith.constant 32 : index
        %get3A_1109 = tpu.vector_load %arg7[%get3A_1107, %get3A_1108] {strides = array<i32>} : memref<256x128xf32, #tpu.memory_space<vmem>>, vector<1x16xf32>,
        %get3A_1110 = vector.shape_cast %get3A_1109 : vector<1x16xf32> to vector<16xf32>
        %add3A_1111 = arith.addf %get3A_1105, %get3A_1110 : vector<16xf32>
        %swap3A_1112 = arith.constant 3 : i32
        %swap3A_1113 = arith.index_cast %swap3A_1112 : i32 to index
        %swap3A_1114 = arith.index_cast %scan3A_1063 : i32 to index
        %swap3A_1115 = arith.constant 32 : index
        %swap3A_1116 = tpu.vector_load %arg8[%swap3A_1113, %swap3A_1114, %swap3A_1115] {strides = array<i32>} : memref<5x64x128xf32, #tpu.memory_space<vmem>>, vector<1x1x16xf32>,
        %swap3A_1117 = vector.shape_cast %swap3A_1116 : vector<1x1x16xf32> to vector<16xf32>
        %swap3A_1118 = vector.shape_cast %add3A_1111 : vector<16xf32> to vector<1x1x16xf32>
        tpu.vector_store %arg8[%swap3A_1113, %swap3A_1114, %swap3A_1115], %swap3A_1118 {strides = array<i32>} : memref<5x64x128xf32, #tpu.memory_space<vmem>>, vector<1x1x16xf32>,
        %get3A_1119 = arith.constant 3 : i32
        %get3A_1120 = arith.index_cast %get3A_1119 : i32 to index
        %get3A_1121 = arith.index_cast %scan3A_1063 : i32 to index
        %get3A_1122 = arith.constant 48 : index
        %get3A_1123 = tpu.vector_load %arg8[%get3A_1120, %get3A_1121, %get3A_1122] {strides = array<i32>} : memref<5x64x128xf32, #tpu.memory_space<vmem>>, vector<1x1x16xf32>,
        %get3A_1124 = vector.shape_cast %get3A_1123 : vector<1x1x16xf32> to vector<16xf32>
        %add3A_1125 = arith.addi %rem3A_933, %scan3A_1063 : i32
        %get3A_1126 = arith.index_cast %add3A_1125 : i32 to index
        %get3A_1127 = arith.constant 48 : index
        %get3A_1128 = tpu.vector_load %arg7[%get3A_1126, %get3A_1127] {strides = array<i32>} : memref<256x128xf32, #tpu.memory_space<vmem>>, vector<1x16xf32>,
        %get3A_1129 = vector.shape_cast %get3A_1128 : vector<1x16xf32> to vector<16xf32>
        %add3A_1130 = arith.addf %get3A_1124, %get3A_1129 : vector<16xf32>
        %swap3A_1131 = arith.constant 3 : i32
        %swap3A_1132 = arith.index_cast %swap3A_1131 : i32 to index
        %swap3A_1133 = arith.index_cast %scan3A_1063 : i32 to index
        %swap3A_1134 = arith.constant 48 : index
        %swap3A_1135 = tpu.vector_load %arg8[%swap3A_1132, %swap3A_1133, %swap3A_1134] {strides = array<i32>} : memref<5x64x128xf32, #tpu.memory_space<vmem>>, vector<1x1x16xf32>,
        %swap3A_1136 = vector.shape_cast %swap3A_1135 : vector<1x1x16xf32> to vector<16xf32>
        %swap3A_1137 = vector.shape_cast %add3A_1130 : vector<16xf32> to vector<1x1x16xf32>
        tpu.vector_store %arg8[%swap3A_1132, %swap3A_1133, %swap3A_1134], %swap3A_1137 {strides = array<i32>} : memref<5x64x128xf32, #tpu.memory_space<vmem>>, vector<1x1x16xf32>,
        %get3A_1138 = arith.constant 3 : i32
        %get3A_1139 = arith.index_cast %get3A_1138 : i32 to index
        %get3A_1140 = arith.index_cast %scan3A_1063 : i32 to index
        %get3A_1141 = arith.constant 64 : index
        %get3A_1142 = tpu.vector_load %arg8[%get3A_1139, %get3A_1140, %get3A_1141] {strides = array<i32>} : memref<5x64x128xf32, #tpu.memory_space<vmem>>, vector<1x1x16xf32>,
        %get3A_1143 = vector.shape_cast %get3A_1142 : vector<1x1x16xf32> to vector<16xf32>
        %add3A_1144 = arith.addi %rem3A_933, %scan3A_1063 : i32
        %get3A_1145 = arith.index_cast %add3A_1144 : i32 to index
        %get3A_1146 = arith.constant 64 : index
        %get3A_1147 = tpu.vector_load %arg7[%get3A_1145, %get3A_1146] {strides = array<i32>} : memref<256x128xf32, #tpu.memory_space<vmem>>, vector<1x16xf32>,
        %get3A_1148 = vector.shape_cast %get3A_1147 : vector<1x16xf32> to vector<16xf32>
        %add3A_1149 = arith.addf %get3A_1143, %get3A_1148 : vector<16xf32>
        %swap3A_1150 = arith.constant 3 : i32
        %swap3A_1151 = arith.index_cast %swap3A_1150 : i32 to index
        %swap3A_1152 = arith.index_cast %scan3A_1063 : i32 to index
        %swap3A_1153 = arith.constant 64 : index
        %swap3A_1154 = tpu.vector_load %arg8[%swap3A_1151, %swap3A_1152, %swap3A_1153] {strides = array<i32>} : memref<5x64x128xf32, #tpu.memory_space<vmem>>, vector<1x1x16xf32>,
        %swap3A_1155 = vector.shape_cast %swap3A_1154 : vector<1x1x16xf32> to vector<16xf32>
        %swap3A_1156 = vector.shape_cast %add3A_1149 : vector<16xf32> to vector<1x1x16xf32>
        tpu.vector_store %arg8[%swap3A_1151, %swap3A_1152, %swap3A_1153], %swap3A_1156 {strides = array<i32>} : memref<5x64x128xf32, #tpu.memory_space<vmem>>, vector<1x1x16xf32>,
        %get3A_1157 = arith.constant 3 : i32
        %get3A_1158 = arith.index_cast %get3A_1157 : i32 to index
        %get3A_1159 = arith.index_cast %scan3A_1063 : i32 to index
        %get3A_1160 = arith.constant 80 : index
        %get3A_1161 = tpu.vector_load %arg8[%get3A_1158, %get3A_1159, %get3A_1160] {strides = array<i32>} : memref<5x64x128xf32, #tpu.memory_space<vmem>>, vector<1x1x16xf32>,
        %get3A_1162 = vector.shape_cast %get3A_1161 : vector<1x1x16xf32> to vector<16xf32>
        %add3A_1163 = arith.addi %rem3A_933, %scan3A_1063 : i32
        %get3A_1164 = arith.index_cast %add3A_1163 : i32 to index
        %get3A_1165 = arith.constant 80 : index
        %get3A_1166 = tpu.vector_load %arg7[%get3A_1164, %get3A_1165] {strides = array<i32>} : memref<256x128xf32, #tpu.memory_space<vmem>>, vector<1x16xf32>,
        %get3A_1167 = vector.shape_cast %get3A_1166 : vector<1x16xf32> to vector<16xf32>
        %add3A_1168 = arith.addf %get3A_1162, %get3A_1167 : vector<16xf32>
        %swap3A_1169 = arith.constant 3 : i32
        %swap3A_1170 = arith.index_cast %swap3A_1169 : i32 to index
        %swap3A_1171 = arith.index_cast %scan3A_1063 : i32 to index
        %swap3A_1172 = arith.constant 80 : index
        %swap3A_1173 = tpu.vector_load %arg8[%swap3A_1170, %swap3A_1171, %swap3A_1172] {strides = array<i32>} : memref<5x64x128xf32, #tpu.memory_space<vmem>>, vector<1x1x16xf32>,
        %swap3A_1174 = vector.shape_cast %swap3A_1173 : vector<1x1x16xf32> to vector<16xf32>
        %swap3A_1175 = vector.shape_cast %add3A_1168 : vector<16xf32> to vector<1x1x16xf32>
        tpu.vector_store %arg8[%swap3A_1170, %swap3A_1171, %swap3A_1172], %swap3A_1175 {strides = array<i32>} : memref<5x64x128xf32, #tpu.memory_space<vmem>>, vector<1x1x16xf32>,
        %get3A_1176 = arith.constant 3 : i32
        %get3A_1177 = arith.index_cast %get3A_1176 : i32 to index
        %get3A_1178 = arith.index_cast %scan3A_1063 : i32 to index
        %get3A_1179 = arith.constant 96 : index
        %get3A_1180 = tpu.vector_load %arg8[%get3A_1177, %get3A_1178, %get3A_1179] {strides = array<i32>} : memref<5x64x128xf32, #tpu.memory_space<vmem>>, vector<1x1x16xf32>,
        %get3A_1181 = vector.shape_cast %get3A_1180 : vector<1x1x16xf32> to vector<16xf32>
        %add3A_1182 = arith.addi %rem3A_933, %scan3A_1063 : i32
        %get3A_1183 = arith.index_cast %add3A_1182 : i32 to index
        %get3A_1184 = arith.constant 96 : index
        %get3A_1185 = tpu.vector_load %arg7[%get3A_1183, %get3A_1184] {strides = array<i32>} : memref<256x128xf32, #tpu.memory_space<vmem>>, vector<1x16xf32>,
        %get3A_1186 = vector.shape_cast %get3A_1185 : vector<1x16xf32> to vector<16xf32>
        %add3A_1187 = arith.addf %get3A_1181, %get3A_1186 : vector<16xf32>
        %swap3A_1188 = arith.constant 3 : i32
        %swap3A_1189 = arith.index_cast %swap3A_1188 : i32 to index
        %swap3A_1190 = arith.index_cast %scan3A_1063 : i32 to index
        %swap3A_1191 = arith.constant 96 : index
        %swap3A_1192 = tpu.vector_load %arg8[%swap3A_1189, %swap3A_1190, %swap3A_1191] {strides = array<i32>} : memref<5x64x128xf32, #tpu.memory_space<vmem>>, vector<1x1x16xf32>,
        %swap3A_1193 = vector.shape_cast %swap3A_1192 : vector<1x1x16xf32> to vector<16xf32>
        %swap3A_1194 = vector.shape_cast %add3A_1187 : vector<16xf32> to vector<1x1x16xf32>
        tpu.vector_store %arg8[%swap3A_1189, %swap3A_1190, %swap3A_1191], %swap3A_1194 {strides = array<i32>} : memref<5x64x128xf32, #tpu.memory_space<vmem>>, vector<1x1x16xf32>,
        %get3A_1195 = arith.constant 3 : i32
        %get3A_1196 = arith.index_cast %get3A_1195 : i32 to index
        %get3A_1197 = arith.index_cast %scan3A_1063 : i32 to index
        %get3A_1198 = arith.constant 112 : index
        %get3A_1199 = tpu.vector_load %arg8[%get3A_1196, %get3A_1197, %get3A_1198] {strides = array<i32>} : memref<5x64x128xf32, #tpu.memory_space<vmem>>, vector<1x1x16xf32>,
        %get3A_1200 = vector.shape_cast %get3A_1199 : vector<1x1x16xf32> to vector<16xf32>
        %add3A_1201 = arith.addi %rem3A_933, %scan3A_1063 : i32
        %get3A_1202 = arith.index_cast %add3A_1201 : i32 to index
        %get3A_1203 = arith.constant 112 : index
        %get3A_1204 = tpu.vector_load %arg7[%get3A_1202, %get3A_1203] {strides = array<i32>} : memref<256x128xf32, #tpu.memory_space<vmem>>, vector<1x16xf32>,
        %get3A_1205 = vector.shape_cast %get3A_1204 : vector<1x16xf32> to vector<16xf32>
        %add3A_1206 = arith.addf %get3A_1200, %get3A_1205 : vector<16xf32>
        %swap3A_1207 = arith.constant 3 : i32
        %swap3A_1208 = arith.index_cast %swap3A_1207 : i32 to index
        %swap3A_1209 = arith.index_cast %scan3A_1063 : i32 to index
        %swap3A_1210 = arith.constant 112 : index
        %swap3A_1211 = tpu.vector_load %arg8[%swap3A_1208, %swap3A_1209, %swap3A_1210] {strides = array<i32>} : memref<5x64x128xf32, #tpu.memory_space<vmem>>, vector<1x1x16xf32>,
        %swap3A_1212 = vector.shape_cast %swap3A_1211 : vector<1x1x16xf32> to vector<16xf32>
        %swap3A_1213 = vector.shape_cast %add3A_1206 : vector<16xf32> to vector<1x1x16xf32>
        tpu.vector_store %arg8[%swap3A_1208, %swap3A_1209, %swap3A_1210], %swap3A_1213 {strides = array<i32>} : memref<5x64x128xf32, #tpu.memory_space<vmem>>, vector<1x1x16xf32>,
      }
      %scan3A_939 = arith.constant 64 : i32
      %dma_start3A_940 = arith.constant 3 : i32
      %dma_start3A_941 = arith.constant 0 : i32
      %dma_start3A_942 = arith.constant 0 : i32
      %dma_start3A_943 = tpu.memref_slice %arg8[%dma_start3A_940, %dma_start3A_941, %dma_start3A_942] : memref<5x64x128xf32, #tpu.memory_space<vmem>> -> memref<1x64x128xf32, #tpu.memory_space<vmem>>
      %dma_start3A_944 = tpu.memref_squeeze %dma_start3A_943 : memref<1x64x128xf32, #tpu.memory_space<vmem>> -> memref<64x128xf32, #tpu.memory_space<vmem>>
      %dma_start3A_945 = arith.constant 0 : i32
      %dma_start3A_946 = arith.constant 0 : i32
      %dma_start3A_947 = tpu.memref_slice %arg5[%add3A, %add3A_918, %dma_start3A_945, %dma_start3A_946] : memref<32x100x64x128xf32, #tpu.memory_space<hbm>> -> memref<1x1x64x128xf32, #tpu.memory_space<hbm>>
      %dma_start3A_948 = tpu.memref_squeeze %dma_start3A_947 : memref<1x1x64x128xf32, #tpu.memory_space<hbm>> -> memref<64x128xf32, #tpu.memory_space<hbm>>
      %dma_start3A_949 = arith.constant 0 : i32
      %dma_start3A_950 = arith.constant 0 : i32
      %dma_start3A_951 = tpu.memref_slice %arg5[%add3A, %add3A_918, %dma_start3A_949, %dma_start3A_950] : memref<32x100x64x128xf32, #tpu.memory_space<hbm>> -> memref<1x1x64x128xf32, #tpu.memory_space<hbm>>
      %dma_start3A_952 = tpu.memref_squeeze %dma_start3A_951 : memref<1x1x64x128xf32, #tpu.memory_space<hbm>> -> memref<64x128xf32, #tpu.memory_space<hbm>>
      %dma_start3A_953 = arith.constant 0 : i32
      %dma_start3A_954 = arith.constant 0 : i32
      %dma_start3A_955 = tpu.memref_slice %arg8[%dma_start3A_940, %dma_start3A_953, %dma_start3A_954] : memref<5x64x128xf32, #tpu.memory_space<vmem>> -> memref<1x64x128xf32, #tpu.memory_space<vmem>>
      %dma_start3A_956 = tpu.memref_squeeze %dma_start3A_955 : memref<1x64x128xf32, #tpu.memory_space<vmem>> -> memref<64x128xf32, #tpu.memory_space<vmem>>
      tpu.enqueue_dma source(%dma_start3A_956 : memref<64x128xf32, #tpu.memory_space<vmem>>) target(%dma_start3A_952 : memref<64x128xf32, #tpu.memory_space<hbm>>) target_semaphore(%arg17 : memref<!tpu.dma_semaphore, #tpu.memory_space<semaphore_mem>>)
      %sub3A_957 = arith.constant 2 : i32
      %sub3A_958 = arith.subi %add3A_918, %sub3A_957 : i32
      %dma_wait3A_959 = arith.constant 1 : i32
      %dma_wait3A_960 = arith.constant 0 : i32
      %dma_wait3A_961 = arith.constant 0 : i32
      %dma_wait3A_962 = tpu.memref_slice %arg8[%dma_wait3A_959, %dma_wait3A_960, %dma_wait3A_961] : memref<5x64x128xf32, #tpu.memory_space<vmem>> -> memref<1x64x128xf32, #tpu.memory_space<vmem>>
      %dma_wait3A_963 = tpu.memref_squeeze %dma_wait3A_962 : memref<1x64x128xf32, #tpu.memory_space<vmem>> -> memref<64x128xf32, #tpu.memory_space<vmem>>
      %dma_wait3A_964 = arith.constant 0 : i32
      %dma_wait3A_965 = arith.constant 0 : i32
      %dma_wait3A_966 = tpu.memref_slice %arg5[%add3A, %sub3A_958, %dma_wait3A_964, %dma_wait3A_965] : memref<32x100x64x128xf32, #tpu.memory_space<hbm>> -> memref<1x1x64x128xf32, #tpu.memory_space<hbm>>
      %dma_wait3A_967 = tpu.memref_squeeze %dma_wait3A_966 : memref<1x1x64x128xf32, #tpu.memory_space<hbm>> -> memref<64x128xf32, #tpu.memory_space<hbm>>
      %dma_wait3A_968 = arith.constant 0 : i32
      %dma_wait3A_969 = arith.constant 0 : i32
      %dma_wait3A_970 = tpu.memref_slice %arg5[%add3A, %sub3A_958, %dma_wait3A_968, %dma_wait3A_969] : memref<32x100x64x128xf32, #tpu.memory_space<hbm>> -> memref<1x1x64x128xf32, #tpu.memory_space<hbm>>
      %dma_wait3A_971 = tpu.memref_squeeze %dma_wait3A_970 : memref<1x1x64x128xf32, #tpu.memory_space<hbm>> -> memref<64x128xf32, #tpu.memory_space<hbm>>
      %dma_wait3A_972 = arith.constant 0 : i32
      %dma_wait3A_973 = arith.constant 0 : i32
      %dma_wait3A_974 = tpu.memref_slice %arg8[%dma_wait3A_959, %dma_wait3A_972, %dma_wait3A_973] : memref<5x64x128xf32, #tpu.memory_space<vmem>> -> memref<1x64x128xf32, #tpu.memory_space<vmem>>
      %dma_wait3A_975 = tpu.memref_squeeze %dma_wait3A_974 : memref<1x64x128xf32, #tpu.memory_space<vmem>> -> memref<64x128xf32, #tpu.memory_space<vmem>>
      tpu.wait_dma2 semaphore(%arg15 : memref<!tpu.dma_semaphore, #tpu.memory_space<semaphore_mem>>) src(%dma_wait3A_975 : memref<64x128xf32, #tpu.memory_space<vmem>>) dst(%dma_wait3A_971 : memref<64x128xf32, #tpu.memory_space<hbm>>)
      %add3A_976 = arith.constant 3 : i32
      %add3A_977 = arith.addi %add3A_918, %add3A_976 : i32
      %dma_start3A_978 = arith.constant 1 : i32
      %dma_start3A_979 = arith.constant 0 : i32
      %dma_start3A_980 = arith.constant 0 : i32
      %dma_start3A_981 = tpu.memref_slice %arg8[%dma_start3A_978, %dma_start3A_979, %dma_start3A_980] : memref<5x64x128xf32, #tpu.memory_space<vmem>> -> memref<1x64x128xf32, #tpu.memory_space<vmem>>
      %dma_start3A_982 = tpu.memref_squeeze %dma_start3A_981 : memref<1x64x128xf32, #tpu.memory_space<vmem>> -> memref<64x128xf32, #tpu.memory_space<vmem>>
      %dma_start3A_983 = arith.constant 0 : i32
      %dma_start3A_984 = tpu.memref_slice %arg6[%add3A_977, %dma_start3A_983] : memref<100x64xi32, #tpu.memory_space<vmem>> -> memref<1x64xi32, #tpu.memory_space<vmem>>
      %dma_start3A_985 = tpu.memref_squeeze %dma_start3A_984 : memref<1x64xi32, #tpu.memory_space<vmem>> -> memref<64xi32, #tpu.memory_space<vmem>>
      %dma_start3A_986 = arith.constant 0 : i32
      %dma_start3A_987 = arith.constant 0 : i32
      %dma_start3A_988 = tpu.memref_slice %arg3[%dma_start3A_986, %dma_start3A_987] : memref<100000x128xf32, #tpu.memory_space<hbm>> -> memref<100000x128xf32, #tpu.memory_space<hbm>>
      tpu.enqueue_indirect_dma source(%dma_start3A_988 : memref<100000x128xf32, #tpu.memory_space<hbm>>) target(%dma_start3A_982 : memref<64x128xf32, #tpu.memory_space<vmem>>) offsets(%dma_start3A_985 : memref<64xi32, #tpu.memory_space<vmem>>) semaphore(%arg10 : memref<!tpu.dma_semaphore, #tpu.memory_space<semaphore_mem>>)
      %mul3A_989 = arith.constant 5 : i32
      %mul3A_990 = arith.muli %scan3A_693, %mul3A_989 : i32
      %add3A_991 = arith.constant 4 : i32
      %add3A_992 = arith.addi %mul3A_990, %add3A_991 : i32
      %dma_wait3A_993 = arith.constant 4 : i32
      %dma_wait3A_994 = arith.constant 0 : i32
      %dma_wait3A_995 = arith.constant 0 : i32
      %dma_wait3A_996 = tpu.memref_slice %arg8[%dma_wait3A_993, %dma_wait3A_994, %dma_wait3A_995] : memref<5x64x128xf32, #tpu.memory_space<vmem>> -> memref<1x64x128xf32, #tpu.memory_space<vmem>>
      %dma_wait3A_997 = tpu.memref_squeeze %dma_wait3A_996 : memref<1x64x128xf32, #tpu.memory_space<vmem>> -> memref<64x128xf32, #tpu.memory_space<vmem>>
      %dma_wait3A_998 = arith.constant 0 : i32
      %dma_wait3A_999 = tpu.memref_slice %arg6[%add3A_992, %dma_wait3A_998] : memref<100x64xi32, #tpu.memory_space<vmem>> -> memref<1x64xi32, #tpu.memory_space<vmem>>
      %dma_wait3A_1000 = tpu.memref_squeeze %dma_wait3A_999 : memref<1x64xi32, #tpu.memory_space<vmem>> -> memref<64xi32, #tpu.memory_space<vmem>>
      %dma_wait3A_1001 = arith.constant 0 : i32
      %dma_wait3A_1002 = arith.constant 0 : i32
      %dma_wait3A_1003 = tpu.memref_slice %arg3[%dma_wait3A_1001, %dma_wait3A_1002] : memref<100000x128xf32, #tpu.memory_space<hbm>> -> memref<100000x128xf32, #tpu.memory_space<hbm>>
      tpu.wait_indirect_dma semaphore(%arg13 : memref<!tpu.dma_semaphore, #tpu.memory_space<semaphore_mem>>) src(%dma_wait3A_1003 : memref<100000x128xf32, #tpu.memory_space<hbm>>) dst(%dma_wait3A_997 : memref<64x128xf32, #tpu.memory_space<vmem>>)
      %mul3A_1004 = arith.constant 64 : i32
      %mul3A_1005 = arith.muli %add3A_992, %mul3A_1004 : i32
      %rem3A_1006 = arith.constant 200 : i32
      %rem3A_1007 = arith.remsi %mul3A_1005, %rem3A_1006 : i32
      %scan3A_1008 = arith.constant 0 : i32
      %scan3A_1009 = arith.constant 0 : i32
      %scan3A_1010 = arith.constant 64 : i32
      %scan3A_1011 = arith.addi %scan3A_1009, %scan3A_1010 : i32
      %scan3A_1012 = arith.constant 1 : i32
      scf.for %scan3A_1063 = %scan3A_1009 to %scan3A_1011 step %scan3A_1012  : i32 {
        %get3A = arith.constant 4 : i32
        %get3A_1064 = arith.index_cast %get3A : i32 to index
        %get3A_1065 = arith.index_cast %scan3A_1063 : i32 to index
        %get3A_1066 = arith.constant 0 : index
        %get3A_1067 = tpu.vector_load %arg8[%get3A_1064, %get3A_1065, %get3A_1066] {strides = array<i32>} : memref<5x64x128xf32, #tpu.memory_space<vmem>>, vector<1x1x16xf32>,
        %get3A_1068 = vector.shape_cast %get3A_1067 : vector<1x1x16xf32> to vector<16xf32>
        %add3A_1069 = arith.addi %rem3A_1007, %scan3A_1063 : i32
        %get3A_1070 = arith.index_cast %add3A_1069 : i32 to index
        %get3A_1071 = arith.constant 0 : index
        %get3A_1072 = tpu.vector_load %arg7[%get3A_1070, %get3A_1071] {strides = array<i32>} : memref<256x128xf32, #tpu.memory_space<vmem>>, vector<1x16xf32>,
        %get3A_1073 = vector.shape_cast %get3A_1072 : vector<1x16xf32> to vector<16xf32>
        %add3A_1074 = arith.addf %get3A_1068, %get3A_1073 : vector<16xf32>
        %swap3A = arith.constant 4 : i32
        %swap3A_1075 = arith.index_cast %swap3A : i32 to index
        %swap3A_1076 = arith.index_cast %scan3A_1063 : i32 to index
        %swap3A_1077 = arith.constant 0 : index
        %swap3A_1078 = tpu.vector_load %arg8[%swap3A_1075, %swap3A_1076, %swap3A_1077] {strides = array<i32>} : memref<5x64x128xf32, #tpu.memory_space<vmem>>, vector<1x1x16xf32>,
        %swap3A_1079 = vector.shape_cast %swap3A_1078 : vector<1x1x16xf32> to vector<16xf32>
        %swap3A_1080 = vector.shape_cast %add3A_1074 : vector<16xf32> to vector<1x1x16xf32>
        tpu.vector_store %arg8[%swap3A_1075, %swap3A_1076, %swap3A_1077], %swap3A_1080 {strides = array<i32>} : memref<5x64x128xf32, #tpu.memory_space<vmem>>, vector<1x1x16xf32>,
        %get3A_1081 = arith.constant 4 : i32
        %get3A_1082 = arith.index_cast %get3A_1081 : i32 to index
        %get3A_1083 = arith.index_cast %scan3A_1063 : i32 to index
        %get3A_1084 = arith.constant 16 : index
        %get3A_1085 = tpu.vector_load %arg8[%get3A_1082, %get3A_1083, %get3A_1084] {strides = array<i32>} : memref<5x64x128xf32, #tpu.memory_space<vmem>>, vector<1x1x16xf32>,
        %get3A_1086 = vector.shape_cast %get3A_1085 : vector<1x1x16xf32> to vector<16xf32>
        %add3A_1087 = arith.addi %rem3A_1007, %scan3A_1063 : i32
        %get3A_1088 = arith.index_cast %add3A_1087 : i32 to index
        %get3A_1089 = arith.constant 16 : index
        %get3A_1090 = tpu.vector_load %arg7[%get3A_1088, %get3A_1089] {strides = array<i32>} : memref<256x128xf32, #tpu.memory_space<vmem>>, vector<1x16xf32>,
        %get3A_1091 = vector.shape_cast %get3A_1090 : vector<1x16xf32> to vector<16xf32>
        %add3A_1092 = arith.addf %get3A_1086, %get3A_1091 : vector<16xf32>
        %swap3A_1093 = arith.constant 4 : i32
        %swap3A_1094 = arith.index_cast %swap3A_1093 : i32 to index
        %swap3A_1095 = arith.index_cast %scan3A_1063 : i32 to index
        %swap3A_1096 = arith.constant 16 : index
        %swap3A_1097 = tpu.vector_load %arg8[%swap3A_1094, %swap3A_1095, %swap3A_1096] {strides = array<i32>} : memref<5x64x128xf32, #tpu.memory_space<vmem>>, vector<1x1x16xf32>,
        %swap3A_1098 = vector.shape_cast %swap3A_1097 : vector<1x1x16xf32> to vector<16xf32>
        %swap3A_1099 = vector.shape_cast %add3A_1092 : vector<16xf32> to vector<1x1x16xf32>
        tpu.vector_store %arg8[%swap3A_1094, %swap3A_1095, %swap3A_1096], %swap3A_1099 {strides = array<i32>} : memref<5x64x128xf32, #tpu.memory_space<vmem>>, vector<1x1x16xf32>,
        %get3A_1100 = arith.constant 4 : i32
        %get3A_1101 = arith.index_cast %get3A_1100 : i32 to index
        %get3A_1102 = arith.index_cast %scan3A_1063 : i32 to index
        %get3A_1103 = arith.constant 32 : index
        %get3A_1104 = tpu.vector_load %arg8[%get3A_1101, %get3A_1102, %get3A_1103] {strides = array<i32>} : memref<5x64x128xf32, #tpu.memory_space<vmem>>, vector<1x1x16xf32>,
        %get3A_1105 = vector.shape_cast %get3A_1104 : vector<1x1x16xf32> to vector<16xf32>
        %add3A_1106 = arith.addi %rem3A_1007, %scan3A_1063 : i32
        %get3A_1107 = arith.index_cast %add3A_1106 : i32 to index
        %get3A_1108 = arith.constant 32 : index
        %get3A_1109 = tpu.vector_load %arg7[%get3A_1107, %get3A_1108] {strides = array<i32>} : memref<256x128xf32, #tpu.memory_space<vmem>>, vector<1x16xf32>,
        %get3A_1110 = vector.shape_cast %get3A_1109 : vector<1x16xf32> to vector<16xf32>
        %add3A_1111 = arith.addf %get3A_1105, %get3A_1110 : vector<16xf32>
        %swap3A_1112 = arith.constant 4 : i32
        %swap3A_1113 = arith.index_cast %swap3A_1112 : i32 to index
        %swap3A_1114 = arith.index_cast %scan3A_1063 : i32 to index
        %swap3A_1115 = arith.constant 32 : index
        %swap3A_1116 = tpu.vector_load %arg8[%swap3A_1113, %swap3A_1114, %swap3A_1115] {strides = array<i32>} : memref<5x64x128xf32, #tpu.memory_space<vmem>>, vector<1x1x16xf32>,
        %swap3A_1117 = vector.shape_cast %swap3A_1116 : vector<1x1x16xf32> to vector<16xf32>
        %swap3A_1118 = vector.shape_cast %add3A_1111 : vector<16xf32> to vector<1x1x16xf32>
        tpu.vector_store %arg8[%swap3A_1113, %swap3A_1114, %swap3A_1115], %swap3A_1118 {strides = array<i32>} : memref<5x64x128xf32, #tpu.memory_space<vmem>>, vector<1x1x16xf32>,
        %get3A_1119 = arith.constant 4 : i32
        %get3A_1120 = arith.index_cast %get3A_1119 : i32 to index
        %get3A_1121 = arith.index_cast %scan3A_1063 : i32 to index
        %get3A_1122 = arith.constant 48 : index
        %get3A_1123 = tpu.vector_load %arg8[%get3A_1120, %get3A_1121, %get3A_1122] {strides = array<i32>} : memref<5x64x128xf32, #tpu.memory_space<vmem>>, vector<1x1x16xf32>,
        %get3A_1124 = vector.shape_cast %get3A_1123 : vector<1x1x16xf32> to vector<16xf32>
        %add3A_1125 = arith.addi %rem3A_1007, %scan3A_1063 : i32
        %get3A_1126 = arith.index_cast %add3A_1125 : i32 to index
        %get3A_1127 = arith.constant 48 : index
        %get3A_1128 = tpu.vector_load %arg7[%get3A_1126, %get3A_1127] {strides = array<i32>} : memref<256x128xf32, #tpu.memory_space<vmem>>, vector<1x16xf32>,
        %get3A_1129 = vector.shape_cast %get3A_1128 : vector<1x16xf32> to vector<16xf32>
        %add3A_1130 = arith.addf %get3A_1124, %get3A_1129 : vector<16xf32>
        %swap3A_1131 = arith.constant 4 : i32
        %swap3A_1132 = arith.index_cast %swap3A_1131 : i32 to index
        %swap3A_1133 = arith.index_cast %scan3A_1063 : i32 to index
        %swap3A_1134 = arith.constant 48 : index
        %swap3A_1135 = tpu.vector_load %arg8[%swap3A_1132, %swap3A_1133, %swap3A_1134] {strides = array<i32>} : memref<5x64x128xf32, #tpu.memory_space<vmem>>, vector<1x1x16xf32>,
        %swap3A_1136 = vector.shape_cast %swap3A_1135 : vector<1x1x16xf32> to vector<16xf32>
        %swap3A_1137 = vector.shape_cast %add3A_1130 : vector<16xf32> to vector<1x1x16xf32>
        tpu.vector_store %arg8[%swap3A_1132, %swap3A_1133, %swap3A_1134], %swap3A_1137 {strides = array<i32>} : memref<5x64x128xf32, #tpu.memory_space<vmem>>, vector<1x1x16xf32>,
        %get3A_1138 = arith.constant 4 : i32
        %get3A_1139 = arith.index_cast %get3A_1138 : i32 to index
        %get3A_1140 = arith.index_cast %scan3A_1063 : i32 to index
        %get3A_1141 = arith.constant 64 : index
        %get3A_1142 = tpu.vector_load %arg8[%get3A_1139, %get3A_1140, %get3A_1141] {strides = array<i32>} : memref<5x64x128xf32, #tpu.memory_space<vmem>>, vector<1x1x16xf32>,
        %get3A_1143 = vector.shape_cast %get3A_1142 : vector<1x1x16xf32> to vector<16xf32>
        %add3A_1144 = arith.addi %rem3A_1007, %scan3A_1063 : i32
        %get3A_1145 = arith.index_cast %add3A_1144 : i32 to index
        %get3A_1146 = arith.constant 64 : index
        %get3A_1147 = tpu.vector_load %arg7[%get3A_1145, %get3A_1146] {strides = array<i32>} : memref<256x128xf32, #tpu.memory_space<vmem>>, vector<1x16xf32>,
        %get3A_1148 = vector.shape_cast %get3A_1147 : vector<1x16xf32> to vector<16xf32>
        %add3A_1149 = arith.addf %get3A_1143, %get3A_1148 : vector<16xf32>
        %swap3A_1150 = arith.constant 4 : i32
        %swap3A_1151 = arith.index_cast %swap3A_1150 : i32 to index
        %swap3A_1152 = arith.index_cast %scan3A_1063 : i32 to index
        %swap3A_1153 = arith.constant 64 : index
        %swap3A_1154 = tpu.vector_load %arg8[%swap3A_1151, %swap3A_1152, %swap3A_1153] {strides = array<i32>} : memref<5x64x128xf32, #tpu.memory_space<vmem>>, vector<1x1x16xf32>,
        %swap3A_1155 = vector.shape_cast %swap3A_1154 : vector<1x1x16xf32> to vector<16xf32>
        %swap3A_1156 = vector.shape_cast %add3A_1149 : vector<16xf32> to vector<1x1x16xf32>
        tpu.vector_store %arg8[%swap3A_1151, %swap3A_1152, %swap3A_1153], %swap3A_1156 {strides = array<i32>} : memref<5x64x128xf32, #tpu.memory_space<vmem>>, vector<1x1x16xf32>,
        %get3A_1157 = arith.constant 4 : i32
        %get3A_1158 = arith.index_cast %get3A_1157 : i32 to index
        %get3A_1159 = arith.index_cast %scan3A_1063 : i32 to index
        %get3A_1160 = arith.constant 80 : index
        %get3A_1161 = tpu.vector_load %arg8[%get3A_1158, %get3A_1159, %get3A_1160] {strides = array<i32>} : memref<5x64x128xf32, #tpu.memory_space<vmem>>, vector<1x1x16xf32>,
        %get3A_1162 = vector.shape_cast %get3A_1161 : vector<1x1x16xf32> to vector<16xf32>
        %add3A_1163 = arith.addi %rem3A_1007, %scan3A_1063 : i32
        %get3A_1164 = arith.index_cast %add3A_1163 : i32 to index
        %get3A_1165 = arith.constant 80 : index
        %get3A_1166 = tpu.vector_load %arg7[%get3A_1164, %get3A_1165] {strides = array<i32>} : memref<256x128xf32, #tpu.memory_space<vmem>>, vector<1x16xf32>,
        %get3A_1167 = vector.shape_cast %get3A_1166 : vector<1x16xf32> to vector<16xf32>
        %add3A_1168 = arith.addf %get3A_1162, %get3A_1167 : vector<16xf32>
        %swap3A_1169 = arith.constant 4 : i32
        %swap3A_1170 = arith.index_cast %swap3A_1169 : i32 to index
        %swap3A_1171 = arith.index_cast %scan3A_1063 : i32 to index
        %swap3A_1172 = arith.constant 80 : index
        %swap3A_1173 = tpu.vector_load %arg8[%swap3A_1170, %swap3A_1171, %swap3A_1172] {strides = array<i32>} : memref<5x64x128xf32, #tpu.memory_space<vmem>>, vector<1x1x16xf32>,
        %swap3A_1174 = vector.shape_cast %swap3A_1173 : vector<1x1x16xf32> to vector<16xf32>
        %swap3A_1175 = vector.shape_cast %add3A_1168 : vector<16xf32> to vector<1x1x16xf32>
        tpu.vector_store %arg8[%swap3A_1170, %swap3A_1171, %swap3A_1172], %swap3A_1175 {strides = array<i32>} : memref<5x64x128xf32, #tpu.memory_space<vmem>>, vector<1x1x16xf32>,
        %get3A_1176 = arith.constant 4 : i32
        %get3A_1177 = arith.index_cast %get3A_1176 : i32 to index
        %get3A_1178 = arith.index_cast %scan3A_1063 : i32 to index
        %get3A_1179 = arith.constant 96 : index
        %get3A_1180 = tpu.vector_load %arg8[%get3A_1177, %get3A_1178, %get3A_1179] {strides = array<i32>} : memref<5x64x128xf32, #tpu.memory_space<vmem>>, vector<1x1x16xf32>,
        %get3A_1181 = vector.shape_cast %get3A_1180 : vector<1x1x16xf32> to vector<16xf32>
        %add3A_1182 = arith.addi %rem3A_1007, %scan3A_1063 : i32
        %get3A_1183 = arith.index_cast %add3A_1182 : i32 to index
        %get3A_1184 = arith.constant 96 : index
        %get3A_1185 = tpu.vector_load %arg7[%get3A_1183, %get3A_1184] {strides = array<i32>} : memref<256x128xf32, #tpu.memory_space<vmem>>, vector<1x16xf32>,
        %get3A_1186 = vector.shape_cast %get3A_1185 : vector<1x16xf32> to vector<16xf32>
        %add3A_1187 = arith.addf %get3A_1181, %get3A_1186 : vector<16xf32>
        %swap3A_1188 = arith.constant 4 : i32
        %swap3A_1189 = arith.index_cast %swap3A_1188 : i32 to index
        %swap3A_1190 = arith.index_cast %scan3A_1063 : i32 to index
        %swap3A_1191 = arith.constant 96 : index
        %swap3A_1192 = tpu.vector_load %arg8[%swap3A_1189, %swap3A_1190, %swap3A_1191] {strides = array<i32>} : memref<5x64x128xf32, #tpu.memory_space<vmem>>, vector<1x1x16xf32>,
        %swap3A_1193 = vector.shape_cast %swap3A_1192 : vector<1x1x16xf32> to vector<16xf32>
        %swap3A_1194 = vector.shape_cast %add3A_1187 : vector<16xf32> to vector<1x1x16xf32>
        tpu.vector_store %arg8[%swap3A_1189, %swap3A_1190, %swap3A_1191], %swap3A_1194 {strides = array<i32>} : memref<5x64x128xf32, #tpu.memory_space<vmem>>, vector<1x1x16xf32>,
        %get3A_1195 = arith.constant 4 : i32
        %get3A_1196 = arith.index_cast %get3A_1195 : i32 to index
        %get3A_1197 = arith.index_cast %scan3A_1063 : i32 to index
        %get3A_1198 = arith.constant 112 : index
        %get3A_1199 = tpu.vector_load %arg8[%get3A_1196, %get3A_1197, %get3A_1198] {strides = array<i32>} : memref<5x64x128xf32, #tpu.memory_space<vmem>>, vector<1x1x16xf32>,
        %get3A_1200 = vector.shape_cast %get3A_1199 : vector<1x1x16xf32> to vector<16xf32>
        %add3A_1201 = arith.addi %rem3A_1007, %scan3A_1063 : i32
        %get3A_1202 = arith.index_cast %add3A_1201 : i32 to index
        %get3A_1203 = arith.constant 112 : index
        %get3A_1204 = tpu.vector_load %arg7[%get3A_1202, %get3A_1203] {strides = array<i32>} : memref<256x128xf32, #tpu.memory_space<vmem>>, vector<1x16xf32>,
        %get3A_1205 = vector.shape_cast %get3A_1204 : vector<1x16xf32> to vector<16xf32>
        %add3A_1206 = arith.addf %get3A_1200, %get3A_1205 : vector<16xf32>
        %swap3A_1207 = arith.constant 4 : i32
        %swap3A_1208 = arith.index_cast %swap3A_1207 : i32 to index
        %swap3A_1209 = arith.index_cast %scan3A_1063 : i32 to index
        %swap3A_1210 = arith.constant 112 : index
        %swap3A_1211 = tpu.vector_load %arg8[%swap3A_1208, %swap3A_1209, %swap3A_1210] {strides = array<i32>} : memref<5x64x128xf32, #tpu.memory_space<vmem>>, vector<1x1x16xf32>,
        %swap3A_1212 = vector.shape_cast %swap3A_1211 : vector<1x1x16xf32> to vector<16xf32>
        %swap3A_1213 = vector.shape_cast %add3A_1206 : vector<16xf32> to vector<1x1x16xf32>
        tpu.vector_store %arg8[%swap3A_1208, %swap3A_1209, %swap3A_1210], %swap3A_1213 {strides = array<i32>} : memref<5x64x128xf32, #tpu.memory_space<vmem>>, vector<1x1x16xf32>,
      }
      %scan3A_1013 = arith.constant 64 : i32
      %dma_start3A_1014 = arith.constant 4 : i32
      %dma_start3A_1015 = arith.constant 0 : i32
      %dma_start3A_1016 = arith.constant 0 : i32
      %dma_start3A_1017 = tpu.memref_slice %arg8[%dma_start3A_1014, %dma_start3A_1015, %dma_start3A_1016] : memref<5x64x128xf32, #tpu.memory_space<vmem>> -> memref<1x64x128xf32, #tpu.memory_space<vmem>>
      %dma_start3A_1018 = tpu.memref_squeeze %dma_start3A_1017 : memref<1x64x128xf32, #tpu.memory_space<vmem>> -> memref<64x128xf32, #tpu.memory_space<vmem>>
      %dma_start3A_1019 = arith.constant 0 : i32
      %dma_start3A_1020 = arith.constant 0 : i32
      %dma_start3A_1021 = tpu.memref_slice %arg5[%add3A, %add3A_992, %dma_start3A_1019, %dma_start3A_1020] : memref<32x100x64x128xf32, #tpu.memory_space<hbm>> -> memref<1x1x64x128xf32, #tpu.memory_space<hbm>>
      %dma_start3A_1022 = tpu.memref_squeeze %dma_start3A_1021 : memref<1x1x64x128xf32, #tpu.memory_space<hbm>> -> memref<64x128xf32, #tpu.memory_space<hbm>>
      %dma_start3A_1023 = arith.constant 0 : i32
      %dma_start3A_1024 = arith.constant 0 : i32
      %dma_start3A_1025 = tpu.memref_slice %arg5[%add3A, %add3A_992, %dma_start3A_1023, %dma_start3A_1024] : memref<32x100x64x128xf32, #tpu.memory_space<hbm>> -> memref<1x1x64x128xf32, #tpu.memory_space<hbm>>
      %dma_start3A_1026 = tpu.memref_squeeze %dma_start3A_1025 : memref<1x1x64x128xf32, #tpu.memory_space<hbm>> -> memref<64x128xf32, #tpu.memory_space<hbm>>
      %dma_start3A_1027 = arith.constant 0 : i32
      %dma_start3A_1028 = arith.constant 0 : i32
      %dma_start3A_1029 = tpu.memref_slice %arg8[%dma_start3A_1014, %dma_start3A_1027, %dma_start3A_1028] : memref<5x64x128xf32, #tpu.memory_space<vmem>> -> memref<1x64x128xf32, #tpu.memory_space<vmem>>
      %dma_start3A_1030 = tpu.memref_squeeze %dma_start3A_1029 : memref<1x64x128xf32, #tpu.memory_space<vmem>> -> memref<64x128xf32, #tpu.memory_space<vmem>>
      tpu.enqueue_dma source(%dma_start3A_1030 : memref<64x128xf32, #tpu.memory_space<vmem>>) target(%dma_start3A_1026 : memref<64x128xf32, #tpu.memory_space<hbm>>) target_semaphore(%arg18 : memref<!tpu.dma_semaphore, #tpu.memory_space<semaphore_mem>>)
      %sub3A_1031 = arith.constant 2 : i32
      %sub3A_1032 = arith.subi %add3A_992, %sub3A_1031 : i32
      %dma_wait3A_1033 = arith.constant 2 : i32
      %dma_wait3A_1034 = arith.constant 0 : i32
      %dma_wait3A_1035 = arith.constant 0 : i32
      %dma_wait3A_1036 = tpu.memref_slice %arg8[%dma_wait3A_1033, %dma_wait3A_1034, %dma_wait3A_1035] : memref<5x64x128xf32, #tpu.memory_space<vmem>> -> memref<1x64x128xf32, #tpu.memory_space<vmem>>
      %dma_wait3A_1037 = tpu.memref_squeeze %dma_wait3A_1036 : memref<1x64x128xf32, #tpu.memory_space<vmem>> -> memref<64x128xf32, #tpu.memory_space<vmem>>
      %dma_wait3A_1038 = arith.constant 0 : i32
      %dma_wait3A_1039 = arith.constant 0 : i32
      %dma_wait3A_1040 = tpu.memref_slice %arg5[%add3A, %sub3A_1032, %dma_wait3A_1038, %dma_wait3A_1039] : memref<32x100x64x128xf32, #tpu.memory_space<hbm>> -> memref<1x1x64x128xf32, #tpu.memory_space<hbm>>
      %dma_wait3A_1041 = tpu.memref_squeeze %dma_wait3A_1040 : memref<1x1x64x128xf32, #tpu.memory_space<hbm>> -> memref<64x128xf32, #tpu.memory_space<hbm>>
      %dma_wait3A_1042 = arith.constant 0 : i32
      %dma_wait3A_1043 = arith.constant 0 : i32
      %dma_wait3A_1044 = tpu.memref_slice %arg5[%add3A, %sub3A_1032, %dma_wait3A_1042, %dma_wait3A_1043] : memref<32x100x64x128xf32, #tpu.memory_space<hbm>> -> memref<1x1x64x128xf32, #tpu.memory_space<hbm>>
      %dma_wait3A_1045 = tpu.memref_squeeze %dma_wait3A_1044 : memref<1x1x64x128xf32, #tpu.memory_space<hbm>> -> memref<64x128xf32, #tpu.memory_space<hbm>>
      %dma_wait3A_1046 = arith.constant 0 : i32
      %dma_wait3A_1047 = arith.constant 0 : i32
      %dma_wait3A_1048 = tpu.memref_slice %arg8[%dma_wait3A_1033, %dma_wait3A_1046, %dma_wait3A_1047] : memref<5x64x128xf32, #tpu.memory_space<vmem>> -> memref<1x64x128xf32, #tpu.memory_space<vmem>>
      %dma_wait3A_1049 = tpu.memref_squeeze %dma_wait3A_1048 : memref<1x64x128xf32, #tpu.memory_space<vmem>> -> memref<64x128xf32, #tpu.memory_space<vmem>>
      tpu.wait_dma2 semaphore(%arg16 : memref<!tpu.dma_semaphore, #tpu.memory_space<semaphore_mem>>) src(%dma_wait3A_1049 : memref<64x128xf32, #tpu.memory_space<vmem>>) dst(%dma_wait3A_1045 : memref<64x128xf32, #tpu.memory_space<hbm>>)
      %add3A_1050 = arith.constant 3 : i32
      %add3A_1051 = arith.addi %add3A_992, %add3A_1050 : i32
      %dma_start3A_1052 = arith.constant 2 : i32
      %dma_start3A_1053 = arith.constant 0 : i32
      %dma_start3A_1054 = arith.constant 0 : i32
      %dma_start3A_1055 = tpu.memref_slice %arg8[%dma_start3A_1052, %dma_start3A_1053, %dma_start3A_1054] : memref<5x64x128xf32, #tpu.memory_space<vmem>> -> memref<1x64x128xf32, #tpu.memory_space<vmem>>
      %dma_start3A_1056 = tpu.memref_squeeze %dma_start3A_1055 : memref<1x64x128xf32, #tpu.memory_space<vmem>> -> memref<64x128xf32, #tpu.memory_space<vmem>>
      %dma_start3A_1057 = arith.constant 0 : i32
      %dma_start3A_1058 = tpu.memref_slice %arg6[%add3A_1051, %dma_start3A_1057] : memref<100x64xi32, #tpu.memory_space<vmem>> -> memref<1x64xi32, #tpu.memory_space<vmem>>
      %dma_start3A_1059 = tpu.memref_squeeze %dma_start3A_1058 : memref<1x64xi32, #tpu.memory_space<vmem>> -> memref<64xi32, #tpu.memory_space<vmem>>
      %dma_start3A_1060 = arith.constant 0 : i32
      %dma_start3A_1061 = arith.constant 0 : i32
      %dma_start3A_1062 = tpu.memref_slice %arg3[%dma_start3A_1060, %dma_start3A_1061] : memref<100000x128xf32, #tpu.memory_space<hbm>> -> memref<100000x128xf32, #tpu.memory_space<hbm>>
      tpu.enqueue_indirect_dma source(%dma_start3A_1062 : memref<100000x128xf32, #tpu.memory_space<hbm>>) target(%dma_start3A_1056 : memref<64x128xf32, #tpu.memory_space<vmem>>) offsets(%dma_start3A_1059 : memref<64xi32, #tpu.memory_space<vmem>>) semaphore(%arg11 : memref<!tpu.dma_semaphore, #tpu.memory_space<semaphore_mem>>)
    }
    %scan3A_347 = arith.constant 18 : i32
    %dma_wait3A_348 = arith.constant 95 : i32
    %dma_wait3A_349 = arith.constant 0 : i32
    %dma_wait3A_350 = arith.constant 0 : i32
    %dma_wait3A_351 = arith.constant 0 : i32
    %dma_wait3A_352 = tpu.memref_slice %arg8[%dma_wait3A_349, %dma_wait3A_350, %dma_wait3A_351] : memref<5x64x128xf32, #tpu.memory_space<vmem>> -> memref<1x64x128xf32, #tpu.memory_space<vmem>>
    %dma_wait3A_353 = tpu.memref_squeeze %dma_wait3A_352 : memref<1x64x128xf32, #tpu.memory_space<vmem>> -> memref<64x128xf32, #tpu.memory_space<vmem>>
    %dma_wait3A_354 = arith.constant 0 : i32
    %dma_wait3A_355 = tpu.memref_slice %arg6[%dma_wait3A_348, %dma_wait3A_354] : memref<100x64xi32, #tpu.memory_space<vmem>> -> memref<1x64xi32, #tpu.memory_space<vmem>>
    %dma_wait3A_356 = tpu.memref_squeeze %dma_wait3A_355 : memref<1x64xi32, #tpu.memory_space<vmem>> -> memref<64xi32, #tpu.memory_space<vmem>>
    %dma_wait3A_357 = arith.constant 0 : i32
    %dma_wait3A_358 = arith.constant 0 : i32
    %dma_wait3A_359 = tpu.memref_slice %arg3[%dma_wait3A_357, %dma_wait3A_358] : memref<100000x128xf32, #tpu.memory_space<hbm>> -> memref<100000x128xf32, #tpu.memory_space<hbm>>
    tpu.wait_indirect_dma semaphore(%arg9 : memref<!tpu.dma_semaphore, #tpu.memory_space<semaphore_mem>>) src(%dma_wait3A_359 : memref<100000x128xf32, #tpu.memory_space<hbm>>) dst(%dma_wait3A_353 : memref<64x128xf32, #tpu.memory_space<vmem>>)
    %rem3A_360 = arith.constant 6080 : i32
    %rem3A_361 = arith.constant 200 : i32
    %rem3A_362 = arith.remsi %rem3A_360, %rem3A_361 : i32
    %scan3A_363 = arith.constant 0 : i32
    %scan3A_364 = arith.constant 0 : i32
    %scan3A_365 = arith.constant 64 : i32
    %scan3A_366 = arith.addi %scan3A_364, %scan3A_365 : i32
    %scan3A_367 = arith.constant 1 : i32
    scf.for %scan3A_693 = %scan3A_364 to %scan3A_366 step %scan3A_367  : i32 {
      %get3A = arith.constant 0 : i32
      %get3A_694 = arith.index_cast %get3A : i32 to index
      %get3A_695 = arith.index_cast %scan3A_693 : i32 to index
      %get3A_696 = arith.constant 0 : index
      %get3A_697 = tpu.vector_load %arg8[%get3A_694, %get3A_695, %get3A_696] {strides = array<i32>} : memref<5x64x128xf32, #tpu.memory_space<vmem>>, vector<1x1x16xf32>,
      %get3A_698 = vector.shape_cast %get3A_697 : vector<1x1x16xf32> to vector<16xf32>
      %add3A_699 = arith.addi %rem3A_362, %scan3A_693 : i32
      %get3A_700 = arith.index_cast %add3A_699 : i32 to index
      %get3A_701 = arith.constant 0 : index
      %get3A_702 = tpu.vector_load %arg7[%get3A_700, %get3A_701] {strides = array<i32>} : memref<256x128xf32, #tpu.memory_space<vmem>>, vector<1x16xf32>,
      %get3A_703 = vector.shape_cast %get3A_702 : vector<1x16xf32> to vector<16xf32>
      %add3A_704 = arith.addf %get3A_698, %get3A_703 : vector<16xf32>
      %swap3A = arith.constant 0 : i32
      %swap3A_705 = arith.index_cast %swap3A : i32 to index
      %swap3A_706 = arith.index_cast %scan3A_693 : i32 to index
      %swap3A_707 = arith.constant 0 : index
      %swap3A_708 = tpu.vector_load %arg8[%swap3A_705, %swap3A_706, %swap3A_707] {strides = array<i32>} : memref<5x64x128xf32, #tpu.memory_space<vmem>>, vector<1x1x16xf32>,
      %swap3A_709 = vector.shape_cast %swap3A_708 : vector<1x1x16xf32> to vector<16xf32>
      %swap3A_710 = vector.shape_cast %add3A_704 : vector<16xf32> to vector<1x1x16xf32>
      tpu.vector_store %arg8[%swap3A_705, %swap3A_706, %swap3A_707], %swap3A_710 {strides = array<i32>} : memref<5x64x128xf32, #tpu.memory_space<vmem>>, vector<1x1x16xf32>,
      %get3A_711 = arith.constant 0 : i32
      %get3A_712 = arith.index_cast %get3A_711 : i32 to index
      %get3A_713 = arith.index_cast %scan3A_693 : i32 to index
      %get3A_714 = arith.constant 16 : index
      %get3A_715 = tpu.vector_load %arg8[%get3A_712, %get3A_713, %get3A_714] {strides = array<i32>} : memref<5x64x128xf32, #tpu.memory_space<vmem>>, vector<1x1x16xf32>,
      %get3A_716 = vector.shape_cast %get3A_715 : vector<1x1x16xf32> to vector<16xf32>
      %add3A_717 = arith.addi %rem3A_362, %scan3A_693 : i32
      %get3A_718 = arith.index_cast %add3A_717 : i32 to index
      %get3A_719 = arith.constant 16 : index
      %get3A_720 = tpu.vector_load %arg7[%get3A_718, %get3A_719] {strides = array<i32>} : memref<256x128xf32, #tpu.memory_space<vmem>>, vector<1x16xf32>,
      %get3A_721 = vector.shape_cast %get3A_720 : vector<1x16xf32> to vector<16xf32>
      %add3A_722 = arith.addf %get3A_716, %get3A_721 : vector<16xf32>
      %swap3A_723 = arith.constant 0 : i32
      %swap3A_724 = arith.index_cast %swap3A_723 : i32 to index
      %swap3A_725 = arith.index_cast %scan3A_693 : i32 to index
      %swap3A_726 = arith.constant 16 : index
      %swap3A_727 = tpu.vector_load %arg8[%swap3A_724, %swap3A_725, %swap3A_726] {strides = array<i32>} : memref<5x64x128xf32, #tpu.memory_space<vmem>>, vector<1x1x16xf32>,
      %swap3A_728 = vector.shape_cast %swap3A_727 : vector<1x1x16xf32> to vector<16xf32>
      %swap3A_729 = vector.shape_cast %add3A_722 : vector<16xf32> to vector<1x1x16xf32>
      tpu.vector_store %arg8[%swap3A_724, %swap3A_725, %swap3A_726], %swap3A_729 {strides = array<i32>} : memref<5x64x128xf32, #tpu.memory_space<vmem>>, vector<1x1x16xf32>,
      %get3A_730 = arith.constant 0 : i32
      %get3A_731 = arith.index_cast %get3A_730 : i32 to index
      %get3A_732 = arith.index_cast %scan3A_693 : i32 to index
      %get3A_733 = arith.constant 32 : index
      %get3A_734 = tpu.vector_load %arg8[%get3A_731, %get3A_732, %get3A_733] {strides = array<i32>} : memref<5x64x128xf32, #tpu.memory_space<vmem>>, vector<1x1x16xf32>,
      %get3A_735 = vector.shape_cast %get3A_734 : vector<1x1x16xf32> to vector<16xf32>
      %add3A_736 = arith.addi %rem3A_362, %scan3A_693 : i32
      %get3A_737 = arith.index_cast %add3A_736 : i32 to index
      %get3A_738 = arith.constant 32 : index
      %get3A_739 = tpu.vector_load %arg7[%get3A_737, %get3A_738] {strides = array<i32>} : memref<256x128xf32, #tpu.memory_space<vmem>>, vector<1x16xf32>,
      %get3A_740 = vector.shape_cast %get3A_739 : vector<1x16xf32> to vector<16xf32>
      %add3A_741 = arith.addf %get3A_735, %get3A_740 : vector<16xf32>
      %swap3A_742 = arith.constant 0 : i32
      %swap3A_743 = arith.index_cast %swap3A_742 : i32 to index
      %swap3A_744 = arith.index_cast %scan3A_693 : i32 to index
      %swap3A_745 = arith.constant 32 : index
      %swap3A_746 = tpu.vector_load %arg8[%swap3A_743, %swap3A_744, %swap3A_745] {strides = array<i32>} : memref<5x64x128xf32, #tpu.memory_space<vmem>>, vector<1x1x16xf32>,
      %swap3A_747 = vector.shape_cast %swap3A_746 : vector<1x1x16xf32> to vector<16xf32>
      %swap3A_748 = vector.shape_cast %add3A_741 : vector<16xf32> to vector<1x1x16xf32>
      tpu.vector_store %arg8[%swap3A_743, %swap3A_744, %swap3A_745], %swap3A_748 {strides = array<i32>} : memref<5x64x128xf32, #tpu.memory_space<vmem>>, vector<1x1x16xf32>,
      %get3A_749 = arith.constant 0 : i32
      %get3A_750 = arith.index_cast %get3A_749 : i32 to index
      %get3A_751 = arith.index_cast %scan3A_693 : i32 to index
      %get3A_752 = arith.constant 48 : index
      %get3A_753 = tpu.vector_load %arg8[%get3A_750, %get3A_751, %get3A_752] {strides = array<i32>} : memref<5x64x128xf32, #tpu.memory_space<vmem>>, vector<1x1x16xf32>,
      %get3A_754 = vector.shape_cast %get3A_753 : vector<1x1x16xf32> to vector<16xf32>
      %add3A_755 = arith.addi %rem3A_362, %scan3A_693 : i32
      %get3A_756 = arith.index_cast %add3A_755 : i32 to index
      %get3A_757 = arith.constant 48 : index
      %get3A_758 = tpu.vector_load %arg7[%get3A_756, %get3A_757] {strides = array<i32>} : memref<256x128xf32, #tpu.memory_space<vmem>>, vector<1x16xf32>,
      %get3A_759 = vector.shape_cast %get3A_758 : vector<1x16xf32> to vector<16xf32>
      %add3A_760 = arith.addf %get3A_754, %get3A_759 : vector<16xf32>
      %swap3A_761 = arith.constant 0 : i32
      %swap3A_762 = arith.index_cast %swap3A_761 : i32 to index
      %swap3A_763 = arith.index_cast %scan3A_693 : i32 to index
      %swap3A_764 = arith.constant 48 : index
      %swap3A_765 = tpu.vector_load %arg8[%swap3A_762, %swap3A_763, %swap3A_764] {strides = array<i32>} : memref<5x64x128xf32, #tpu.memory_space<vmem>>, vector<1x1x16xf32>,
      %swap3A_766 = vector.shape_cast %swap3A_765 : vector<1x1x16xf32> to vector<16xf32>
      %swap3A_767 = vector.shape_cast %add3A_760 : vector<16xf32> to vector<1x1x16xf32>
      tpu.vector_store %arg8[%swap3A_762, %swap3A_763, %swap3A_764], %swap3A_767 {strides = array<i32>} : memref<5x64x128xf32, #tpu.memory_space<vmem>>, vector<1x1x16xf32>,
      %get3A_768 = arith.constant 0 : i32
      %get3A_769 = arith.index_cast %get3A_768 : i32 to index
      %get3A_770 = arith.index_cast %scan3A_693 : i32 to index
      %get3A_771 = arith.constant 64 : index
      %get3A_772 = tpu.vector_load %arg8[%get3A_769, %get3A_770, %get3A_771] {strides = array<i32>} : memref<5x64x128xf32, #tpu.memory_space<vmem>>, vector<1x1x16xf32>,
      %get3A_773 = vector.shape_cast %get3A_772 : vector<1x1x16xf32> to vector<16xf32>
      %add3A_774 = arith.addi %rem3A_362, %scan3A_693 : i32
      %get3A_775 = arith.index_cast %add3A_774 : i32 to index
      %get3A_776 = arith.constant 64 : index
      %get3A_777 = tpu.vector_load %arg7[%get3A_775, %get3A_776] {strides = array<i32>} : memref<256x128xf32, #tpu.memory_space<vmem>>, vector<1x16xf32>,
      %get3A_778 = vector.shape_cast %get3A_777 : vector<1x16xf32> to vector<16xf32>
      %add3A_779 = arith.addf %get3A_773, %get3A_778 : vector<16xf32>
      %swap3A_780 = arith.constant 0 : i32
      %swap3A_781 = arith.index_cast %swap3A_780 : i32 to index
      %swap3A_782 = arith.index_cast %scan3A_693 : i32 to index
      %swap3A_783 = arith.constant 64 : index
      %swap3A_784 = tpu.vector_load %arg8[%swap3A_781, %swap3A_782, %swap3A_783] {strides = array<i32>} : memref<5x64x128xf32, #tpu.memory_space<vmem>>, vector<1x1x16xf32>,
      %swap3A_785 = vector.shape_cast %swap3A_784 : vector<1x1x16xf32> to vector<16xf32>
      %swap3A_786 = vector.shape_cast %add3A_779 : vector<16xf32> to vector<1x1x16xf32>
      tpu.vector_store %arg8[%swap3A_781, %swap3A_782, %swap3A_783], %swap3A_786 {strides = array<i32>} : memref<5x64x128xf32, #tpu.memory_space<vmem>>, vector<1x1x16xf32>,
      %get3A_787 = arith.constant 0 : i32
      %get3A_788 = arith.index_cast %get3A_787 : i32 to index
      %get3A_789 = arith.index_cast %scan3A_693 : i32 to index
      %get3A_790 = arith.constant 80 : index
      %get3A_791 = tpu.vector_load %arg8[%get3A_788, %get3A_789, %get3A_790] {strides = array<i32>} : memref<5x64x128xf32, #tpu.memory_space<vmem>>, vector<1x1x16xf32>,
      %get3A_792 = vector.shape_cast %get3A_791 : vector<1x1x16xf32> to vector<16xf32>
      %add3A_793 = arith.addi %rem3A_362, %scan3A_693 : i32
      %get3A_794 = arith.index_cast %add3A_793 : i32 to index
      %get3A_795 = arith.constant 80 : index
      %get3A_796 = tpu.vector_load %arg7[%get3A_794, %get3A_795] {strides = array<i32>} : memref<256x128xf32, #tpu.memory_space<vmem>>, vector<1x16xf32>,
      %get3A_797 = vector.shape_cast %get3A_796 : vector<1x16xf32> to vector<16xf32>
      %add3A_798 = arith.addf %get3A_792, %get3A_797 : vector<16xf32>
      %swap3A_799 = arith.constant 0 : i32
      %swap3A_800 = arith.index_cast %swap3A_799 : i32 to index
      %swap3A_801 = arith.index_cast %scan3A_693 : i32 to index
      %swap3A_802 = arith.constant 80 : index
      %swap3A_803 = tpu.vector_load %arg8[%swap3A_800, %swap3A_801, %swap3A_802] {strides = array<i32>} : memref<5x64x128xf32, #tpu.memory_space<vmem>>, vector<1x1x16xf32>,
      %swap3A_804 = vector.shape_cast %swap3A_803 : vector<1x1x16xf32> to vector<16xf32>
      %swap3A_805 = vector.shape_cast %add3A_798 : vector<16xf32> to vector<1x1x16xf32>
      tpu.vector_store %arg8[%swap3A_800, %swap3A_801, %swap3A_802], %swap3A_805 {strides = array<i32>} : memref<5x64x128xf32, #tpu.memory_space<vmem>>, vector<1x1x16xf32>,
      %get3A_806 = arith.constant 0 : i32
      %get3A_807 = arith.index_cast %get3A_806 : i32 to index
      %get3A_808 = arith.index_cast %scan3A_693 : i32 to index
      %get3A_809 = arith.constant 96 : index
      %get3A_810 = tpu.vector_load %arg8[%get3A_807, %get3A_808, %get3A_809] {strides = array<i32>} : memref<5x64x128xf32, #tpu.memory_space<vmem>>, vector<1x1x16xf32>,
      %get3A_811 = vector.shape_cast %get3A_810 : vector<1x1x16xf32> to vector<16xf32>
      %add3A_812 = arith.addi %rem3A_362, %scan3A_693 : i32
      %get3A_813 = arith.index_cast %add3A_812 : i32 to index
      %get3A_814 = arith.constant 96 : index
      %get3A_815 = tpu.vector_load %arg7[%get3A_813, %get3A_814] {strides = array<i32>} : memref<256x128xf32, #tpu.memory_space<vmem>>, vector<1x16xf32>,
      %get3A_816 = vector.shape_cast %get3A_815 : vector<1x16xf32> to vector<16xf32>
      %add3A_817 = arith.addf %get3A_811, %get3A_816 : vector<16xf32>
      %swap3A_818 = arith.constant 0 : i32
      %swap3A_819 = arith.index_cast %swap3A_818 : i32 to index
      %swap3A_820 = arith.index_cast %scan3A_693 : i32 to index
      %swap3A_821 = arith.constant 96 : index
      %swap3A_822 = tpu.vector_load %arg8[%swap3A_819, %swap3A_820, %swap3A_821] {strides = array<i32>} : memref<5x64x128xf32, #tpu.memory_space<vmem>>, vector<1x1x16xf32>,
      %swap3A_823 = vector.shape_cast %swap3A_822 : vector<1x1x16xf32> to vector<16xf32>
      %swap3A_824 = vector.shape_cast %add3A_817 : vector<16xf32> to vector<1x1x16xf32>
      tpu.vector_store %arg8[%swap3A_819, %swap3A_820, %swap3A_821], %swap3A_824 {strides = array<i32>} : memref<5x64x128xf32, #tpu.memory_space<vmem>>, vector<1x1x16xf32>,
      %get3A_825 = arith.constant 0 : i32
      %get3A_826 = arith.index_cast %get3A_825 : i32 to index
      %get3A_827 = arith.index_cast %scan3A_693 : i32 to index
      %get3A_828 = arith.constant 112 : index
      %get3A_829 = tpu.vector_load %arg8[%get3A_826, %get3A_827, %get3A_828] {strides = array<i32>} : memref<5x64x128xf32, #tpu.memory_space<vmem>>, vector<1x1x16xf32>,
      %get3A_830 = vector.shape_cast %get3A_829 : vector<1x1x16xf32> to vector<16xf32>
      %add3A_831 = arith.addi %rem3A_362, %scan3A_693 : i32
      %get3A_832 = arith.index_cast %add3A_831 : i32 to index
      %get3A_833 = arith.constant 112 : index
      %get3A_834 = tpu.vector_load %arg7[%get3A_832, %get3A_833] {strides = array<i32>} : memref<256x128xf32, #tpu.memory_space<vmem>>, vector<1x16xf32>,
      %get3A_835 = vector.shape_cast %get3A_834 : vector<1x16xf32> to vector<16xf32>
      %add3A_836 = arith.addf %get3A_830, %get3A_835 : vector<16xf32>
      %swap3A_837 = arith.constant 0 : i32
      %swap3A_838 = arith.index_cast %swap3A_837 : i32 to index
      %swap3A_839 = arith.index_cast %scan3A_693 : i32 to index
      %swap3A_840 = arith.constant 112 : index
      %swap3A_841 = tpu.vector_load %arg8[%swap3A_838, %swap3A_839, %swap3A_840] {strides = array<i32>} : memref<5x64x128xf32, #tpu.memory_space<vmem>>, vector<1x1x16xf32>,
      %swap3A_842 = vector.shape_cast %swap3A_841 : vector<1x1x16xf32> to vector<16xf32>
      %swap3A_843 = vector.shape_cast %add3A_836 : vector<16xf32> to vector<1x1x16xf32>
      tpu.vector_store %arg8[%swap3A_838, %swap3A_839, %swap3A_840], %swap3A_843 {strides = array<i32>} : memref<5x64x128xf32, #tpu.memory_space<vmem>>, vector<1x1x16xf32>,
    }
    %scan3A_368 = arith.constant 64 : i32
    %dma_start3A_369 = arith.constant 0 : i32
    %dma_start3A_370 = arith.constant 95 : i32
    %dma_start3A_371 = arith.constant 0 : i32
    %dma_start3A_372 = arith.constant 0 : i32
    %dma_start3A_373 = tpu.memref_slice %arg8[%dma_start3A_369, %dma_start3A_371, %dma_start3A_372] : memref<5x64x128xf32, #tpu.memory_space<vmem>> -> memref<1x64x128xf32, #tpu.memory_space<vmem>>
    %dma_start3A_374 = tpu.memref_squeeze %dma_start3A_373 : memref<1x64x128xf32, #tpu.memory_space<vmem>> -> memref<64x128xf32, #tpu.memory_space<vmem>>
    %dma_start3A_375 = arith.constant 0 : i32
    %dma_start3A_376 = arith.constant 0 : i32
    %dma_start3A_377 = tpu.memref_slice %arg5[%add3A, %dma_start3A_370, %dma_start3A_375, %dma_start3A_376] : memref<32x100x64x128xf32, #tpu.memory_space<hbm>> -> memref<1x1x64x128xf32, #tpu.memory_space<hbm>>
    %dma_start3A_378 = tpu.memref_squeeze %dma_start3A_377 : memref<1x1x64x128xf32, #tpu.memory_space<hbm>> -> memref<64x128xf32, #tpu.memory_space<hbm>>
    %dma_start3A_379 = arith.constant 0 : i32
    %dma_start3A_380 = arith.constant 0 : i32
    %dma_start3A_381 = tpu.memref_slice %arg5[%add3A, %dma_start3A_370, %dma_start3A_379, %dma_start3A_380] : memref<32x100x64x128xf32, #tpu.memory_space<hbm>> -> memref<1x1x64x128xf32, #tpu.memory_space<hbm>>
    %dma_start3A_382 = tpu.memref_squeeze %dma_start3A_381 : memref<1x1x64x128xf32, #tpu.memory_space<hbm>> -> memref<64x128xf32, #tpu.memory_space<hbm>>
    %dma_start3A_383 = arith.constant 0 : i32
    %dma_start3A_384 = arith.constant 0 : i32
    %dma_start3A_385 = tpu.memref_slice %arg8[%dma_start3A_369, %dma_start3A_383, %dma_start3A_384] : memref<5x64x128xf32, #tpu.memory_space<vmem>> -> memref<1x64x128xf32, #tpu.memory_space<vmem>>
    %dma_start3A_386 = tpu.memref_squeeze %dma_start3A_385 : memref<1x64x128xf32, #tpu.memory_space<vmem>> -> memref<64x128xf32, #tpu.memory_space<vmem>>
    tpu.enqueue_dma source(%dma_start3A_386 : memref<64x128xf32, #tpu.memory_space<vmem>>) target(%dma_start3A_382 : memref<64x128xf32, #tpu.memory_space<hbm>>) target_semaphore(%arg14 : memref<!tpu.dma_semaphore, #tpu.memory_space<semaphore_mem>>)
    %dma_wait3A_387 = arith.constant 3 : i32
    %dma_wait3A_388 = arith.constant 93 : i32
    %dma_wait3A_389 = arith.constant 0 : i32
    %dma_wait3A_390 = arith.constant 0 : i32
    %dma_wait3A_391 = tpu.memref_slice %arg8[%dma_wait3A_387, %dma_wait3A_389, %dma_wait3A_390] : memref<5x64x128xf32, #tpu.memory_space<vmem>> -> memref<1x64x128xf32, #tpu.memory_space<vmem>>
    %dma_wait3A_392 = tpu.memref_squeeze %dma_wait3A_391 : memref<1x64x128xf32, #tpu.memory_space<vmem>> -> memref<64x128xf32, #tpu.memory_space<vmem>>
    %dma_wait3A_393 = arith.constant 0 : i32
    %dma_wait3A_394 = arith.constant 0 : i32
    %dma_wait3A_395 = tpu.memref_slice %arg5[%add3A, %dma_wait3A_388, %dma_wait3A_393, %dma_wait3A_394] : memref<32x100x64x128xf32, #tpu.memory_space<hbm>> -> memref<1x1x64x128xf32, #tpu.memory_space<hbm>>
    %dma_wait3A_396 = tpu.memref_squeeze %dma_wait3A_395 : memref<1x1x64x128xf32, #tpu.memory_space<hbm>> -> memref<64x128xf32, #tpu.memory_space<hbm>>
    %dma_wait3A_397 = arith.constant 0 : i32
    %dma_wait3A_398 = arith.constant 0 : i32
    %dma_wait3A_399 = tpu.memref_slice %arg5[%add3A, %dma_wait3A_388, %dma_wait3A_397, %dma_wait3A_398] : memref<32x100x64x128xf32, #tpu.memory_space<hbm>> -> memref<1x1x64x128xf32, #tpu.memory_space<hbm>>
    %dma_wait3A_400 = tpu.memref_squeeze %dma_wait3A_399 : memref<1x1x64x128xf32, #tpu.memory_space<hbm>> -> memref<64x128xf32, #tpu.memory_space<hbm>>
    %dma_wait3A_401 = arith.constant 0 : i32
    %dma_wait3A_402 = arith.constant 0 : i32
    %dma_wait3A_403 = tpu.memref_slice %arg8[%dma_wait3A_387, %dma_wait3A_401, %dma_wait3A_402] : memref<5x64x128xf32, #tpu.memory_space<vmem>> -> memref<1x64x128xf32, #tpu.memory_space<vmem>>
    %dma_wait3A_404 = tpu.memref_squeeze %dma_wait3A_403 : memref<1x64x128xf32, #tpu.memory_space<vmem>> -> memref<64x128xf32, #tpu.memory_space<vmem>>
    tpu.wait_dma2 semaphore(%arg17 : memref<!tpu.dma_semaphore, #tpu.memory_space<semaphore_mem>>) src(%dma_wait3A_404 : memref<64x128xf32, #tpu.memory_space<vmem>>) dst(%dma_wait3A_400 : memref<64x128xf32, #tpu.memory_space<hbm>>)
    %dma_start3A_405 = arith.constant 98 : i32
    %dma_start3A_406 = arith.constant 3 : i32
    %dma_start3A_407 = arith.constant 0 : i32
    %dma_start3A_408 = arith.constant 0 : i32
    %dma_start3A_409 = tpu.memref_slice %arg8[%dma_start3A_406, %dma_start3A_407, %dma_start3A_408] : memref<5x64x128xf32, #tpu.memory_space<vmem>> -> memref<1x64x128xf32, #tpu.memory_space<vmem>>
    %dma_start3A_410 = tpu.memref_squeeze %dma_start3A_409 : memref<1x64x128xf32, #tpu.memory_space<vmem>> -> memref<64x128xf32, #tpu.memory_space<vmem>>
    %dma_start3A_411 = arith.constant 0 : i32
    %dma_start3A_412 = tpu.memref_slice %arg6[%dma_start3A_405, %dma_start3A_411] : memref<100x64xi32, #tpu.memory_space<vmem>> -> memref<1x64xi32, #tpu.memory_space<vmem>>
    %dma_start3A_413 = tpu.memref_squeeze %dma_start3A_412 : memref<1x64xi32, #tpu.memory_space<vmem>> -> memref<64xi32, #tpu.memory_space<vmem>>
    %dma_start3A_414 = arith.constant 0 : i32
    %dma_start3A_415 = arith.constant 0 : i32
    %dma_start3A_416 = tpu.memref_slice %arg3[%dma_start3A_414, %dma_start3A_415] : memref<100000x128xf32, #tpu.memory_space<hbm>> -> memref<100000x128xf32, #tpu.memory_space<hbm>>
    tpu.enqueue_indirect_dma source(%dma_start3A_416 : memref<100000x128xf32, #tpu.memory_space<hbm>>) target(%dma_start3A_410 : memref<64x128xf32, #tpu.memory_space<vmem>>) offsets(%dma_start3A_413 : memref<64xi32, #tpu.memory_space<vmem>>) semaphore(%arg12 : memref<!tpu.dma_semaphore, #tpu.memory_space<semaphore_mem>>)
    %dma_wait3A_417 = arith.constant 96 : i32
    %dma_wait3A_418 = arith.constant 1 : i32
    %dma_wait3A_419 = arith.constant 0 : i32
    %dma_wait3A_420 = arith.constant 0 : i32
    %dma_wait3A_421 = tpu.memref_slice %arg8[%dma_wait3A_418, %dma_wait3A_419, %dma_wait3A_420] : memref<5x64x128xf32, #tpu.memory_space<vmem>> -> memref<1x64x128xf32, #tpu.memory_space<vmem>>
    %dma_wait3A_422 = tpu.memref_squeeze %dma_wait3A_421 : memref<1x64x128xf32, #tpu.memory_space<vmem>> -> memref<64x128xf32, #tpu.memory_space<vmem>>
    %dma_wait3A_423 = arith.constant 0 : i32
    %dma_wait3A_424 = tpu.memref_slice %arg6[%dma_wait3A_417, %dma_wait3A_423] : memref<100x64xi32, #tpu.memory_space<vmem>> -> memref<1x64xi32, #tpu.memory_space<vmem>>
    %dma_wait3A_425 = tpu.memref_squeeze %dma_wait3A_424 : memref<1x64xi32, #tpu.memory_space<vmem>> -> memref<64xi32, #tpu.memory_space<vmem>>
    %dma_wait3A_426 = arith.constant 0 : i32
    %dma_wait3A_427 = arith.constant 0 : i32
    %dma_wait3A_428 = tpu.memref_slice %arg3[%dma_wait3A_426, %dma_wait3A_427] : memref<100000x128xf32, #tpu.memory_space<hbm>> -> memref<100000x128xf32, #tpu.memory_space<hbm>>
    tpu.wait_indirect_dma semaphore(%arg10 : memref<!tpu.dma_semaphore, #tpu.memory_space<semaphore_mem>>) src(%dma_wait3A_428 : memref<100000x128xf32, #tpu.memory_space<hbm>>) dst(%dma_wait3A_422 : memref<64x128xf32, #tpu.memory_space<vmem>>)
    %rem3A_429 = arith.constant 6144 : i32
    %rem3A_430 = arith.constant 200 : i32
    %rem3A_431 = arith.remsi %rem3A_429, %rem3A_430 : i32
    %scan3A_432 = arith.constant 0 : i32
    %scan3A_433 = arith.constant 0 : i32
    %scan3A_434 = arith.constant 64 : i32
    %scan3A_435 = arith.addi %scan3A_433, %scan3A_434 : i32
    %scan3A_436 = arith.constant 1 : i32
    scf.for %scan3A_693 = %scan3A_433 to %scan3A_435 step %scan3A_436  : i32 {
      %get3A = arith.constant 1 : i32
      %get3A_694 = arith.index_cast %get3A : i32 to index
      %get3A_695 = arith.index_cast %scan3A_693 : i32 to index
      %get3A_696 = arith.constant 0 : index
      %get3A_697 = tpu.vector_load %arg8[%get3A_694, %get3A_695, %get3A_696] {strides = array<i32>} : memref<5x64x128xf32, #tpu.memory_space<vmem>>, vector<1x1x16xf32>,
      %get3A_698 = vector.shape_cast %get3A_697 : vector<1x1x16xf32> to vector<16xf32>
      %add3A_699 = arith.addi %rem3A_431, %scan3A_693 : i32
      %get3A_700 = arith.index_cast %add3A_699 : i32 to index
      %get3A_701 = arith.constant 0 : index
      %get3A_702 = tpu.vector_load %arg7[%get3A_700, %get3A_701] {strides = array<i32>} : memref<256x128xf32, #tpu.memory_space<vmem>>, vector<1x16xf32>,
      %get3A_703 = vector.shape_cast %get3A_702 : vector<1x16xf32> to vector<16xf32>
      %add3A_704 = arith.addf %get3A_698, %get3A_703 : vector<16xf32>
      %swap3A = arith.constant 1 : i32
      %swap3A_705 = arith.index_cast %swap3A : i32 to index
      %swap3A_706 = arith.index_cast %scan3A_693 : i32 to index
      %swap3A_707 = arith.constant 0 : index
      %swap3A_708 = tpu.vector_load %arg8[%swap3A_705, %swap3A_706, %swap3A_707] {strides = array<i32>} : memref<5x64x128xf32, #tpu.memory_space<vmem>>, vector<1x1x16xf32>,
      %swap3A_709 = vector.shape_cast %swap3A_708 : vector<1x1x16xf32> to vector<16xf32>
      %swap3A_710 = vector.shape_cast %add3A_704 : vector<16xf32> to vector<1x1x16xf32>
      tpu.vector_store %arg8[%swap3A_705, %swap3A_706, %swap3A_707], %swap3A_710 {strides = array<i32>} : memref<5x64x128xf32, #tpu.memory_space<vmem>>, vector<1x1x16xf32>,
      %get3A_711 = arith.constant 1 : i32
      %get3A_712 = arith.index_cast %get3A_711 : i32 to index
      %get3A_713 = arith.index_cast %scan3A_693 : i32 to index
      %get3A_714 = arith.constant 16 : index
      %get3A_715 = tpu.vector_load %arg8[%get3A_712, %get3A_713, %get3A_714] {strides = array<i32>} : memref<5x64x128xf32, #tpu.memory_space<vmem>>, vector<1x1x16xf32>,
      %get3A_716 = vector.shape_cast %get3A_715 : vector<1x1x16xf32> to vector<16xf32>
      %add3A_717 = arith.addi %rem3A_431, %scan3A_693 : i32
      %get3A_718 = arith.index_cast %add3A_717 : i32 to index
      %get3A_719 = arith.constant 16 : index
      %get3A_720 = tpu.vector_load %arg7[%get3A_718, %get3A_719] {strides = array<i32>} : memref<256x128xf32, #tpu.memory_space<vmem>>, vector<1x16xf32>,
      %get3A_721 = vector.shape_cast %get3A_720 : vector<1x16xf32> to vector<16xf32>
      %add3A_722 = arith.addf %get3A_716, %get3A_721 : vector<16xf32>
      %swap3A_723 = arith.constant 1 : i32
      %swap3A_724 = arith.index_cast %swap3A_723 : i32 to index
      %swap3A_725 = arith.index_cast %scan3A_693 : i32 to index
      %swap3A_726 = arith.constant 16 : index
      %swap3A_727 = tpu.vector_load %arg8[%swap3A_724, %swap3A_725, %swap3A_726] {strides = array<i32>} : memref<5x64x128xf32, #tpu.memory_space<vmem>>, vector<1x1x16xf32>,
      %swap3A_728 = vector.shape_cast %swap3A_727 : vector<1x1x16xf32> to vector<16xf32>
      %swap3A_729 = vector.shape_cast %add3A_722 : vector<16xf32> to vector<1x1x16xf32>
      tpu.vector_store %arg8[%swap3A_724, %swap3A_725, %swap3A_726], %swap3A_729 {strides = array<i32>} : memref<5x64x128xf32, #tpu.memory_space<vmem>>, vector<1x1x16xf32>,
      %get3A_730 = arith.constant 1 : i32
      %get3A_731 = arith.index_cast %get3A_730 : i32 to index
      %get3A_732 = arith.index_cast %scan3A_693 : i32 to index
      %get3A_733 = arith.constant 32 : index
      %get3A_734 = tpu.vector_load %arg8[%get3A_731, %get3A_732, %get3A_733] {strides = array<i32>} : memref<5x64x128xf32, #tpu.memory_space<vmem>>, vector<1x1x16xf32>,
      %get3A_735 = vector.shape_cast %get3A_734 : vector<1x1x16xf32> to vector<16xf32>
      %add3A_736 = arith.addi %rem3A_431, %scan3A_693 : i32
      %get3A_737 = arith.index_cast %add3A_736 : i32 to index
      %get3A_738 = arith.constant 32 : index
      %get3A_739 = tpu.vector_load %arg7[%get3A_737, %get3A_738] {strides = array<i32>} : memref<256x128xf32, #tpu.memory_space<vmem>>, vector<1x16xf32>,
      %get3A_740 = vector.shape_cast %get3A_739 : vector<1x16xf32> to vector<16xf32>
      %add3A_741 = arith.addf %get3A_735, %get3A_740 : vector<16xf32>
      %swap3A_742 = arith.constant 1 : i32
      %swap3A_743 = arith.index_cast %swap3A_742 : i32 to index
      %swap3A_744 = arith.index_cast %scan3A_693 : i32 to index
      %swap3A_745 = arith.constant 32 : index
      %swap3A_746 = tpu.vector_load %arg8[%swap3A_743, %swap3A_744, %swap3A_745] {strides = array<i32>} : memref<5x64x128xf32, #tpu.memory_space<vmem>>, vector<1x1x16xf32>,
      %swap3A_747 = vector.shape_cast %swap3A_746 : vector<1x1x16xf32> to vector<16xf32>
      %swap3A_748 = vector.shape_cast %add3A_741 : vector<16xf32> to vector<1x1x16xf32>
      tpu.vector_store %arg8[%swap3A_743, %swap3A_744, %swap3A_745], %swap3A_748 {strides = array<i32>} : memref<5x64x128xf32, #tpu.memory_space<vmem>>, vector<1x1x16xf32>,
      %get3A_749 = arith.constant 1 : i32
      %get3A_750 = arith.index_cast %get3A_749 : i32 to index
      %get3A_751 = arith.index_cast %scan3A_693 : i32 to index
      %get3A_752 = arith.constant 48 : index
      %get3A_753 = tpu.vector_load %arg8[%get3A_750, %get3A_751, %get3A_752] {strides = array<i32>} : memref<5x64x128xf32, #tpu.memory_space<vmem>>, vector<1x1x16xf32>,
      %get3A_754 = vector.shape_cast %get3A_753 : vector<1x1x16xf32> to vector<16xf32>
      %add3A_755 = arith.addi %rem3A_431, %scan3A_693 : i32
      %get3A_756 = arith.index_cast %add3A_755 : i32 to index
      %get3A_757 = arith.constant 48 : index
      %get3A_758 = tpu.vector_load %arg7[%get3A_756, %get3A_757] {strides = array<i32>} : memref<256x128xf32, #tpu.memory_space<vmem>>, vector<1x16xf32>,
      %get3A_759 = vector.shape_cast %get3A_758 : vector<1x16xf32> to vector<16xf32>
      %add3A_760 = arith.addf %get3A_754, %get3A_759 : vector<16xf32>
      %swap3A_761 = arith.constant 1 : i32
      %swap3A_762 = arith.index_cast %swap3A_761 : i32 to index
      %swap3A_763 = arith.index_cast %scan3A_693 : i32 to index
      %swap3A_764 = arith.constant 48 : index
      %swap3A_765 = tpu.vector_load %arg8[%swap3A_762, %swap3A_763, %swap3A_764] {strides = array<i32>} : memref<5x64x128xf32, #tpu.memory_space<vmem>>, vector<1x1x16xf32>,
      %swap3A_766 = vector.shape_cast %swap3A_765 : vector<1x1x16xf32> to vector<16xf32>
      %swap3A_767 = vector.shape_cast %add3A_760 : vector<16xf32> to vector<1x1x16xf32>
      tpu.vector_store %arg8[%swap3A_762, %swap3A_763, %swap3A_764], %swap3A_767 {strides = array<i32>} : memref<5x64x128xf32, #tpu.memory_space<vmem>>, vector<1x1x16xf32>,
      %get3A_768 = arith.constant 1 : i32
      %get3A_769 = arith.index_cast %get3A_768 : i32 to index
      %get3A_770 = arith.index_cast %scan3A_693 : i32 to index
      %get3A_771 = arith.constant 64 : index
      %get3A_772 = tpu.vector_load %arg8[%get3A_769, %get3A_770, %get3A_771] {strides = array<i32>} : memref<5x64x128xf32, #tpu.memory_space<vmem>>, vector<1x1x16xf32>,
      %get3A_773 = vector.shape_cast %get3A_772 : vector<1x1x16xf32> to vector<16xf32>
      %add3A_774 = arith.addi %rem3A_431, %scan3A_693 : i32
      %get3A_775 = arith.index_cast %add3A_774 : i32 to index
      %get3A_776 = arith.constant 64 : index
      %get3A_777 = tpu.vector_load %arg7[%get3A_775, %get3A_776] {strides = array<i32>} : memref<256x128xf32, #tpu.memory_space<vmem>>, vector<1x16xf32>,
      %get3A_778 = vector.shape_cast %get3A_777 : vector<1x16xf32> to vector<16xf32>
      %add3A_779 = arith.addf %get3A_773, %get3A_778 : vector<16xf32>
      %swap3A_780 = arith.constant 1 : i32
      %swap3A_781 = arith.index_cast %swap3A_780 : i32 to index
      %swap3A_782 = arith.index_cast %scan3A_693 : i32 to index
      %swap3A_783 = arith.constant 64 : index
      %swap3A_784 = tpu.vector_load %arg8[%swap3A_781, %swap3A_782, %swap3A_783] {strides = array<i32>} : memref<5x64x128xf32, #tpu.memory_space<vmem>>, vector<1x1x16xf32>,
      %swap3A_785 = vector.shape_cast %swap3A_784 : vector<1x1x16xf32> to vector<16xf32>
      %swap3A_786 = vector.shape_cast %add3A_779 : vector<16xf32> to vector<1x1x16xf32>
      tpu.vector_store %arg8[%swap3A_781, %swap3A_782, %swap3A_783], %swap3A_786 {strides = array<i32>} : memref<5x64x128xf32, #tpu.memory_space<vmem>>, vector<1x1x16xf32>,
      %get3A_787 = arith.constant 1 : i32
      %get3A_788 = arith.index_cast %get3A_787 : i32 to index
      %get3A_789 = arith.index_cast %scan3A_693 : i32 to index
      %get3A_790 = arith.constant 80 : index
      %get3A_791 = tpu.vector_load %arg8[%get3A_788, %get3A_789, %get3A_790] {strides = array<i32>} : memref<5x64x128xf32, #tpu.memory_space<vmem>>, vector<1x1x16xf32>,
      %get3A_792 = vector.shape_cast %get3A_791 : vector<1x1x16xf32> to vector<16xf32>
      %add3A_793 = arith.addi %rem3A_431, %scan3A_693 : i32
      %get3A_794 = arith.index_cast %add3A_793 : i32 to index
      %get3A_795 = arith.constant 80 : index
      %get3A_796 = tpu.vector_load %arg7[%get3A_794, %get3A_795] {strides = array<i32>} : memref<256x128xf32, #tpu.memory_space<vmem>>, vector<1x16xf32>,
      %get3A_797 = vector.shape_cast %get3A_796 : vector<1x16xf32> to vector<16xf32>
      %add3A_798 = arith.addf %get3A_792, %get3A_797 : vector<16xf32>
      %swap3A_799 = arith.constant 1 : i32
      %swap3A_800 = arith.index_cast %swap3A_799 : i32 to index
      %swap3A_801 = arith.index_cast %scan3A_693 : i32 to index
      %swap3A_802 = arith.constant 80 : index
      %swap3A_803 = tpu.vector_load %arg8[%swap3A_800, %swap3A_801, %swap3A_802] {strides = array<i32>} : memref<5x64x128xf32, #tpu.memory_space<vmem>>, vector<1x1x16xf32>,
      %swap3A_804 = vector.shape_cast %swap3A_803 : vector<1x1x16xf32> to vector<16xf32>
      %swap3A_805 = vector.shape_cast %add3A_798 : vector<16xf32> to vector<1x1x16xf32>
      tpu.vector_store %arg8[%swap3A_800, %swap3A_801, %swap3A_802], %swap3A_805 {strides = array<i32>} : memref<5x64x128xf32, #tpu.memory_space<vmem>>, vector<1x1x16xf32>,
      %get3A_806 = arith.constant 1 : i32
      %get3A_807 = arith.index_cast %get3A_806 : i32 to index
      %get3A_808 = arith.index_cast %scan3A_693 : i32 to index
      %get3A_809 = arith.constant 96 : index
      %get3A_810 = tpu.vector_load %arg8[%get3A_807, %get3A_808, %get3A_809] {strides = array<i32>} : memref<5x64x128xf32, #tpu.memory_space<vmem>>, vector<1x1x16xf32>,
      %get3A_811 = vector.shape_cast %get3A_810 : vector<1x1x16xf32> to vector<16xf32>
      %add3A_812 = arith.addi %rem3A_431, %scan3A_693 : i32
      %get3A_813 = arith.index_cast %add3A_812 : i32 to index
      %get3A_814 = arith.constant 96 : index
      %get3A_815 = tpu.vector_load %arg7[%get3A_813, %get3A_814] {strides = array<i32>} : memref<256x128xf32, #tpu.memory_space<vmem>>, vector<1x16xf32>,
      %get3A_816 = vector.shape_cast %get3A_815 : vector<1x16xf32> to vector<16xf32>
      %add3A_817 = arith.addf %get3A_811, %get3A_816 : vector<16xf32>
      %swap3A_818 = arith.constant 1 : i32
      %swap3A_819 = arith.index_cast %swap3A_818 : i32 to index
      %swap3A_820 = arith.index_cast %scan3A_693 : i32 to index
      %swap3A_821 = arith.constant 96 : index
      %swap3A_822 = tpu.vector_load %arg8[%swap3A_819, %swap3A_820, %swap3A_821] {strides = array<i32>} : memref<5x64x128xf32, #tpu.memory_space<vmem>>, vector<1x1x16xf32>,
      %swap3A_823 = vector.shape_cast %swap3A_822 : vector<1x1x16xf32> to vector<16xf32>
      %swap3A_824 = vector.shape_cast %add3A_817 : vector<16xf32> to vector<1x1x16xf32>
      tpu.vector_store %arg8[%swap3A_819, %swap3A_820, %swap3A_821], %swap3A_824 {strides = array<i32>} : memref<5x64x128xf32, #tpu.memory_space<vmem>>, vector<1x1x16xf32>,
      %get3A_825 = arith.constant 1 : i32
      %get3A_826 = arith.index_cast %get3A_825 : i32 to index
      %get3A_827 = arith.index_cast %scan3A_693 : i32 to index
      %get3A_828 = arith.constant 112 : index
      %get3A_829 = tpu.vector_load %arg8[%get3A_826, %get3A_827, %get3A_828] {strides = array<i32>} : memref<5x64x128xf32, #tpu.memory_space<vmem>>, vector<1x1x16xf32>,
      %get3A_830 = vector.shape_cast %get3A_829 : vector<1x1x16xf32> to vector<16xf32>
      %add3A_831 = arith.addi %rem3A_431, %scan3A_693 : i32
      %get3A_832 = arith.index_cast %add3A_831 : i32 to index
      %get3A_833 = arith.constant 112 : index
      %get3A_834 = tpu.vector_load %arg7[%get3A_832, %get3A_833] {strides = array<i32>} : memref<256x128xf32, #tpu.memory_space<vmem>>, vector<1x16xf32>,
      %get3A_835 = vector.shape_cast %get3A_834 : vector<1x16xf32> to vector<16xf32>
      %add3A_836 = arith.addf %get3A_830, %get3A_835 : vector<16xf32>
      %swap3A_837 = arith.constant 1 : i32
      %swap3A_838 = arith.index_cast %swap3A_837 : i32 to index
      %swap3A_839 = arith.index_cast %scan3A_693 : i32 to index
      %swap3A_840 = arith.constant 112 : index
      %swap3A_841 = tpu.vector_load %arg8[%swap3A_838, %swap3A_839, %swap3A_840] {strides = array<i32>} : memref<5x64x128xf32, #tpu.memory_space<vmem>>, vector<1x1x16xf32>,
      %swap3A_842 = vector.shape_cast %swap3A_841 : vector<1x1x16xf32> to vector<16xf32>
      %swap3A_843 = vector.shape_cast %add3A_836 : vector<16xf32> to vector<1x1x16xf32>
      tpu.vector_store %arg8[%swap3A_838, %swap3A_839, %swap3A_840], %swap3A_843 {strides = array<i32>} : memref<5x64x128xf32, #tpu.memory_space<vmem>>, vector<1x1x16xf32>,
    }
    %scan3A_437 = arith.constant 64 : i32
    %dma_start3A_438 = arith.constant 1 : i32
    %dma_start3A_439 = arith.constant 96 : i32
    %dma_start3A_440 = arith.constant 0 : i32
    %dma_start3A_441 = arith.constant 0 : i32
    %dma_start3A_442 = tpu.memref_slice %arg8[%dma_start3A_438, %dma_start3A_440, %dma_start3A_441] : memref<5x64x128xf32, #tpu.memory_space<vmem>> -> memref<1x64x128xf32, #tpu.memory_space<vmem>>
    %dma_start3A_443 = tpu.memref_squeeze %dma_start3A_442 : memref<1x64x128xf32, #tpu.memory_space<vmem>> -> memref<64x128xf32, #tpu.memory_space<vmem>>
    %dma_start3A_444 = arith.constant 0 : i32
    %dma_start3A_445 = arith.constant 0 : i32
    %dma_start3A_446 = tpu.memref_slice %arg5[%add3A, %dma_start3A_439, %dma_start3A_444, %dma_start3A_445] : memref<32x100x64x128xf32, #tpu.memory_space<hbm>> -> memref<1x1x64x128xf32, #tpu.memory_space<hbm>>
    %dma_start3A_447 = tpu.memref_squeeze %dma_start3A_446 : memref<1x1x64x128xf32, #tpu.memory_space<hbm>> -> memref<64x128xf32, #tpu.memory_space<hbm>>
    %dma_start3A_448 = arith.constant 0 : i32
    %dma_start3A_449 = arith.constant 0 : i32
    %dma_start3A_450 = tpu.memref_slice %arg5[%add3A, %dma_start3A_439, %dma_start3A_448, %dma_start3A_449] : memref<32x100x64x128xf32, #tpu.memory_space<hbm>> -> memref<1x1x64x128xf32, #tpu.memory_space<hbm>>
    %dma_start3A_451 = tpu.memref_squeeze %dma_start3A_450 : memref<1x1x64x128xf32, #tpu.memory_space<hbm>> -> memref<64x128xf32, #tpu.memory_space<hbm>>
    %dma_start3A_452 = arith.constant 0 : i32
    %dma_start3A_453 = arith.constant 0 : i32
    %dma_start3A_454 = tpu.memref_slice %arg8[%dma_start3A_438, %dma_start3A_452, %dma_start3A_453] : memref<5x64x128xf32, #tpu.memory_space<vmem>> -> memref<1x64x128xf32, #tpu.memory_space<vmem>>
    %dma_start3A_455 = tpu.memref_squeeze %dma_start3A_454 : memref<1x64x128xf32, #tpu.memory_space<vmem>> -> memref<64x128xf32, #tpu.memory_space<vmem>>
    tpu.enqueue_dma source(%dma_start3A_455 : memref<64x128xf32, #tpu.memory_space<vmem>>) target(%dma_start3A_451 : memref<64x128xf32, #tpu.memory_space<hbm>>) target_semaphore(%arg15 : memref<!tpu.dma_semaphore, #tpu.memory_space<semaphore_mem>>)
    %dma_wait3A_456 = arith.constant 4 : i32
    %dma_wait3A_457 = arith.constant 94 : i32
    %dma_wait3A_458 = arith.constant 0 : i32
    %dma_wait3A_459 = arith.constant 0 : i32
    %dma_wait3A_460 = tpu.memref_slice %arg8[%dma_wait3A_456, %dma_wait3A_458, %dma_wait3A_459] : memref<5x64x128xf32, #tpu.memory_space<vmem>> -> memref<1x64x128xf32, #tpu.memory_space<vmem>>
    %dma_wait3A_461 = tpu.memref_squeeze %dma_wait3A_460 : memref<1x64x128xf32, #tpu.memory_space<vmem>> -> memref<64x128xf32, #tpu.memory_space<vmem>>
    %dma_wait3A_462 = arith.constant 0 : i32
    %dma_wait3A_463 = arith.constant 0 : i32
    %dma_wait3A_464 = tpu.memref_slice %arg5[%add3A, %dma_wait3A_457, %dma_wait3A_462, %dma_wait3A_463] : memref<32x100x64x128xf32, #tpu.memory_space<hbm>> -> memref<1x1x64x128xf32, #tpu.memory_space<hbm>>
    %dma_wait3A_465 = tpu.memref_squeeze %dma_wait3A_464 : memref<1x1x64x128xf32, #tpu.memory_space<hbm>> -> memref<64x128xf32, #tpu.memory_space<hbm>>
    %dma_wait3A_466 = arith.constant 0 : i32
    %dma_wait3A_467 = arith.constant 0 : i32
    %dma_wait3A_468 = tpu.memref_slice %arg5[%add3A, %dma_wait3A_457, %dma_wait3A_466, %dma_wait3A_467] : memref<32x100x64x128xf32, #tpu.memory_space<hbm>> -> memref<1x1x64x128xf32, #tpu.memory_space<hbm>>
    %dma_wait3A_469 = tpu.memref_squeeze %dma_wait3A_468 : memref<1x1x64x128xf32, #tpu.memory_space<hbm>> -> memref<64x128xf32, #tpu.memory_space<hbm>>
    %dma_wait3A_470 = arith.constant 0 : i32
    %dma_wait3A_471 = arith.constant 0 : i32
    %dma_wait3A_472 = tpu.memref_slice %arg8[%dma_wait3A_456, %dma_wait3A_470, %dma_wait3A_471] : memref<5x64x128xf32, #tpu.memory_space<vmem>> -> memref<1x64x128xf32, #tpu.memory_space<vmem>>
    %dma_wait3A_473 = tpu.memref_squeeze %dma_wait3A_472 : memref<1x64x128xf32, #tpu.memory_space<vmem>> -> memref<64x128xf32, #tpu.memory_space<vmem>>
    tpu.wait_dma2 semaphore(%arg18 : memref<!tpu.dma_semaphore, #tpu.memory_space<semaphore_mem>>) src(%dma_wait3A_473 : memref<64x128xf32, #tpu.memory_space<vmem>>) dst(%dma_wait3A_469 : memref<64x128xf32, #tpu.memory_space<hbm>>)
    %dma_start3A_474 = arith.constant 99 : i32
    %dma_start3A_475 = arith.constant 4 : i32
    %dma_start3A_476 = arith.constant 0 : i32
    %dma_start3A_477 = arith.constant 0 : i32
    %dma_start3A_478 = tpu.memref_slice %arg8[%dma_start3A_475, %dma_start3A_476, %dma_start3A_477] : memref<5x64x128xf32, #tpu.memory_space<vmem>> -> memref<1x64x128xf32, #tpu.memory_space<vmem>>
    %dma_start3A_479 = tpu.memref_squeeze %dma_start3A_478 : memref<1x64x128xf32, #tpu.memory_space<vmem>> -> memref<64x128xf32, #tpu.memory_space<vmem>>
    %dma_start3A_480 = arith.constant 0 : i32
    %dma_start3A_481 = tpu.memref_slice %arg6[%dma_start3A_474, %dma_start3A_480] : memref<100x64xi32, #tpu.memory_space<vmem>> -> memref<1x64xi32, #tpu.memory_space<vmem>>
    %dma_start3A_482 = tpu.memref_squeeze %dma_start3A_481 : memref<1x64xi32, #tpu.memory_space<vmem>> -> memref<64xi32, #tpu.memory_space<vmem>>
    %dma_start3A_483 = arith.constant 0 : i32
    %dma_start3A_484 = arith.constant 0 : i32
    %dma_start3A_485 = tpu.memref_slice %arg3[%dma_start3A_483, %dma_start3A_484] : memref<100000x128xf32, #tpu.memory_space<hbm>> -> memref<100000x128xf32, #tpu.memory_space<hbm>>
    tpu.enqueue_indirect_dma source(%dma_start3A_485 : memref<100000x128xf32, #tpu.memory_space<hbm>>) target(%dma_start3A_479 : memref<64x128xf32, #tpu.memory_space<vmem>>) offsets(%dma_start3A_482 : memref<64xi32, #tpu.memory_space<vmem>>) semaphore(%arg13 : memref<!tpu.dma_semaphore, #tpu.memory_space<semaphore_mem>>)
    %dma_wait3A_486 = arith.constant 97 : i32
    %dma_wait3A_487 = arith.constant 2 : i32
    %dma_wait3A_488 = arith.constant 0 : i32
    %dma_wait3A_489 = arith.constant 0 : i32
    %dma_wait3A_490 = tpu.memref_slice %arg8[%dma_wait3A_487, %dma_wait3A_488, %dma_wait3A_489] : memref<5x64x128xf32, #tpu.memory_space<vmem>> -> memref<1x64x128xf32, #tpu.memory_space<vmem>>
    %dma_wait3A_491 = tpu.memref_squeeze %dma_wait3A_490 : memref<1x64x128xf32, #tpu.memory_space<vmem>> -> memref<64x128xf32, #tpu.memory_space<vmem>>
    %dma_wait3A_492 = arith.constant 0 : i32
    %dma_wait3A_493 = tpu.memref_slice %arg6[%dma_wait3A_486, %dma_wait3A_492] : memref<100x64xi32, #tpu.memory_space<vmem>> -> memref<1x64xi32, #tpu.memory_space<vmem>>
    %dma_wait3A_494 = tpu.memref_squeeze %dma_wait3A_493 : memref<1x64xi32, #tpu.memory_space<vmem>> -> memref<64xi32, #tpu.memory_space<vmem>>
    %dma_wait3A_495 = arith.constant 0 : i32
    %dma_wait3A_496 = arith.constant 0 : i32
    %dma_wait3A_497 = tpu.memref_slice %arg3[%dma_wait3A_495, %dma_wait3A_496] : memref<100000x128xf32, #tpu.memory_space<hbm>> -> memref<100000x128xf32, #tpu.memory_space<hbm>>
    tpu.wait_indirect_dma semaphore(%arg11 : memref<!tpu.dma_semaphore, #tpu.memory_space<semaphore_mem>>) src(%dma_wait3A_497 : memref<100000x128xf32, #tpu.memory_space<hbm>>) dst(%dma_wait3A_491 : memref<64x128xf32, #tpu.memory_space<vmem>>)
    %rem3A_498 = arith.constant 6208 : i32
    %rem3A_499 = arith.constant 200 : i32
    %rem3A_500 = arith.remsi %rem3A_498, %rem3A_499 : i32
    %scan3A_501 = arith.constant 0 : i32
    %scan3A_502 = arith.constant 0 : i32
    %scan3A_503 = arith.constant 64 : i32
    %scan3A_504 = arith.addi %scan3A_502, %scan3A_503 : i32
    %scan3A_505 = arith.constant 1 : i32
    scf.for %scan3A_693 = %scan3A_502 to %scan3A_504 step %scan3A_505  : i32 {
      %get3A = arith.constant 2 : i32
      %get3A_694 = arith.index_cast %get3A : i32 to index
      %get3A_695 = arith.index_cast %scan3A_693 : i32 to index
      %get3A_696 = arith.constant 0 : index
      %get3A_697 = tpu.vector_load %arg8[%get3A_694, %get3A_695, %get3A_696] {strides = array<i32>} : memref<5x64x128xf32, #tpu.memory_space<vmem>>, vector<1x1x16xf32>,
      %get3A_698 = vector.shape_cast %get3A_697 : vector<1x1x16xf32> to vector<16xf32>
      %add3A_699 = arith.addi %rem3A_500, %scan3A_693 : i32
      %get3A_700 = arith.index_cast %add3A_699 : i32 to index
      %get3A_701 = arith.constant 0 : index
      %get3A_702 = tpu.vector_load %arg7[%get3A_700, %get3A_701] {strides = array<i32>} : memref<256x128xf32, #tpu.memory_space<vmem>>, vector<1x16xf32>,
      %get3A_703 = vector.shape_cast %get3A_702 : vector<1x16xf32> to vector<16xf32>
      %add3A_704 = arith.addf %get3A_698, %get3A_703 : vector<16xf32>
      %swap3A = arith.constant 2 : i32
      %swap3A_705 = arith.index_cast %swap3A : i32 to index
      %swap3A_706 = arith.index_cast %scan3A_693 : i32 to index
      %swap3A_707 = arith.constant 0 : index
      %swap3A_708 = tpu.vector_load %arg8[%swap3A_705, %swap3A_706, %swap3A_707] {strides = array<i32>} : memref<5x64x128xf32, #tpu.memory_space<vmem>>, vector<1x1x16xf32>,
      %swap3A_709 = vector.shape_cast %swap3A_708 : vector<1x1x16xf32> to vector<16xf32>
      %swap3A_710 = vector.shape_cast %add3A_704 : vector<16xf32> to vector<1x1x16xf32>
      tpu.vector_store %arg8[%swap3A_705, %swap3A_706, %swap3A_707], %swap3A_710 {strides = array<i32>} : memref<5x64x128xf32, #tpu.memory_space<vmem>>, vector<1x1x16xf32>,
      %get3A_711 = arith.constant 2 : i32
      %get3A_712 = arith.index_cast %get3A_711 : i32 to index
      %get3A_713 = arith.index_cast %scan3A_693 : i32 to index
      %get3A_714 = arith.constant 16 : index
      %get3A_715 = tpu.vector_load %arg8[%get3A_712, %get3A_713, %get3A_714] {strides = array<i32>} : memref<5x64x128xf32, #tpu.memory_space<vmem>>, vector<1x1x16xf32>,
      %get3A_716 = vector.shape_cast %get3A_715 : vector<1x1x16xf32> to vector<16xf32>
      %add3A_717 = arith.addi %rem3A_500, %scan3A_693 : i32
      %get3A_718 = arith.index_cast %add3A_717 : i32 to index
      %get3A_719 = arith.constant 16 : index
      %get3A_720 = tpu.vector_load %arg7[%get3A_718, %get3A_719] {strides = array<i32>} : memref<256x128xf32, #tpu.memory_space<vmem>>, vector<1x16xf32>,
      %get3A_721 = vector.shape_cast %get3A_720 : vector<1x16xf32> to vector<16xf32>
      %add3A_722 = arith.addf %get3A_716, %get3A_721 : vector<16xf32>
      %swap3A_723 = arith.constant 2 : i32
      %swap3A_724 = arith.index_cast %swap3A_723 : i32 to index
      %swap3A_725 = arith.index_cast %scan3A_693 : i32 to index
      %swap3A_726 = arith.constant 16 : index
      %swap3A_727 = tpu.vector_load %arg8[%swap3A_724, %swap3A_725, %swap3A_726] {strides = array<i32>} : memref<5x64x128xf32, #tpu.memory_space<vmem>>, vector<1x1x16xf32>,
      %swap3A_728 = vector.shape_cast %swap3A_727 : vector<1x1x16xf32> to vector<16xf32>
      %swap3A_729 = vector.shape_cast %add3A_722 : vector<16xf32> to vector<1x1x16xf32>
      tpu.vector_store %arg8[%swap3A_724, %swap3A_725, %swap3A_726], %swap3A_729 {strides = array<i32>} : memref<5x64x128xf32, #tpu.memory_space<vmem>>, vector<1x1x16xf32>,
      %get3A_730 = arith.constant 2 : i32
      %get3A_731 = arith.index_cast %get3A_730 : i32 to index
      %get3A_732 = arith.index_cast %scan3A_693 : i32 to index
      %get3A_733 = arith.constant 32 : index
      %get3A_734 = tpu.vector_load %arg8[%get3A_731, %get3A_732, %get3A_733] {strides = array<i32>} : memref<5x64x128xf32, #tpu.memory_space<vmem>>, vector<1x1x16xf32>,
      %get3A_735 = vector.shape_cast %get3A_734 : vector<1x1x16xf32> to vector<16xf32>
      %add3A_736 = arith.addi %rem3A_500, %scan3A_693 : i32
      %get3A_737 = arith.index_cast %add3A_736 : i32 to index
      %get3A_738 = arith.constant 32 : index
      %get3A_739 = tpu.vector_load %arg7[%get3A_737, %get3A_738] {strides = array<i32>} : memref<256x128xf32, #tpu.memory_space<vmem>>, vector<1x16xf32>,
      %get3A_740 = vector.shape_cast %get3A_739 : vector<1x16xf32> to vector<16xf32>
      %add3A_741 = arith.addf %get3A_735, %get3A_740 : vector<16xf32>
      %swap3A_742 = arith.constant 2 : i32
      %swap3A_743 = arith.index_cast %swap3A_742 : i32 to index
      %swap3A_744 = arith.index_cast %scan3A_693 : i32 to index
      %swap3A_745 = arith.constant 32 : index
      %swap3A_746 = tpu.vector_load %arg8[%swap3A_743, %swap3A_744, %swap3A_745] {strides = array<i32>} : memref<5x64x128xf32, #tpu.memory_space<vmem>>, vector<1x1x16xf32>,
      %swap3A_747 = vector.shape_cast %swap3A_746 : vector<1x1x16xf32> to vector<16xf32>
      %swap3A_748 = vector.shape_cast %add3A_741 : vector<16xf32> to vector<1x1x16xf32>
      tpu.vector_store %arg8[%swap3A_743, %swap3A_744, %swap3A_745], %swap3A_748 {strides = array<i32>} : memref<5x64x128xf32, #tpu.memory_space<vmem>>, vector<1x1x16xf32>,
      %get3A_749 = arith.constant 2 : i32
      %get3A_750 = arith.index_cast %get3A_749 : i32 to index
      %get3A_751 = arith.index_cast %scan3A_693 : i32 to index
      %get3A_752 = arith.constant 48 : index
      %get3A_753 = tpu.vector_load %arg8[%get3A_750, %get3A_751, %get3A_752] {strides = array<i32>} : memref<5x64x128xf32, #tpu.memory_space<vmem>>, vector<1x1x16xf32>,
      %get3A_754 = vector.shape_cast %get3A_753 : vector<1x1x16xf32> to vector<16xf32>
      %add3A_755 = arith.addi %rem3A_500, %scan3A_693 : i32
      %get3A_756 = arith.index_cast %add3A_755 : i32 to index
      %get3A_757 = arith.constant 48 : index
      %get3A_758 = tpu.vector_load %arg7[%get3A_756, %get3A_757] {strides = array<i32>} : memref<256x128xf32, #tpu.memory_space<vmem>>, vector<1x16xf32>,
      %get3A_759 = vector.shape_cast %get3A_758 : vector<1x16xf32> to vector<16xf32>
      %add3A_760 = arith.addf %get3A_754, %get3A_759 : vector<16xf32>
      %swap3A_761 = arith.constant 2 : i32
      %swap3A_762 = arith.index_cast %swap3A_761 : i32 to index
      %swap3A_763 = arith.index_cast %scan3A_693 : i32 to index
      %swap3A_764 = arith.constant 48 : index
      %swap3A_765 = tpu.vector_load %arg8[%swap3A_762, %swap3A_763, %swap3A_764] {strides = array<i32>} : memref<5x64x128xf32, #tpu.memory_space<vmem>>, vector<1x1x16xf32>,
      %swap3A_766 = vector.shape_cast %swap3A_765 : vector<1x1x16xf32> to vector<16xf32>
      %swap3A_767 = vector.shape_cast %add3A_760 : vector<16xf32> to vector<1x1x16xf32>
      tpu.vector_store %arg8[%swap3A_762, %swap3A_763, %swap3A_764], %swap3A_767 {strides = array<i32>} : memref<5x64x128xf32, #tpu.memory_space<vmem>>, vector<1x1x16xf32>,
      %get3A_768 = arith.constant 2 : i32
      %get3A_769 = arith.index_cast %get3A_768 : i32 to index
      %get3A_770 = arith.index_cast %scan3A_693 : i32 to index
      %get3A_771 = arith.constant 64 : index
      %get3A_772 = tpu.vector_load %arg8[%get3A_769, %get3A_770, %get3A_771] {strides = array<i32>} : memref<5x64x128xf32, #tpu.memory_space<vmem>>, vector<1x1x16xf32>,
      %get3A_773 = vector.shape_cast %get3A_772 : vector<1x1x16xf32> to vector<16xf32>
      %add3A_774 = arith.addi %rem3A_500, %scan3A_693 : i32
      %get3A_775 = arith.index_cast %add3A_774 : i32 to index
      %get3A_776 = arith.constant 64 : index
      %get3A_777 = tpu.vector_load %arg7[%get3A_775, %get3A_776] {strides = array<i32>} : memref<256x128xf32, #tpu.memory_space<vmem>>, vector<1x16xf32>,
      %get3A_778 = vector.shape_cast %get3A_777 : vector<1x16xf32> to vector<16xf32>
      %add3A_779 = arith.addf %get3A_773, %get3A_778 : vector<16xf32>
      %swap3A_780 = arith.constant 2 : i32
      %swap3A_781 = arith.index_cast %swap3A_780 : i32 to index
      %swap3A_782 = arith.index_cast %scan3A_693 : i32 to index
      %swap3A_783 = arith.constant 64 : index
      %swap3A_784 = tpu.vector_load %arg8[%swap3A_781, %swap3A_782, %swap3A_783] {strides = array<i32>} : memref<5x64x128xf32, #tpu.memory_space<vmem>>, vector<1x1x16xf32>,
      %swap3A_785 = vector.shape_cast %swap3A_784 : vector<1x1x16xf32> to vector<16xf32>
      %swap3A_786 = vector.shape_cast %add3A_779 : vector<16xf32> to vector<1x1x16xf32>
      tpu.vector_store %arg8[%swap3A_781, %swap3A_782, %swap3A_783], %swap3A_786 {strides = array<i32>} : memref<5x64x128xf32, #tpu.memory_space<vmem>>, vector<1x1x16xf32>,
      %get3A_787 = arith.constant 2 : i32
      %get3A_788 = arith.index_cast %get3A_787 : i32 to index
      %get3A_789 = arith.index_cast %scan3A_693 : i32 to index
      %get3A_790 = arith.constant 80 : index
      %get3A_791 = tpu.vector_load %arg8[%get3A_788, %get3A_789, %get3A_790] {strides = array<i32>} : memref<5x64x128xf32, #tpu.memory_space<vmem>>, vector<1x1x16xf32>,
      %get3A_792 = vector.shape_cast %get3A_791 : vector<1x1x16xf32> to vector<16xf32>
      %add3A_793 = arith.addi %rem3A_500, %scan3A_693 : i32
      %get3A_794 = arith.index_cast %add3A_793 : i32 to index
      %get3A_795 = arith.constant 80 : index
      %get3A_796 = tpu.vector_load %arg7[%get3A_794, %get3A_795] {strides = array<i32>} : memref<256x128xf32, #tpu.memory_space<vmem>>, vector<1x16xf32>,
      %get3A_797 = vector.shape_cast %get3A_796 : vector<1x16xf32> to vector<16xf32>
      %add3A_798 = arith.addf %get3A_792, %get3A_797 : vector<16xf32>
      %swap3A_799 = arith.constant 2 : i32
      %swap3A_800 = arith.index_cast %swap3A_799 : i32 to index
      %swap3A_801 = arith.index_cast %scan3A_693 : i32 to index
      %swap3A_802 = arith.constant 80 : index
      %swap3A_803 = tpu.vector_load %arg8[%swap3A_800, %swap3A_801, %swap3A_802] {strides = array<i32>} : memref<5x64x128xf32, #tpu.memory_space<vmem>>, vector<1x1x16xf32>,
      %swap3A_804 = vector.shape_cast %swap3A_803 : vector<1x1x16xf32> to vector<16xf32>
      %swap3A_805 = vector.shape_cast %add3A_798 : vector<16xf32> to vector<1x1x16xf32>
      tpu.vector_store %arg8[%swap3A_800, %swap3A_801, %swap3A_802], %swap3A_805 {strides = array<i32>} : memref<5x64x128xf32, #tpu.memory_space<vmem>>, vector<1x1x16xf32>,
      %get3A_806 = arith.constant 2 : i32
      %get3A_807 = arith.index_cast %get3A_806 : i32 to index
      %get3A_808 = arith.index_cast %scan3A_693 : i32 to index
      %get3A_809 = arith.constant 96 : index
      %get3A_810 = tpu.vector_load %arg8[%get3A_807, %get3A_808, %get3A_809] {strides = array<i32>} : memref<5x64x128xf32, #tpu.memory_space<vmem>>, vector<1x1x16xf32>,
      %get3A_811 = vector.shape_cast %get3A_810 : vector<1x1x16xf32> to vector<16xf32>
      %add3A_812 = arith.addi %rem3A_500, %scan3A_693 : i32
      %get3A_813 = arith.index_cast %add3A_812 : i32 to index
      %get3A_814 = arith.constant 96 : index
      %get3A_815 = tpu.vector_load %arg7[%get3A_813, %get3A_814] {strides = array<i32>} : memref<256x128xf32, #tpu.memory_space<vmem>>, vector<1x16xf32>,
      %get3A_816 = vector.shape_cast %get3A_815 : vector<1x16xf32> to vector<16xf32>
      %add3A_817 = arith.addf %get3A_811, %get3A_816 : vector<16xf32>
      %swap3A_818 = arith.constant 2 : i32
      %swap3A_819 = arith.index_cast %swap3A_818 : i32 to index
      %swap3A_820 = arith.index_cast %scan3A_693 : i32 to index
      %swap3A_821 = arith.constant 96 : index
      %swap3A_822 = tpu.vector_load %arg8[%swap3A_819, %swap3A_820, %swap3A_821] {strides = array<i32>} : memref<5x64x128xf32, #tpu.memory_space<vmem>>, vector<1x1x16xf32>,
      %swap3A_823 = vector.shape_cast %swap3A_822 : vector<1x1x16xf32> to vector<16xf32>
      %swap3A_824 = vector.shape_cast %add3A_817 : vector<16xf32> to vector<1x1x16xf32>
      tpu.vector_store %arg8[%swap3A_819, %swap3A_820, %swap3A_821], %swap3A_824 {strides = array<i32>} : memref<5x64x128xf32, #tpu.memory_space<vmem>>, vector<1x1x16xf32>,
      %get3A_825 = arith.constant 2 : i32
      %get3A_826 = arith.index_cast %get3A_825 : i32 to index
      %get3A_827 = arith.index_cast %scan3A_693 : i32 to index
      %get3A_828 = arith.constant 112 : index
      %get3A_829 = tpu.vector_load %arg8[%get3A_826, %get3A_827, %get3A_828] {strides = array<i32>} : memref<5x64x128xf32, #tpu.memory_space<vmem>>, vector<1x1x16xf32>,
      %get3A_830 = vector.shape_cast %get3A_829 : vector<1x1x16xf32> to vector<16xf32>
      %add3A_831 = arith.addi %rem3A_500, %scan3A_693 : i32
      %get3A_832 = arith.index_cast %add3A_831 : i32 to index
      %get3A_833 = arith.constant 112 : index
      %get3A_834 = tpu.vector_load %arg7[%get3A_832, %get3A_833] {strides = array<i32>} : memref<256x128xf32, #tpu.memory_space<vmem>>, vector<1x16xf32>,
      %get3A_835 = vector.shape_cast %get3A_834 : vector<1x16xf32> to vector<16xf32>
      %add3A_836 = arith.addf %get3A_830, %get3A_835 : vector<16xf32>
      %swap3A_837 = arith.constant 2 : i32
      %swap3A_838 = arith.index_cast %swap3A_837 : i32 to index
      %swap3A_839 = arith.index_cast %scan3A_693 : i32 to index
      %swap3A_840 = arith.constant 112 : index
      %swap3A_841 = tpu.vector_load %arg8[%swap3A_838, %swap3A_839, %swap3A_840] {strides = array<i32>} : memref<5x64x128xf32, #tpu.memory_space<vmem>>, vector<1x1x16xf32>,
      %swap3A_842 = vector.shape_cast %swap3A_841 : vector<1x1x16xf32> to vector<16xf32>
      %swap3A_843 = vector.shape_cast %add3A_836 : vector<16xf32> to vector<1x1x16xf32>
      tpu.vector_store %arg8[%swap3A_838, %swap3A_839, %swap3A_840], %swap3A_843 {strides = array<i32>} : memref<5x64x128xf32, #tpu.memory_space<vmem>>, vector<1x1x16xf32>,
    }
    %scan3A_506 = arith.constant 64 : i32
    %dma_start3A_507 = arith.constant 2 : i32
    %dma_start3A_508 = arith.constant 97 : i32
    %dma_start3A_509 = arith.constant 0 : i32
    %dma_start3A_510 = arith.constant 0 : i32
    %dma_start3A_511 = tpu.memref_slice %arg8[%dma_start3A_507, %dma_start3A_509, %dma_start3A_510] : memref<5x64x128xf32, #tpu.memory_space<vmem>> -> memref<1x64x128xf32, #tpu.memory_space<vmem>>
    %dma_start3A_512 = tpu.memref_squeeze %dma_start3A_511 : memref<1x64x128xf32, #tpu.memory_space<vmem>> -> memref<64x128xf32, #tpu.memory_space<vmem>>
    %dma_start3A_513 = arith.constant 0 : i32
    %dma_start3A_514 = arith.constant 0 : i32
    %dma_start3A_515 = tpu.memref_slice %arg5[%add3A, %dma_start3A_508, %dma_start3A_513, %dma_start3A_514] : memref<32x100x64x128xf32, #tpu.memory_space<hbm>> -> memref<1x1x64x128xf32, #tpu.memory_space<hbm>>
    %dma_start3A_516 = tpu.memref_squeeze %dma_start3A_515 : memref<1x1x64x128xf32, #tpu.memory_space<hbm>> -> memref<64x128xf32, #tpu.memory_space<hbm>>
    %dma_start3A_517 = arith.constant 0 : i32
    %dma_start3A_518 = arith.constant 0 : i32
    %dma_start3A_519 = tpu.memref_slice %arg5[%add3A, %dma_start3A_508, %dma_start3A_517, %dma_start3A_518] : memref<32x100x64x128xf32, #tpu.memory_space<hbm>> -> memref<1x1x64x128xf32, #tpu.memory_space<hbm>>
    %dma_start3A_520 = tpu.memref_squeeze %dma_start3A_519 : memref<1x1x64x128xf32, #tpu.memory_space<hbm>> -> memref<64x128xf32, #tpu.memory_space<hbm>>
    %dma_start3A_521 = arith.constant 0 : i32
    %dma_start3A_522 = arith.constant 0 : i32
    %dma_start3A_523 = tpu.memref_slice %arg8[%dma_start3A_507, %dma_start3A_521, %dma_start3A_522] : memref<5x64x128xf32, #tpu.memory_space<vmem>> -> memref<1x64x128xf32, #tpu.memory_space<vmem>>
    %dma_start3A_524 = tpu.memref_squeeze %dma_start3A_523 : memref<1x64x128xf32, #tpu.memory_space<vmem>> -> memref<64x128xf32, #tpu.memory_space<vmem>>
    tpu.enqueue_dma source(%dma_start3A_524 : memref<64x128xf32, #tpu.memory_space<vmem>>) target(%dma_start3A_520 : memref<64x128xf32, #tpu.memory_space<hbm>>) target_semaphore(%arg16 : memref<!tpu.dma_semaphore, #tpu.memory_space<semaphore_mem>>)
    %dma_wait3A_525 = arith.constant 0 : i32
    %dma_wait3A_526 = arith.constant 95 : i32
    %dma_wait3A_527 = arith.constant 0 : i32
    %dma_wait3A_528 = arith.constant 0 : i32
    %dma_wait3A_529 = tpu.memref_slice %arg8[%dma_wait3A_525, %dma_wait3A_527, %dma_wait3A_528] : memref<5x64x128xf32, #tpu.memory_space<vmem>> -> memref<1x64x128xf32, #tpu.memory_space<vmem>>
    %dma_wait3A_530 = tpu.memref_squeeze %dma_wait3A_529 : memref<1x64x128xf32, #tpu.memory_space<vmem>> -> memref<64x128xf32, #tpu.memory_space<vmem>>
    %dma_wait3A_531 = arith.constant 0 : i32
    %dma_wait3A_532 = arith.constant 0 : i32
    %dma_wait3A_533 = tpu.memref_slice %arg5[%add3A, %dma_wait3A_526, %dma_wait3A_531, %dma_wait3A_532] : memref<32x100x64x128xf32, #tpu.memory_space<hbm>> -> memref<1x1x64x128xf32, #tpu.memory_space<hbm>>
    %dma_wait3A_534 = tpu.memref_squeeze %dma_wait3A_533 : memref<1x1x64x128xf32, #tpu.memory_space<hbm>> -> memref<64x128xf32, #tpu.memory_space<hbm>>
    %dma_wait3A_535 = arith.constant 0 : i32
    %dma_wait3A_536 = arith.constant 0 : i32
    %dma_wait3A_537 = tpu.memref_slice %arg5[%add3A, %dma_wait3A_526, %dma_wait3A_535, %dma_wait3A_536] : memref<32x100x64x128xf32, #tpu.memory_space<hbm>> -> memref<1x1x64x128xf32, #tpu.memory_space<hbm>>
    %dma_wait3A_538 = tpu.memref_squeeze %dma_wait3A_537 : memref<1x1x64x128xf32, #tpu.memory_space<hbm>> -> memref<64x128xf32, #tpu.memory_space<hbm>>
    %dma_wait3A_539 = arith.constant 0 : i32
    %dma_wait3A_540 = arith.constant 0 : i32
    %dma_wait3A_541 = tpu.memref_slice %arg8[%dma_wait3A_525, %dma_wait3A_539, %dma_wait3A_540] : memref<5x64x128xf32, #tpu.memory_space<vmem>> -> memref<1x64x128xf32, #tpu.memory_space<vmem>>
    %dma_wait3A_542 = tpu.memref_squeeze %dma_wait3A_541 : memref<1x64x128xf32, #tpu.memory_space<vmem>> -> memref<64x128xf32, #tpu.memory_space<vmem>>
    tpu.wait_dma2 semaphore(%arg14 : memref<!tpu.dma_semaphore, #tpu.memory_space<semaphore_mem>>) src(%dma_wait3A_542 : memref<64x128xf32, #tpu.memory_space<vmem>>) dst(%dma_wait3A_538 : memref<64x128xf32, #tpu.memory_space<hbm>>)
    %dma_wait3A_543 = arith.constant 98 : i32
    %dma_wait3A_544 = arith.constant 3 : i32
    %dma_wait3A_545 = arith.constant 0 : i32
    %dma_wait3A_546 = arith.constant 0 : i32
    %dma_wait3A_547 = tpu.memref_slice %arg8[%dma_wait3A_544, %dma_wait3A_545, %dma_wait3A_546] : memref<5x64x128xf32, #tpu.memory_space<vmem>> -> memref<1x64x128xf32, #tpu.memory_space<vmem>>
    %dma_wait3A_548 = tpu.memref_squeeze %dma_wait3A_547 : memref<1x64x128xf32, #tpu.memory_space<vmem>> -> memref<64x128xf32, #tpu.memory_space<vmem>>
    %dma_wait3A_549 = arith.constant 0 : i32
    %dma_wait3A_550 = tpu.memref_slice %arg6[%dma_wait3A_543, %dma_wait3A_549] : memref<100x64xi32, #tpu.memory_space<vmem>> -> memref<1x64xi32, #tpu.memory_space<vmem>>
    %dma_wait3A_551 = tpu.memref_squeeze %dma_wait3A_550 : memref<1x64xi32, #tpu.memory_space<vmem>> -> memref<64xi32, #tpu.memory_space<vmem>>
    %dma_wait3A_552 = arith.constant 0 : i32
    %dma_wait3A_553 = arith.constant 0 : i32
    %dma_wait3A_554 = tpu.memref_slice %arg3[%dma_wait3A_552, %dma_wait3A_553] : memref<100000x128xf32, #tpu.memory_space<hbm>> -> memref<100000x128xf32, #tpu.memory_space<hbm>>
    tpu.wait_indirect_dma semaphore(%arg12 : memref<!tpu.dma_semaphore, #tpu.memory_space<semaphore_mem>>) src(%dma_wait3A_554 : memref<100000x128xf32, #tpu.memory_space<hbm>>) dst(%dma_wait3A_548 : memref<64x128xf32, #tpu.memory_space<vmem>>)
    %rem3A_555 = arith.constant 6272 : i32
    %rem3A_556 = arith.constant 200 : i32
    %rem3A_557 = arith.remsi %rem3A_555, %rem3A_556 : i32
    %scan3A_558 = arith.constant 0 : i32
    %scan3A_559 = arith.constant 0 : i32
    %scan3A_560 = arith.constant 64 : i32
    %scan3A_561 = arith.addi %scan3A_559, %scan3A_560 : i32
    %scan3A_562 = arith.constant 1 : i32
    scf.for %scan3A_693 = %scan3A_559 to %scan3A_561 step %scan3A_562  : i32 {
      %get3A = arith.constant 3 : i32
      %get3A_694 = arith.index_cast %get3A : i32 to index
      %get3A_695 = arith.index_cast %scan3A_693 : i32 to index
      %get3A_696 = arith.constant 0 : index
      %get3A_697 = tpu.vector_load %arg8[%get3A_694, %get3A_695, %get3A_696] {strides = array<i32>} : memref<5x64x128xf32, #tpu.memory_space<vmem>>, vector<1x1x16xf32>,
      %get3A_698 = vector.shape_cast %get3A_697 : vector<1x1x16xf32> to vector<16xf32>
      %add3A_699 = arith.addi %rem3A_557, %scan3A_693 : i32
      %get3A_700 = arith.index_cast %add3A_699 : i32 to index
      %get3A_701 = arith.constant 0 : index
      %get3A_702 = tpu.vector_load %arg7[%get3A_700, %get3A_701] {strides = array<i32>} : memref<256x128xf32, #tpu.memory_space<vmem>>, vector<1x16xf32>,
      %get3A_703 = vector.shape_cast %get3A_702 : vector<1x16xf32> to vector<16xf32>
      %add3A_704 = arith.addf %get3A_698, %get3A_703 : vector<16xf32>
      %swap3A = arith.constant 3 : i32
      %swap3A_705 = arith.index_cast %swap3A : i32 to index
      %swap3A_706 = arith.index_cast %scan3A_693 : i32 to index
      %swap3A_707 = arith.constant 0 : index
      %swap3A_708 = tpu.vector_load %arg8[%swap3A_705, %swap3A_706, %swap3A_707] {strides = array<i32>} : memref<5x64x128xf32, #tpu.memory_space<vmem>>, vector<1x1x16xf32>,
      %swap3A_709 = vector.shape_cast %swap3A_708 : vector<1x1x16xf32> to vector<16xf32>
      %swap3A_710 = vector.shape_cast %add3A_704 : vector<16xf32> to vector<1x1x16xf32>
      tpu.vector_store %arg8[%swap3A_705, %swap3A_706, %swap3A_707], %swap3A_710 {strides = array<i32>} : memref<5x64x128xf32, #tpu.memory_space<vmem>>, vector<1x1x16xf32>,
      %get3A_711 = arith.constant 3 : i32
      %get3A_712 = arith.index_cast %get3A_711 : i32 to index
      %get3A_713 = arith.index_cast %scan3A_693 : i32 to index
      %get3A_714 = arith.constant 16 : index
      %get3A_715 = tpu.vector_load %arg8[%get3A_712, %get3A_713, %get3A_714] {strides = array<i32>} : memref<5x64x128xf32, #tpu.memory_space<vmem>>, vector<1x1x16xf32>,
      %get3A_716 = vector.shape_cast %get3A_715 : vector<1x1x16xf32> to vector<16xf32>
      %add3A_717 = arith.addi %rem3A_557, %scan3A_693 : i32
      %get3A_718 = arith.index_cast %add3A_717 : i32 to index
      %get3A_719 = arith.constant 16 : index
      %get3A_720 = tpu.vector_load %arg7[%get3A_718, %get3A_719] {strides = array<i32>} : memref<256x128xf32, #tpu.memory_space<vmem>>, vector<1x16xf32>,
      %get3A_721 = vector.shape_cast %get3A_720 : vector<1x16xf32> to vector<16xf32>
      %add3A_722 = arith.addf %get3A_716, %get3A_721 : vector<16xf32>
      %swap3A_723 = arith.constant 3 : i32
      %swap3A_724 = arith.index_cast %swap3A_723 : i32 to index
      %swap3A_725 = arith.index_cast %scan3A_693 : i32 to index
      %swap3A_726 = arith.constant 16 : index
      %swap3A_727 = tpu.vector_load %arg8[%swap3A_724, %swap3A_725, %swap3A_726] {strides = array<i32>} : memref<5x64x128xf32, #tpu.memory_space<vmem>>, vector<1x1x16xf32>,
      %swap3A_728 = vector.shape_cast %swap3A_727 : vector<1x1x16xf32> to vector<16xf32>
      %swap3A_729 = vector.shape_cast %add3A_722 : vector<16xf32> to vector<1x1x16xf32>
      tpu.vector_store %arg8[%swap3A_724, %swap3A_725, %swap3A_726], %swap3A_729 {strides = array<i32>} : memref<5x64x128xf32, #tpu.memory_space<vmem>>, vector<1x1x16xf32>,
      %get3A_730 = arith.constant 3 : i32
      %get3A_731 = arith.index_cast %get3A_730 : i32 to index
      %get3A_732 = arith.index_cast %scan3A_693 : i32 to index
      %get3A_733 = arith.constant 32 : index
      %get3A_734 = tpu.vector_load %arg8[%get3A_731, %get3A_732, %get3A_733] {strides = array<i32>} : memref<5x64x128xf32, #tpu.memory_space<vmem>>, vector<1x1x16xf32>,
      %get3A_735 = vector.shape_cast %get3A_734 : vector<1x1x16xf32> to vector<16xf32>
      %add3A_736 = arith.addi %rem3A_557, %scan3A_693 : i32
      %get3A_737 = arith.index_cast %add3A_736 : i32 to index
      %get3A_738 = arith.constant 32 : index
      %get3A_739 = tpu.vector_load %arg7[%get3A_737, %get3A_738] {strides = array<i32>} : memref<256x128xf32, #tpu.memory_space<vmem>>, vector<1x16xf32>,
      %get3A_740 = vector.shape_cast %get3A_739 : vector<1x16xf32> to vector<16xf32>
      %add3A_741 = arith.addf %get3A_735, %get3A_740 : vector<16xf32>
      %swap3A_742 = arith.constant 3 : i32
      %swap3A_743 = arith.index_cast %swap3A_742 : i32 to index
      %swap3A_744 = arith.index_cast %scan3A_693 : i32 to index
      %swap3A_745 = arith.constant 32 : index
      %swap3A_746 = tpu.vector_load %arg8[%swap3A_743, %swap3A_744, %swap3A_745] {strides = array<i32>} : memref<5x64x128xf32, #tpu.memory_space<vmem>>, vector<1x1x16xf32>,
      %swap3A_747 = vector.shape_cast %swap3A_746 : vector<1x1x16xf32> to vector<16xf32>
      %swap3A_748 = vector.shape_cast %add3A_741 : vector<16xf32> to vector<1x1x16xf32>
      tpu.vector_store %arg8[%swap3A_743, %swap3A_744, %swap3A_745], %swap3A_748 {strides = array<i32>} : memref<5x64x128xf32, #tpu.memory_space<vmem>>, vector<1x1x16xf32>,
      %get3A_749 = arith.constant 3 : i32
      %get3A_750 = arith.index_cast %get3A_749 : i32 to index
      %get3A_751 = arith.index_cast %scan3A_693 : i32 to index
      %get3A_752 = arith.constant 48 : index
      %get3A_753 = tpu.vector_load %arg8[%get3A_750, %get3A_751, %get3A_752] {strides = array<i32>} : memref<5x64x128xf32, #tpu.memory_space<vmem>>, vector<1x1x16xf32>,
      %get3A_754 = vector.shape_cast %get3A_753 : vector<1x1x16xf32> to vector<16xf32>
      %add3A_755 = arith.addi %rem3A_557, %scan3A_693 : i32
      %get3A_756 = arith.index_cast %add3A_755 : i32 to index
      %get3A_757 = arith.constant 48 : index
      %get3A_758 = tpu.vector_load %arg7[%get3A_756, %get3A_757] {strides = array<i32>} : memref<256x128xf32, #tpu.memory_space<vmem>>, vector<1x16xf32>,
      %get3A_759 = vector.shape_cast %get3A_758 : vector<1x16xf32> to vector<16xf32>
      %add3A_760 = arith.addf %get3A_754, %get3A_759 : vector<16xf32>
      %swap3A_761 = arith.constant 3 : i32
      %swap3A_762 = arith.index_cast %swap3A_761 : i32 to index
      %swap3A_763 = arith.index_cast %scan3A_693 : i32 to index
      %swap3A_764 = arith.constant 48 : index
      %swap3A_765 = tpu.vector_load %arg8[%swap3A_762, %swap3A_763, %swap3A_764] {strides = array<i32>} : memref<5x64x128xf32, #tpu.memory_space<vmem>>, vector<1x1x16xf32>,
      %swap3A_766 = vector.shape_cast %swap3A_765 : vector<1x1x16xf32> to vector<16xf32>
      %swap3A_767 = vector.shape_cast %add3A_760 : vector<16xf32> to vector<1x1x16xf32>
      tpu.vector_store %arg8[%swap3A_762, %swap3A_763, %swap3A_764], %swap3A_767 {strides = array<i32>} : memref<5x64x128xf32, #tpu.memory_space<vmem>>, vector<1x1x16xf32>,
      %get3A_768 = arith.constant 3 : i32
      %get3A_769 = arith.index_cast %get3A_768 : i32 to index
      %get3A_770 = arith.index_cast %scan3A_693 : i32 to index
      %get3A_771 = arith.constant 64 : index
      %get3A_772 = tpu.vector_load %arg8[%get3A_769, %get3A_770, %get3A_771] {strides = array<i32>} : memref<5x64x128xf32, #tpu.memory_space<vmem>>, vector<1x1x16xf32>,
      %get3A_773 = vector.shape_cast %get3A_772 : vector<1x1x16xf32> to vector<16xf32>
      %add3A_774 = arith.addi %rem3A_557, %scan3A_693 : i32
      %get3A_775 = arith.index_cast %add3A_774 : i32 to index
      %get3A_776 = arith.constant 64 : index
      %get3A_777 = tpu.vector_load %arg7[%get3A_775, %get3A_776] {strides = array<i32>} : memref<256x128xf32, #tpu.memory_space<vmem>>, vector<1x16xf32>,
      %get3A_778 = vector.shape_cast %get3A_777 : vector<1x16xf32> to vector<16xf32>
      %add3A_779 = arith.addf %get3A_773, %get3A_778 : vector<16xf32>
      %swap3A_780 = arith.constant 3 : i32
      %swap3A_781 = arith.index_cast %swap3A_780 : i32 to index
      %swap3A_782 = arith.index_cast %scan3A_693 : i32 to index
      %swap3A_783 = arith.constant 64 : index
      %swap3A_784 = tpu.vector_load %arg8[%swap3A_781, %swap3A_782, %swap3A_783] {strides = array<i32>} : memref<5x64x128xf32, #tpu.memory_space<vmem>>, vector<1x1x16xf32>,
      %swap3A_785 = vector.shape_cast %swap3A_784 : vector<1x1x16xf32> to vector<16xf32>
      %swap3A_786 = vector.shape_cast %add3A_779 : vector<16xf32> to vector<1x1x16xf32>
      tpu.vector_store %arg8[%swap3A_781, %swap3A_782, %swap3A_783], %swap3A_786 {strides = array<i32>} : memref<5x64x128xf32, #tpu.memory_space<vmem>>, vector<1x1x16xf32>,
      %get3A_787 = arith.constant 3 : i32
      %get3A_788 = arith.index_cast %get3A_787 : i32 to index
      %get3A_789 = arith.index_cast %scan3A_693 : i32 to index
      %get3A_790 = arith.constant 80 : index
      %get3A_791 = tpu.vector_load %arg8[%get3A_788, %get3A_789, %get3A_790] {strides = array<i32>} : memref<5x64x128xf32, #tpu.memory_space<vmem>>, vector<1x1x16xf32>,
      %get3A_792 = vector.shape_cast %get3A_791 : vector<1x1x16xf32> to vector<16xf32>
      %add3A_793 = arith.addi %rem3A_557, %scan3A_693 : i32
      %get3A_794 = arith.index_cast %add3A_793 : i32 to index
      %get3A_795 = arith.constant 80 : index
      %get3A_796 = tpu.vector_load %arg7[%get3A_794, %get3A_795] {strides = array<i32>} : memref<256x128xf32, #tpu.memory_space<vmem>>, vector<1x16xf32>,
      %get3A_797 = vector.shape_cast %get3A_796 : vector<1x16xf32> to vector<16xf32>
      %add3A_798 = arith.addf %get3A_792, %get3A_797 : vector<16xf32>
      %swap3A_799 = arith.constant 3 : i32
      %swap3A_800 = arith.index_cast %swap3A_799 : i32 to index
      %swap3A_801 = arith.index_cast %scan3A_693 : i32 to index
      %swap3A_802 = arith.constant 80 : index
      %swap3A_803 = tpu.vector_load %arg8[%swap3A_800, %swap3A_801, %swap3A_802] {strides = array<i32>} : memref<5x64x128xf32, #tpu.memory_space<vmem>>, vector<1x1x16xf32>,
      %swap3A_804 = vector.shape_cast %swap3A_803 : vector<1x1x16xf32> to vector<16xf32>
      %swap3A_805 = vector.shape_cast %add3A_798 : vector<16xf32> to vector<1x1x16xf32>
      tpu.vector_store %arg8[%swap3A_800, %swap3A_801, %swap3A_802], %swap3A_805 {strides = array<i32>} : memref<5x64x128xf32, #tpu.memory_space<vmem>>, vector<1x1x16xf32>,
      %get3A_806 = arith.constant 3 : i32
      %get3A_807 = arith.index_cast %get3A_806 : i32 to index
      %get3A_808 = arith.index_cast %scan3A_693 : i32 to index
      %get3A_809 = arith.constant 96 : index
      %get3A_810 = tpu.vector_load %arg8[%get3A_807, %get3A_808, %get3A_809] {strides = array<i32>} : memref<5x64x128xf32, #tpu.memory_space<vmem>>, vector<1x1x16xf32>,
      %get3A_811 = vector.shape_cast %get3A_810 : vector<1x1x16xf32> to vector<16xf32>
      %add3A_812 = arith.addi %rem3A_557, %scan3A_693 : i32
      %get3A_813 = arith.index_cast %add3A_812 : i32 to index
      %get3A_814 = arith.constant 96 : index
      %get3A_815 = tpu.vector_load %arg7[%get3A_813, %get3A_814] {strides = array<i32>} : memref<256x128xf32, #tpu.memory_space<vmem>>, vector<1x16xf32>,
      %get3A_816 = vector.shape_cast %get3A_815 : vector<1x16xf32> to vector<16xf32>
      %add3A_817 = arith.addf %get3A_811, %get3A_816 : vector<16xf32>
      %swap3A_818 = arith.constant 3 : i32
      %swap3A_819 = arith.index_cast %swap3A_818 : i32 to index
      %swap3A_820 = arith.index_cast %scan3A_693 : i32 to index
      %swap3A_821 = arith.constant 96 : index
      %swap3A_822 = tpu.vector_load %arg8[%swap3A_819, %swap3A_820, %swap3A_821] {strides = array<i32>} : memref<5x64x128xf32, #tpu.memory_space<vmem>>, vector<1x1x16xf32>,
      %swap3A_823 = vector.shape_cast %swap3A_822 : vector<1x1x16xf32> to vector<16xf32>
      %swap3A_824 = vector.shape_cast %add3A_817 : vector<16xf32> to vector<1x1x16xf32>
      tpu.vector_store %arg8[%swap3A_819, %swap3A_820, %swap3A_821], %swap3A_824 {strides = array<i32>} : memref<5x64x128xf32, #tpu.memory_space<vmem>>, vector<1x1x16xf32>,
      %get3A_825 = arith.constant 3 : i32
      %get3A_826 = arith.index_cast %get3A_825 : i32 to index
      %get3A_827 = arith.index_cast %scan3A_693 : i32 to index
      %get3A_828 = arith.constant 112 : index
      %get3A_829 = tpu.vector_load %arg8[%get3A_826, %get3A_827, %get3A_828] {strides = array<i32>} : memref<5x64x128xf32, #tpu.memory_space<vmem>>, vector<1x1x16xf32>,
      %get3A_830 = vector.shape_cast %get3A_829 : vector<1x1x16xf32> to vector<16xf32>
      %add3A_831 = arith.addi %rem3A_557, %scan3A_693 : i32
      %get3A_832 = arith.index_cast %add3A_831 : i32 to index
      %get3A_833 = arith.constant 112 : index
      %get3A_834 = tpu.vector_load %arg7[%get3A_832, %get3A_833] {strides = array<i32>} : memref<256x128xf32, #tpu.memory_space<vmem>>, vector<1x16xf32>,
      %get3A_835 = vector.shape_cast %get3A_834 : vector<1x16xf32> to vector<16xf32>
      %add3A_836 = arith.addf %get3A_830, %get3A_835 : vector<16xf32>
      %swap3A_837 = arith.constant 3 : i32
      %swap3A_838 = arith.index_cast %swap3A_837 : i32 to index
      %swap3A_839 = arith.index_cast %scan3A_693 : i32 to index
      %swap3A_840 = arith.constant 112 : index
      %swap3A_841 = tpu.vector_load %arg8[%swap3A_838, %swap3A_839, %swap3A_840] {strides = array<i32>} : memref<5x64x128xf32, #tpu.memory_space<vmem>>, vector<1x1x16xf32>,
      %swap3A_842 = vector.shape_cast %swap3A_841 : vector<1x1x16xf32> to vector<16xf32>
      %swap3A_843 = vector.shape_cast %add3A_836 : vector<16xf32> to vector<1x1x16xf32>
      tpu.vector_store %arg8[%swap3A_838, %swap3A_839, %swap3A_840], %swap3A_843 {strides = array<i32>} : memref<5x64x128xf32, #tpu.memory_space<vmem>>, vector<1x1x16xf32>,
    }
    %scan3A_563 = arith.constant 64 : i32
    %dma_start3A_564 = arith.constant 3 : i32
    %dma_start3A_565 = arith.constant 98 : i32
    %dma_start3A_566 = arith.constant 0 : i32
    %dma_start3A_567 = arith.constant 0 : i32
    %dma_start3A_568 = tpu.memref_slice %arg8[%dma_start3A_564, %dma_start3A_566, %dma_start3A_567] : memref<5x64x128xf32, #tpu.memory_space<vmem>> -> memref<1x64x128xf32, #tpu.memory_space<vmem>>
    %dma_start3A_569 = tpu.memref_squeeze %dma_start3A_568 : memref<1x64x128xf32, #tpu.memory_space<vmem>> -> memref<64x128xf32, #tpu.memory_space<vmem>>
    %dma_start3A_570 = arith.constant 0 : i32
    %dma_start3A_571 = arith.constant 0 : i32
    %dma_start3A_572 = tpu.memref_slice %arg5[%add3A, %dma_start3A_565, %dma_start3A_570, %dma_start3A_571] : memref<32x100x64x128xf32, #tpu.memory_space<hbm>> -> memref<1x1x64x128xf32, #tpu.memory_space<hbm>>
    %dma_start3A_573 = tpu.memref_squeeze %dma_start3A_572 : memref<1x1x64x128xf32, #tpu.memory_space<hbm>> -> memref<64x128xf32, #tpu.memory_space<hbm>>
    %dma_start3A_574 = arith.constant 0 : i32
    %dma_start3A_575 = arith.constant 0 : i32
    %dma_start3A_576 = tpu.memref_slice %arg5[%add3A, %dma_start3A_565, %dma_start3A_574, %dma_start3A_575] : memref<32x100x64x128xf32, #tpu.memory_space<hbm>> -> memref<1x1x64x128xf32, #tpu.memory_space<hbm>>
    %dma_start3A_577 = tpu.memref_squeeze %dma_start3A_576 : memref<1x1x64x128xf32, #tpu.memory_space<hbm>> -> memref<64x128xf32, #tpu.memory_space<hbm>>
    %dma_start3A_578 = arith.constant 0 : i32
    %dma_start3A_579 = arith.constant 0 : i32
    %dma_start3A_580 = tpu.memref_slice %arg8[%dma_start3A_564, %dma_start3A_578, %dma_start3A_579] : memref<5x64x128xf32, #tpu.memory_space<vmem>> -> memref<1x64x128xf32, #tpu.memory_space<vmem>>
    %dma_start3A_581 = tpu.memref_squeeze %dma_start3A_580 : memref<1x64x128xf32, #tpu.memory_space<vmem>> -> memref<64x128xf32, #tpu.memory_space<vmem>>
    tpu.enqueue_dma source(%dma_start3A_581 : memref<64x128xf32, #tpu.memory_space<vmem>>) target(%dma_start3A_577 : memref<64x128xf32, #tpu.memory_space<hbm>>) target_semaphore(%arg17 : memref<!tpu.dma_semaphore, #tpu.memory_space<semaphore_mem>>)
    %dma_wait3A_582 = arith.constant 1 : i32
    %dma_wait3A_583 = arith.constant 96 : i32
    %dma_wait3A_584 = arith.constant 0 : i32
    %dma_wait3A_585 = arith.constant 0 : i32
    %dma_wait3A_586 = tpu.memref_slice %arg8[%dma_wait3A_582, %dma_wait3A_584, %dma_wait3A_585] : memref<5x64x128xf32, #tpu.memory_space<vmem>> -> memref<1x64x128xf32, #tpu.memory_space<vmem>>
    %dma_wait3A_587 = tpu.memref_squeeze %dma_wait3A_586 : memref<1x64x128xf32, #tpu.memory_space<vmem>> -> memref<64x128xf32, #tpu.memory_space<vmem>>
    %dma_wait3A_588 = arith.constant 0 : i32
    %dma_wait3A_589 = arith.constant 0 : i32
    %dma_wait3A_590 = tpu.memref_slice %arg5[%add3A, %dma_wait3A_583, %dma_wait3A_588, %dma_wait3A_589] : memref<32x100x64x128xf32, #tpu.memory_space<hbm>> -> memref<1x1x64x128xf32, #tpu.memory_space<hbm>>
    %dma_wait3A_591 = tpu.memref_squeeze %dma_wait3A_590 : memref<1x1x64x128xf32, #tpu.memory_space<hbm>> -> memref<64x128xf32, #tpu.memory_space<hbm>>
    %dma_wait3A_592 = arith.constant 0 : i32
    %dma_wait3A_593 = arith.constant 0 : i32
    %dma_wait3A_594 = tpu.memref_slice %arg5[%add3A, %dma_wait3A_583, %dma_wait3A_592, %dma_wait3A_593] : memref<32x100x64x128xf32, #tpu.memory_space<hbm>> -> memref<1x1x64x128xf32, #tpu.memory_space<hbm>>
    %dma_wait3A_595 = tpu.memref_squeeze %dma_wait3A_594 : memref<1x1x64x128xf32, #tpu.memory_space<hbm>> -> memref<64x128xf32, #tpu.memory_space<hbm>>
    %dma_wait3A_596 = arith.constant 0 : i32
    %dma_wait3A_597 = arith.constant 0 : i32
    %dma_wait3A_598 = tpu.memref_slice %arg8[%dma_wait3A_582, %dma_wait3A_596, %dma_wait3A_597] : memref<5x64x128xf32, #tpu.memory_space<vmem>> -> memref<1x64x128xf32, #tpu.memory_space<vmem>>
    %dma_wait3A_599 = tpu.memref_squeeze %dma_wait3A_598 : memref<1x64x128xf32, #tpu.memory_space<vmem>> -> memref<64x128xf32, #tpu.memory_space<vmem>>
    tpu.wait_dma2 semaphore(%arg15 : memref<!tpu.dma_semaphore, #tpu.memory_space<semaphore_mem>>) src(%dma_wait3A_599 : memref<64x128xf32, #tpu.memory_space<vmem>>) dst(%dma_wait3A_595 : memref<64x128xf32, #tpu.memory_space<hbm>>)
    %dma_wait3A_600 = arith.constant 99 : i32
    %dma_wait3A_601 = arith.constant 4 : i32
    %dma_wait3A_602 = arith.constant 0 : i32
    %dma_wait3A_603 = arith.constant 0 : i32
    %dma_wait3A_604 = tpu.memref_slice %arg8[%dma_wait3A_601, %dma_wait3A_602, %dma_wait3A_603] : memref<5x64x128xf32, #tpu.memory_space<vmem>> -> memref<1x64x128xf32, #tpu.memory_space<vmem>>
    %dma_wait3A_605 = tpu.memref_squeeze %dma_wait3A_604 : memref<1x64x128xf32, #tpu.memory_space<vmem>> -> memref<64x128xf32, #tpu.memory_space<vmem>>
    %dma_wait3A_606 = arith.constant 0 : i32
    %dma_wait3A_607 = tpu.memref_slice %arg6[%dma_wait3A_600, %dma_wait3A_606] : memref<100x64xi32, #tpu.memory_space<vmem>> -> memref<1x64xi32, #tpu.memory_space<vmem>>
    %dma_wait3A_608 = tpu.memref_squeeze %dma_wait3A_607 : memref<1x64xi32, #tpu.memory_space<vmem>> -> memref<64xi32, #tpu.memory_space<vmem>>
    %dma_wait3A_609 = arith.constant 0 : i32
    %dma_wait3A_610 = arith.constant 0 : i32
    %dma_wait3A_611 = tpu.memref_slice %arg3[%dma_wait3A_609, %dma_wait3A_610] : memref<100000x128xf32, #tpu.memory_space<hbm>> -> memref<100000x128xf32, #tpu.memory_space<hbm>>
    tpu.wait_indirect_dma semaphore(%arg13 : memref<!tpu.dma_semaphore, #tpu.memory_space<semaphore_mem>>) src(%dma_wait3A_611 : memref<100000x128xf32, #tpu.memory_space<hbm>>) dst(%dma_wait3A_605 : memref<64x128xf32, #tpu.memory_space<vmem>>)
    %rem3A_612 = arith.constant 6336 : i32
    %rem3A_613 = arith.constant 200 : i32
    %rem3A_614 = arith.remsi %rem3A_612, %rem3A_613 : i32
    %scan3A_615 = arith.constant 0 : i32
    %scan3A_616 = arith.constant 0 : i32
    %scan3A_617 = arith.constant 64 : i32
    %scan3A_618 = arith.addi %scan3A_616, %scan3A_617 : i32
    %scan3A_619 = arith.constant 1 : i32
    scf.for %scan3A_693 = %scan3A_616 to %scan3A_618 step %scan3A_619  : i32 {
      %get3A = arith.constant 4 : i32
      %get3A_694 = arith.index_cast %get3A : i32 to index
      %get3A_695 = arith.index_cast %scan3A_693 : i32 to index
      %get3A_696 = arith.constant 0 : index
      %get3A_697 = tpu.vector_load %arg8[%get3A_694, %get3A_695, %get3A_696] {strides = array<i32>} : memref<5x64x128xf32, #tpu.memory_space<vmem>>, vector<1x1x16xf32>,
      %get3A_698 = vector.shape_cast %get3A_697 : vector<1x1x16xf32> to vector<16xf32>
      %add3A_699 = arith.addi %rem3A_614, %scan3A_693 : i32
      %get3A_700 = arith.index_cast %add3A_699 : i32 to index
      %get3A_701 = arith.constant 0 : index
      %get3A_702 = tpu.vector_load %arg7[%get3A_700, %get3A_701] {strides = array<i32>} : memref<256x128xf32, #tpu.memory_space<vmem>>, vector<1x16xf32>,
      %get3A_703 = vector.shape_cast %get3A_702 : vector<1x16xf32> to vector<16xf32>
      %add3A_704 = arith.addf %get3A_698, %get3A_703 : vector<16xf32>
      %swap3A = arith.constant 4 : i32
      %swap3A_705 = arith.index_cast %swap3A : i32 to index
      %swap3A_706 = arith.index_cast %scan3A_693 : i32 to index
      %swap3A_707 = arith.constant 0 : index
      %swap3A_708 = tpu.vector_load %arg8[%swap3A_705, %swap3A_706, %swap3A_707] {strides = array<i32>} : memref<5x64x128xf32, #tpu.memory_space<vmem>>, vector<1x1x16xf32>,
      %swap3A_709 = vector.shape_cast %swap3A_708 : vector<1x1x16xf32> to vector<16xf32>
      %swap3A_710 = vector.shape_cast %add3A_704 : vector<16xf32> to vector<1x1x16xf32>
      tpu.vector_store %arg8[%swap3A_705, %swap3A_706, %swap3A_707], %swap3A_710 {strides = array<i32>} : memref<5x64x128xf32, #tpu.memory_space<vmem>>, vector<1x1x16xf32>,
      %get3A_711 = arith.constant 4 : i32
      %get3A_712 = arith.index_cast %get3A_711 : i32 to index
      %get3A_713 = arith.index_cast %scan3A_693 : i32 to index
      %get3A_714 = arith.constant 16 : index
      %get3A_715 = tpu.vector_load %arg8[%get3A_712, %get3A_713, %get3A_714] {strides = array<i32>} : memref<5x64x128xf32, #tpu.memory_space<vmem>>, vector<1x1x16xf32>,
      %get3A_716 = vector.shape_cast %get3A_715 : vector<1x1x16xf32> to vector<16xf32>
      %add3A_717 = arith.addi %rem3A_614, %scan3A_693 : i32
      %get3A_718 = arith.index_cast %add3A_717 : i32 to index
      %get3A_719 = arith.constant 16 : index
      %get3A_720 = tpu.vector_load %arg7[%get3A_718, %get3A_719] {strides = array<i32>} : memref<256x128xf32, #tpu.memory_space<vmem>>, vector<1x16xf32>,
      %get3A_721 = vector.shape_cast %get3A_720 : vector<1x16xf32> to vector<16xf32>
      %add3A_722 = arith.addf %get3A_716, %get3A_721 : vector<16xf32>
      %swap3A_723 = arith.constant 4 : i32
      %swap3A_724 = arith.index_cast %swap3A_723 : i32 to index
      %swap3A_725 = arith.index_cast %scan3A_693 : i32 to index
      %swap3A_726 = arith.constant 16 : index
      %swap3A_727 = tpu.vector_load %arg8[%swap3A_724, %swap3A_725, %swap3A_726] {strides = array<i32>} : memref<5x64x128xf32, #tpu.memory_space<vmem>>, vector<1x1x16xf32>,
      %swap3A_728 = vector.shape_cast %swap3A_727 : vector<1x1x16xf32> to vector<16xf32>
      %swap3A_729 = vector.shape_cast %add3A_722 : vector<16xf32> to vector<1x1x16xf32>
      tpu.vector_store %arg8[%swap3A_724, %swap3A_725, %swap3A_726], %swap3A_729 {strides = array<i32>} : memref<5x64x128xf32, #tpu.memory_space<vmem>>, vector<1x1x16xf32>,
      %get3A_730 = arith.constant 4 : i32
      %get3A_731 = arith.index_cast %get3A_730 : i32 to index
      %get3A_732 = arith.index_cast %scan3A_693 : i32 to index
      %get3A_733 = arith.constant 32 : index
      %get3A_734 = tpu.vector_load %arg8[%get3A_731, %get3A_732, %get3A_733] {strides = array<i32>} : memref<5x64x128xf32, #tpu.memory_space<vmem>>, vector<1x1x16xf32>,
      %get3A_735 = vector.shape_cast %get3A_734 : vector<1x1x16xf32> to vector<16xf32>
      %add3A_736 = arith.addi %rem3A_614, %scan3A_693 : i32
      %get3A_737 = arith.index_cast %add3A_736 : i32 to index
      %get3A_738 = arith.constant 32 : index
      %get3A_739 = tpu.vector_load %arg7[%get3A_737, %get3A_738] {strides = array<i32>} : memref<256x128xf32, #tpu.memory_space<vmem>>, vector<1x16xf32>,
      %get3A_740 = vector.shape_cast %get3A_739 : vector<1x16xf32> to vector<16xf32>
      %add3A_741 = arith.addf %get3A_735, %get3A_740 : vector<16xf32>
      %swap3A_742 = arith.constant 4 : i32
      %swap3A_743 = arith.index_cast %swap3A_742 : i32 to index
      %swap3A_744 = arith.index_cast %scan3A_693 : i32 to index
      %swap3A_745 = arith.constant 32 : index
      %swap3A_746 = tpu.vector_load %arg8[%swap3A_743, %swap3A_744, %swap3A_745] {strides = array<i32>} : memref<5x64x128xf32, #tpu.memory_space<vmem>>, vector<1x1x16xf32>,
      %swap3A_747 = vector.shape_cast %swap3A_746 : vector<1x1x16xf32> to vector<16xf32>
      %swap3A_748 = vector.shape_cast %add3A_741 : vector<16xf32> to vector<1x1x16xf32>
      tpu.vector_store %arg8[%swap3A_743, %swap3A_744, %swap3A_745], %swap3A_748 {strides = array<i32>} : memref<5x64x128xf32, #tpu.memory_space<vmem>>, vector<1x1x16xf32>,
      %get3A_749 = arith.constant 4 : i32
      %get3A_750 = arith.index_cast %get3A_749 : i32 to index
      %get3A_751 = arith.index_cast %scan3A_693 : i32 to index
      %get3A_752 = arith.constant 48 : index
      %get3A_753 = tpu.vector_load %arg8[%get3A_750, %get3A_751, %get3A_752] {strides = array<i32>} : memref<5x64x128xf32, #tpu.memory_space<vmem>>, vector<1x1x16xf32>,
      %get3A_754 = vector.shape_cast %get3A_753 : vector<1x1x16xf32> to vector<16xf32>
      %add3A_755 = arith.addi %rem3A_614, %scan3A_693 : i32
      %get3A_756 = arith.index_cast %add3A_755 : i32 to index
      %get3A_757 = arith.constant 48 : index
      %get3A_758 = tpu.vector_load %arg7[%get3A_756, %get3A_757] {strides = array<i32>} : memref<256x128xf32, #tpu.memory_space<vmem>>, vector<1x16xf32>,
      %get3A_759 = vector.shape_cast %get3A_758 : vector<1x16xf32> to vector<16xf32>
      %add3A_760 = arith.addf %get3A_754, %get3A_759 : vector<16xf32>
      %swap3A_761 = arith.constant 4 : i32
      %swap3A_762 = arith.index_cast %swap3A_761 : i32 to index
      %swap3A_763 = arith.index_cast %scan3A_693 : i32 to index
      %swap3A_764 = arith.constant 48 : index
      %swap3A_765 = tpu.vector_load %arg8[%swap3A_762, %swap3A_763, %swap3A_764] {strides = array<i32>} : memref<5x64x128xf32, #tpu.memory_space<vmem>>, vector<1x1x16xf32>,
      %swap3A_766 = vector.shape_cast %swap3A_765 : vector<1x1x16xf32> to vector<16xf32>
      %swap3A_767 = vector.shape_cast %add3A_760 : vector<16xf32> to vector<1x1x16xf32>
      tpu.vector_store %arg8[%swap3A_762, %swap3A_763, %swap3A_764], %swap3A_767 {strides = array<i32>} : memref<5x64x128xf32, #tpu.memory_space<vmem>>, vector<1x1x16xf32>,
      %get3A_768 = arith.constant 4 : i32
      %get3A_769 = arith.index_cast %get3A_768 : i32 to index
      %get3A_770 = arith.index_cast %scan3A_693 : i32 to index
      %get3A_771 = arith.constant 64 : index
      %get3A_772 = tpu.vector_load %arg8[%get3A_769, %get3A_770, %get3A_771] {strides = array<i32>} : memref<5x64x128xf32, #tpu.memory_space<vmem>>, vector<1x1x16xf32>,
      %get3A_773 = vector.shape_cast %get3A_772 : vector<1x1x16xf32> to vector<16xf32>
      %add3A_774 = arith.addi %rem3A_614, %scan3A_693 : i32
      %get3A_775 = arith.index_cast %add3A_774 : i32 to index
      %get3A_776 = arith.constant 64 : index
      %get3A_777 = tpu.vector_load %arg7[%get3A_775, %get3A_776] {strides = array<i32>} : memref<256x128xf32, #tpu.memory_space<vmem>>, vector<1x16xf32>,
      %get3A_778 = vector.shape_cast %get3A_777 : vector<1x16xf32> to vector<16xf32>
      %add3A_779 = arith.addf %get3A_773, %get3A_778 : vector<16xf32>
      %swap3A_780 = arith.constant 4 : i32
      %swap3A_781 = arith.index_cast %swap3A_780 : i32 to index
      %swap3A_782 = arith.index_cast %scan3A_693 : i32 to index
      %swap3A_783 = arith.constant 64 : index
      %swap3A_784 = tpu.vector_load %arg8[%swap3A_781, %swap3A_782, %swap3A_783] {strides = array<i32>} : memref<5x64x128xf32, #tpu.memory_space<vmem>>, vector<1x1x16xf32>,
      %swap3A_785 = vector.shape_cast %swap3A_784 : vector<1x1x16xf32> to vector<16xf32>
      %swap3A_786 = vector.shape_cast %add3A_779 : vector<16xf32> to vector<1x1x16xf32>
      tpu.vector_store %arg8[%swap3A_781, %swap3A_782, %swap3A_783], %swap3A_786 {strides = array<i32>} : memref<5x64x128xf32, #tpu.memory_space<vmem>>, vector<1x1x16xf32>,
      %get3A_787 = arith.constant 4 : i32
      %get3A_788 = arith.index_cast %get3A_787 : i32 to index
      %get3A_789 = arith.index_cast %scan3A_693 : i32 to index
      %get3A_790 = arith.constant 80 : index
      %get3A_791 = tpu.vector_load %arg8[%get3A_788, %get3A_789, %get3A_790] {strides = array<i32>} : memref<5x64x128xf32, #tpu.memory_space<vmem>>, vector<1x1x16xf32>,
      %get3A_792 = vector.shape_cast %get3A_791 : vector<1x1x16xf32> to vector<16xf32>
      %add3A_793 = arith.addi %rem3A_614, %scan3A_693 : i32
      %get3A_794 = arith.index_cast %add3A_793 : i32 to index
      %get3A_795 = arith.constant 80 : index
      %get3A_796 = tpu.vector_load %arg7[%get3A_794, %get3A_795] {strides = array<i32>} : memref<256x128xf32, #tpu.memory_space<vmem>>, vector<1x16xf32>,
      %get3A_797 = vector.shape_cast %get3A_796 : vector<1x16xf32> to vector<16xf32>
      %add3A_798 = arith.addf %get3A_792, %get3A_797 : vector<16xf32>
      %swap3A_799 = arith.constant 4 : i32
      %swap3A_800 = arith.index_cast %swap3A_799 : i32 to index
      %swap3A_801 = arith.index_cast %scan3A_693 : i32 to index
      %swap3A_802 = arith.constant 80 : index
      %swap3A_803 = tpu.vector_load %arg8[%swap3A_800, %swap3A_801, %swap3A_802] {strides = array<i32>} : memref<5x64x128xf32, #tpu.memory_space<vmem>>, vector<1x1x16xf32>,
      %swap3A_804 = vector.shape_cast %swap3A_803 : vector<1x1x16xf32> to vector<16xf32>
      %swap3A_805 = vector.shape_cast %add3A_798 : vector<16xf32> to vector<1x1x16xf32>
      tpu.vector_store %arg8[%swap3A_800, %swap3A_801, %swap3A_802], %swap3A_805 {strides = array<i32>} : memref<5x64x128xf32, #tpu.memory_space<vmem>>, vector<1x1x16xf32>,
      %get3A_806 = arith.constant 4 : i32
      %get3A_807 = arith.index_cast %get3A_806 : i32 to index
      %get3A_808 = arith.index_cast %scan3A_693 : i32 to index
      %get3A_809 = arith.constant 96 : index
      %get3A_810 = tpu.vector_load %arg8[%get3A_807, %get3A_808, %get3A_809] {strides = array<i32>} : memref<5x64x128xf32, #tpu.memory_space<vmem>>, vector<1x1x16xf32>,
      %get3A_811 = vector.shape_cast %get3A_810 : vector<1x1x16xf32> to vector<16xf32>
      %add3A_812 = arith.addi %rem3A_614, %scan3A_693 : i32
      %get3A_813 = arith.index_cast %add3A_812 : i32 to index
      %get3A_814 = arith.constant 96 : index
      %get3A_815 = tpu.vector_load %arg7[%get3A_813, %get3A_814] {strides = array<i32>} : memref<256x128xf32, #tpu.memory_space<vmem>>, vector<1x16xf32>,
      %get3A_816 = vector.shape_cast %get3A_815 : vector<1x16xf32> to vector<16xf32>
      %add3A_817 = arith.addf %get3A_811, %get3A_816 : vector<16xf32>
      %swap3A_818 = arith.constant 4 : i32
      %swap3A_819 = arith.index_cast %swap3A_818 : i32 to index
      %swap3A_820 = arith.index_cast %scan3A_693 : i32 to index
      %swap3A_821 = arith.constant 96 : index
      %swap3A_822 = tpu.vector_load %arg8[%swap3A_819, %swap3A_820, %swap3A_821] {strides = array<i32>} : memref<5x64x128xf32, #tpu.memory_space<vmem>>, vector<1x1x16xf32>,
      %swap3A_823 = vector.shape_cast %swap3A_822 : vector<1x1x16xf32> to vector<16xf32>
      %swap3A_824 = vector.shape_cast %add3A_817 : vector<16xf32> to vector<1x1x16xf32>
      tpu.vector_store %arg8[%swap3A_819, %swap3A_820, %swap3A_821], %swap3A_824 {strides = array<i32>} : memref<5x64x128xf32, #tpu.memory_space<vmem>>, vector<1x1x16xf32>,
      %get3A_825 = arith.constant 4 : i32
      %get3A_826 = arith.index_cast %get3A_825 : i32 to index
      %get3A_827 = arith.index_cast %scan3A_693 : i32 to index
      %get3A_828 = arith.constant 112 : index
      %get3A_829 = tpu.vector_load %arg8[%get3A_826, %get3A_827, %get3A_828] {strides = array<i32>} : memref<5x64x128xf32, #tpu.memory_space<vmem>>, vector<1x1x16xf32>,
      %get3A_830 = vector.shape_cast %get3A_829 : vector<1x1x16xf32> to vector<16xf32>
      %add3A_831 = arith.addi %rem3A_614, %scan3A_693 : i32
      %get3A_832 = arith.index_cast %add3A_831 : i32 to index
      %get3A_833 = arith.constant 112 : index
      %get3A_834 = tpu.vector_load %arg7[%get3A_832, %get3A_833] {strides = array<i32>} : memref<256x128xf32, #tpu.memory_space<vmem>>, vector<1x16xf32>,
      %get3A_835 = vector.shape_cast %get3A_834 : vector<1x16xf32> to vector<16xf32>
      %add3A_836 = arith.addf %get3A_830, %get3A_835 : vector<16xf32>
      %swap3A_837 = arith.constant 4 : i32
      %swap3A_838 = arith.index_cast %swap3A_837 : i32 to index
      %swap3A_839 = arith.index_cast %scan3A_693 : i32 to index
      %swap3A_840 = arith.constant 112 : index
      %swap3A_841 = tpu.vector_load %arg8[%swap3A_838, %swap3A_839, %swap3A_840] {strides = array<i32>} : memref<5x64x128xf32, #tpu.memory_space<vmem>>, vector<1x1x16xf32>,
      %swap3A_842 = vector.shape_cast %swap3A_841 : vector<1x1x16xf32> to vector<16xf32>
      %swap3A_843 = vector.shape_cast %add3A_836 : vector<16xf32> to vector<1x1x16xf32>
      tpu.vector_store %arg8[%swap3A_838, %swap3A_839, %swap3A_840], %swap3A_843 {strides = array<i32>} : memref<5x64x128xf32, #tpu.memory_space<vmem>>, vector<1x1x16xf32>,
    }
    %scan3A_620 = arith.constant 64 : i32
    %dma_start3A_621 = arith.constant 4 : i32
    %dma_start3A_622 = arith.constant 99 : i32
    %dma_start3A_623 = arith.constant 0 : i32
    %dma_start3A_624 = arith.constant 0 : i32
    %dma_start3A_625 = tpu.memref_slice %arg8[%dma_start3A_621, %dma_start3A_623, %dma_start3A_624] : memref<5x64x128xf32, #tpu.memory_space<vmem>> -> memref<1x64x128xf32, #tpu.memory_space<vmem>>
    %dma_start3A_626 = tpu.memref_squeeze %dma_start3A_625 : memref<1x64x128xf32, #tpu.memory_space<vmem>> -> memref<64x128xf32, #tpu.memory_space<vmem>>
    %dma_start3A_627 = arith.constant 0 : i32
    %dma_start3A_628 = arith.constant 0 : i32
    %dma_start3A_629 = tpu.memref_slice %arg5[%add3A, %dma_start3A_622, %dma_start3A_627, %dma_start3A_628] : memref<32x100x64x128xf32, #tpu.memory_space<hbm>> -> memref<1x1x64x128xf32, #tpu.memory_space<hbm>>
    %dma_start3A_630 = tpu.memref_squeeze %dma_start3A_629 : memref<1x1x64x128xf32, #tpu.memory_space<hbm>> -> memref<64x128xf32, #tpu.memory_space<hbm>>
    %dma_start3A_631 = arith.constant 0 : i32
    %dma_start3A_632 = arith.constant 0 : i32
    %dma_start3A_633 = tpu.memref_slice %arg5[%add3A, %dma_start3A_622, %dma_start3A_631, %dma_start3A_632] : memref<32x100x64x128xf32, #tpu.memory_space<hbm>> -> memref<1x1x64x128xf32, #tpu.memory_space<hbm>>
    %dma_start3A_634 = tpu.memref_squeeze %dma_start3A_633 : memref<1x1x64x128xf32, #tpu.memory_space<hbm>> -> memref<64x128xf32, #tpu.memory_space<hbm>>
    %dma_start3A_635 = arith.constant 0 : i32
    %dma_start3A_636 = arith.constant 0 : i32
    %dma_start3A_637 = tpu.memref_slice %arg8[%dma_start3A_621, %dma_start3A_635, %dma_start3A_636] : memref<5x64x128xf32, #tpu.memory_space<vmem>> -> memref<1x64x128xf32, #tpu.memory_space<vmem>>
    %dma_start3A_638 = tpu.memref_squeeze %dma_start3A_637 : memref<1x64x128xf32, #tpu.memory_space<vmem>> -> memref<64x128xf32, #tpu.memory_space<vmem>>
    tpu.enqueue_dma source(%dma_start3A_638 : memref<64x128xf32, #tpu.memory_space<vmem>>) target(%dma_start3A_634 : memref<64x128xf32, #tpu.memory_space<hbm>>) target_semaphore(%arg18 : memref<!tpu.dma_semaphore, #tpu.memory_space<semaphore_mem>>)
    %dma_wait3A_639 = arith.constant 2 : i32
    %dma_wait3A_640 = arith.constant 97 : i32
    %dma_wait3A_641 = arith.constant 0 : i32
    %dma_wait3A_642 = arith.constant 0 : i32
    %dma_wait3A_643 = tpu.memref_slice %arg8[%dma_wait3A_639, %dma_wait3A_641, %dma_wait3A_642] : memref<5x64x128xf32, #tpu.memory_space<vmem>> -> memref<1x64x128xf32, #tpu.memory_space<vmem>>
    %dma_wait3A_644 = tpu.memref_squeeze %dma_wait3A_643 : memref<1x64x128xf32, #tpu.memory_space<vmem>> -> memref<64x128xf32, #tpu.memory_space<vmem>>
    %dma_wait3A_645 = arith.constant 0 : i32
    %dma_wait3A_646 = arith.constant 0 : i32
    %dma_wait3A_647 = tpu.memref_slice %arg5[%add3A, %dma_wait3A_640, %dma_wait3A_645, %dma_wait3A_646] : memref<32x100x64x128xf32, #tpu.memory_space<hbm>> -> memref<1x1x64x128xf32, #tpu.memory_space<hbm>>
    %dma_wait3A_648 = tpu.memref_squeeze %dma_wait3A_647 : memref<1x1x64x128xf32, #tpu.memory_space<hbm>> -> memref<64x128xf32, #tpu.memory_space<hbm>>
    %dma_wait3A_649 = arith.constant 0 : i32
    %dma_wait3A_650 = arith.constant 0 : i32
    %dma_wait3A_651 = tpu.memref_slice %arg5[%add3A, %dma_wait3A_640, %dma_wait3A_649, %dma_wait3A_650] : memref<32x100x64x128xf32, #tpu.memory_space<hbm>> -> memref<1x1x64x128xf32, #tpu.memory_space<hbm>>
    %dma_wait3A_652 = tpu.memref_squeeze %dma_wait3A_651 : memref<1x1x64x128xf32, #tpu.memory_space<hbm>> -> memref<64x128xf32, #tpu.memory_space<hbm>>
    %dma_wait3A_653 = arith.constant 0 : i32
    %dma_wait3A_654 = arith.constant 0 : i32
    %dma_wait3A_655 = tpu.memref_slice %arg8[%dma_wait3A_639, %dma_wait3A_653, %dma_wait3A_654] : memref<5x64x128xf32, #tpu.memory_space<vmem>> -> memref<1x64x128xf32, #tpu.memory_space<vmem>>
    %dma_wait3A_656 = tpu.memref_squeeze %dma_wait3A_655 : memref<1x64x128xf32, #tpu.memory_space<vmem>> -> memref<64x128xf32, #tpu.memory_space<vmem>>
    tpu.wait_dma2 semaphore(%arg16 : memref<!tpu.dma_semaphore, #tpu.memory_space<semaphore_mem>>) src(%dma_wait3A_656 : memref<64x128xf32, #tpu.memory_space<vmem>>) dst(%dma_wait3A_652 : memref<64x128xf32, #tpu.memory_space<hbm>>)
    %dma_wait3A_657 = arith.constant 3 : i32
    %dma_wait3A_658 = arith.constant 98 : i32
    %dma_wait3A_659 = arith.constant 0 : i32
    %dma_wait3A_660 = arith.constant 0 : i32
    %dma_wait3A_661 = tpu.memref_slice %arg8[%dma_wait3A_657, %dma_wait3A_659, %dma_wait3A_660] : memref<5x64x128xf32, #tpu.memory_space<vmem>> -> memref<1x64x128xf32, #tpu.memory_space<vmem>>
    %dma_wait3A_662 = tpu.memref_squeeze %dma_wait3A_661 : memref<1x64x128xf32, #tpu.memory_space<vmem>> -> memref<64x128xf32, #tpu.memory_space<vmem>>
    %dma_wait3A_663 = arith.constant 0 : i32
    %dma_wait3A_664 = arith.constant 0 : i32
    %dma_wait3A_665 = tpu.memref_slice %arg5[%add3A, %dma_wait3A_658, %dma_wait3A_663, %dma_wait3A_664] : memref<32x100x64x128xf32, #tpu.memory_space<hbm>> -> memref<1x1x64x128xf32, #tpu.memory_space<hbm>>
    %dma_wait3A_666 = tpu.memref_squeeze %dma_wait3A_665 : memref<1x1x64x128xf32, #tpu.memory_space<hbm>> -> memref<64x128xf32, #tpu.memory_space<hbm>>
    %dma_wait3A_667 = arith.constant 0 : i32
    %dma_wait3A_668 = arith.constant 0 : i32
    %dma_wait3A_669 = tpu.memref_slice %arg5[%add3A, %dma_wait3A_658, %dma_wait3A_667, %dma_wait3A_668] : memref<32x100x64x128xf32, #tpu.memory_space<hbm>> -> memref<1x1x64x128xf32, #tpu.memory_space<hbm>>
    %dma_wait3A_670 = tpu.memref_squeeze %dma_wait3A_669 : memref<1x1x64x128xf32, #tpu.memory_space<hbm>> -> memref<64x128xf32, #tpu.memory_space<hbm>>
    %dma_wait3A_671 = arith.constant 0 : i32
    %dma_wait3A_672 = arith.constant 0 : i32
    %dma_wait3A_673 = tpu.memref_slice %arg8[%dma_wait3A_657, %dma_wait3A_671, %dma_wait3A_672] : memref<5x64x128xf32, #tpu.memory_space<vmem>> -> memref<1x64x128xf32, #tpu.memory_space<vmem>>
    %dma_wait3A_674 = tpu.memref_squeeze %dma_wait3A_673 : memref<1x64x128xf32, #tpu.memory_space<vmem>> -> memref<64x128xf32, #tpu.memory_space<vmem>>
    tpu.wait_dma2 semaphore(%arg17 : memref<!tpu.dma_semaphore, #tpu.memory_space<semaphore_mem>>) src(%dma_wait3A_674 : memref<64x128xf32, #tpu.memory_space<vmem>>) dst(%dma_wait3A_670 : memref<64x128xf32, #tpu.memory_space<hbm>>)
    %dma_wait3A_675 = arith.constant 4 : i32
    %dma_wait3A_676 = arith.constant 99 : i32
    %dma_wait3A_677 = arith.constant 0 : i32
    %dma_wait3A_678 = arith.constant 0 : i32
    %dma_wait3A_679 = tpu.memref_slice %arg8[%dma_wait3A_675, %dma_wait3A_677, %dma_wait3A_678] : memref<5x64x128xf32, #tpu.memory_space<vmem>> -> memref<1x64x128xf32, #tpu.memory_space<vmem>>
    %dma_wait3A_680 = tpu.memref_squeeze %dma_wait3A_679 : memref<1x64x128xf32, #tpu.memory_space<vmem>> -> memref<64x128xf32, #tpu.memory_space<vmem>>
    %dma_wait3A_681 = arith.constant 0 : i32
    %dma_wait3A_682 = arith.constant 0 : i32
    %dma_wait3A_683 = tpu.memref_slice %arg5[%add3A, %dma_wait3A_676, %dma_wait3A_681, %dma_wait3A_682] : memref<32x100x64x128xf32, #tpu.memory_space<hbm>> -> memref<1x1x64x128xf32, #tpu.memory_space<hbm>>
    %dma_wait3A_684 = tpu.memref_squeeze %dma_wait3A_683 : memref<1x1x64x128xf32, #tpu.memory_space<hbm>> -> memref<64x128xf32, #tpu.memory_space<hbm>>
    %dma_wait3A_685 = arith.constant 0 : i32
    %dma_wait3A_686 = arith.constant 0 : i32
    %dma_wait3A_687 = tpu.memref_slice %arg5[%add3A, %dma_wait3A_676, %dma_wait3A_685, %dma_wait3A_686] : memref<32x100x64x128xf32, #tpu.memory_space<hbm>> -> memref<1x1x64x128xf32, #tpu.memory_space<hbm>>
    %dma_wait3A_688 = tpu.memref_squeeze %dma_wait3A_687 : memref<1x1x64x128xf32, #tpu.memory_space<hbm>> -> memref<64x128xf32, #tpu.memory_space<hbm>>
    %dma_wait3A_689 = arith.constant 0 : i32
    %dma_wait3A_690 = arith.constant 0 : i32
    %dma_wait3A_691 = tpu.memref_slice %arg8[%dma_wait3A_675, %dma_wait3A_689, %dma_wait3A_690] : memref<5x64x128xf32, #tpu.memory_space<vmem>> -> memref<1x64x128xf32, #tpu.memory_space<vmem>>
    %dma_wait3A_692 = tpu.memref_squeeze %dma_wait3A_691 : memref<1x64x128xf32, #tpu.memory_space<vmem>> -> memref<64x128xf32, #tpu.memory_space<vmem>>
    tpu.wait_dma2 semaphore(%arg18 : memref<!tpu.dma_semaphore, #tpu.memory_space<semaphore_mem>>) src(%dma_wait3A_692 : memref<64x128xf32, #tpu.memory_space<vmem>>) dst(%dma_wait3A_688 : memref<64x128xf32, #tpu.memory_space<hbm>>)
    return
  }
}

</mosaic_0001>

<sc_bundles>
// kernel: kernel.3.cloned.1.call-start
scs
__scs_entry_jumppad:
0x0: {  	(pc) =	sbr.rel $0x88, $3  }
0x1: {  	(tag) =	ssettag $0x0;
	lr =	simm.s32 $0x1  }
0x2: {  	[smem:$0x3F9F] =	sst lr;
	_ =	strace $0xD0000000  }
0x3: {  	_ = 	snop  }
0x4: {  	_ = 	snop  }
0x5: {  	_ = 	snop  }
0x6: {  	_ = 	snop  }
0x7: {  	_ = 	snop  }
__scs_overlays_trampoline_lowered:
0x8: {  	[smem:$0x3FAE] =	sst s0  }
0x9: {  	[smem:$0x3FAF] =	sst s1  }
0xa: {  	[smem:$0x3FB0] =	sst s2  }
0xb: {  	[smem:$0x3FB1] =	sst s3  }
0xc: {  	[smem:$0x3FB2] =	sst s4  }
0xd: {  	[smem:$0x3FB3] =	sst s5  }
0xe: {  	[smem:$0x3FB4] =	sst s6  }
0xf: {  	[smem:$0x3FB5] =	sst s7  }
0x10: {  	[smem:$0x3FB6] =	sst s8  }
0x11: {  	[smem:$0x3FB7] =	sst s9;
	s0 =	simm.s32 @!p0 $0x0  }
0x12: {  	s1 =	sld [smem:$0x3F9D];
	s0 =	simm.s32 @p0 $0x1  }
0x13: {  	[smem:$0x3FB8] =	sst s0;
	s0 =	simm.s32 @!p1 $0x0  }
0x14: {  	s2 =	sld [smem:$0x3F9C];
	s0 =	simm.s32 @p1 $0x1  }
0x15: {  	[smem:$0x3FB9] =	sst s0;
	s0 =	simm.s32 @!p2 $0x0  }
0x16: {  	s3 =	sld [smem:$0x3FDB];
	s0 =	simm.s32 @p2 $0x1  }
0x17: {  	s4 =	simm.s32 $0x1BF5;
	[smem:$0x3FBB] =	sst s0  }
0x18: {  	s0 =	sld [smem:$0x3F9E];
	_ =	swait.ge [sflag:s4], $0x0  }
0x19: {  	s7 =	sld [smem:$0x3F9F]  }
0x1a: {  	s8 =	sadd.s32 $0xFFFFE003, lr  }
0x1b: {  	s9 =	sadd.s32 $0xFFFFFEF7, lr;
	s5 =	simm.s32 $0xFFFFFFFF;
	p2 =	slt.u32 s8, $0xFFFFF086  }
0x1c: {  	p1 =	slt.u32 s9, $0xF7A;
	s5 =	simm.s32 @!p2 $0x0  }
0x1d: {  	s5 =	simm.s32 @p1 $0x1;
	p0 =	seq.s32 s7, s2  }
0x1e: {  	s7 =	smul.u32 @!p0 $0xF7A, s2;
	p2 =	seq.s32 @!p0 s5, $0x0  }
0x1f: {  	s9 =	smul.u32 $0xF7A, s1;
	s8 =	simm.s32 @!p0 $0x1BF5;
	p2 =	por !p2, p0  }
0x20: {  	[sflag:s8] =	ssyncset.s32 @!p0 $0xFFFFF086;
	s6 =	sadd.s32 @!p0 s3, s7;
	s7 =	simm.s32 @!p0 $0x108  }
0x21: {  	s3 =	sadd.s32 s3, s9;
	s6 =	sadd.s32 @!p0 $0x88, s6;
	s7 =	simm.s32 @p2 $0x1082  }
0x22: {  	[simem:s7], [sflag:s8] =	dma.local @!p0 [hbm:s6], $0xF7A  }
0x23: {  	s9 =	sor.u32 $0xD0000000, s2;
	s6 =	simm.s32 $0x108;
	_ =	swait.ge @!p0 [sflag:s8], $0x0  }
0x24: {  	s3 =	sadd.s32 $0x88, s3;
	s6 =	simm.s32 @!p1 $0x1082;
	[sflag:s4] =	ssyncset.s32 $0xFFFFF086  }
0x25: {  	[simem:s6], [sflag:s4] =	dma.local [hbm:s3], $0xF7A  }
0x26: {  	[smem:$0x3F9F] =	sst s1;
	(tag) =	ssettag s2;
	_ =	strace s9  }
0x27: {  	s1 =	sld [smem:$0x3FAF]  }
0x28: {  	s2 =	sld [smem:$0x3FB0]  }
0x29: {  	s4 =	sld [smem:$0x3FB2]  }
0x2a: {  	p0 =	seq.s32 s5, $0x0;
	s5 =	sld [smem:$0x3FB3]  }
0x2b: {  	s6 =	sld [smem:$0x3FB4]  }
0x2c: {  	s7 =	sld [smem:$0x3FB5]  }
0x2d: {  	s3 =	simm.s32 $0x108;
	s8 =	sld [smem:$0x3FB6]  }
0x2e: {  	s3 =	simm.s32 @!p0 $0x1082;
	s9 =	sld [smem:$0x3FB7]  }
0x2f: {  	lr =	sadd.s32 s0, s3;
	s0 =	sld [smem:$0x3FAE]  }
0x30: {  	s3 =	sld [smem:$0x3FB1]  }
0x31: {  	[smem:$0x3FBA] =	sst s10  }
0x32: {  	s10 =	sld [smem:$0x3FB8];
	_ =	sdelay $0x3  }
0x33: {  	p0 =	seq.s32 s10, $0x1;
	s10 =	sld [smem:$0x3FBA];
	_ =	sdelay $0x3  }
0x34: {  	[smem:$0x3FBA] =	sst s10  }
0x35: {  	s10 =	sld [smem:$0x3FB9];
	_ =	sdelay $0x3  }
0x36: {  	p1 =	seq.s32 s10, $0x1;
	s10 =	sld [smem:$0x3FBA];
	_ =	sdelay $0x3  }
0x37: {  	[smem:$0x3FBA] =	sst s10  }
0x38: {  	s10 =	sld [smem:$0x3FBB]  }
0x39: {  	_ = 	snop;
	(pc) =	sbr.ind lr, $3  }
0x3a: {  	_ = 	snop  }
0x3b: {  	_ = 	snop  }
0x3c: {  	p2 =	seq.s32 s10, $0x1;
	s10 =	sld [smem:$0x3FBA]  }
0x3d: {  	_ =	shalt  }
0x3e: {  	_ =	shalt  }
0x3f: {  	_ =	shalt  }
0x40: {  	_ =	shalt  }
0x41: {  	_ =	shalt  }
0x42: {  	_ =	shalt  }
0x43: {  	_ =	shalt  }
0x44: {  	_ =	shalt  }
0x45: {  	_ =	shalt  }
0x46: {  	_ =	shalt  }
0x47: {  	_ =	shalt  }
0x48: {  	_ =	shalt  }
0x49: {  	_ =	shalt  }
0x4a: {  	_ =	shalt  }
0x4b: {  	_ =	shalt  }
0x4c: {  	_ =	shalt  }
0x4d: {  	_ =	shalt  }
0x4e: {  	_ =	shalt  }
0x4f: {  	_ =	shalt  }
0x50: {  	_ =	shalt  }
0x51: {  	_ =	shalt  }
0x52: {  	_ =	shalt  }
0x53: {  	_ =	shalt  }
0x54: {  	_ =	shalt  }
0x55: {  	_ =	shalt  }
0x56: {  	_ =	shalt  }
0x57: {  	_ =	shalt  }
0x58: {  	_ =	shalt  }
0x59: {  	_ =	shalt  }
0x5a: {  	_ =	shalt  }
0x5b: {  	_ =	shalt  }
0x5c: {  	_ =	shalt  }
0x5d: {  	_ =	shalt  }
0x5e: {  	_ =	shalt  }
0x5f: {  	_ =	shalt  }
0x60: {  	_ =	shalt  }
0x61: {  	_ =	shalt  }
0x62: {  	_ =	shalt  }
0x63: {  	_ =	shalt  }
0x64: {  	_ =	shalt  }
0x65: {  	_ =	shalt  }
0x66: {  	_ =	shalt  }
0x67: {  	_ =	shalt  }
0x68: {  	_ =	shalt  }
0x69: {  	_ =	shalt  }
0x6a: {  	_ =	shalt  }
0x6b: {  	_ =	shalt  }
0x6c: {  	_ =	shalt  }
0x6d: {  	_ =	shalt  }
0x6e: {  	_ =	shalt  }
0x6f: {  	_ =	shalt  }
0x70: {  	_ =	shalt  }
0x71: {  	_ =	shalt  }
0x72: {  	_ =	shalt  }
0x73: {  	_ =	shalt  }
0x74: {  	_ =	shalt  }
0x75: {  	_ =	shalt  }
0x76: {  	_ =	shalt  }
0x77: {  	_ =	shalt  }
0x78: {  	_ =	shalt  }
0x79: {  	_ =	shalt  }
0x7a: {  	_ =	shalt  }
0x7b: {  	_ =	shalt  }
0x7c: {  	_ =	shalt  }
0x7d: {  	_ =	shalt  }
0x7e: {  	_ =	shalt  }
0x7f: {  	_ =	shalt  }
0x80: {  	_ =	shalt  }
0x81: {  	_ =	shalt  }
0x82: {  	_ =	shalt  }
0x83: {  	_ =	shalt  }
0x84: {  	_ =	shalt  }
0x85: {  	_ =	shalt  }
0x86: {  	_ =	shalt  }
0x87: {  	_ =	shalt  }
.Lfunc_end0:
.L_simem_size_0:
called_computation_lowered:
.L_overlay_start_0:
0x88: {  	s2 =	sld [smem:$0x3FD9]  }
0x89: {  	s3 =	sld [smem:$0x3FFE];
	_ =	sdelay $0x1  }
0x8a: {  	s1 =	srdreg.scid  }
0x8b: {  	s0 =	sand.u32 $0x1, s1  }
0x8c: {  	s17 =	sshll.u32 s0, $0xA;
	s2 =	sadd.s32 s3, s2  }
0x8d: {  	s2 =	sadd.s32 s2, s17  }
0x8e: {  	[smem:$0x3FC6] =	sst s2  }
0x8f: {  	_ = 	snop  }
0x90: {  	s2 =	sld [smem:$0x3FC8]  }
0x91: {  	s18 =	sld [smem:$0x3FD0];
	(tm) =	ssettm $0x1  }
0x92: {  	s4 =	sld [smem:$0x3FFB];
	_ =	sdelay $0x3  }
0x93: {  	_ =	strace s4  }
0x94: {  	s4 =	sld [smem:$0x3FFC];
	_ =	sdelay $0x3  }
0x95: {  	_ =	strace s4  }
0x96: {  	s4 =	sld [smem:$0x3FFD];
	_ =	sdelay $0x3  }
0x97: {  	_ =	strace s4  }
0x98: {  	_ =	strace $0x8FFFFFFF  }
0x99: {  	s19 =	sld [smem:$0x3FDB];
	_ =	sdelay $0x1  }
0x9a: {  	s5 =	simm.s32 $_scs_section_size  }
0x9b: {  	s6 =	simm.s32 $_size__tile_overlayer_lowered;
	s7 =	simm.s32 $_tile_overlayer_lowered  }
0x9c: {  	s22 =	simm.s32 $0x1BFF;
	s21 =	sshll.u32 s7, $0x1;
	s4 =	sadd.s32 s5, s19  }
0x9d: {  	s8 =	simm.s32 $0x0;
	s20 =	sshll.u32 s6, $0x1;
	s6 =	sadd.s32 s21, s4  }
0x9e: {  	[timem:s8], [sflag:s22] =	dma.local [hbm:s6], s20  }
0x9f: {  	_ =	swait.ge [sflag:s22], s20  }
0xa0: {  	s5 =	ssub.s32 $0x0, s20;
	[sflag:s22] =	ssyncset.done $0x0  }
0xa1: {  	[sflag:s22] =	ssyncadd.s32 s5;
	_ =	sdelay $0x1  }
0xa2: {  	s23 =	simm.s32 $0x1B8B  }
0xa3: {  	_ =	swait.ge [sflag:s23], $0x1  }
0xa4: {  	[sflag:s23] =	ssyncset.done $0x0  }
0xa5: {  	s25 =	simm.s32 $0x1B8E;
	s24 =	sld [smem:$0x3FFE];
	[sflag:s23] =	ssyncadd.s32 $0xFFFFFFFF  }
0xa6: {  	s26 =	simm.s32 $execute0_lowered;
	[smem:$0x3FD2] =	sst s25  }
0xa7: {  	s6 =	sshll.u32 s26, $0x1;
	_ =	strace $0x80000046;
	[dreg:$0x1] =	wrdreg $0xFFFFFFFF  }
0xa8: {  	s28 =	simm.s32 $_size_execute0_lowered;
	s4 =	sadd.s32 s4, s6;
	[dreg:$0x0] =	wrdreg $0x0  }
0xa9: {  	s6 =	sshll.u32 s28, $0x1;
	[dreg:$0x2] =	wrdreg s4  }
0xaa: {  	[dreg:$0x3] =	wrdreg s6  }
0xab: {  	[dreg:$0x4] =	wrdreg $0xC0  }
0xac: {  	_ =	task [dreg:s8], $0x5FFFF  }
0xad: {  	[dreg:$0x1] =	wrdreg $0xFFFFFFFF  }
0xae: {  	[dreg:$0x0] =	wrdreg $0x60  }
0xaf: {  	[dreg:$0x2] =	wrdreg s24  }
0xb0: {  	[dreg:$0x3] =	wrdreg s2  }
0xb1: {  	[dreg:$0x4] =	wrdreg s18  }
0xb2: {  	[dreg:$0x5] =	wrdreg $0x9  }
0xb3: {  	_ =	task.clear_ibuf [dreg:s8], $0x6FFFF;
	_ =	strace $0x90000046  }
0xb4: {  	s29 =	simm.s32 $0x9;
	_ =	strace $0x80000048  }
0xb5: {  	_ =	swait.ge [sflag:s29], $0x1  }
0xb6: {  	[sflag:s29] =	ssyncadd.s32 $0xFFFFFFFF  }
0xb7: {  	_ =	strace $0x90000048  }
0xb8: {  	_ =	sfence  }
0xb9: {  	s30 =	sld [smem:$0x0];
	_ =	sdelay $0x2  }
0xba: {  	s31 =	sshll.u32 s1, $0xD;
	s1 =	sshrl.u32 s1, $0x2  }
0xbb: {  	s3 =	sand.u32 $0x4000, s31;
	s1 =	sadd.s32 s1, s30  }
0xbc: {  	s0 =	sor.u32 s3, s0;
	s1 =	sshll.u32 s1, $0x11  }
0xbd: {  	s0 =	sor.u32 s1, s0  }
0xbe: {  	s0 =	sadd.s32 $0x8F2B, s0  }
0xbf: {  	[sflag:s0] =	ssyncadd.remote.s32 $0x1  }
0xc0: {  	_ =	sfence.sel $0xFFFF  }
0xc1: {  	[dreg:$0x0] =	wrdreg $0xFFFFFFFF;
	(pc) =	sbr.abs _section_cstart, $3  }
0xc2: {  	[dreg:$0x1] =	wrdreg $0xFFFFFFFF  }
0xc3: {  	_ =	task.clear_ibuf [dreg:s8], $0x2FFFF;
	_ =	strace $0x9FFFFFFF  }
0xc4: {  	(tm) =	ssettm $0x7FFFFFFF  }
0xc5: {  	_ =	shalt  }
tec
execute0_lowered:
.L_overlay_start_1:
0x0: {  	(tag) =	ssettag $0x1  }
0x1: {  	s0 =	rddreg [dreg:$0x0]  }
0x2: {  	s1 =	srdreg.scid;
	s3 =	stileid.u32  }
0x3: {  	s2 =	rddreg [dreg:$0x1];
	s1 =	sand.u32 $0x1, s1;
	s4 =	sshll.u32 s3, $0x1  }
0x4: {  	s18 =	simm.s32 $0x0;
	s3 =	rddreg [dreg:$0x2];
	s4 =	sor.u32 s1, s4  }
0x5: {  	[smem:$0x7FF] =	sst s18;
	s6 =	smul.u32 $0x680, s4  }
0x6: {  	_ =	strace $0x80000047;
	s1 =	ssub.s32 $0x2, s1;
	s5 =	smul.u32 $0xC8000, s4  }
0x7: {  	s15 =	sshrl.u32 s1, $0x1;
	s14 =	sadd.s32 s6, s0;
	s0 =	sadd.s32 $0xD400, s0  }
0x8: {  	s7 =	sshrl.u32 s5, $0x3;
	[dreg:$0x4] =	wrdreg s0;
	s4 =	sadd.s32 $0x400, s14  }
0x9: {  	s16 =	ssub.s32 s1, s15;
	s17 =	sadd.s32 s3, s7;
	[dreg:$0x6] =	wrdreg s4  }
0xa: {  	s0 =	smax.u32 s16, $0x1;
	[dreg:$0x5] =	wrdreg s17  }
0xb: {  	s19 =	sadd.s32 $0x400, s17;
	[dreg:$0x10] =	wrdreg s0  }
0xc: {  	s28 =	simm.s32 $0x1;
	s20 =	sadd.s32 $0x800, s17;
	[dreg:$0x7] =	wrdreg s19  }
0xd: {  	s30 =	simm.s32 $0x11400;
	s21 =	sadd.s32 $0xC00, s17;
	[dreg:$0x8] =	wrdreg s20  }
0xe: {  	s31 =	simm.s32 $0x2;
	s22 =	sadd.s32 $0x1000, s17;
	[dreg:$0x9] =	wrdreg s21  }
0xf: {  	s29 =	simm.s32 $0x4;
	s23 =	sadd.s32 $0x17C00, s17;
	[dreg:$0xa] =	wrdreg s22  }
0x10: {  	s8 =	simm.s32 $0x9;
	s24 =	sadd.s32 $0x18000, s17;
	[dreg:$0xb] =	wrdreg s23  }
0x11: {  	s9 =	simm.s32 $0xA;
	s25 =	sadd.s32 $0x18400, s17;
	[dreg:$0xc] =	wrdreg s24  }
0x12: {  	s6 =	simm.s32 $0x8;
	s26 =	sadd.s32 $0x18800, s17;
	[dreg:$0xd] =	wrdreg s25  }
0x13: {  	s7 =	simm.s32 $0x0;
	s1 =	sadd.s32 $0x18C00, s17;
	[dreg:$0xe] =	wrdreg s26  }
0x14: {  	s0 =	simm.s32 $0x13400;
	[dreg:$0xf] =	wrdreg s1;
	s21 =	simm.s32 $0x40  }
0x15: {  	s26 =	simm.s32 $0xB400;
	s24 =	simm.s32 $0xF400;
	s20 =	simm.s32 $0x3  }
0x16: {  	s23 =	simm.s32 $0x6;
	s1 =	simm.s32 $0x7;
	s25 =	simm.s32 $0x5  }
.LBB2_1:
0x17: {  	[dreg:$0x11] =	wrdreg s7  }
0x18: {  	s4 =	rddreg [dreg:$0x6];
	s15 =	simm.s32 $0xB  }
0x19: {  	[tilespmem:s18], [sflag:$0xB] =	stream.linear.gather [hbm4b:s4+s18], $0x3200, $0x38;
	[tilespmem:$0x15400] =	vst v63  }
0x1a: {  	_ =	swait.ge [sflag:s15], $0x3200  }
0x1b: {  	[sflag:s15] =	ssyncset.done $0x0  }
0x1c: {  	s10 =	simm.s32 $0x3400;
	s16 =	rddreg [dreg:$0x4];
	[sflag:s15] =	ssyncadd.s32 $0xFFFFCE00  }
0x1d: {  	[tilespmem:s10], [sflag:$0xB] =	stream.linear.gather [hbm4b:s16+s18], $0x8000, $0x38;
	[tilespmem:$0x15400] =	vst v63  }
0x1e: {  	_ =	swait.ge [sflag:s15], $0x8000  }
0x1f: {  	[sflag:s15] =	ssyncset.done $0x0  }
0x20: {  	[sflag:s15] =	ssyncadd.s32 $0xFFFF8000  }
0x21: {  	[tilespmem:s26], [sflag:$0x1] =	stream.indirect.gather [hbm4b:s2+s21], $0x80, s18, s21, $0xb8;
	[tilespmem:$0x15400] =	vst v63  }
0x22: {  	s17 =	simm.s32 $0x80;
	s19 =	simm.s32 $0xD400  }
0x23: {  	[tilespmem:s19], [sflag:$0x2] =	stream.indirect.gather [hbm4b:s2+s21], $0x80, s17, s21, $0xb8;
	[tilespmem:$0x15400] =	vst v63  }
0x24: {  	s22 =	simm.s32 $0x100  }
0x25: {  	[tilespmem:s24], [sflag:$0x3] =	stream.indirect.gather [hbm4b:s2+s21], $0x80, s22, s21, $0xb8;
	[tilespmem:$0x15400] =	vst v63  }
0x26: {  	_ =	swait.ge [sflag:s28], $0x2000  }
0x27: {  	[sflag:s28] =	ssyncset.done $0x0  }
0x28: {  	s4 =	simm.s32 $0x0;
	[sflag:s28] =	ssyncadd.s32 $0xFFFFE000  }
0x29: {  	v7 =	vld [tilespmem:s4+$0x3400]  }
0x2a: {  	v11 =	vld [tilespmem:s4+$0x3410]  }
0x2b: {  	v5 =	vld [tilespmem:s4+$0x3420]  }
0x2c: {  	v4 =	vld [tilespmem:s4+$0x3430]  }
0x2d: {  	v3 =	vld [tilespmem:s4+$0x3440]  }
0x2e: {  	v2 =	vld [tilespmem:s4+$0x3450]  }
0x2f: {  	v1 =	vld [tilespmem:s4+$0x3460]  }
0x30: {  	v0 =	vld [tilespmem:s4+$0x3470]  }
0x31: {  	v12 =	vld [tilespmem:s4+$0xB400]  }
0x32: {  	v13 =	vld [tilespmem:s4+$0xB410]  }
0x33: {  	v10 =	vld [tilespmem:s4+$0xB420]  }
0x34: {  	v9 =	vld [tilespmem:s4+$0xB430]  }
0x35: {  	v8 =	vld [tilespmem:s4+$0xB440]  }
0x36: {  	v6 =	vld [tilespmem:s4+$0xB450];
	v12 =	vadd.f32 v7, v12  }
0x37: {  	s7 =	simm.s32 $0x200;
	v11 =	vadd.f32 v11, v13;
	v7 =	vld [tilespmem:s4+$0xB460]  }
.LBB2_2:
0x38: {  	s10 =	sshra.s32 s7, $0x2;
	p0 =	sne.s32 s7, $0x7E00;
	[tilespmem:s4+$0xB400] =	vst v12;
	v5 =	vadd.f32 v5, v10;
	v10 =	vld [tilespmem:s4+$0xB470]  }
0x39: {  	v12 =	vld [tilespmem:s10+$0x3400];
	[tilespmem:s4+$0xB410] =	vst v11;
	v4 =	vadd.f32 v4, v9  }
0x3a: {  	v11 =	vld [tilespmem:s10+$0x3410];
	[tilespmem:s4+$0xB420] =	vst v5;
	v3 =	vadd.f32 v3, v8  }
0x3b: {  	v5 =	vld [tilespmem:s10+$0x3420];
	[tilespmem:s4+$0xB430] =	vst v4;
	v2 =	vadd.f32 v2, v6  }
0x3c: {  	v4 =	vld [tilespmem:s10+$0x3430];
	[tilespmem:s4+$0xB440] =	vst v3;
	v1 =	vadd.f32 v1, v7  }
0x3d: {  	v3 =	vld [tilespmem:s10+$0x3440];
	[tilespmem:s4+$0xB450] =	vst v2;
	v0 =	vadd.f32 v0, v10  }
0x3e: {  	v2 =	vld [tilespmem:s10+$0x3450];
	[tilespmem:s4+$0xB460] =	vst v1  }
0x3f: {  	v1 =	vld [tilespmem:s10+$0x3460];
	[tilespmem:s4+$0xB470] =	vst v0;
	s4 =	smov.u32 s10  }
0x40: {  	v0 =	vld [tilespmem:s4+$0x3470]  }
0x41: {  	v6 =	vld [tilespmem:s4+$0xB400]  }
0x42: {  	v7 =	vld [tilespmem:s4+$0xB410]  }
.Ltmp0:
0x43: {  	v10 =	vld [tilespmem:s4+$0xB420];
	(pc) =	sbr.rel @p0 .LBB2_2-.Ltmp0, $4  }
0x44: {  	v9 =	vld [tilespmem:s4+$0xB430]  }
0x45: {  	v8 =	vld [tilespmem:s4+$0xB440]  }
0x46: {  	v12 =	vadd.f32 v12, v6;
	v6 =	vld [tilespmem:s4+$0xB450]  }
0x47: {  	s7 =	sadd.s32 $0x200, s7;
	v11 =	vadd.f32 v11, v7;
	v7 =	vld [tilespmem:s4+$0xB460]  }
0x48: {  	[tilespmem:s4+$0xB400] =	vst v12;
	v5 =	vadd.f32 v5, v10;
	v10 =	vld [tilespmem:s4+$0xB470]  }
0x49: {  	[tilespmem:s4+$0xB410] =	vst v11;
	v4 =	vadd.f32 v4, v9  }
0x4a: {  	[tilespmem:s4+$0xB420] =	vst v5;
	v3 =	vadd.f32 v3, v8  }
0x4b: {  	[tilespmem:s4+$0xB430] =	vst v4;
	v2 =	vadd.f32 v2, v6  }
0x4c: {  	[tilespmem:s4+$0xB440] =	vst v3;
	v1 =	vadd.f32 v1, v7  }
0x4d: {  	[tilespmem:s4+$0xB450] =	vst v2;
	v0 =	vadd.f32 v0, v10  }
0x4e: {  	[tilespmem:s4+$0xB460] =	vst v1  }
0x4f: {  	s19 =	simm.s32 $0x0;
	s7 =	rddreg [dreg:$0x5];
	[tilespmem:s4+$0xB470] =	vst v0  }
0x50: {  	[hbm4b:s7+s19] =	stream.linear.scatter [tilespmem:s26], [sflag:$0x6], $0x2000, $0x38;
	[tilespmem:$0x15400] =	vst v63  }
0x51: {  	s22 =	simm.s32 $0x180  }
0x52: {  	[tilespmem:s30], [sflag:$0x4] =	stream.indirect.gather [hbm4b:s2+s21], $0x80, s22, s21, $0xb8;
	[tilespmem:$0x15400] =	vst v63  }
0x53: {  	_ =	swait.ge [sflag:s31], $0x2000  }
0x54: {  	[sflag:s31] =	ssyncset.done $0x0  }
0x55: {  	s4 =	simm.s32 $0x0;
	[sflag:s31] =	ssyncadd.s32 $0xFFFFE000  }
0x56: {  	v7 =	vld [tilespmem:s4+$0x5400]  }
0x57: {  	v11 =	vld [tilespmem:s4+$0x5410]  }
0x58: {  	v5 =	vld [tilespmem:s4+$0x5420]  }
0x59: {  	v4 =	vld [tilespmem:s4+$0x5430]  }
0x5a: {  	v3 =	vld [tilespmem:s4+$0x5440]  }
0x5b: {  	v2 =	vld [tilespmem:s4+$0x5450]  }
0x5c: {  	v1 =	vld [tilespmem:s4+$0x5460]  }
0x5d: {  	v0 =	vld [tilespmem:s4+$0x5470]  }
0x5e: {  	v12 =	vld [tilespmem:s4+$0xD400]  }
0x5f: {  	v13 =	vld [tilespmem:s4+$0xD410]  }
0x60: {  	v10 =	vld [tilespmem:s4+$0xD420]  }
0x61: {  	v9 =	vld [tilespmem:s4+$0xD430]  }
0x62: {  	v8 =	vld [tilespmem:s4+$0xD440]  }
0x63: {  	v6 =	vld [tilespmem:s4+$0xD450];
	v12 =	vadd.f32 v7, v12  }
0x64: {  	s7 =	simm.s32 $0x200;
	v11 =	vadd.f32 v11, v13;
	v7 =	vld [tilespmem:s4+$0xD460]  }
.LBB2_4:
0x65: {  	s10 =	sshra.s32 s7, $0x2;
	p0 =	sne.s32 s7, $0x7E00;
	[tilespmem:s4+$0xD400] =	vst v12;
	v5 =	vadd.f32 v5, v10;
	v10 =	vld [tilespmem:s4+$0xD470]  }
0x66: {  	v12 =	vld [tilespmem:s10+$0x5400];
	[tilespmem:s4+$0xD410] =	vst v11;
	v4 =	vadd.f32 v4, v9  }
0x67: {  	v11 =	vld [tilespmem:s10+$0x5410];
	[tilespmem:s4+$0xD420] =	vst v5;
	v3 =	vadd.f32 v3, v8  }
0x68: {  	v5 =	vld [tilespmem:s10+$0x5420];
	[tilespmem:s4+$0xD430] =	vst v4;
	v2 =	vadd.f32 v2, v6  }
0x69: {  	v4 =	vld [tilespmem:s10+$0x5430];
	[tilespmem:s4+$0xD440] =	vst v3;
	v1 =	vadd.f32 v1, v7  }
0x6a: {  	v3 =	vld [tilespmem:s10+$0x5440];
	[tilespmem:s4+$0xD450] =	vst v2;
	v0 =	vadd.f32 v0, v10  }
0x6b: {  	v2 =	vld [tilespmem:s10+$0x5450];
	[tilespmem:s4+$0xD460] =	vst v1  }
0x6c: {  	v1 =	vld [tilespmem:s10+$0x5460];
	[tilespmem:s4+$0xD470] =	vst v0;
	s4 =	smov.u32 s10  }
0x6d: {  	v0 =	vld [tilespmem:s4+$0x5470]  }
0x6e: {  	v6 =	vld [tilespmem:s4+$0xD400]  }
0x6f: {  	v7 =	vld [tilespmem:s4+$0xD410]  }
.Ltmp1:
0x70: {  	v10 =	vld [tilespmem:s4+$0xD420];
	(pc) =	sbr.rel @p0 .LBB2_4-.Ltmp1, $4  }
0x71: {  	v9 =	vld [tilespmem:s4+$0xD430]  }
0x72: {  	v8 =	vld [tilespmem:s4+$0xD440]  }
0x73: {  	v12 =	vadd.f32 v12, v6;
	v6 =	vld [tilespmem:s4+$0xD450]  }
0x74: {  	s7 =	sadd.s32 $0x200, s7;
	v11 =	vadd.f32 v11, v7;
	v7 =	vld [tilespmem:s4+$0xD460]  }
0x75: {  	[tilespmem:s4+$0xD400] =	vst v12;
	v5 =	vadd.f32 v5, v10;
	v10 =	vld [tilespmem:s4+$0xD470]  }
0x76: {  	[tilespmem:s4+$0xD410] =	vst v11;
	v4 =	vadd.f32 v4, v9  }
0x77: {  	[tilespmem:s4+$0xD420] =	vst v5;
	v3 =	vadd.f32 v3, v8  }
0x78: {  	[tilespmem:s4+$0xD430] =	vst v4;
	v2 =	vadd.f32 v2, v6  }
0x79: {  	[tilespmem:s4+$0xD440] =	vst v3;
	v1 =	vadd.f32 v1, v7  }
0x7a: {  	[tilespmem:s4+$0xD450] =	vst v2;
	v0 =	vadd.f32 v0, v10  }
0x7b: {  	[tilespmem:s4+$0xD460] =	vst v1  }
0x7c: {  	s19 =	simm.s32 $0x0;
	s7 =	rddreg [dreg:$0x7];
	s10 =	simm.s32 $0xD400;
	[tilespmem:s4+$0xD470] =	vst v0  }
0x7d: {  	[hbm4b:s7+s19] =	stream.linear.scatter [tilespmem:s10], [sflag:$0x7], $0x2000, $0x38;
	[tilespmem:$0x15400] =	vst v63  }
0x7e: {  	s22 =	simm.s32 $0x200  }
0x7f: {  	[tilespmem:s0], [sflag:$0x5] =	stream.indirect.gather [hbm4b:s2+s21], $0x80, s22, s21, $0xb8;
	[tilespmem:$0x15400] =	vst v63  }
0x80: {  	_ =	swait.ge [sflag:s20], $0x2000  }
0x81: {  	[sflag:s20] =	ssyncset.done $0x0  }
0x82: {  	s4 =	simm.s32 $0x0;
	[sflag:s20] =	ssyncadd.s32 $0xFFFFE000  }
0x83: {  	v7 =	vld [tilespmem:s4+$0x7400]  }
0x84: {  	v11 =	vld [tilespmem:s4+$0x7410]  }
0x85: {  	v5 =	vld [tilespmem:s4+$0x7420]  }
0x86: {  	v4 =	vld [tilespmem:s4+$0x7430]  }
0x87: {  	v3 =	vld [tilespmem:s4+$0x7440]  }
0x88: {  	v2 =	vld [tilespmem:s4+$0x7450]  }
0x89: {  	v1 =	vld [tilespmem:s4+$0x7460]  }
0x8a: {  	v0 =	vld [tilespmem:s4+$0x7470]  }
0x8b: {  	v12 =	vld [tilespmem:s4+$0xF400]  }
0x8c: {  	v13 =	vld [tilespmem:s4+$0xF410]  }
0x8d: {  	v10 =	vld [tilespmem:s4+$0xF420]  }
0x8e: {  	v9 =	vld [tilespmem:s4+$0xF430]  }
0x8f: {  	v8 =	vld [tilespmem:s4+$0xF440]  }
0x90: {  	v6 =	vld [tilespmem:s4+$0xF450];
	v12 =	vadd.f32 v7, v12  }
0x91: {  	s7 =	simm.s32 $0x200;
	v11 =	vadd.f32 v11, v13;
	v7 =	vld [tilespmem:s4+$0xF460]  }
.LBB2_6:
0x92: {  	s10 =	sshra.s32 s7, $0x2;
	p0 =	sne.s32 s7, $0x7E00;
	[tilespmem:s4+$0xF400] =	vst v12;
	v5 =	vadd.f32 v5, v10;
	v10 =	vld [tilespmem:s4+$0xF470]  }
0x93: {  	v12 =	vld [tilespmem:s10+$0x7400];
	[tilespmem:s4+$0xF410] =	vst v11;
	v4 =	vadd.f32 v4, v9  }
0x94: {  	v11 =	vld [tilespmem:s10+$0x7410];
	[tilespmem:s4+$0xF420] =	vst v5;
	v3 =	vadd.f32 v3, v8  }
0x95: {  	v5 =	vld [tilespmem:s10+$0x7420];
	[tilespmem:s4+$0xF430] =	vst v4;
	v2 =	vadd.f32 v2, v6  }
0x96: {  	v4 =	vld [tilespmem:s10+$0x7430];
	[tilespmem:s4+$0xF440] =	vst v3;
	v1 =	vadd.f32 v1, v7  }
0x97: {  	v3 =	vld [tilespmem:s10+$0x7440];
	[tilespmem:s4+$0xF450] =	vst v2;
	v0 =	vadd.f32 v0, v10  }
0x98: {  	v2 =	vld [tilespmem:s10+$0x7450];
	[tilespmem:s4+$0xF460] =	vst v1  }
0x99: {  	v1 =	vld [tilespmem:s10+$0x7460];
	[tilespmem:s4+$0xF470] =	vst v0;
	s4 =	smov.u32 s10  }
0x9a: {  	v0 =	vld [tilespmem:s4+$0x7470]  }
0x9b: {  	v6 =	vld [tilespmem:s4+$0xF400]  }
0x9c: {  	v7 =	vld [tilespmem:s4+$0xF410]  }
.Ltmp2:
0x9d: {  	v10 =	vld [tilespmem:s4+$0xF420];
	(pc) =	sbr.rel @p0 .LBB2_6-.Ltmp2, $4  }
0x9e: {  	v9 =	vld [tilespmem:s4+$0xF430]  }
0x9f: {  	v8 =	vld [tilespmem:s4+$0xF440]  }
0xa0: {  	v12 =	vadd.f32 v12, v6;
	v6 =	vld [tilespmem:s4+$0xF450]  }
0xa1: {  	s7 =	sadd.s32 $0x200, s7;
	v11 =	vadd.f32 v11, v7;
	v7 =	vld [tilespmem:s4+$0xF460]  }
0xa2: {  	[tilespmem:s4+$0xF400] =	vst v12;
	v5 =	vadd.f32 v5, v10;
	v10 =	vld [tilespmem:s4+$0xF470]  }
0xa3: {  	[tilespmem:s4+$0xF410] =	vst v11;
	v4 =	vadd.f32 v4, v9  }
0xa4: {  	[tilespmem:s4+$0xF420] =	vst v5;
	v3 =	vadd.f32 v3, v8  }
0xa5: {  	[tilespmem:s4+$0xF430] =	vst v4;
	v2 =	vadd.f32 v2, v6  }
0xa6: {  	[tilespmem:s4+$0xF440] =	vst v3;
	v1 =	vadd.f32 v1, v7  }
0xa7: {  	[tilespmem:s4+$0xF450] =	vst v2;
	v0 =	vadd.f32 v0, v10  }
0xa8: {  	[tilespmem:s4+$0xF460] =	vst v1  }
0xa9: {  	s19 =	simm.s32 $0x0;
	s7 =	rddreg [dreg:$0x8];
	[tilespmem:s4+$0xF470] =	vst v0  }
0xaa: {  	[hbm4b:s7+s19] =	stream.linear.scatter [tilespmem:s24], [sflag:$0x8], $0x2000, $0x38;
	[tilespmem:$0x15400] =	vst v63  }
0xab: {  	_ =	swait.ge [sflag:s23], $0x2000  }
0xac: {  	[sflag:s23] =	ssyncset.done $0x0  }
0xad: {  	s22 =	simm.s32 $0x280;
	[sflag:s23] =	ssyncadd.s32 $0xFFFFE000  }
0xae: {  	[tilespmem:s26], [sflag:$0x1] =	stream.indirect.gather [hbm4b:s2+s21], $0x80, s22, s21, $0xb8;
	[tilespmem:$0x15400] =	vst v63  }
0xaf: {  	_ =	swait.ge [sflag:s29], $0x2000  }
0xb0: {  	[sflag:s29] =	ssyncset.done $0x0  }
0xb1: {  	s4 =	simm.s32 $0x0;
	[sflag:s29] =	ssyncadd.s32 $0xFFFFE000  }
0xb2: {  	v7 =	vld [tilespmem:s4+$0x9400]  }
0xb3: {  	v11 =	vld [tilespmem:s4+$0x9410]  }
0xb4: {  	v5 =	vld [tilespmem:s4+$0x9420]  }
0xb5: {  	v4 =	vld [tilespmem:s4+$0x9430]  }
0xb6: {  	v3 =	vld [tilespmem:s4+$0x9440]  }
0xb7: {  	v2 =	vld [tilespmem:s4+$0x9450]  }
0xb8: {  	v1 =	vld [tilespmem:s4+$0x9460]  }
0xb9: {  	v0 =	vld [tilespmem:s4+$0x9470]  }
0xba: {  	v12 =	vld [tilespmem:s4+$0x11400]  }
0xbb: {  	v13 =	vld [tilespmem:s4+$0x11410]  }
0xbc: {  	v10 =	vld [tilespmem:s4+$0x11420]  }
0xbd: {  	v9 =	vld [tilespmem:s4+$0x11430]  }
0xbe: {  	v8 =	vld [tilespmem:s4+$0x11440]  }
0xbf: {  	v6 =	vld [tilespmem:s4+$0x11450];
	v12 =	vadd.f32 v7, v12  }
0xc0: {  	s7 =	simm.s32 $0x200;
	v11 =	vadd.f32 v11, v13;
	v7 =	vld [tilespmem:s4+$0x11460]  }
.LBB2_8:
0xc1: {  	s10 =	sshra.s32 s7, $0x2;
	p0 =	sne.s32 s7, $0x7E00;
	[tilespmem:s4+$0x11400] =	vst v12;
	v5 =	vadd.f32 v5, v10;
	v10 =	vld [tilespmem:s4+$0x11470]  }
0xc2: {  	v12 =	vld [tilespmem:s10+$0x9400];
	[tilespmem:s4+$0x11410] =	vst v11;
	v4 =	vadd.f32 v4, v9  }
0xc3: {  	v11 =	vld [tilespmem:s10+$0x9410];
	[tilespmem:s4+$0x11420] =	vst v5;
	v3 =	vadd.f32 v3, v8  }
0xc4: {  	v5 =	vld [tilespmem:s10+$0x9420];
	[tilespmem:s4+$0x11430] =	vst v4;
	v2 =	vadd.f32 v2, v6  }
0xc5: {  	v4 =	vld [tilespmem:s10+$0x9430];
	[tilespmem:s4+$0x11440] =	vst v3;
	v1 =	vadd.f32 v1, v7  }
0xc6: {  	v3 =	vld [tilespmem:s10+$0x9440];
	[tilespmem:s4+$0x11450] =	vst v2;
	v0 =	vadd.f32 v0, v10  }
0xc7: {  	v2 =	vld [tilespmem:s10+$0x9450];
	[tilespmem:s4+$0x11460] =	vst v1  }
0xc8: {  	v1 =	vld [tilespmem:s10+$0x9460];
	[tilespmem:s4+$0x11470] =	vst v0;
	s4 =	smov.u32 s10  }
0xc9: {  	v0 =	vld [tilespmem:s4+$0x9470]  }
0xca: {  	v6 =	vld [tilespmem:s4+$0x11400]  }
0xcb: {  	v7 =	vld [tilespmem:s4+$0x11410]  }
.Ltmp3:
0xcc: {  	v10 =	vld [tilespmem:s4+$0x11420];
	(pc) =	sbr.rel @p0 .LBB2_8-.Ltmp3, $4  }
0xcd: {  	v9 =	vld [tilespmem:s4+$0x11430]  }
0xce: {  	v8 =	vld [tilespmem:s4+$0x11440]  }
0xcf: {  	v12 =	vadd.f32 v12, v6;
	v6 =	vld [tilespmem:s4+$0x11450]  }
0xd0: {  	s7 =	sadd.s32 $0x200, s7;
	v11 =	vadd.f32 v11, v7;
	v7 =	vld [tilespmem:s4+$0x11460]  }
0xd1: {  	[tilespmem:s4+$0x11400] =	vst v12;
	v5 =	vadd.f32 v5, v10;
	v10 =	vld [tilespmem:s4+$0x11470]  }
0xd2: {  	[tilespmem:s4+$0x11410] =	vst v11;
	v4 =	vadd.f32 v4, v9  }
0xd3: {  	[tilespmem:s4+$0x11420] =	vst v5;
	v3 =	vadd.f32 v3, v8  }
0xd4: {  	[tilespmem:s4+$0x11430] =	vst v4;
	v2 =	vadd.f32 v2, v6  }
0xd5: {  	[tilespmem:s4+$0x11440] =	vst v3;
	v1 =	vadd.f32 v1, v7  }
0xd6: {  	[tilespmem:s4+$0x11450] =	vst v2;
	v0 =	vadd.f32 v0, v10  }
0xd7: {  	[tilespmem:s4+$0x11460] =	vst v1  }
0xd8: {  	s17 =	simm.s32 $0x0;
	s7 =	rddreg [dreg:$0x9];
	[tilespmem:s4+$0x11470] =	vst v0  }
0xd9: {  	[hbm4b:s7+s17] =	stream.linear.scatter [tilespmem:s30], [sflag:$0x9], $0x2000, $0x38;
	[tilespmem:$0x15400] =	vst v63  }
0xda: {  	_ =	swait.ge [sflag:s1], $0x2000  }
0xdb: {  	[sflag:s1] =	ssyncset.done $0x0  }
0xdc: {  	s19 =	simm.s32 $0xD400;
	s22 =	simm.s32 $0x300;
	[sflag:s1] =	ssyncadd.s32 $0xFFFFE000  }
0xdd: {  	[tilespmem:s19], [sflag:$0x2] =	stream.indirect.gather [hbm4b:s2+s21], $0x80, s22, s21, $0xb8;
	[tilespmem:$0x15400] =	vst v63  }
0xde: {  	_ =	swait.ge [sflag:s25], $0x2000  }
0xdf: {  	[sflag:s25] =	ssyncset.done $0x0  }
0xe0: {  	s4 =	simm.s32 $0x0;
	[sflag:s25] =	ssyncadd.s32 $0xFFFFE000  }
0xe1: {  	v7 =	vld [tilespmem:s4+$0x5000]  }
0xe2: {  	v11 =	vld [tilespmem:s4+$0x5010]  }
0xe3: {  	v5 =	vld [tilespmem:s4+$0x5020]  }
0xe4: {  	v4 =	vld [tilespmem:s4+$0x5030]  }
0xe5: {  	v3 =	vld [tilespmem:s4+$0x5040]  }
0xe6: {  	v2 =	vld [tilespmem:s4+$0x5050]  }
0xe7: {  	v1 =	vld [tilespmem:s4+$0x5060]  }
0xe8: {  	v0 =	vld [tilespmem:s4+$0x5070]  }
0xe9: {  	v12 =	vld [tilespmem:s4+$0x13400]  }
0xea: {  	v13 =	vld [tilespmem:s4+$0x13410]  }
0xeb: {  	v10 =	vld [tilespmem:s4+$0x13420]  }
0xec: {  	v9 =	vld [tilespmem:s4+$0x13430]  }
0xed: {  	v8 =	vld [tilespmem:s4+$0x13440]  }
0xee: {  	v6 =	vld [tilespmem:s4+$0x13450];
	v12 =	vadd.f32 v7, v12  }
0xef: {  	s7 =	simm.s32 $0x200;
	v11 =	vadd.f32 v11, v13;
	v7 =	vld [tilespmem:s4+$0x13460]  }
.LBB2_10:
0xf0: {  	s10 =	sshra.s32 s7, $0x2;
	p0 =	sne.s32 s7, $0x7E00;
	[tilespmem:s4+$0x13400] =	vst v12;
	v5 =	vadd.f32 v5, v10;
	v10 =	vld [tilespmem:s4+$0x13470]  }
0xf1: {  	v12 =	vld [tilespmem:s10+$0x5000];
	[tilespmem:s4+$0x13410] =	vst v11;
	v4 =	vadd.f32 v4, v9  }
0xf2: {  	v11 =	vld [tilespmem:s10+$0x5010];
	[tilespmem:s4+$0x13420] =	vst v5;
	v3 =	vadd.f32 v3, v8  }
0xf3: {  	v5 =	vld [tilespmem:s10+$0x5020];
	[tilespmem:s4+$0x13430] =	vst v4;
	v2 =	vadd.f32 v2, v6  }
0xf4: {  	v4 =	vld [tilespmem:s10+$0x5030];
	[tilespmem:s4+$0x13440] =	vst v3;
	v1 =	vadd.f32 v1, v7  }
0xf5: {  	v3 =	vld [tilespmem:s10+$0x5040];
	[tilespmem:s4+$0x13450] =	vst v2;
	v0 =	vadd.f32 v0, v10  }
0xf6: {  	v2 =	vld [tilespmem:s10+$0x5050];
	[tilespmem:s4+$0x13460] =	vst v1  }
0xf7: {  	v1 =	vld [tilespmem:s10+$0x5060];
	[tilespmem:s4+$0x13470] =	vst v0;
	s4 =	smov.u32 s10  }
0xf8: {  	v0 =	vld [tilespmem:s4+$0x5070]  }
0xf9: {  	v6 =	vld [tilespmem:s4+$0x13400]  }
0xfa: {  	v7 =	vld [tilespmem:s4+$0x13410]  }
.Ltmp4:
0xfb: {  	v10 =	vld [tilespmem:s4+$0x13420];
	(pc) =	sbr.rel @p0 .LBB2_10-.Ltmp4, $4  }
0xfc: {  	v9 =	vld [tilespmem:s4+$0x13430]  }
0xfd: {  	v8 =	vld [tilespmem:s4+$0x13440]  }
0xfe: {  	v12 =	vadd.f32 v12, v6;
	v6 =	vld [tilespmem:s4+$0x13450]  }
0xff: {  	s7 =	sadd.s32 $0x200, s7;
	v11 =	vadd.f32 v11, v7;
	v7 =	vld [tilespmem:s4+$0x13460]  }
0x100: {  	[tilespmem:s4+$0x13400] =	vst v12;
	v5 =	vadd.f32 v5, v10;
	v63 =	vld [tilespmem:s4+$0x13470]  }
0x101: {  	[tilespmem:s4+$0x13410] =	vst v11;
	v4 =	vadd.f32 v4, v9  }
0x102: {  	[tilespmem:s4+$0x13420] =	vst v5;
	v3 =	vadd.f32 v3, v8  }
0x103: {  	[tilespmem:s4+$0x13430] =	vst v4;
	v2 =	vadd.f32 v2, v6  }
0x104: {  	[tilespmem:s4+$0x13440] =	vst v3;
	v1 =	vadd.f32 v1, v7  }
0x105: {  	[tilespmem:s4+$0x13450] =	vst v2;
	v0 =	vadd.f32 v0, v63  }
0x106: {  	[tilespmem:s4+$0x13460] =	vst v1  }
0x107: {  	s19 =	rddreg [dreg:$0xa];
	s22 =	simm.s32 $0x380;
	s11 =	simm.s32 $0x1;
	[tilespmem:s4+$0x13470] =	vst v0  }
0x108: {  	[hbm4b:s19+s18] =	stream.linear.scatter [tilespmem:s0], [sflag:$0xA], $0x2000, $0x38;
	[tilespmem:$0x15400] =	vst v63  }
0x109: {  	s12 =	simm.s32 $0x3400;
	s13 =	simm.s32 $0x140;
	_ =	swait.ge [sflag:s6], $0x2000  }
0x10a: {  	s14 =	simm.s32 $0x180;
	s15 =	simm.s32 $0x1C0;
	[sflag:s6] =	ssyncset.done $0x0  }
0x10b: {  	s16 =	simm.s32 $0x200;
	s17 =	simm.s32 $0x240;
	[sflag:s6] =	ssyncadd.s32 $0xFFFFE000  }
0x10c: {  	[tilespmem:s24], [sflag:$0x3] =	stream.indirect.gather [hbm4b:s2+s21], $0x80, s22, s21, $0xb8;
	[tilespmem:$0x15400] =	vst v63  }
.LBB2_12:
0x10d: {  	s4 =	smulhi.u32 $0x51EB851F, s17  }
0x10e: {  	s7 =	smulhi.u32 $0x51EB851F, s16  }
0x10f: {  	s19 =	smulhi.u32 $0x51EB851F, s13  }
0x110: {  	s10 =	smulhi.u32 $0x51EB851F, s15  }
0x111: {  	s18 =	smulhi.u32 $0x51EB851F, s14;
	s19 =	sshrl.u32 s19, $0x6  }
0x112: {  	s4 =	sshrl.u32 s4, $0x6;
	s19 =	smul.u32 $0xFFFE7000, s19  }
0x113: {  	_ =	swait.ge [sflag:s28], $0x2000;
	s7 =	sshrl.u32 s7, $0x6;
	s4 =	smul.u32 $0xFFFE7000, s4  }
0x114: {  	s10 =	sshrl.u32 s10, $0x6;
	s7 =	smul.u32 $0xFFFE7000, s7;
	s19 =	sshra.s32 s19, $0x2  }
0x115: {  	s18 =	sshrl.u32 s18, $0x6;
	s10 =	smul.u32 $0xFFFE7000, s10;
	s19 =	sadd.s32 s19, s12  }
0x116: {  	[sflag:s28] =	ssyncset.done $0x0;
	s22 =	smul.u32 $0xFFFE7000, s18;
	v0 =	vmov s19  }
0x117: {  	[sflag:s28] =	ssyncadd.s32 $0xFFFFE000;
	s4 =	sshra.s32 s4, $0x2  }
0x118: {  	s7 =	sshra.s32 s7, $0x2;
	s10 =	sshra.s32 s10, $0x2;
	s24 =	sshra.s32 s22, $0x2  }
0x119: {  	s22 =	simm.s32 $0x200;
	s18 =	sadd.s32 s4, s12;
	s7 =	sadd.s32 s7, s12  }
0x11a: {  	s4 =	sadd.s32 s10, s12;
	s10 =	sadd.s32 s24, s12;
	s19 =	simm.s32 $0x0  }
.LBB2_13:
0x11b: {  	p0 =	sne.s32 s22, $0x7E00;
	v1 =	vld.idx.msk [tilespmem:v0+s19+$0xA000 ss:$0x1], $0xffff  }
0x11c: {  	v2 =	vld [tilespmem:s19+$0xB400];
	_ =	sdelay $0x4  }
0x11d: {  	v1 =	vadd.f32 v1, v2;
	_ =	sdelay $0x1  }
0x11e: {  	[tilespmem:s19+$0xB400] =	vst v1  }
0x11f: {  	v1 =	vld.idx.msk [tilespmem:v0+s19+$0xA010 ss:$0x1], $0xffff  }
0x120: {  	v2 =	vld [tilespmem:s19+$0xB410];
	_ =	sdelay $0x4  }
0x121: {  	v1 =	vadd.f32 v1, v2;
	_ =	sdelay $0x1  }
0x122: {  	[tilespmem:s19+$0xB410] =	vst v1  }
0x123: {  	v1 =	vld.idx.msk [tilespmem:v0+s19+$0xA020 ss:$0x1], $0xffff  }
0x124: {  	v2 =	vld [tilespmem:s19+$0xB420];
	_ =	sdelay $0x4  }
0x125: {  	v1 =	vadd.f32 v1, v2;
	_ =	sdelay $0x1  }
0x126: {  	[tilespmem:s19+$0xB420] =	vst v1  }
0x127: {  	v1 =	vld.idx.msk [tilespmem:v0+s19+$0xA030 ss:$0x1], $0xffff  }
0x128: {  	v2 =	vld [tilespmem:s19+$0xB430];
	_ =	sdelay $0x4  }
0x129: {  	v1 =	vadd.f32 v1, v2;
	_ =	sdelay $0x1  }
0x12a: {  	[tilespmem:s19+$0xB430] =	vst v1  }
0x12b: {  	v1 =	vld.idx.msk [tilespmem:v0+s19+$0xA040 ss:$0x1], $0xffff  }
0x12c: {  	v2 =	vld [tilespmem:s19+$0xB440];
	_ =	sdelay $0x4  }
0x12d: {  	v1 =	vadd.f32 v1, v2;
	_ =	sdelay $0x1  }
0x12e: {  	[tilespmem:s19+$0xB440] =	vst v1  }
0x12f: {  	v1 =	vld.idx.msk [tilespmem:v0+s19+$0xA050 ss:$0x1], $0xffff  }
0x130: {  	v2 =	vld [tilespmem:s19+$0xB450];
	_ =	sdelay $0x4  }
0x131: {  	v1 =	vadd.f32 v1, v2;
	_ =	sdelay $0x1  }
0x132: {  	[tilespmem:s19+$0xB450] =	vst v1  }
0x133: {  	v1 =	vld.idx.msk [tilespmem:v0+s19+$0xA060 ss:$0x1], $0xffff  }
0x134: {  	v2 =	vld [tilespmem:s19+$0xB460];
	_ =	sdelay $0x4  }
0x135: {  	v1 =	vadd.f32 v1, v2;
	_ =	sdelay $0x1  }
0x136: {  	[tilespmem:s19+$0xB460] =	vst v1  }
0x137: {  	v1 =	vld.idx.msk [tilespmem:v0+s19+$0xA070 ss:$0x1], $0xffff  }
0x138: {  	v2 =	vld [tilespmem:s19+$0xB470];
	_ =	sdelay $0x2  }
.Ltmp5:
0x139: {  	(pc) =	sbr.rel @p0 .LBB2_13-.Ltmp5, $3  }
0x13a: {  	_ = 	snop  }
0x13b: {  	v1 =	vadd.f32 v1, v2;
	_ =	sdelay $0x1  }
0x13c: {  	[tilespmem:s19+$0xB470] =	vst v1;
	s19 =	sshra.s32 s22, $0x2;
	s22 =	sadd.s32 $0x200, s22  }
0x13d: {  	_ =	sdelay $0x3  }
0x13e: {  	v1 =	vld.idx.msk [tilespmem:v0+s19+$0xA000 ss:$0x1], $0xffff  }
0x13f: {  	v2 =	vld [tilespmem:s19+$0xB400];
	_ =	sdelay $0x4  }
0x140: {  	v1 =	vadd.f32 v1, v2;
	_ =	sdelay $0x1  }
0x141: {  	v2 =	vld [tilespmem:s19+$0xB410];
	[tilespmem:s19+$0xB400] =	vst v1  }
0x142: {  	v1 =	vld.idx.msk [tilespmem:v0+s19+$0xA010 ss:$0x1], $0xffff;
	_ =	sdelay $0x4  }
0x143: {  	v1 =	vadd.f32 v1, v2;
	_ =	sdelay $0x1  }
0x144: {  	v2 =	vld [tilespmem:s19+$0xB420];
	[tilespmem:s19+$0xB410] =	vst v1  }
0x145: {  	v1 =	vld.idx.msk [tilespmem:v0+s19+$0xA020 ss:$0x1], $0xffff;
	_ =	sdelay $0x4  }
0x146: {  	v1 =	vadd.f32 v1, v2;
	_ =	sdelay $0x1  }
0x147: {  	v2 =	vld [tilespmem:s19+$0xB430];
	[tilespmem:s19+$0xB420] =	vst v1  }
0x148: {  	v1 =	vld.idx.msk [tilespmem:v0+s19+$0xA030 ss:$0x1], $0xffff;
	_ =	sdelay $0x4  }
0x149: {  	v1 =	vadd.f32 v1, v2;
	_ =	sdelay $0x1  }
0x14a: {  	v2 =	vld [tilespmem:s19+$0xB440];
	[tilespmem:s19+$0xB430] =	vst v1  }
0x14b: {  	v1 =	vld.idx.msk [tilespmem:v0+s19+$0xA040 ss:$0x1], $0xffff;
	_ =	sdelay $0x4  }
0x14c: {  	v1 =	vadd.f32 v1, v2;
	_ =	sdelay $0x1  }
0x14d: {  	v2 =	vld [tilespmem:s19+$0xB450];
	[tilespmem:s19+$0xB440] =	vst v1  }
0x14e: {  	v1 =	vld.idx.msk [tilespmem:v0+s19+$0xA050 ss:$0x1], $0xffff;
	_ =	sdelay $0x4  }
0x14f: {  	v1 =	vadd.f32 v1, v2;
	_ =	sdelay $0x1  }
0x150: {  	v2 =	vld [tilespmem:s19+$0xB460];
	[tilespmem:s19+$0xB450] =	vst v1  }
0x151: {  	v1 =	vld.idx.msk [tilespmem:v0+s19+$0xA060 ss:$0x1], $0xffff;
	_ =	sdelay $0x4  }
0x152: {  	v1 =	vadd.f32 v1, v2;
	_ =	sdelay $0x1  }
0x153: {  	[tilespmem:s19+$0xB460] =	vst v1;
	v1 =	vld [tilespmem:s19+$0xB470]  }
0x154: {  	v0 =	vld.idx.msk [tilespmem:v0+s19+$0xA070 ss:$0x1], $0xffff;
	_ =	sdelay $0x2  }
0x155: {  	s22 =	smul.u32 $0xA000, s11;
	_ =	sdelay $0x1  }
0x156: {  	s22 =	sadd.s32 s5, s22;
	v0 =	vadd.f32 v0, v1  }
0x157: {  	s24 =	sshrl.u32 s22, $0x3  }
0x158: {  	s22 =	smul.u32 $0x5, s11;
	[tilespmem:s19+$0xB470] =	vst v0;
	s19 =	sadd.s32 s3, s24;
	s24 =	simm.s32 $0x0  }
0x159: {  	[hbm4b:s19+s24] =	stream.linear.scatter [tilespmem:s26], [sflag:$0x6], $0x2000, $0x38;
	[tilespmem:$0x15400] =	vst v63  }
0x15a: {  	s19 =	sadd.s32 $0x3, s22;
	_ =	swait.ge [sflag:s8], $0x2000  }
0x15b: {  	s26 =	sshll.u32 s19, $0x7;
	[sflag:s8] =	ssyncset.done $0x0  }
0x15c: {  	v0 =	vmov s10;
	s24 =	sand.u32 $0x3FFFFF80, s26;
	[sflag:s8] =	ssyncadd.s32 $0xFFFFE000  }
0x15d: {  	[tilespmem:s30], [sflag:$0x4] =	stream.indirect.gather [hbm4b:s2+s21], $0x80, s24, s21, $0xb8;
	[tilespmem:$0x15400] =	vst v63  }
0x15e: {  	_ =	swait.ge [sflag:s31], $0x2000  }
0x15f: {  	s10 =	simm.s32 $0x0;
	[sflag:s31] =	ssyncset.done $0x0  }
0x160: {  	s26 =	simm.s32 $0x200;
	s24 =	sadd.s32 $0x1, s22;
	[sflag:s31] =	ssyncadd.s32 $0xFFFFE000  }
.LBB2_15:
0x161: {  	p0 =	sne.s32 s26, $0x7E00;
	v1 =	vld.idx.msk [tilespmem:v0+s10+$0xC000 ss:$0x1], $0xffff  }
0x162: {  	v2 =	vld [tilespmem:s10+$0xD400];
	_ =	sdelay $0x4  }
0x163: {  	v1 =	vadd.f32 v1, v2;
	_ =	sdelay $0x1  }
0x164: {  	[tilespmem:s10+$0xD400] =	vst v1  }
0x165: {  	v1 =	vld.idx.msk [tilespmem:v0+s10+$0xC010 ss:$0x1], $0xffff  }
0x166: {  	v2 =	vld [tilespmem:s10+$0xD410];
	_ =	sdelay $0x4  }
0x167: {  	v1 =	vadd.f32 v1, v2;
	_ =	sdelay $0x1  }
0x168: {  	[tilespmem:s10+$0xD410] =	vst v1  }
0x169: {  	v1 =	vld.idx.msk [tilespmem:v0+s10+$0xC020 ss:$0x1], $0xffff  }
0x16a: {  	v2 =	vld [tilespmem:s10+$0xD420];
	_ =	sdelay $0x4  }
0x16b: {  	v1 =	vadd.f32 v1, v2;
	_ =	sdelay $0x1  }
0x16c: {  	[tilespmem:s10+$0xD420] =	vst v1  }
0x16d: {  	v1 =	vld.idx.msk [tilespmem:v0+s10+$0xC030 ss:$0x1], $0xffff  }
0x16e: {  	v2 =	vld [tilespmem:s10+$0xD430];
	_ =	sdelay $0x4  }
0x16f: {  	v1 =	vadd.f32 v1, v2;
	_ =	sdelay $0x1  }
0x170: {  	[tilespmem:s10+$0xD430] =	vst v1  }
0x171: {  	v1 =	vld.idx.msk [tilespmem:v0+s10+$0xC040 ss:$0x1], $0xffff  }
0x172: {  	v2 =	vld [tilespmem:s10+$0xD440];
	_ =	sdelay $0x4  }
0x173: {  	v1 =	vadd.f32 v1, v2;
	_ =	sdelay $0x1  }
0x174: {  	[tilespmem:s10+$0xD440] =	vst v1  }
0x175: {  	v1 =	vld.idx.msk [tilespmem:v0+s10+$0xC050 ss:$0x1], $0xffff  }
0x176: {  	v2 =	vld [tilespmem:s10+$0xD450];
	_ =	sdelay $0x4  }
0x177: {  	v1 =	vadd.f32 v1, v2;
	_ =	sdelay $0x1  }
0x178: {  	[tilespmem:s10+$0xD450] =	vst v1  }
0x179: {  	v1 =	vld.idx.msk [tilespmem:v0+s10+$0xC060 ss:$0x1], $0xffff  }
0x17a: {  	v2 =	vld [tilespmem:s10+$0xD460];
	_ =	sdelay $0x4  }
0x17b: {  	v1 =	vadd.f32 v1, v2;
	_ =	sdelay $0x1  }
0x17c: {  	[tilespmem:s10+$0xD460] =	vst v1  }
0x17d: {  	v1 =	vld.idx.msk [tilespmem:v0+s10+$0xC070 ss:$0x1], $0xffff  }
0x17e: {  	v2 =	vld [tilespmem:s10+$0xD470];
	_ =	sdelay $0x2  }
.Ltmp6:
0x17f: {  	(pc) =	sbr.rel @p0 .LBB2_15-.Ltmp6, $3  }
0x180: {  	_ = 	snop  }
0x181: {  	v1 =	vadd.f32 v1, v2;
	_ =	sdelay $0x1  }
0x182: {  	[tilespmem:s10+$0xD470] =	vst v1;
	s10 =	sshra.s32 s26, $0x2;
	s26 =	sadd.s32 $0x200, s26  }
0x183: {  	_ =	sdelay $0x3  }
0x184: {  	v1 =	vld.idx.msk [tilespmem:v0+s10+$0xC000 ss:$0x1], $0xffff  }
0x185: {  	v2 =	vld [tilespmem:s10+$0xD400];
	_ =	sdelay $0x4  }
0x186: {  	v1 =	vadd.f32 v1, v2;
	_ =	sdelay $0x1  }
0x187: {  	v2 =	vld [tilespmem:s10+$0xD410];
	[tilespmem:s10+$0xD400] =	vst v1  }
0x188: {  	v1 =	vld.idx.msk [tilespmem:v0+s10+$0xC010 ss:$0x1], $0xffff;
	_ =	sdelay $0x4  }
0x189: {  	v1 =	vadd.f32 v1, v2;
	_ =	sdelay $0x1  }
0x18a: {  	v2 =	vld [tilespmem:s10+$0xD420];
	[tilespmem:s10+$0xD410] =	vst v1  }
0x18b: {  	v1 =	vld.idx.msk [tilespmem:v0+s10+$0xC020 ss:$0x1], $0xffff;
	_ =	sdelay $0x4  }
0x18c: {  	v1 =	vadd.f32 v1, v2;
	_ =	sdelay $0x1  }
0x18d: {  	v2 =	vld [tilespmem:s10+$0xD430];
	[tilespmem:s10+$0xD420] =	vst v1  }
0x18e: {  	v1 =	vld.idx.msk [tilespmem:v0+s10+$0xC030 ss:$0x1], $0xffff;
	_ =	sdelay $0x4  }
0x18f: {  	v1 =	vadd.f32 v1, v2;
	_ =	sdelay $0x1  }
0x190: {  	v2 =	vld [tilespmem:s10+$0xD440];
	[tilespmem:s10+$0xD430] =	vst v1  }
0x191: {  	v1 =	vld.idx.msk [tilespmem:v0+s10+$0xC040 ss:$0x1], $0xffff;
	_ =	sdelay $0x4  }
0x192: {  	v1 =	vadd.f32 v1, v2;
	_ =	sdelay $0x1  }
0x193: {  	v2 =	vld [tilespmem:s10+$0xD450];
	[tilespmem:s10+$0xD440] =	vst v1  }
0x194: {  	v1 =	vld.idx.msk [tilespmem:v0+s10+$0xC050 ss:$0x1], $0xffff;
	_ =	sdelay $0x4  }
0x195: {  	v1 =	vadd.f32 v1, v2;
	_ =	sdelay $0x1  }
0x196: {  	v2 =	vld [tilespmem:s10+$0xD460];
	[tilespmem:s10+$0xD450] =	vst v1  }
0x197: {  	v1 =	vld.idx.msk [tilespmem:v0+s10+$0xC060 ss:$0x1], $0xffff;
	_ =	sdelay $0x4  }
0x198: {  	v1 =	vadd.f32 v1, v2;
	_ =	sdelay $0x1  }
0x199: {  	[tilespmem:s10+$0xD460] =	vst v1;
	v1 =	vld [tilespmem:s10+$0xD470]  }
0x19a: {  	v0 =	vld.idx.msk [tilespmem:v0+s10+$0xC070 ss:$0x1], $0xffff;
	_ =	sdelay $0x3  }
0x19b: {  	s24 =	sshll.u32 s24, $0xD  }
0x19c: {  	s24 =	sadd.s32 s5, s24;
	v0 =	vadd.f32 v0, v1  }
0x19d: {  	s24 =	sshrl.u32 s24, $0x3  }
0x19e: {  	s26 =	simm.s32 $0xD400;
	[tilespmem:s10+$0xD470] =	vst v0;
	s10 =	sadd.s32 s3, s24;
	s24 =	simm.s32 $0x0  }
0x19f: {  	[hbm4b:s10+s24] =	stream.linear.scatter [tilespmem:s26], [sflag:$0x7], $0x2000, $0x38;
	[tilespmem:$0x15400] =	vst v63  }
0x1a0: {  	s10 =	sadd.s32 $0x4, s22;
	_ =	swait.ge [sflag:s9], $0x2000  }
0x1a1: {  	s26 =	sshll.u32 s10, $0x7;
	[sflag:s9] =	ssyncset.done $0x0  }
0x1a2: {  	v0 =	vmov s4;
	s24 =	sand.u32 $0x3FFFFF80, s26;
	[sflag:s9] =	ssyncadd.s32 $0xFFFFE000  }
0x1a3: {  	[tilespmem:s0], [sflag:$0x5] =	stream.indirect.gather [hbm4b:s2+s21], $0x80, s24, s21, $0xb8;
	[tilespmem:$0x15400] =	vst v63  }
0x1a4: {  	_ =	swait.ge [sflag:s20], $0x2000  }
0x1a5: {  	s4 =	simm.s32 $0x0;
	[sflag:s20] =	ssyncset.done $0x0  }
0x1a6: {  	s22 =	sadd.s32 $0x2, s22;
	s24 =	simm.s32 $0x200;
	[sflag:s20] =	ssyncadd.s32 $0xFFFFE000  }
.LBB2_17:
0x1a7: {  	p0 =	sne.s32 s24, $0x7E00;
	v1 =	vld.idx.msk [tilespmem:v0+s4+$0xE000 ss:$0x1], $0xffff  }
0x1a8: {  	v2 =	vld [tilespmem:s4+$0xF400];
	_ =	sdelay $0x4  }
0x1a9: {  	v1 =	vadd.f32 v1, v2;
	_ =	sdelay $0x1  }
0x1aa: {  	[tilespmem:s4+$0xF400] =	vst v1  }
0x1ab: {  	v1 =	vld.idx.msk [tilespmem:v0+s4+$0xE010 ss:$0x1], $0xffff  }
0x1ac: {  	v2 =	vld [tilespmem:s4+$0xF410];
	_ =	sdelay $0x4  }
0x1ad: {  	v1 =	vadd.f32 v1, v2;
	_ =	sdelay $0x1  }
0x1ae: {  	[tilespmem:s4+$0xF410] =	vst v1  }
0x1af: {  	v1 =	vld.idx.msk [tilespmem:v0+s4+$0xE020 ss:$0x1], $0xffff  }
0x1b0: {  	v2 =	vld [tilespmem:s4+$0xF420];
	_ =	sdelay $0x4  }
0x1b1: {  	v1 =	vadd.f32 v1, v2;
	_ =	sdelay $0x1  }
0x1b2: {  	[tilespmem:s4+$0xF420] =	vst v1  }
0x1b3: {  	v1 =	vld.idx.msk [tilespmem:v0+s4+$0xE030 ss:$0x1], $0xffff  }
0x1b4: {  	v2 =	vld [tilespmem:s4+$0xF430];
	_ =	sdelay $0x4  }
0x1b5: {  	v1 =	vadd.f32 v1, v2;
	_ =	sdelay $0x1  }
0x1b6: {  	[tilespmem:s4+$0xF430] =	vst v1  }
0x1b7: {  	v1 =	vld.idx.msk [tilespmem:v0+s4+$0xE040 ss:$0x1], $0xffff  }
0x1b8: {  	v2 =	vld [tilespmem:s4+$0xF440];
	_ =	sdelay $0x4  }
0x1b9: {  	v1 =	vadd.f32 v1, v2;
	_ =	sdelay $0x1  }
0x1ba: {  	[tilespmem:s4+$0xF440] =	vst v1  }
0x1bb: {  	v1 =	vld.idx.msk [tilespmem:v0+s4+$0xE050 ss:$0x1], $0xffff  }
0x1bc: {  	v2 =	vld [tilespmem:s4+$0xF450];
	_ =	sdelay $0x4  }
0x1bd: {  	v1 =	vadd.f32 v1, v2;
	_ =	sdelay $0x1  }
0x1be: {  	[tilespmem:s4+$0xF450] =	vst v1  }
0x1bf: {  	v1 =	vld.idx.msk [tilespmem:v0+s4+$0xE060 ss:$0x1], $0xffff  }
0x1c0: {  	v2 =	vld [tilespmem:s4+$0xF460];
	_ =	sdelay $0x4  }
0x1c1: {  	v1 =	vadd.f32 v1, v2;
	_ =	sdelay $0x1  }
0x1c2: {  	[tilespmem:s4+$0xF460] =	vst v1  }
0x1c3: {  	v1 =	vld.idx.msk [tilespmem:v0+s4+$0xE070 ss:$0x1], $0xffff  }
0x1c4: {  	v2 =	vld [tilespmem:s4+$0xF470];
	_ =	sdelay $0x2  }
.Ltmp7:
0x1c5: {  	(pc) =	sbr.rel @p0 .LBB2_17-.Ltmp7, $3  }
0x1c6: {  	_ = 	snop  }
0x1c7: {  	v1 =	vadd.f32 v1, v2;
	_ =	sdelay $0x1  }
0x1c8: {  	[tilespmem:s4+$0xF470] =	vst v1;
	s4 =	sshra.s32 s24, $0x2;
	s24 =	sadd.s32 $0x200, s24  }
0x1c9: {  	_ =	sdelay $0x3  }
0x1ca: {  	v1 =	vld.idx.msk [tilespmem:v0+s4+$0xE000 ss:$0x1], $0xffff  }
0x1cb: {  	v2 =	vld [tilespmem:s4+$0xF400];
	_ =	sdelay $0x4  }
0x1cc: {  	v1 =	vadd.f32 v1, v2;
	_ =	sdelay $0x1  }
0x1cd: {  	v2 =	vld [tilespmem:s4+$0xF410];
	[tilespmem:s4+$0xF400] =	vst v1  }
0x1ce: {  	v1 =	vld.idx.msk [tilespmem:v0+s4+$0xE010 ss:$0x1], $0xffff;
	_ =	sdelay $0x4  }
0x1cf: {  	v1 =	vadd.f32 v1, v2;
	_ =	sdelay $0x1  }
0x1d0: {  	v2 =	vld [tilespmem:s4+$0xF420];
	[tilespmem:s4+$0xF410] =	vst v1  }
0x1d1: {  	v1 =	vld.idx.msk [tilespmem:v0+s4+$0xE020 ss:$0x1], $0xffff;
	_ =	sdelay $0x4  }
0x1d2: {  	v1 =	vadd.f32 v1, v2;
	_ =	sdelay $0x1  }
0x1d3: {  	v2 =	vld [tilespmem:s4+$0xF430];
	[tilespmem:s4+$0xF420] =	vst v1  }
0x1d4: {  	v1 =	vld.idx.msk [tilespmem:v0+s4+$0xE030 ss:$0x1], $0xffff;
	_ =	sdelay $0x4  }
0x1d5: {  	v1 =	vadd.f32 v1, v2;
	_ =	sdelay $0x1  }
0x1d6: {  	v2 =	vld [tilespmem:s4+$0xF440];
	[tilespmem:s4+$0xF430] =	vst v1  }
0x1d7: {  	v1 =	vld.idx.msk [tilespmem:v0+s4+$0xE040 ss:$0x1], $0xffff;
	_ =	sdelay $0x4  }
0x1d8: {  	v1 =	vadd.f32 v1, v2;
	_ =	sdelay $0x1  }
0x1d9: {  	v2 =	vld [tilespmem:s4+$0xF450];
	[tilespmem:s4+$0xF440] =	vst v1  }
0x1da: {  	v1 =	vld.idx.msk [tilespmem:v0+s4+$0xE050 ss:$0x1], $0xffff;
	_ =	sdelay $0x4  }
0x1db: {  	v1 =	vadd.f32 v1, v2;
	_ =	sdelay $0x1  }
0x1dc: {  	v2 =	vld [tilespmem:s4+$0xF460];
	[tilespmem:s4+$0xF450] =	vst v1  }
0x1dd: {  	v1 =	vld.idx.msk [tilespmem:v0+s4+$0xE060 ss:$0x1], $0xffff;
	_ =	sdelay $0x4  }
0x1de: {  	v1 =	vadd.f32 v1, v2;
	_ =	sdelay $0x1  }
0x1df: {  	[tilespmem:s4+$0xF460] =	vst v1;
	v1 =	vld [tilespmem:s4+$0xF470]  }
0x1e0: {  	v0 =	vld.idx.msk [tilespmem:v0+s4+$0xE070 ss:$0x1], $0xffff;
	_ =	sdelay $0x3  }
0x1e1: {  	s22 =	sshll.u32 s22, $0xD  }
0x1e2: {  	s22 =	sadd.s32 s5, s22;
	v0 =	vadd.f32 v0, v1  }
0x1e3: {  	s22 =	sshrl.u32 s22, $0x3  }
0x1e4: {  	s26 =	simm.s32 $0x0;
	s24 =	simm.s32 $0xF400;
	s22 =	sadd.s32 s3, s22;
	[tilespmem:s4+$0xF470] =	vst v0  }
0x1e5: {  	[hbm4b:s22+s26] =	stream.linear.scatter [tilespmem:s24], [sflag:$0x8], $0x2000, $0x38;
	[tilespmem:$0x15400] =	vst v63  }
0x1e6: {  	s26 =	smul.u32 $0xA00, s11  }
0x1e7: {  	_ =	swait.ge [sflag:s23], $0x2000  }
0x1e8: {  	[sflag:s23] =	ssyncset.done $0x0;
	s4 =	sshra.s32 s26, $0x2  }
0x1e9: {  	v0 =	vmov s7;
	s26 =	simm.s32 $0xB400;
	[sflag:s23] =	ssyncadd.s32 $0xFFFFE000;
	s22 =	sadd.s32 $0x280, s4  }
0x1ea: {  	[tilespmem:s26], [sflag:$0x1] =	stream.indirect.gather [hbm4b:s2+s21], $0x80, s22, s21, $0xb8;
	[tilespmem:$0x15400] =	vst v63  }
0x1eb: {  	_ =	swait.ge [sflag:s29], $0x2000  }
0x1ec: {  	[sflag:s29] =	ssyncset.done $0x0  }
0x1ed: {  	s7 =	simm.s32 $0x0;
	s22 =	simm.s32 $0x200;
	[sflag:s29] =	ssyncadd.s32 $0xFFFFE000  }
.LBB2_19:
0x1ee: {  	p0 =	sne.s32 s22, $0x7E00;
	v1 =	vld.idx.msk [tilespmem:v0+s7+$0x10000 ss:$0x1], $0xffff  }
0x1ef: {  	v2 =	vld [tilespmem:s7+$0x11400];
	_ =	sdelay $0x4  }
0x1f0: {  	v1 =	vadd.f32 v1, v2;
	_ =	sdelay $0x1  }
0x1f1: {  	[tilespmem:s7+$0x11400] =	vst v1  }
0x1f2: {  	v1 =	vld.idx.msk [tilespmem:v0+s7+$0x10010 ss:$0x1], $0xffff  }
0x1f3: {  	v2 =	vld [tilespmem:s7+$0x11410];
	_ =	sdelay $0x4  }
0x1f4: {  	v1 =	vadd.f32 v1, v2;
	_ =	sdelay $0x1  }
0x1f5: {  	[tilespmem:s7+$0x11410] =	vst v1  }
0x1f6: {  	v1 =	vld.idx.msk [tilespmem:v0+s7+$0x10020 ss:$0x1], $0xffff  }
0x1f7: {  	v2 =	vld [tilespmem:s7+$0x11420];
	_ =	sdelay $0x4  }
0x1f8: {  	v1 =	vadd.f32 v1, v2;
	_ =	sdelay $0x1  }
0x1f9: {  	[tilespmem:s7+$0x11420] =	vst v1  }
0x1fa: {  	v1 =	vld.idx.msk [tilespmem:v0+s7+$0x10030 ss:$0x1], $0xffff  }
0x1fb: {  	v2 =	vld [tilespmem:s7+$0x11430];
	_ =	sdelay $0x4  }
0x1fc: {  	v1 =	vadd.f32 v1, v2;
	_ =	sdelay $0x1  }
0x1fd: {  	[tilespmem:s7+$0x11430] =	vst v1  }
0x1fe: {  	v1 =	vld.idx.msk [tilespmem:v0+s7+$0x10040 ss:$0x1], $0xffff  }
0x1ff: {  	v2 =	vld [tilespmem:s7+$0x11440];
	_ =	sdelay $0x4  }
0x200: {  	v1 =	vadd.f32 v1, v2;
	_ =	sdelay $0x1  }
0x201: {  	[tilespmem:s7+$0x11440] =	vst v1  }
0x202: {  	v1 =	vld.idx.msk [tilespmem:v0+s7+$0x10050 ss:$0x1], $0xffff  }
0x203: {  	v2 =	vld [tilespmem:s7+$0x11450];
	_ =	sdelay $0x4  }
0x204: {  	v1 =	vadd.f32 v1, v2;
	_ =	sdelay $0x1  }
0x205: {  	[tilespmem:s7+$0x11450] =	vst v1  }
0x206: {  	v1 =	vld.idx.msk [tilespmem:v0+s7+$0x10060 ss:$0x1], $0xffff  }
0x207: {  	v2 =	vld [tilespmem:s7+$0x11460];
	_ =	sdelay $0x4  }
0x208: {  	v1 =	vadd.f32 v1, v2;
	_ =	sdelay $0x1  }
0x209: {  	[tilespmem:s7+$0x11460] =	vst v1  }
0x20a: {  	v1 =	vld.idx.msk [tilespmem:v0+s7+$0x10070 ss:$0x1], $0xffff  }
0x20b: {  	v2 =	vld [tilespmem:s7+$0x11470];
	_ =	sdelay $0x2  }
.Ltmp8:
0x20c: {  	(pc) =	sbr.rel @p0 .LBB2_19-.Ltmp8, $3  }
0x20d: {  	_ = 	snop  }
0x20e: {  	v1 =	vadd.f32 v1, v2;
	_ =	sdelay $0x1  }
0x20f: {  	[tilespmem:s7+$0x11470] =	vst v1;
	s7 =	sshra.s32 s22, $0x2;
	s22 =	sadd.s32 $0x200, s22  }
0x210: {  	_ =	sdelay $0x3  }
0x211: {  	v1 =	vld.idx.msk [tilespmem:v0+s7+$0x10000 ss:$0x1], $0xffff  }
0x212: {  	v2 =	vld [tilespmem:s7+$0x11400];
	_ =	sdelay $0x4  }
0x213: {  	v1 =	vadd.f32 v1, v2;
	_ =	sdelay $0x1  }
0x214: {  	v2 =	vld [tilespmem:s7+$0x11410];
	[tilespmem:s7+$0x11400] =	vst v1  }
0x215: {  	v1 =	vld.idx.msk [tilespmem:v0+s7+$0x10010 ss:$0x1], $0xffff;
	_ =	sdelay $0x4  }
0x216: {  	v1 =	vadd.f32 v1, v2;
	_ =	sdelay $0x1  }
0x217: {  	v2 =	vld [tilespmem:s7+$0x11420];
	[tilespmem:s7+$0x11410] =	vst v1  }
0x218: {  	v1 =	vld.idx.msk [tilespmem:v0+s7+$0x10020 ss:$0x1], $0xffff;
	_ =	sdelay $0x4  }
0x219: {  	v1 =	vadd.f32 v1, v2;
	_ =	sdelay $0x1  }
0x21a: {  	v2 =	vld [tilespmem:s7+$0x11430];
	[tilespmem:s7+$0x11420] =	vst v1  }
0x21b: {  	v1 =	vld.idx.msk [tilespmem:v0+s7+$0x10030 ss:$0x1], $0xffff;
	_ =	sdelay $0x4  }
0x21c: {  	v1 =	vadd.f32 v1, v2;
	_ =	sdelay $0x1  }
0x21d: {  	v2 =	vld [tilespmem:s7+$0x11440];
	[tilespmem:s7+$0x11430] =	vst v1  }
0x21e: {  	v1 =	vld.idx.msk [tilespmem:v0+s7+$0x10040 ss:$0x1], $0xffff;
	_ =	sdelay $0x4  }
0x21f: {  	v1 =	vadd.f32 v1, v2;
	_ =	sdelay $0x1  }
0x220: {  	v2 =	vld [tilespmem:s7+$0x11450];
	[tilespmem:s7+$0x11440] =	vst v1  }
0x221: {  	v1 =	vld.idx.msk [tilespmem:v0+s7+$0x10050 ss:$0x1], $0xffff;
	_ =	sdelay $0x4  }
0x222: {  	v1 =	vadd.f32 v1, v2;
	_ =	sdelay $0x1  }
0x223: {  	v2 =	vld [tilespmem:s7+$0x11460];
	[tilespmem:s7+$0x11450] =	vst v1  }
0x224: {  	v1 =	vld.idx.msk [tilespmem:v0+s7+$0x10060 ss:$0x1], $0xffff;
	_ =	sdelay $0x4  }
0x225: {  	v1 =	vadd.f32 v1, v2;
	_ =	sdelay $0x1  }
0x226: {  	[tilespmem:s7+$0x11460] =	vst v1;
	v1 =	vld [tilespmem:s7+$0x11470]  }
0x227: {  	v0 =	vld.idx.msk [tilespmem:v0+s7+$0x10070 ss:$0x1], $0xffff;
	_ =	sdelay $0x3  }
0x228: {  	s19 =	sshll.u32 s19, $0xD  }
0x229: {  	s19 =	sadd.s32 s5, s19;
	v0 =	vadd.f32 v0, v1  }
0x22a: {  	s19 =	sshrl.u32 s19, $0x3  }
0x22b: {  	s22 =	simm.s32 $0x0;
	s19 =	sadd.s32 s3, s19;
	[tilespmem:s7+$0x11470] =	vst v0  }
0x22c: {  	[hbm4b:s19+s22] =	stream.linear.scatter [tilespmem:s30], [sflag:$0x9], $0x2000, $0x38;
	[tilespmem:$0x15400] =	vst v63  }
0x22d: {  	_ =	swait.ge [sflag:s1], $0x2000  }
0x22e: {  	[sflag:s1] =	ssyncset.done $0x0  }
0x22f: {  	v0 =	vmov s18;
	s19 =	sadd.s32 $0x300, s4;
	s22 =	simm.s32 $0xD400;
	[sflag:s1] =	ssyncadd.s32 $0xFFFFE000  }
0x230: {  	[tilespmem:s22], [sflag:$0x2] =	stream.indirect.gather [hbm4b:s2+s21], $0x80, s19, s21, $0xb8;
	[tilespmem:$0x15400] =	vst v63  }
0x231: {  	_ =	swait.ge [sflag:s25], $0x2000  }
0x232: {  	[sflag:s25] =	ssyncset.done $0x0  }
0x233: {  	s7 =	simm.s32 $0x0;
	s18 =	simm.s32 $0x200;
	[sflag:s25] =	ssyncadd.s32 $0xFFFFE000  }
.LBB2_21:
0x234: {  	p0 =	sne.s32 s18, $0x7E00;
	v1 =	vld.idx.msk [tilespmem:v0+s7+$0x12000 ss:$0x1], $0xffff  }
0x235: {  	v2 =	vld [tilespmem:s7+$0x13400];
	_ =	sdelay $0x4  }
0x236: {  	v1 =	vadd.f32 v1, v2;
	_ =	sdelay $0x1  }
0x237: {  	[tilespmem:s7+$0x13400] =	vst v1  }
0x238: {  	v1 =	vld.idx.msk [tilespmem:v0+s7+$0x12010 ss:$0x1], $0xffff  }
0x239: {  	v2 =	vld [tilespmem:s7+$0x13410];
	_ =	sdelay $0x4  }
0x23a: {  	v1 =	vadd.f32 v1, v2;
	_ =	sdelay $0x1  }
0x23b: {  	[tilespmem:s7+$0x13410] =	vst v1  }
0x23c: {  	v1 =	vld.idx.msk [tilespmem:v0+s7+$0x12020 ss:$0x1], $0xffff  }
0x23d: {  	v2 =	vld [tilespmem:s7+$0x13420];
	_ =	sdelay $0x4  }
0x23e: {  	v1 =	vadd.f32 v1, v2;
	_ =	sdelay $0x1  }
0x23f: {  	[tilespmem:s7+$0x13420] =	vst v1  }
0x240: {  	v1 =	vld.idx.msk [tilespmem:v0+s7+$0x12030 ss:$0x1], $0xffff  }
0x241: {  	v2 =	vld [tilespmem:s7+$0x13430];
	_ =	sdelay $0x4  }
0x242: {  	v1 =	vadd.f32 v1, v2;
	_ =	sdelay $0x1  }
0x243: {  	[tilespmem:s7+$0x13430] =	vst v1  }
0x244: {  	v1 =	vld.idx.msk [tilespmem:v0+s7+$0x12040 ss:$0x1], $0xffff  }
0x245: {  	v2 =	vld [tilespmem:s7+$0x13440];
	_ =	sdelay $0x4  }
0x246: {  	v1 =	vadd.f32 v1, v2;
	_ =	sdelay $0x1  }
0x247: {  	[tilespmem:s7+$0x13440] =	vst v1  }
0x248: {  	v1 =	vld.idx.msk [tilespmem:v0+s7+$0x12050 ss:$0x1], $0xffff  }
0x249: {  	v2 =	vld [tilespmem:s7+$0x13450];
	_ =	sdelay $0x4  }
0x24a: {  	v1 =	vadd.f32 v1, v2;
	_ =	sdelay $0x1  }
0x24b: {  	[tilespmem:s7+$0x13450] =	vst v1  }
0x24c: {  	v1 =	vld.idx.msk [tilespmem:v0+s7+$0x12060 ss:$0x1], $0xffff  }
0x24d: {  	v2 =	vld [tilespmem:s7+$0x13460];
	_ =	sdelay $0x4  }
0x24e: {  	v1 =	vadd.f32 v1, v2;
	_ =	sdelay $0x1  }
0x24f: {  	[tilespmem:s7+$0x13460] =	vst v1  }
0x250: {  	v1 =	vld.idx.msk [tilespmem:v0+s7+$0x12070 ss:$0x1], $0xffff  }
0x251: {  	v2 =	vld [tilespmem:s7+$0x13470];
	_ =	sdelay $0x2  }
.Ltmp9:
0x252: {  	(pc) =	sbr.rel @p0 .LBB2_21-.Ltmp9, $3  }
0x253: {  	_ = 	snop  }
0x254: {  	v1 =	vadd.f32 v1, v2;
	_ =	sdelay $0x1  }
0x255: {  	[tilespmem:s7+$0x13470] =	vst v1;
	s7 =	sshra.s32 s18, $0x2;
	s18 =	sadd.s32 $0x200, s18  }
0x256: {  	_ =	sdelay $0x3  }
0x257: {  	v1 =	vld.idx.msk [tilespmem:v0+s7+$0x12000 ss:$0x1], $0xffff  }
0x258: {  	v2 =	vld [tilespmem:s7+$0x13400];
	_ =	sdelay $0x4  }
0x259: {  	v1 =	vadd.f32 v1, v2;
	_ =	sdelay $0x1  }
0x25a: {  	v56 =	vld [tilespmem:s7+$0x13410];
	[tilespmem:s7+$0x13400] =	vst v1  }
0x25b: {  	v1 =	vld.idx.msk [tilespmem:v0+s7+$0x12010 ss:$0x1], $0xffff;
	_ =	sdelay $0x4  }
0x25c: {  	v1 =	vadd.f32 v1, v56;
	_ =	sdelay $0x1  }
0x25d: {  	v57 =	vld [tilespmem:s7+$0x13420];
	[tilespmem:s7+$0x13410] =	vst v1  }
0x25e: {  	v1 =	vld.idx.msk [tilespmem:v0+s7+$0x12020 ss:$0x1], $0xffff;
	_ =	sdelay $0x4  }
0x25f: {  	v1 =	vadd.f32 v1, v57;
	_ =	sdelay $0x1  }
0x260: {  	v58 =	vld [tilespmem:s7+$0x13430];
	[tilespmem:s7+$0x13420] =	vst v1  }
0x261: {  	v1 =	vld.idx.msk [tilespmem:v0+s7+$0x12030 ss:$0x1], $0xffff;
	_ =	sdelay $0x4  }
0x262: {  	v1 =	vadd.f32 v1, v58;
	_ =	sdelay $0x1  }
0x263: {  	v59 =	vld [tilespmem:s7+$0x13440];
	[tilespmem:s7+$0x13430] =	vst v1  }
0x264: {  	v1 =	vld.idx.msk [tilespmem:v0+s7+$0x12040 ss:$0x1], $0xffff;
	_ =	sdelay $0x4  }
0x265: {  	v1 =	vadd.f32 v1, v59;
	_ =	sdelay $0x1  }
0x266: {  	v60 =	vld [tilespmem:s7+$0x13450];
	[tilespmem:s7+$0x13440] =	vst v1  }
0x267: {  	v1 =	vld.idx.msk [tilespmem:v0+s7+$0x12050 ss:$0x1], $0xffff;
	_ =	sdelay $0x4  }
0x268: {  	v1 =	vadd.f32 v1, v60;
	_ =	sdelay $0x1  }
0x269: {  	v61 =	vld [tilespmem:s7+$0x13460];
	[tilespmem:s7+$0x13450] =	vst v1  }
0x26a: {  	v1 =	vld.idx.msk [tilespmem:v0+s7+$0x12060 ss:$0x1], $0xffff;
	_ =	sdelay $0x4  }
0x26b: {  	v1 =	vadd.f32 v1, v61;
	_ =	sdelay $0x1  }
0x26c: {  	v63 =	vld [tilespmem:s7+$0x13470];
	[tilespmem:s7+$0x13460] =	vst v1  }
0x26d: {  	v62 =	vld.idx.msk [tilespmem:v0+s7+$0x12070 ss:$0x1], $0xffff;
	_ =	sdelay $0x3  }
0x26e: {  	s10 =	sshll.u32 s10, $0xD  }
0x26f: {  	s10 =	sadd.s32 s5, s10;
	v0 =	vadd.f32 v62, v63  }
0x270: {  	s11 =	sadd.s32 $0x1, s11;
	s10 =	sshrl.u32 s10, $0x3  }
0x271: {  	s18 =	simm.s32 $0x0;
	p0 =	sne.s32 s11, $0x13;
	s22 =	sadd.s32 s3, s10;
	[tilespmem:s7+$0x13470] =	vst v0  }
0x272: {  	[hbm4b:s22+s18] =	stream.linear.scatter [tilespmem:s0], [sflag:$0xA], $0x2000, $0x38;
	[tilespmem:$0x15400] =	vst v63  }
.Ltmp10:
0x273: {  	s4 =	sadd.s32 $0x380, s4;
	(pc) =	sbr.rel @p0 .LBB2_12-.Ltmp10, $4  }
0x274: {  	s12 =	sadd.s32 $0xA000, s12;
	s13 =	sadd.s32 $0x140, s13;
	_ =	swait.ge [sflag:s6], $0x2000  }
0x275: {  	s14 =	sadd.s32 $0x140, s14;
	s15 =	sadd.s32 $0x140, s15;
	[sflag:s6] =	ssyncset.done $0x0  }
0x276: {  	s16 =	sadd.s32 $0x140, s16;
	s17 =	sadd.s32 $0x140, s17;
	[sflag:s6] =	ssyncadd.s32 $0xFFFFE000  }
0x277: {  	[tilespmem:s24], [sflag:$0x3] =	stream.indirect.gather [hbm4b:s2+s21], $0x80, s4, s21, $0xb8;
	[tilespmem:$0x15400] =	vst v63  }
0x278: {  	_ =	swait.ge [sflag:s28], $0x2000  }
0x279: {  	[sflag:s28] =	ssyncset.done $0x0  }
0x27a: {  	s4 =	simm.s32 $0x0;
	[sflag:s28] =	ssyncadd.s32 $0xFFFFE000  }
0x27b: {  	v7 =	vld [tilespmem:s4+$0x5C00]  }
0x27c: {  	v11 =	vld [tilespmem:s4+$0x5C10]  }
0x27d: {  	v5 =	vld [tilespmem:s4+$0x5C20]  }
0x27e: {  	v4 =	vld [tilespmem:s4+$0x5C30]  }
0x27f: {  	v3 =	vld [tilespmem:s4+$0x5C40]  }
0x280: {  	v2 =	vld [tilespmem:s4+$0x5C50]  }
0x281: {  	v1 =	vld [tilespmem:s4+$0x5C60]  }
0x282: {  	v0 =	vld [tilespmem:s4+$0x5C70]  }
0x283: {  	v12 =	vld [tilespmem:s4+$0xB400]  }
0x284: {  	v13 =	vld [tilespmem:s4+$0xB410]  }
0x285: {  	v10 =	vld [tilespmem:s4+$0xB420]  }
0x286: {  	v9 =	vld [tilespmem:s4+$0xB430]  }
0x287: {  	v8 =	vld [tilespmem:s4+$0xB440]  }
0x288: {  	v6 =	vld [tilespmem:s4+$0xB450];
	v12 =	vadd.f32 v7, v12  }
0x289: {  	s7 =	simm.s32 $0x200;
	v11 =	vadd.f32 v11, v13;
	v7 =	vld [tilespmem:s4+$0xB460]  }
.LBB2_24:
0x28a: {  	s10 =	sshra.s32 s7, $0x2;
	p0 =	sne.s32 s7, $0x7E00;
	[tilespmem:s4+$0xB400] =	vst v12;
	v5 =	vadd.f32 v5, v10;
	v10 =	vld [tilespmem:s4+$0xB470]  }
0x28b: {  	v12 =	vld [tilespmem:s10+$0x5C00];
	[tilespmem:s4+$0xB410] =	vst v11;
	v4 =	vadd.f32 v4, v9  }
0x28c: {  	v11 =	vld [tilespmem:s10+$0x5C10];
	[tilespmem:s4+$0xB420] =	vst v5;
	v3 =	vadd.f32 v3, v8  }
0x28d: {  	v5 =	vld [tilespmem:s10+$0x5C20];
	[tilespmem:s4+$0xB430] =	vst v4;
	v2 =	vadd.f32 v2, v6  }
0x28e: {  	v4 =	vld [tilespmem:s10+$0x5C30];
	[tilespmem:s4+$0xB440] =	vst v3;
	v1 =	vadd.f32 v1, v7  }
0x28f: {  	v3 =	vld [tilespmem:s10+$0x5C40];
	[tilespmem:s4+$0xB450] =	vst v2;
	v0 =	vadd.f32 v0, v10  }
0x290: {  	v2 =	vld [tilespmem:s10+$0x5C50];
	[tilespmem:s4+$0xB460] =	vst v1  }
0x291: {  	v1 =	vld [tilespmem:s10+$0x5C60];
	[tilespmem:s4+$0xB470] =	vst v0;
	s4 =	smov.u32 s10  }
0x292: {  	v0 =	vld [tilespmem:s4+$0x5C70]  }
0x293: {  	v6 =	vld [tilespmem:s4+$0xB400]  }
0x294: {  	v7 =	vld [tilespmem:s4+$0xB410]  }
.Ltmp11:
0x295: {  	v10 =	vld [tilespmem:s4+$0xB420];
	(pc) =	sbr.rel @p0 .LBB2_24-.Ltmp11, $4  }
0x296: {  	v9 =	vld [tilespmem:s4+$0xB430]  }
0x297: {  	v8 =	vld [tilespmem:s4+$0xB440]  }
0x298: {  	v12 =	vadd.f32 v12, v6;
	v6 =	vld [tilespmem:s4+$0xB450]  }
0x299: {  	s7 =	sadd.s32 $0x200, s7;
	v11 =	vadd.f32 v11, v7;
	v7 =	vld [tilespmem:s4+$0xB460]  }
0x29a: {  	[tilespmem:s4+$0xB400] =	vst v12;
	v5 =	vadd.f32 v5, v10;
	v10 =	vld [tilespmem:s4+$0xB470]  }
0x29b: {  	[tilespmem:s4+$0xB410] =	vst v11;
	v4 =	vadd.f32 v4, v9  }
0x29c: {  	[tilespmem:s4+$0xB420] =	vst v5;
	v3 =	vadd.f32 v3, v8  }
0x29d: {  	[tilespmem:s4+$0xB430] =	vst v4;
	v2 =	vadd.f32 v2, v6  }
0x29e: {  	[tilespmem:s4+$0xB440] =	vst v3;
	v1 =	vadd.f32 v1, v7  }
0x29f: {  	[tilespmem:s4+$0xB450] =	vst v2;
	v0 =	vadd.f32 v0, v10  }
0x2a0: {  	[tilespmem:s4+$0xB460] =	vst v1  }
0x2a1: {  	s19 =	simm.s32 $0x0;
	s7 =	rddreg [dreg:$0xb];
	[tilespmem:s4+$0xB470] =	vst v0  }
0x2a2: {  	[hbm4b:s7+s19] =	stream.linear.scatter [tilespmem:s26], [sflag:$0x6], $0x2000, $0x38;
	[tilespmem:$0x15400] =	vst v63  }
0x2a3: {  	_ =	swait.ge [sflag:s8], $0x2000  }
0x2a4: {  	[sflag:s8] =	ssyncset.done $0x0  }
0x2a5: {  	s22 =	simm.s32 $0x3100;
	[sflag:s8] =	ssyncadd.s32 $0xFFFFE000  }
0x2a6: {  	[tilespmem:s30], [sflag:$0x4] =	stream.indirect.gather [hbm4b:s2+s21], $0x80, s22, s21, $0xb8;
	[tilespmem:$0x15400] =	vst v63  }
0x2a7: {  	_ =	swait.ge [sflag:s31], $0x2000  }
0x2a8: {  	[sflag:s31] =	ssyncset.done $0x0  }
0x2a9: {  	s4 =	simm.s32 $0x0;
	[sflag:s31] =	ssyncadd.s32 $0xFFFFE000  }
0x2aa: {  	v7 =	vld [tilespmem:s4+$0x7C00]  }
0x2ab: {  	v11 =	vld [tilespmem:s4+$0x7C10]  }
0x2ac: {  	v5 =	vld [tilespmem:s4+$0x7C20]  }
0x2ad: {  	v4 =	vld [tilespmem:s4+$0x7C30]  }
0x2ae: {  	v3 =	vld [tilespmem:s4+$0x7C40]  }
0x2af: {  	v2 =	vld [tilespmem:s4+$0x7C50]  }
0x2b0: {  	v1 =	vld [tilespmem:s4+$0x7C60]  }
0x2b1: {  	v0 =	vld [tilespmem:s4+$0x7C70]  }
0x2b2: {  	v12 =	vld [tilespmem:s4+$0xD400]  }
0x2b3: {  	v13 =	vld [tilespmem:s4+$0xD410]  }
0x2b4: {  	v10 =	vld [tilespmem:s4+$0xD420]  }
0x2b5: {  	v9 =	vld [tilespmem:s4+$0xD430]  }
0x2b6: {  	v8 =	vld [tilespmem:s4+$0xD440]  }
0x2b7: {  	v6 =	vld [tilespmem:s4+$0xD450];
	v12 =	vadd.f32 v7, v12  }
0x2b8: {  	s7 =	simm.s32 $0x200;
	v11 =	vadd.f32 v11, v13;
	v7 =	vld [tilespmem:s4+$0xD460]  }
.LBB2_26:
0x2b9: {  	s10 =	sshra.s32 s7, $0x2;
	p0 =	sne.s32 s7, $0x7E00;
	[tilespmem:s4+$0xD400] =	vst v12;
	v5 =	vadd.f32 v5, v10;
	v10 =	vld [tilespmem:s4+$0xD470]  }
0x2ba: {  	v12 =	vld [tilespmem:s10+$0x7C00];
	[tilespmem:s4+$0xD410] =	vst v11;
	v4 =	vadd.f32 v4, v9  }
0x2bb: {  	v11 =	vld [tilespmem:s10+$0x7C10];
	[tilespmem:s4+$0xD420] =	vst v5;
	v3 =	vadd.f32 v3, v8  }
0x2bc: {  	v5 =	vld [tilespmem:s10+$0x7C20];
	[tilespmem:s4+$0xD430] =	vst v4;
	v2 =	vadd.f32 v2, v6  }
0x2bd: {  	v4 =	vld [tilespmem:s10+$0x7C30];
	[tilespmem:s4+$0xD440] =	vst v3;
	v1 =	vadd.f32 v1, v7  }
0x2be: {  	v3 =	vld [tilespmem:s10+$0x7C40];
	[tilespmem:s4+$0xD450] =	vst v2;
	v0 =	vadd.f32 v0, v10  }
0x2bf: {  	v2 =	vld [tilespmem:s10+$0x7C50];
	[tilespmem:s4+$0xD460] =	vst v1  }
0x2c0: {  	v1 =	vld [tilespmem:s10+$0x7C60];
	[tilespmem:s4+$0xD470] =	vst v0;
	s4 =	smov.u32 s10  }
0x2c1: {  	v0 =	vld [tilespmem:s4+$0x7C70]  }
0x2c2: {  	v6 =	vld [tilespmem:s4+$0xD400]  }
0x2c3: {  	v7 =	vld [tilespmem:s4+$0xD410]  }
.Ltmp12:
0x2c4: {  	v10 =	vld [tilespmem:s4+$0xD420];
	(pc) =	sbr.rel @p0 .LBB2_26-.Ltmp12, $4  }
0x2c5: {  	v9 =	vld [tilespmem:s4+$0xD430]  }
0x2c6: {  	v8 =	vld [tilespmem:s4+$0xD440]  }
0x2c7: {  	v12 =	vadd.f32 v12, v6;
	v6 =	vld [tilespmem:s4+$0xD450]  }
0x2c8: {  	s7 =	sadd.s32 $0x200, s7;
	v11 =	vadd.f32 v11, v7;
	v7 =	vld [tilespmem:s4+$0xD460]  }
0x2c9: {  	[tilespmem:s4+$0xD400] =	vst v12;
	v5 =	vadd.f32 v5, v10;
	v10 =	vld [tilespmem:s4+$0xD470]  }
0x2ca: {  	[tilespmem:s4+$0xD410] =	vst v11;
	v4 =	vadd.f32 v4, v9  }
0x2cb: {  	[tilespmem:s4+$0xD420] =	vst v5;
	v3 =	vadd.f32 v3, v8  }
0x2cc: {  	[tilespmem:s4+$0xD430] =	vst v4;
	v2 =	vadd.f32 v2, v6  }
0x2cd: {  	[tilespmem:s4+$0xD440] =	vst v3;
	v1 =	vadd.f32 v1, v7  }
0x2ce: {  	[tilespmem:s4+$0xD450] =	vst v2;
	v0 =	vadd.f32 v0, v10  }
0x2cf: {  	[tilespmem:s4+$0xD460] =	vst v1  }
0x2d0: {  	s19 =	simm.s32 $0x0;
	s7 =	rddreg [dreg:$0xc];
	s10 =	simm.s32 $0xD400;
	[tilespmem:s4+$0xD470] =	vst v0  }
0x2d1: {  	[hbm4b:s7+s19] =	stream.linear.scatter [tilespmem:s10], [sflag:$0x7], $0x2000, $0x38;
	[tilespmem:$0x15400] =	vst v63  }
0x2d2: {  	_ =	swait.ge [sflag:s9], $0x2000  }
0x2d3: {  	[sflag:s9] =	ssyncset.done $0x0  }
0x2d4: {  	s22 =	simm.s32 $0x3180;
	[sflag:s9] =	ssyncadd.s32 $0xFFFFE000  }
0x2d5: {  	[tilespmem:s0], [sflag:$0x5] =	stream.indirect.gather [hbm4b:s2+s21], $0x80, s22, s21, $0xb8;
	[tilespmem:$0x15400] =	vst v63  }
0x2d6: {  	_ =	swait.ge [sflag:s20], $0x2000  }
0x2d7: {  	[sflag:s20] =	ssyncset.done $0x0  }
0x2d8: {  	s4 =	simm.s32 $0x0;
	[sflag:s20] =	ssyncadd.s32 $0xFFFFE000  }
0x2d9: {  	v7 =	vld [tilespmem:s4+$0x3800]  }
0x2da: {  	v11 =	vld [tilespmem:s4+$0x3810]  }
0x2db: {  	v5 =	vld [tilespmem:s4+$0x3820]  }
0x2dc: {  	v4 =	vld [tilespmem:s4+$0x3830]  }
0x2dd: {  	v3 =	vld [tilespmem:s4+$0x3840]  }
0x2de: {  	v2 =	vld [tilespmem:s4+$0x3850]  }
0x2df: {  	v1 =	vld [tilespmem:s4+$0x3860]  }
0x2e0: {  	v0 =	vld [tilespmem:s4+$0x3870]  }
0x2e1: {  	v12 =	vld [tilespmem:s4+$0xF400]  }
0x2e2: {  	v13 =	vld [tilespmem:s4+$0xF410]  }
0x2e3: {  	v10 =	vld [tilespmem:s4+$0xF420]  }
0x2e4: {  	v9 =	vld [tilespmem:s4+$0xF430]  }
0x2e5: {  	v8 =	vld [tilespmem:s4+$0xF440]  }
0x2e6: {  	v6 =	vld [tilespmem:s4+$0xF450];
	v12 =	vadd.f32 v7, v12  }
0x2e7: {  	s7 =	simm.s32 $0x200;
	v11 =	vadd.f32 v11, v13;
	v7 =	vld [tilespmem:s4+$0xF460]  }
.LBB2_28:
0x2e8: {  	s10 =	sshra.s32 s7, $0x2;
	p0 =	sne.s32 s7, $0x7E00;
	[tilespmem:s4+$0xF400] =	vst v12;
	v5 =	vadd.f32 v5, v10;
	v10 =	vld [tilespmem:s4+$0xF470]  }
0x2e9: {  	v12 =	vld [tilespmem:s10+$0x3800];
	[tilespmem:s4+$0xF410] =	vst v11;
	v4 =	vadd.f32 v4, v9  }
0x2ea: {  	v11 =	vld [tilespmem:s10+$0x3810];
	[tilespmem:s4+$0xF420] =	vst v5;
	v3 =	vadd.f32 v3, v8  }
0x2eb: {  	v5 =	vld [tilespmem:s10+$0x3820];
	[tilespmem:s4+$0xF430] =	vst v4;
	v2 =	vadd.f32 v2, v6  }
0x2ec: {  	v4 =	vld [tilespmem:s10+$0x3830];
	[tilespmem:s4+$0xF440] =	vst v3;
	v1 =	vadd.f32 v1, v7  }
0x2ed: {  	v3 =	vld [tilespmem:s10+$0x3840];
	[tilespmem:s4+$0xF450] =	vst v2;
	v0 =	vadd.f32 v0, v10  }
0x2ee: {  	v2 =	vld [tilespmem:s10+$0x3850];
	[tilespmem:s4+$0xF460] =	vst v1  }
0x2ef: {  	v1 =	vld [tilespmem:s10+$0x3860];
	[tilespmem:s4+$0xF470] =	vst v0;
	s4 =	smov.u32 s10  }
0x2f0: {  	v0 =	vld [tilespmem:s4+$0x3870]  }
0x2f1: {  	v6 =	vld [tilespmem:s4+$0xF400]  }
0x2f2: {  	v7 =	vld [tilespmem:s4+$0xF410]  }
.Ltmp13:
0x2f3: {  	v10 =	vld [tilespmem:s4+$0xF420];
	(pc) =	sbr.rel @p0 .LBB2_28-.Ltmp13, $4  }
0x2f4: {  	v9 =	vld [tilespmem:s4+$0xF430]  }
0x2f5: {  	v8 =	vld [tilespmem:s4+$0xF440]  }
0x2f6: {  	v12 =	vadd.f32 v12, v6;
	v6 =	vld [tilespmem:s4+$0xF450]  }
0x2f7: {  	s7 =	sadd.s32 $0x200, s7;
	v11 =	vadd.f32 v11, v7;
	v7 =	vld [tilespmem:s4+$0xF460]  }
0x2f8: {  	[tilespmem:s4+$0xF400] =	vst v12;
	v5 =	vadd.f32 v5, v10;
	v10 =	vld [tilespmem:s4+$0xF470]  }
0x2f9: {  	[tilespmem:s4+$0xF410] =	vst v11;
	v4 =	vadd.f32 v4, v9  }
0x2fa: {  	[tilespmem:s4+$0xF420] =	vst v5;
	v3 =	vadd.f32 v3, v8  }
0x2fb: {  	[tilespmem:s4+$0xF430] =	vst v4;
	v2 =	vadd.f32 v2, v6  }
0x2fc: {  	[tilespmem:s4+$0xF440] =	vst v3;
	v1 =	vadd.f32 v1, v7  }
0x2fd: {  	[tilespmem:s4+$0xF450] =	vst v2;
	v0 =	vadd.f32 v0, v10  }
0x2fe: {  	[tilespmem:s4+$0xF460] =	vst v1  }
0x2ff: {  	s22 =	simm.s32 $0x0;
	s7 =	rddreg [dreg:$0xd];
	[tilespmem:s4+$0xF470] =	vst v0  }
0x300: {  	[hbm4b:s7+s22] =	stream.linear.scatter [tilespmem:s24], [sflag:$0x8], $0x2000, $0x38;
	[tilespmem:$0x15400] =	vst v63  }
0x301: {  	_ =	swait.ge [sflag:s23], $0x2000  }
0x302: {  	[sflag:s23] =	ssyncset.done $0x0  }
0x303: {  	[sflag:s23] =	ssyncadd.s32 $0xFFFFE000  }
0x304: {  	_ =	swait.ge [sflag:s29], $0x2000  }
0x305: {  	[sflag:s29] =	ssyncset.done $0x0  }
0x306: {  	s4 =	simm.s32 $0x0;
	[sflag:s29] =	ssyncadd.s32 $0xFFFFE000  }
0x307: {  	v7 =	vld [tilespmem:s4+$0x5800]  }
0x308: {  	v11 =	vld [tilespmem:s4+$0x5810]  }
0x309: {  	v5 =	vld [tilespmem:s4+$0x5820]  }
0x30a: {  	v4 =	vld [tilespmem:s4+$0x5830]  }
0x30b: {  	v3 =	vld [tilespmem:s4+$0x5840]  }
0x30c: {  	v2 =	vld [tilespmem:s4+$0x5850]  }
0x30d: {  	v1 =	vld [tilespmem:s4+$0x5860]  }
0x30e: {  	v0 =	vld [tilespmem:s4+$0x5870]  }
0x30f: {  	v12 =	vld [tilespmem:s4+$0x11400]  }
0x310: {  	v13 =	vld [tilespmem:s4+$0x11410]  }
0x311: {  	v10 =	vld [tilespmem:s4+$0x11420]  }
0x312: {  	v9 =	vld [tilespmem:s4+$0x11430]  }
0x313: {  	v8 =	vld [tilespmem:s4+$0x11440]  }
0x314: {  	v6 =	vld [tilespmem:s4+$0x11450];
	v12 =	vadd.f32 v7, v12  }
0x315: {  	s7 =	simm.s32 $0x200;
	v11 =	vadd.f32 v11, v13;
	v7 =	vld [tilespmem:s4+$0x11460]  }
.LBB2_30:
0x316: {  	s10 =	sshra.s32 s7, $0x2;
	p0 =	sne.s32 s7, $0x7E00;
	[tilespmem:s4+$0x11400] =	vst v12;
	v5 =	vadd.f32 v5, v10;
	v10 =	vld [tilespmem:s4+$0x11470]  }
0x317: {  	v12 =	vld [tilespmem:s10+$0x5800];
	[tilespmem:s4+$0x11410] =	vst v11;
	v4 =	vadd.f32 v4, v9  }
0x318: {  	v11 =	vld [tilespmem:s10+$0x5810];
	[tilespmem:s4+$0x11420] =	vst v5;
	v3 =	vadd.f32 v3, v8  }
0x319: {  	v5 =	vld [tilespmem:s10+$0x5820];
	[tilespmem:s4+$0x11430] =	vst v4;
	v2 =	vadd.f32 v2, v6  }
0x31a: {  	v4 =	vld [tilespmem:s10+$0x5830];
	[tilespmem:s4+$0x11440] =	vst v3;
	v1 =	vadd.f32 v1, v7  }
0x31b: {  	v3 =	vld [tilespmem:s10+$0x5840];
	[tilespmem:s4+$0x11450] =	vst v2;
	v0 =	vadd.f32 v0, v10  }
0x31c: {  	v2 =	vld [tilespmem:s10+$0x5850];
	[tilespmem:s4+$0x11460] =	vst v1  }
0x31d: {  	v1 =	vld [tilespmem:s10+$0x5860];
	[tilespmem:s4+$0x11470] =	vst v0;
	s4 =	smov.u32 s10  }
0x31e: {  	v0 =	vld [tilespmem:s4+$0x5870]  }
0x31f: {  	v6 =	vld [tilespmem:s4+$0x11400]  }
0x320: {  	v7 =	vld [tilespmem:s4+$0x11410]  }
.Ltmp14:
0x321: {  	v10 =	vld [tilespmem:s4+$0x11420];
	(pc) =	sbr.rel @p0 .LBB2_30-.Ltmp14, $4  }
0x322: {  	v9 =	vld [tilespmem:s4+$0x11430]  }
0x323: {  	v8 =	vld [tilespmem:s4+$0x11440]  }
0x324: {  	v12 =	vadd.f32 v12, v6;
	v6 =	vld [tilespmem:s4+$0x11450]  }
0x325: {  	s7 =	sadd.s32 $0x200, s7;
	v11 =	vadd.f32 v11, v7;
	v7 =	vld [tilespmem:s4+$0x11460]  }
0x326: {  	[tilespmem:s4+$0x11400] =	vst v12;
	v5 =	vadd.f32 v5, v10;
	v10 =	vld [tilespmem:s4+$0x11470]  }
0x327: {  	[tilespmem:s4+$0x11410] =	vst v11;
	v4 =	vadd.f32 v4, v9  }
0x328: {  	[tilespmem:s4+$0x11420] =	vst v5;
	v3 =	vadd.f32 v3, v8  }
0x329: {  	[tilespmem:s4+$0x11430] =	vst v4;
	v2 =	vadd.f32 v2, v6  }
0x32a: {  	[tilespmem:s4+$0x11440] =	vst v3;
	v1 =	vadd.f32 v1, v7  }
0x32b: {  	[tilespmem:s4+$0x11450] =	vst v2;
	v0 =	vadd.f32 v0, v10  }
0x32c: {  	[tilespmem:s4+$0x11460] =	vst v1  }
0x32d: {  	s22 =	simm.s32 $0x0;
	s7 =	rddreg [dreg:$0xe];
	[tilespmem:s4+$0x11470] =	vst v0  }
0x32e: {  	[hbm4b:s7+s22] =	stream.linear.scatter [tilespmem:s30], [sflag:$0x9], $0x2000, $0x38;
	[tilespmem:$0x15400] =	vst v63  }
0x32f: {  	_ =	swait.ge [sflag:s1], $0x2000  }
0x330: {  	[sflag:s1] =	ssyncset.done $0x0  }
0x331: {  	[sflag:s1] =	ssyncadd.s32 $0xFFFFE000  }
0x332: {  	_ =	swait.ge [sflag:s25], $0x2000  }
0x333: {  	[sflag:s25] =	ssyncset.done $0x0  }
0x334: {  	s4 =	simm.s32 $0x0;
	[sflag:s25] =	ssyncadd.s32 $0xFFFFE000  }
0x335: {  	v7 =	vld [tilespmem:s4+$0x7800]  }
0x336: {  	v11 =	vld [tilespmem:s4+$0x7810]  }
0x337: {  	v5 =	vld [tilespmem:s4+$0x7820]  }
0x338: {  	v4 =	vld [tilespmem:s4+$0x7830]  }
0x339: {  	v3 =	vld [tilespmem:s4+$0x7840]  }
0x33a: {  	v2 =	vld [tilespmem:s4+$0x7850]  }
0x33b: {  	v1 =	vld [tilespmem:s4+$0x7860]  }
0x33c: {  	v0 =	vld [tilespmem:s4+$0x7870]  }
0x33d: {  	v12 =	vld [tilespmem:s4+$0x13400]  }
0x33e: {  	v13 =	vld [tilespmem:s4+$0x13410]  }
0x33f: {  	v10 =	vld [tilespmem:s4+$0x13420]  }
0x340: {  	v9 =	vld [tilespmem:s4+$0x13430]  }
0x341: {  	v8 =	vld [tilespmem:s4+$0x13440]  }
0x342: {  	v6 =	vld [tilespmem:s4+$0x13450];
	v12 =	vadd.f32 v7, v12  }
0x343: {  	s7 =	simm.s32 $0x200;
	v11 =	vadd.f32 v11, v13;
	v7 =	vld [tilespmem:s4+$0x13460]  }
.LBB2_32:
0x344: {  	s10 =	sshra.s32 s7, $0x2;
	p0 =	sne.s32 s7, $0x7E00;
	[tilespmem:s4+$0x13400] =	vst v12;
	v5 =	vadd.f32 v5, v10;
	v10 =	vld [tilespmem:s4+$0x13470]  }
0x345: {  	v12 =	vld [tilespmem:s10+$0x7800];
	[tilespmem:s4+$0x13410] =	vst v11;
	v4 =	vadd.f32 v4, v9  }
0x346: {  	v11 =	vld [tilespmem:s10+$0x7810];
	[tilespmem:s4+$0x13420] =	vst v5;
	v3 =	vadd.f32 v3, v8  }
0x347: {  	v5 =	vld [tilespmem:s10+$0x7820];
	[tilespmem:s4+$0x13430] =	vst v4;
	v2 =	vadd.f32 v2, v6  }
0x348: {  	v4 =	vld [tilespmem:s10+$0x7830];
	[tilespmem:s4+$0x13440] =	vst v3;
	v1 =	vadd.f32 v1, v7  }
0x349: {  	v3 =	vld [tilespmem:s10+$0x7840];
	[tilespmem:s4+$0x13450] =	vst v2;
	v0 =	vadd.f32 v0, v10  }
0x34a: {  	v2 =	vld [tilespmem:s10+$0x7850];
	[tilespmem:s4+$0x13460] =	vst v1  }
0x34b: {  	v1 =	vld [tilespmem:s10+$0x7860];
	[tilespmem:s4+$0x13470] =	vst v0;
	s4 =	smov.u32 s10  }
0x34c: {  	v0 =	vld [tilespmem:s4+$0x7870]  }
0x34d: {  	v6 =	vld [tilespmem:s4+$0x13400]  }
0x34e: {  	v7 =	vld [tilespmem:s4+$0x13410]  }
.Ltmp15:
0x34f: {  	v10 =	vld [tilespmem:s4+$0x13420];
	(pc) =	sbr.rel @p0 .LBB2_32-.Ltmp15, $4  }
0x350: {  	v9 =	vld [tilespmem:s4+$0x13430]  }
0x351: {  	v8 =	vld [tilespmem:s4+$0x13440]  }
0x352: {  	v12 =	vadd.f32 v12, v6;
	v6 =	vld [tilespmem:s4+$0x13450]  }
0x353: {  	s7 =	sadd.s32 $0x200, s7;
	v11 =	vadd.f32 v11, v7;
	v7 =	vld [tilespmem:s4+$0x13460]  }
0x354: {  	[tilespmem:s4+$0x13400] =	vst v12;
	v5 =	vadd.f32 v5, v10;
	v63 =	vld [tilespmem:s4+$0x13470]  }
0x355: {  	[tilespmem:s4+$0x13410] =	vst v11;
	v4 =	vadd.f32 v4, v9  }
0x356: {  	[tilespmem:s4+$0x13420] =	vst v5;
	v3 =	vadd.f32 v3, v8  }
0x357: {  	[tilespmem:s4+$0x13430] =	vst v4;
	v2 =	vadd.f32 v2, v6  }
0x358: {  	[tilespmem:s4+$0x13440] =	vst v3;
	v1 =	vadd.f32 v1, v7  }
0x359: {  	[tilespmem:s4+$0x13450] =	vst v2;
	v0 =	vadd.f32 v0, v63  }
0x35a: {  	[tilespmem:s4+$0x13460] =	vst v1  }
0x35b: {  	s19 =	rddreg [dreg:$0xf];
	[tilespmem:s4+$0x13470] =	vst v0  }
0x35c: {  	[hbm4b:s19+s18] =	stream.linear.scatter [tilespmem:s0], [sflag:$0xA], $0x2000, $0x38;
	[tilespmem:$0x15400] =	vst v63  }
0x35d: {  	_ =	swait.ge [sflag:s6], $0x2000  }
0x35e: {  	[sflag:s6] =	ssyncset.done $0x0  }
0x35f: {  	[sflag:s6] =	ssyncadd.s32 $0xFFFFE000  }
0x360: {  	_ =	swait.ge [sflag:s8], $0x2000  }
0x361: {  	[sflag:s8] =	ssyncset.done $0x0  }
0x362: {  	[sflag:s8] =	ssyncadd.s32 $0xFFFFE000  }
0x363: {  	_ =	swait.ge [sflag:s9], $0x2000  }
0x364: {  	s7 =	rddreg [dreg:$0x11]  }
0x365: {  	s22 =	rddreg [dreg:$0x10];
	s7 =	sadd.s32 $0x1, s7  }
0x366: {  	p0 =	sne.s32 s7, s22  }
.Ltmp16:
0x367: {  	_ = 	snop;
	(pc) =	sbr.rel @p0 .LBB2_1-.Ltmp16, $3  }
0x368: {  	_ =	sdelay $0x1  }
0x369: {  	[sflag:s9] =	ssyncset.done $0x0  }
0x36a: {  	[sflag:s9] =	ssyncadd.s32 $0xFFFFE000  }
0x36b: {  	_ =	sfence.sel $0x180000  }
0x36c: {  	[bflag:$0x0] =	sbarrier.arrive $0xFFFF  }
0x36d: {  	_ =	strace $0x90000047  }
0x36e: {  	s0 =	stileid.u32;
	[bflag:$0x2] =	sbarrier.arrive $0xFFFF  }
0x36f: {  	p0 =	sne.s32 s0, $0x0;
	s0 =	rddreg [dreg:$0x3]  }
0x370: {  	s0 =	sadd.s32 @!p0 $0x100000, s0  }
0x371: {  	[sflag:s0] =	ssyncadd.tile.s32 @!p0 $0x1;
	_ =	shalt  }
.Lfunc_end2:
_tile_overlayer_lowered:
.L_overlay_start_2:
0x372: {  	(tag) =	ssettag $0x2  }
0x373: {  	s0 =	rddreg [dreg:$0x0];
	s2 =	stileid.u32  }
0x374: {  	s1 =	rddreg [dreg:$0x1];
	p0 =	sne.s32 s2, $0x0  }
0x375: {  	s3 =	rddreg [dreg:$0x2];
	[bflag:$0x3] =	sbarrier.arrive $0xFFFF;
	s2 =	simm.s32 @!p0 $0x1C0B  }
0x376: {  	[timem:s3], [sflag:s2] =	dma.local @!p0 [hbm:s0], s1  }
0x377: {  	s0 =	simm.s32 @!p0 $0xB  }
0x378: {  	_ =	swait.ge @!p0 [sflag:s0], s1  }
0x379: {  	s1 =	ssub.s32 @!p0 $0x0, s1;
	[sflag:s0] =	ssyncset.done @!p0 $0x0  }
0x37a: {  	[sflag:s0] =	ssyncadd.s32 @!p0 s1  }
0x37b: {  	[bflag:$0x3] =	sbarrier.arrive $0xFFFF  }
0x37c: {  	_ =	shalt  }

</sc_bundles>
